<compile_context>
chip_gen: v7x
topology: tpu7x:2x2x1
jax: 0.10.2.dev20260603
libtpu: 0.0.44.dev20260713+nightly
codegen_flags: <defaults>
</compile_context>

<pallas_src>
import functools

import jax
import jax.numpy as jnp
from jax import lax
from jax.experimental import pallas as pl
from jax.experimental.pallas import tpu as pltpu
from jax.experimental.pallas import tpu_sc as plsc

_IOU_T = 0.5
_MAX_OUT = 1000
_B = 512
_OUT_PAD = 1024


def _iou_gt_tile(r, c):
    rx1, ry1, rx2, ry2 = r
    cx1, cy1, cx2, cy2 = c
    area_r = (rx2 - rx1) * (ry2 - ry1)
    area_c = (cx2 - cx1) * (cy2 - cy1)
    ix1 = jnp.maximum(rx1, cx1)
    iy1 = jnp.maximum(ry1, cy1)
    ix2 = jnp.minimum(rx2, cx2)
    iy2 = jnp.minimum(ry2, cy2)
    iw = jnp.maximum(ix2 - ix1, 0.0)
    ih = jnp.maximum(iy2 - iy1, 0.0)
    inter = iw * ih
    union = area_r + area_c - inter + 1e-9
    iou = inter / union
    return (iou > _IOU_T).astype(jnp.float32)


def _row_coords(d_ref, start):
    return tuple(d_ref[pl.ds(start, _B), i:i + 1] for i in range(4))


def _rowdot(v, m):
    return lax.dot_general(v, m, (((1,), (0,)), ((), ())),
                           preferred_element_type=jnp.float32)


def _transpose_row(x_col, ident):
    return lax.dot_general(x_col, ident, (((0,), (0,)), ((), ())),
                           precision=lax.Precision.HIGHEST,
                           preferred_element_type=jnp.float32)


def _rank_body(nblocks, bp_ref, s_col_ref, s_row_ref, rank_ref, d16_ref):
    f32 = jnp.float32
    npad = nblocks * _B
    d16_ref[...] = jnp.concatenate(
        [bp_ref[...], s_col_ref[...], jnp.zeros((npad, 11), f32)], axis=1)
    ri = lax.broadcasted_iota(jnp.int32, (_B, _B), 0)
    ci = lax.broadcasted_iota(jnp.int32, (_B, _B), 1)
    tri = ri < ci
    ones = jnp.ones((1, _B), f32)
    for c in range(nblocks):
        sc = s_row_ref[0:1, c * _B:(c + 1) * _B]
        acc = jnp.zeros((1, _B), f32)
        for r in range(nblocks):
            sr = s_col_ref[pl.ds(r * _B, _B), 0:1]
            if r < c:
                cmp = sr >= sc
            elif r > c:
                cmp = sr > sc
            else:
                cmp = (sr > sc) | ((sr == sc) & tri)
            acc = acc + _rowdot(ones, cmp.astype(f32))
        rank_ref[0:1, c * _B:(c + 1) * _B] = acc.astype(jnp.int32)


def _nms_body(n_valid, nblocks, bT_ref, d_ref, dest_ref, keep_ref):
    f32 = jnp.float32
    ri = lax.broadcasted_iota(jnp.int32, (_B, _B), 0)
    ci = lax.broadcasted_iota(jnp.int32, (_B, _B), 1)
    tri = (ri < ci).astype(f32)
    cum = (ri <= ci).astype(f32)

    for k in range(nblocks):
        cb = k * _B
        rows_self = _row_coords(d_ref, cb)
        cols = tuple(bT_ref[i:i + 1, cb:cb + _B] for i in range(4))

        def _cross(r, acc, cols=cols):
            rows = _row_coords(d_ref, r * _B)
            m = _iou_gt_tile(rows, cols)
            kr = keep_ref[pl.ds(r, 1), :]
            return acc + _rowdot(kr, m)

        supp_cnt = jnp.zeros((1, _B), f32)
        if k > 0:
            supp_cnt = lax.fori_loop(0, k, _cross, supp_cnt)
        notsupp = (supp_cnt == 0.0).astype(f32)

        m_self = _iou_gt_tile(rows_self, cols) * tri

        def _fp_cond(st):
            return st[1]

        def _fp_body(st, m_self=m_self, notsupp=notsupp):
            kf = st[0]
            kf1 = (_rowdot(kf * notsupp, m_self) == 0.0).astype(f32)
            kf2 = (_rowdot(kf1 * notsupp, m_self) == 0.0).astype(f32)
            return kf2, jnp.any(kf2 != kf1)

        kf, _ = lax.while_loop(_fp_cond, _fp_body,
                               (jnp.ones((1, _B), f32), jnp.bool_(True)))
        keep_ref[pl.ds(k, 1), :] = kf * notsupp

    lane = lax.broadcasted_iota(jnp.int32, (1, _B), 1)
    kept_chunks, ck_chunks, cs_chunks, valid_chunks = [], [], [], []
    ck_carry = jnp.zeros((), f32)
    cs_carry = jnp.zeros((), f32)
    for k in range(nblocks):
        valid = ((lane + k * _B) < n_valid).astype(f32)
        kp = keep_ref[pl.ds(k, 1), :]
        kv = kp * valid
        sv = (1.0 - kp) * valid
        ck = _rowdot(kv, cum) + ck_carry
        cs = _rowdot(sv, cum) + cs_carry
        ck_carry = ck[0, _B - 1]
        cs_carry = cs[0, _B - 1]
        kept_chunks.append(kv)
        ck_chunks.append(ck)
        cs_chunks.append(cs)
        valid_chunks.append(valid)
    total_kept = ck_carry

    for k in range(nblocks):
        dest = jnp.where(kept_chunks[k] > 0.0,
                         ck_chunks[k] - 1.0,
                         total_kept + cs_chunks[k] - 1.0).astype(jnp.int32)
        ok = (valid_chunks[k] > 0.0) & (dest < _MAX_OUT)
        dump = _OUT_PAD + lax.rem(lane, jnp.int32(128))
        dest_ref[0:1, k * _B:(k + 1) * _B] = jnp.where(ok, dest, dump)


def _sc_scatter_rows(table, dest2d, out_rows):
    npad, width = table.shape
    info = plsc.get_sparse_core_info()
    ncores = info.num_cores
    nw = ncores * info.num_subcores
    bpw = npad // nw
    mesh = plsc.VectorSubcoreMesh(core_axis_name="c", subcore_axis_name="s")

    @functools.partial(
        pl.kernel, mesh=mesh,
        compiler_params=pltpu.CompilerParams(use_tc_tiling_on_sc=False),
        out_type=jax.ShapeDtypeStruct((out_rows, width), jnp.float32),
        scratch_types=[
            pltpu.VMEM((bpw,), jnp.int32),
            pltpu.VMEM((bpw, width), jnp.float32),
            pltpu.SemaphoreType.DMA,
        ],
    )
    def k(table_hbm, dest_hbm, out_hbm, idx_v, rows_v, sem):
        wid = lax.axis_index("s") * ncores + lax.axis_index("c")
        pltpu.sync_copy(dest_hbm.at[wid], idx_v)
        pltpu.sync_copy(table_hbm.at[pl.ds(wid * bpw, bpw)], rows_v)
        pltpu.async_copy(rows_v, out_hbm.at[idx_v], sem).wait()

    return k(table, dest2d)


def kernel(boxes, scores):
    n = boxes.shape[0]
    nblocks = -(-n // _B)
    npad = nblocks * _B
    nw = 32
    s = scores.astype(jnp.float32)
    s_col = jnp.full((npad, 1), -jnp.inf, jnp.float32).at[:n, 0].set(s)
    s_row = s_col.reshape(1, npad)
    bp = jnp.pad(boxes.astype(jnp.float32), ((0, npad - n), (0, 0)))

    rank, d16 = pl.pallas_call(
        functools.partial(_rank_body, nblocks),
        out_shape=[jax.ShapeDtypeStruct((1, npad), jnp.int32),
                   jax.ShapeDtypeStruct((npad, 16), jnp.float32)],
    )(bp, s_col, s_row)
    d16s = _sc_scatter_rows(d16, rank.reshape(nw, npad // nw), npad)
    bT = d16s[:, :4].T

    dest = pl.pallas_call(
        functools.partial(_nms_body, n, nblocks),
        out_shape=jax.ShapeDtypeStruct((1, npad), jnp.int32),
        scratch_shapes=[pltpu.VMEM((max(8, nblocks), _B), jnp.float32)],
    )(bT, d16s)
    out16 = _sc_scatter_rows(d16s, dest.reshape(nw, npad // nw),
                             _OUT_PAD + 128)
    return out16[:_MAX_OUT, :5]

# --- scband reference (transcript-rebuilt; emitter-appended) ---
"""Pipeline reference for scband-model-86036784873956 (READ-ONLY COPY).

The authoritative reference and input builder live on the scoring server;
editing this copy changes nothing except your own understanding.
"""

import jax, jax.numpy as jnp
import numpy as np

N = 5000
IOU_THRESH = 0.5
MAX_OUT = 1000


def setup_inputs(seed: int = 0) -> dict:
    key = jax.random.key(seed)
    k1, k2, k3 = jax.random.split(key, 3)
    xy = jax.random.uniform(k1, (N, 2), dtype=jnp.float32) * 512.0
    wh = jax.random.uniform(k2, (N, 2), dtype=jnp.float32) * 96.0 + 4.0
    boxes = jnp.concatenate([xy, xy + wh], axis=1)
    scores = jax.random.normal(k3, (N,), dtype=jnp.float32)
    return {"boxes": boxes, "scores": scores}


def _iou_matrix(boxes):
    x1, y1, x2, y2 = boxes[:, 0], boxes[:, 1], boxes[:, 2], boxes[:, 3]
    area = (x2 - x1) * (y2 - y1)
    ix1 = jnp.maximum(x1[:, None], x1[None, :])
    iy1 = jnp.maximum(y1[:, None], y1[None, :])
    ix2 = jnp.minimum(x2[:, None], x2[None, :])
    iy2 = jnp.minimum(y2[:, None], y2[None, :])
    iw = jnp.maximum(ix2 - ix1, 0.0)
    ih = jnp.maximum(iy2 - iy1, 0.0)
    inter = iw * ih
    union = area[:, None] + area[None, :] - inter + 1e-9
    return inter / union


def reference(boxes, scores):
    # Greedy NMS / span pruning with overlap suppression, mirroring the
    # sorted top-k + non-crossing suppression in span_prune_cpp.extract_spans.
    n = boxes.shape[0]
    order = jnp.argsort(-scores)                # sort candidates by score desc
    b = jnp.take(boxes, order, axis=0)
    s = jnp.take(scores, order, axis=0)
    iou = _iou_matrix(b)                        # [N, N] pairwise overlap (compute core)
    idx = jnp.arange(n)

    def body(i, keep):
        suppress = (iou[i] > IOU_THRESH) & (idx > i) & keep[i]
        return keep & (~suppress)

    keep = jax.lax.fori_loop(0, n, body, jnp.ones((n,), dtype=bool))
    masked = jnp.where(keep, s, jnp.float32(-1e9))
    top_vals, top_idx = jax.lax.top_k(masked, MAX_OUT)
    sel_boxes = jnp.take(b, top_idx, axis=0)
    sel_scores = jnp.take(s, top_idx, axis=0)
    # Detection-style output: [MAX_OUT, 5] = (x1, y1, x2, y2, score)
    return jnp.concatenate([sel_boxes, sel_scores[:, None]], axis=1)

if __name__ == "__main__":
    import jax
    _d = setup_inputs()
    print(jax.jit(kernel)(*tuple(_d.values())))

</pallas_src>

<mosaic_0001>
#map = affine_map<(d0, d1) -> (0, 0)>
module attributes {stable_mosaic.version = 14 : i64} {
  func.func @k(%arg0: i32, %arg1: i32, %arg2: memref<5120x16xf32, #tpu.memory_space<hbm>>, %arg3: memref<32x160xi32, #tpu.memory_space<hbm>>, %arg4: memref<5120x16xf32, #tpu.memory_space<hbm>>, %arg5: memref<160xi32, #tpu.memory_space<vmem>>, %arg6: memref<160x16xf32, #tpu.memory_space<vmem>>, %arg7: memref<!tpu.dma_semaphore, #tpu.memory_space<semaphore_mem>>) attributes {dimension_semantics = [#tpu.dimension_semantics<core_parallel>, #tpu.dimension_semantics<subcore_parallel>], iteration_bounds = array<i64: 2, 16>, scalar_prefetch = 0 : i64, scratch_operands = 3 : i64, tpu.core_type = #tpu.core_type<sc_vector_subcore>, window_params = [{transform_indices = #map}, {transform_indices = #map}, {transform_indices = #map}]} {
    %mul3A = arith.constant 2 : i32
    %mul3A_0 = arith.muli %arg1, %mul3A : i32
    %add3A = arith.addi %mul3A_0, %arg0 : i32
    "tpu.region"() ({
      %run_scoped3A = tpu.sem_alloc : memref<!tpu.dma_semaphore, #tpu.memory_space<semaphore_mem>>
      %dma_start3A_7 = arith.constant 0 : i32
      %dma_start3A_8 = tpu.memref_slice %arg3[%add3A, %dma_start3A_7] : memref<32x160xi32, #tpu.memory_space<hbm>> -> memref<1x160xi32, #tpu.memory_space<hbm>>
      %dma_start3A_9 = tpu.memref_squeeze %dma_start3A_8 : memref<1x160xi32, #tpu.memory_space<hbm>> -> memref<160xi32, #tpu.memory_space<hbm>>
      %dma_start3A_10 = arith.constant 0 : i32
      %dma_start3A_11 = tpu.memref_slice %arg3[%add3A, %dma_start3A_10] : memref<32x160xi32, #tpu.memory_space<hbm>> -> memref<1x160xi32, #tpu.memory_space<hbm>>
      %dma_start3A_12 = tpu.memref_squeeze %dma_start3A_11 : memref<1x160xi32, #tpu.memory_space<hbm>> -> memref<160xi32, #tpu.memory_space<hbm>>
      tpu.enqueue_dma source(%dma_start3A_12 : memref<160xi32, #tpu.memory_space<hbm>>) target(%arg5 : memref<160xi32, #tpu.memory_space<vmem>>) target_semaphore(%run_scoped3A : memref<!tpu.dma_semaphore, #tpu.memory_space<semaphore_mem>>)
      %dma_wait3A_13 = arith.constant 0 : i32
      %dma_wait3A_14 = tpu.memref_slice %arg3[%add3A, %dma_wait3A_13] : memref<32x160xi32, #tpu.memory_space<hbm>> -> memref<1x160xi32, #tpu.memory_space<hbm>>
      %dma_wait3A_15 = tpu.memref_squeeze %dma_wait3A_14 : memref<1x160xi32, #tpu.memory_space<hbm>> -> memref<160xi32, #tpu.memory_space<hbm>>
      %dma_wait3A_16 = arith.constant 0 : i32
      %dma_wait3A_17 = tpu.memref_slice %arg3[%add3A, %dma_wait3A_16] : memref<32x160xi32, #tpu.memory_space<hbm>> -> memref<1x160xi32, #tpu.memory_space<hbm>>
      %dma_wait3A_18 = tpu.memref_squeeze %dma_wait3A_17 : memref<1x160xi32, #tpu.memory_space<hbm>> -> memref<160xi32, #tpu.memory_space<hbm>>
      tpu.wait_dma2 semaphore(%run_scoped3A : memref<!tpu.dma_semaphore, #tpu.memory_space<semaphore_mem>>) src(%dma_wait3A_18 : memref<160xi32, #tpu.memory_space<hbm>>) dst(%arg5 : memref<160xi32, #tpu.memory_space<vmem>>)
      tpu.yield
    }) : () -> ()
    %mul3A_1 = arith.constant 160 : i32
    %mul3A_2 = arith.muli %add3A, %mul3A_1 : i32
    "tpu.region"() ({
      %run_scoped3A = tpu.sem_alloc : memref<!tpu.dma_semaphore, #tpu.memory_space<semaphore_mem>>
      %dma_start3A_7 = arith.constant 0 : i32
      %dma_start3A_8 = tpu.memref_slice %arg2[%mul3A_2, %dma_start3A_7] : memref<5120x16xf32, #tpu.memory_space<hbm>> -> memref<160x16xf32, #tpu.memory_space<hbm>>
      %dma_start3A_9 = arith.constant 0 : i32
      %dma_start3A_10 = tpu.memref_slice %arg2[%mul3A_2, %dma_start3A_9] : memref<5120x16xf32, #tpu.memory_space<hbm>> -> memref<160x16xf32, #tpu.memory_space<hbm>>
      tpu.enqueue_dma source(%dma_start3A_10 : memref<160x16xf32, #tpu.memory_space<hbm>>) target(%arg6 : memref<160x16xf32, #tpu.memory_space<vmem>>) target_semaphore(%run_scoped3A : memref<!tpu.dma_semaphore, #tpu.memory_space<semaphore_mem>>)
      %dma_wait3A_11 = arith.constant 0 : i32
      %dma_wait3A_12 = tpu.memref_slice %arg2[%mul3A_2, %dma_wait3A_11] : memref<5120x16xf32, #tpu.memory_space<hbm>> -> memref<160x16xf32, #tpu.memory_space<hbm>>
      %dma_wait3A_13 = arith.constant 0 : i32
      %dma_wait3A_14 = tpu.memref_slice %arg2[%mul3A_2, %dma_wait3A_13] : memref<5120x16xf32, #tpu.memory_space<hbm>> -> memref<160x16xf32, #tpu.memory_space<hbm>>
      tpu.wait_dma2 semaphore(%run_scoped3A : memref<!tpu.dma_semaphore, #tpu.memory_space<semaphore_mem>>) src(%dma_wait3A_14 : memref<160x16xf32, #tpu.memory_space<hbm>>) dst(%arg6 : memref<160x16xf32, #tpu.memory_space<vmem>>)
      tpu.yield
    }) : () -> ()
    %dma_start3A = arith.constant 0 : i32
    %dma_start3A_3 = arith.constant 0 : i32
    %dma_start3A_4 = tpu.memref_slice %arg4[%dma_start3A, %dma_start3A_3] : memref<5120x16xf32, #tpu.memory_space<hbm>> -> memref<5120x16xf32, #tpu.memory_space<hbm>>
    tpu.enqueue_indirect_dma source(%arg6 : memref<160x16xf32, #tpu.memory_space<vmem>>) target(%dma_start3A_4 : memref<5120x16xf32, #tpu.memory_space<hbm>>) offsets(%arg5 : memref<160xi32, #tpu.memory_space<vmem>>) semaphore(%arg7 : memref<!tpu.dma_semaphore, #tpu.memory_space<semaphore_mem>>)
    %dma_wait3A = arith.constant 0 : i32
    %dma_wait3A_5 = arith.constant 0 : i32
    %dma_wait3A_6 = tpu.memref_slice %arg4[%dma_wait3A, %dma_wait3A_5] : memref<5120x16xf32, #tpu.memory_space<hbm>> -> memref<5120x16xf32, #tpu.memory_space<hbm>>
    tpu.wait_indirect_dma semaphore(%arg7 : memref<!tpu.dma_semaphore, #tpu.memory_space<semaphore_mem>>) src(%arg6 : memref<160x16xf32, #tpu.memory_space<vmem>>) dst(%dma_wait3A_6 : memref<5120x16xf32, #tpu.memory_space<hbm>>)
    return
  }
}

#map = affine_map<(d0, d1) -> (0, 0)>
module attributes {stable_mosaic.version = 14 : i64} {
  func.func @k(%arg0: i32, %arg1: i32, %arg2: memref<5120x16xf32, #tpu.memory_space<hbm>>, %arg3: memref<32x160xi32, #tpu.memory_space<hbm>>, %arg4: memref<1152x16xf32, #tpu.memory_space<hbm>>, %arg5: memref<160xi32, #tpu.memory_space<vmem>>, %arg6: memref<160x16xf32, #tpu.memory_space<vmem>>, %arg7: memref<!tpu.dma_semaphore, #tpu.memory_space<semaphore_mem>>) attributes {dimension_semantics = [#tpu.dimension_semantics<core_parallel>, #tpu.dimension_semantics<subcore_parallel>], iteration_bounds = array<i64: 2, 16>, scalar_prefetch = 0 : i64, scratch_operands = 3 : i64, tpu.core_type = #tpu.core_type<sc_vector_subcore>, window_params = [{transform_indices = #map}, {transform_indices = #map}, {transform_indices = #map}]} {
    %mul3A = arith.constant 2 : i32
    %mul3A_0 = arith.muli %arg1, %mul3A : i32
    %add3A = arith.addi %mul3A_0, %arg0 : i32
    "tpu.region"() ({
      %run_scoped3A = tpu.sem_alloc : memref<!tpu.dma_semaphore, #tpu.memory_space<semaphore_mem>>
      %dma_start3A_7 = arith.constant 0 : i32
      %dma_start3A_8 = tpu.memref_slice %arg3[%add3A, %dma_start3A_7] : memref<32x160xi32, #tpu.memory_space<hbm>> -> memref<1x160xi32, #tpu.memory_space<hbm>>
      %dma_start3A_9 = tpu.memref_squeeze %dma_start3A_8 : memref<1x160xi32, #tpu.memory_space<hbm>> -> memref<160xi32, #tpu.memory_space<hbm>>
      %dma_start3A_10 = arith.constant 0 : i32
      %dma_start3A_11 = tpu.memref_slice %arg3[%add3A, %dma_start3A_10] : memref<32x160xi32, #tpu.memory_space<hbm>> -> memref<1x160xi32, #tpu.memory_space<hbm>>
      %dma_start3A_12 = tpu.memref_squeeze %dma_start3A_11 : memref<1x160xi32, #tpu.memory_space<hbm>> -> memref<160xi32, #tpu.memory_space<hbm>>
      tpu.enqueue_dma source(%dma_start3A_12 : memref<160xi32, #tpu.memory_space<hbm>>) target(%arg5 : memref<160xi32, #tpu.memory_space<vmem>>) target_semaphore(%run_scoped3A : memref<!tpu.dma_semaphore, #tpu.memory_space<semaphore_mem>>)
      %dma_wait3A_13 = arith.constant 0 : i32
      %dma_wait3A_14 = tpu.memref_slice %arg3[%add3A, %dma_wait3A_13] : memref<32x160xi32, #tpu.memory_space<hbm>> -> memref<1x160xi32, #tpu.memory_space<hbm>>
      %dma_wait3A_15 = tpu.memref_squeeze %dma_wait3A_14 : memref<1x160xi32, #tpu.memory_space<hbm>> -> memref<160xi32, #tpu.memory_space<hbm>>
      %dma_wait3A_16 = arith.constant 0 : i32
      %dma_wait3A_17 = tpu.memref_slice %arg3[%add3A, %dma_wait3A_16] : memref<32x160xi32, #tpu.memory_space<hbm>> -> memref<1x160xi32, #tpu.memory_space<hbm>>
      %dma_wait3A_18 = tpu.memref_squeeze %dma_wait3A_17 : memref<1x160xi32, #tpu.memory_space<hbm>> -> memref<160xi32, #tpu.memory_space<hbm>>
      tpu.wait_dma2 semaphore(%run_scoped3A : memref<!tpu.dma_semaphore, #tpu.memory_space<semaphore_mem>>) src(%dma_wait3A_18 : memref<160xi32, #tpu.memory_space<hbm>>) dst(%arg5 : memref<160xi32, #tpu.memory_space<vmem>>)
      tpu.yield
    }) : () -> ()
    %mul3A_1 = arith.constant 160 : i32
    %mul3A_2 = arith.muli %add3A, %mul3A_1 : i32
    "tpu.region"() ({
      %run_scoped3A = tpu.sem_alloc : memref<!tpu.dma_semaphore, #tpu.memory_space<semaphore_mem>>
      %dma_start3A_7 = arith.constant 0 : i32
      %dma_start3A_8 = tpu.memref_slice %arg2[%mul3A_2, %dma_start3A_7] : memref<5120x16xf32, #tpu.memory_space<hbm>> -> memref<160x16xf32, #tpu.memory_space<hbm>>
      %dma_start3A_9 = arith.constant 0 : i32
      %dma_start3A_10 = tpu.memref_slice %arg2[%mul3A_2, %dma_start3A_9] : memref<5120x16xf32, #tpu.memory_space<hbm>> -> memref<160x16xf32, #tpu.memory_space<hbm>>
      tpu.enqueue_dma source(%dma_start3A_10 : memref<160x16xf32, #tpu.memory_space<hbm>>) target(%arg6 : memref<160x16xf32, #tpu.memory_space<vmem>>) target_semaphore(%run_scoped3A : memref<!tpu.dma_semaphore, #tpu.memory_space<semaphore_mem>>)
      %dma_wait3A_11 = arith.constant 0 : i32
      %dma_wait3A_12 = tpu.memref_slice %arg2[%mul3A_2, %dma_wait3A_11] : memref<5120x16xf32, #tpu.memory_space<hbm>> -> memref<160x16xf32, #tpu.memory_space<hbm>>
      %dma_wait3A_13 = arith.constant 0 : i32
      %dma_wait3A_14 = tpu.memref_slice %arg2[%mul3A_2, %dma_wait3A_13] : memref<5120x16xf32, #tpu.memory_space<hbm>> -> memref<160x16xf32, #tpu.memory_space<hbm>>
      tpu.wait_dma2 semaphore(%run_scoped3A : memref<!tpu.dma_semaphore, #tpu.memory_space<semaphore_mem>>) src(%dma_wait3A_14 : memref<160x16xf32, #tpu.memory_space<hbm>>) dst(%arg6 : memref<160x16xf32, #tpu.memory_space<vmem>>)
      tpu.yield
    }) : () -> ()
    %dma_start3A = arith.constant 0 : i32
    %dma_start3A_3 = arith.constant 0 : i32
    %dma_start3A_4 = tpu.memref_slice %arg4[%dma_start3A, %dma_start3A_3] : memref<1152x16xf32, #tpu.memory_space<hbm>> -> memref<1152x16xf32, #tpu.memory_space<hbm>>
    tpu.enqueue_indirect_dma source(%arg6 : memref<160x16xf32, #tpu.memory_space<vmem>>) target(%dma_start3A_4 : memref<1152x16xf32, #tpu.memory_space<hbm>>) offsets(%arg5 : memref<160xi32, #tpu.memory_space<vmem>>) semaphore(%arg7 : memref<!tpu.dma_semaphore, #tpu.memory_space<semaphore_mem>>)
    %dma_wait3A = arith.constant 0 : i32
    %dma_wait3A_5 = arith.constant 0 : i32
    %dma_wait3A_6 = tpu.memref_slice %arg4[%dma_wait3A, %dma_wait3A_5] : memref<1152x16xf32, #tpu.memory_space<hbm>> -> memref<1152x16xf32, #tpu.memory_space<hbm>>
    tpu.wait_indirect_dma semaphore(%arg7 : memref<!tpu.dma_semaphore, #tpu.memory_space<semaphore_mem>>) src(%arg6 : memref<160x16xf32, #tpu.memory_space<vmem>>) dst(%dma_wait3A_6 : memref<1152x16xf32, #tpu.memory_space<hbm>>)
    return
  }
}

module attributes {stable_mosaic.version = 14 : i64} {
  func.func @_rank_body(%arg0: memref<5120x4xf32, #tpu.memory_space<vmem>>, %arg1: memref<5120x1xf32, #tpu.memory_space<vmem>>, %arg2: memref<1x5120xf32, #tpu.memory_space<vmem>>, %arg3: memref<1x5120xi32, #tpu.memory_space<vmem>>, %arg4: memref<5120x16xf32, #tpu.memory_space<vmem>>) attributes {dimension_semantics = [], scalar_prefetch = 0 : i64, scratch_operands = 0 : i64, tpu.core_type = #tpu.core_type<tc>} {
    %get3A = arith.constant 0 : index
    %get3A_0 = arith.constant 0 : index
    %get3A_1 = vector.load %arg0[%get3A, %get3A_0] : memref<5120x4xf32, #tpu.memory_space<vmem>>, vector<5120x4xf32>
    %get3A_2 = arith.constant 0 : index
    %get3A_3 = arith.constant 0 : index
    %get3A_4 = vector.load %arg1[%get3A_2, %get3A_3] : memref<5120x1xf32, #tpu.memory_space<vmem>>, vector<5120x1xf32>
    %broadcast_in_dim3A = arith.constant 0.000000e+00 : f32
    %broadcast_in_dim3A_5 = vector.broadcast %broadcast_in_dim3A : f32 to vector<5120x11xf32>
    %concatenate3A = tpu.concatenate %get3A_1, %get3A_4, %broadcast_in_dim3A_5 in 1 : vector<5120x4xf32>, vector<5120x1xf32>, vector<5120x11xf32> -> vector<5120x16xf32>
    %swap3A = arith.constant 0 : index
    %swap3A_6 = arith.constant 0 : index
    %swap3A_7 = vector.load %arg4[%swap3A, %swap3A_6] : memref<5120x16xf32, #tpu.memory_space<vmem>>, vector<5120x16xf32>
    tpu.vector_store %arg4[%swap3A, %swap3A_6], %concatenate3A {strides = array<i32>} : memref<5120x16xf32, #tpu.memory_space<vmem>>, vector<5120x16xf32>,
    %iota3A = tpu.iota {dimensions = array<i32: 0>} : vector<512x512xi32>
    %iota3A_8 = tpu.iota {dimensions = array<i32: 1>} : vector<512x512xi32>
    %lt3A = arith.cmpi slt, %iota3A, %iota3A_8 : vector<512x512xi32>
    %broadcast_in_dim3A_9 = arith.constant 1.000000e+00 : f32
    %broadcast_in_dim3A_10 = vector.broadcast %broadcast_in_dim3A_9 : f32 to vector<1x512xf32>
    %get3A_11 = arith.constant 0 : index
    %get3A_12 = arith.constant 0 : index
    %get3A_13 = vector.load %arg2[%get3A_11, %get3A_12] : memref<1x5120xf32, #tpu.memory_space<vmem>>, vector<1x512xf32>
    %broadcast_in_dim3A_14 = arith.constant 0.000000e+00 : f32
    %broadcast_in_dim3A_15 = vector.broadcast %broadcast_in_dim3A_14 : f32 to vector<1x512xf32>
    %get3A_16 = arith.constant 0 : index
    %get3A_17 = arith.constant 0 : index
    %get3A_18 = vector.load %arg1[%get3A_16, %get3A_17] : memref<5120x1xf32, #tpu.memory_space<vmem>>, vector<512x1xf32>
    %gt3A = vector.broadcast %get3A_18 : vector<512x1xf32> to vector<512x512xf32>
    %gt3A_19 = vector.broadcast %get3A_13 : vector<1x512xf32> to vector<512x512xf32>
    %gt3A_20 = arith.cmpf ogt, %gt3A, %gt3A_19 : vector<512x512xf32>
    %eq3A = vector.broadcast %get3A_18 : vector<512x1xf32> to vector<512x512xf32>
    %eq3A_21 = vector.broadcast %get3A_13 : vector<1x512xf32> to vector<512x512xf32>
    %eq3A_22 = arith.cmpf oeq, %eq3A, %eq3A_21 : vector<512x512xf32>
    %and3A = arith.andi %eq3A_22, %lt3A : vector<512x512xi1>
    %or3A = arith.ori %gt3A_20, %and3A : vector<512x512xi1>
    %convert_element_type3A = arith.extui %or3A : vector<512x512xi1> to vector<512x512xi32>
    %convert_element_type3A_23 = arith.sitofp %convert_element_type3A : vector<512x512xi32> to vector<512x512xf32>
    %dot_general3A = arith.constant dense<0.000000e+00> : vector<1x512xf32>
    %dot_general3A_24 = tpu.matmul %broadcast_in_dim3A_10, %convert_element_type3A_23, %dot_general3A {dimension_numbers = #tpu.dot_dimension_numbers<[1], [0], [0], [1], [0, 0, 1, 1], [], []>, transpose_lhs_hint = false} : vector<1x512xf32>, vector<512x512xf32>, vector<1x512xf32> -> vector<1x512xf32>
    %add3A = arith.addf %broadcast_in_dim3A_15, %dot_general3A_24 : vector<1x512xf32>
    %get3A_25 = arith.constant 512 : index
    %get3A_26 = arith.constant 0 : index
    %get3A_27 = vector.load %arg1[%get3A_25, %get3A_26] : memref<5120x1xf32, #tpu.memory_space<vmem>>, vector<512x1xf32>
    %gt3A_28 = vector.broadcast %get3A_27 : vector<512x1xf32> to vector<512x512xf32>
    %gt3A_29 = vector.broadcast %get3A_13 : vector<1x512xf32> to vector<512x512xf32>
    %gt3A_30 = arith.cmpf ogt, %gt3A_28, %gt3A_29 : vector<512x512xf32>
    %convert_element_type3A_31 = arith.extui %gt3A_30 : vector<512x512xi1> to vector<512x512xi32>
    %convert_element_type3A_32 = arith.sitofp %convert_element_type3A_31 : vector<512x512xi32> to vector<512x512xf32>
    %dot_general3A_33 = arith.constant dense<0.000000e+00> : vector<1x512xf32>
    %dot_general3A_34 = tpu.matmul %broadcast_in_dim3A_10, %convert_element_type3A_32, %dot_general3A_33 {dimension_numbers = #tpu.dot_dimension_numbers<[1], [0], [0], [1], [0, 0, 1, 1], [], []>, transpose_lhs_hint = false} : vector<1x512xf32>, vector<512x512xf32>, vector<1x512xf32> -> vector<1x512xf32>
    %add3A_35 = arith.addf %add3A, %dot_general3A_34 : vector<1x512xf32>
    %get3A_36 = arith.constant 1024 : index
    %get3A_37 = arith.constant 0 : index
    %get3A_38 = vector.load %arg1[%get3A_36, %get3A_37] : memref<5120x1xf32, #tpu.memory_space<vmem>>, vector<512x1xf32>
    %gt3A_39 = vector.broadcast %get3A_38 : vector<512x1xf32> to vector<512x512xf32>
    %gt3A_40 = vector.broadcast %get3A_13 : vector<1x512xf32> to vector<512x512xf32>
    %gt3A_41 = arith.cmpf ogt, %gt3A_39, %gt3A_40 : vector<512x512xf32>
    %convert_element_type3A_42 = arith.extui %gt3A_41 : vector<512x512xi1> to vector<512x512xi32>
    %convert_element_type3A_43 = arith.sitofp %convert_element_type3A_42 : vector<512x512xi32> to vector<512x512xf32>
    %dot_general3A_44 = arith.constant dense<0.000000e+00> : vector<1x512xf32>
    %dot_general3A_45 = tpu.matmul %broadcast_in_dim3A_10, %convert_element_type3A_43, %dot_general3A_44 {dimension_numbers = #tpu.dot_dimension_numbers<[1], [0], [0], [1], [0, 0, 1, 1], [], []>, transpose_lhs_hint = false} : vector<1x512xf32>, vector<512x512xf32>, vector<1x512xf32> -> vector<1x512xf32>
    %add3A_46 = arith.addf %add3A_35, %dot_general3A_45 : vector<1x512xf32>
    %get3A_47 = arith.constant 1536 : index
    %get3A_48 = arith.constant 0 : index
    %get3A_49 = vector.load %arg1[%get3A_47, %get3A_48] : memref<5120x1xf32, #tpu.memory_space<vmem>>, vector<512x1xf32>
    %gt3A_50 = vector.broadcast %get3A_49 : vector<512x1xf32> to vector<512x512xf32>
    %gt3A_51 = vector.broadcast %get3A_13 : vector<1x512xf32> to vector<512x512xf32>
    %gt3A_52 = arith.cmpf ogt, %gt3A_50, %gt3A_51 : vector<512x512xf32>
    %convert_element_type3A_53 = arith.extui %gt3A_52 : vector<512x512xi1> to vector<512x512xi32>
    %convert_element_type3A_54 = arith.sitofp %convert_element_type3A_53 : vector<512x512xi32> to vector<512x512xf32>
    %dot_general3A_55 = arith.constant dense<0.000000e+00> : vector<1x512xf32>
    %dot_general3A_56 = tpu.matmul %broadcast_in_dim3A_10, %convert_element_type3A_54, %dot_general3A_55 {dimension_numbers = #tpu.dot_dimension_numbers<[1], [0], [0], [1], [0, 0, 1, 1], [], []>, transpose_lhs_hint = false} : vector<1x512xf32>, vector<512x512xf32>, vector<1x512xf32> -> vector<1x512xf32>
    %add3A_57 = arith.addf %add3A_46, %dot_general3A_56 : vector<1x512xf32>
    %get3A_58 = arith.constant 2048 : index
    %get3A_59 = arith.constant 0 : index
    %get3A_60 = vector.load %arg1[%get3A_58, %get3A_59] : memref<5120x1xf32, #tpu.memory_space<vmem>>, vector<512x1xf32>
    %gt3A_61 = vector.broadcast %get3A_60 : vector<512x1xf32> to vector<512x512xf32>
    %gt3A_62 = vector.broadcast %get3A_13 : vector<1x512xf32> to vector<512x512xf32>
    %gt3A_63 = arith.cmpf ogt, %gt3A_61, %gt3A_62 : vector<512x512xf32>
    %convert_element_type3A_64 = arith.extui %gt3A_63 : vector<512x512xi1> to vector<512x512xi32>
    %convert_element_type3A_65 = arith.sitofp %convert_element_type3A_64 : vector<512x512xi32> to vector<512x512xf32>
    %dot_general3A_66 = arith.constant dense<0.000000e+00> : vector<1x512xf32>
    %dot_general3A_67 = tpu.matmul %broadcast_in_dim3A_10, %convert_element_type3A_65, %dot_general3A_66 {dimension_numbers = #tpu.dot_dimension_numbers<[1], [0], [0], [1], [0, 0, 1, 1], [], []>, transpose_lhs_hint = false} : vector<1x512xf32>, vector<512x512xf32>, vector<1x512xf32> -> vector<1x512xf32>
    %add3A_68 = arith.addf %add3A_57, %dot_general3A_67 : vector<1x512xf32>
    %get3A_69 = arith.constant 2560 : index
    %get3A_70 = arith.constant 0 : index
    %get3A_71 = vector.load %arg1[%get3A_69, %get3A_70] : memref<5120x1xf32, #tpu.memory_space<vmem>>, vector<512x1xf32>
    %gt3A_72 = vector.broadcast %get3A_71 : vector<512x1xf32> to vector<512x512xf32>
    %gt3A_73 = vector.broadcast %get3A_13 : vector<1x512xf32> to vector<512x512xf32>
    %gt3A_74 = arith.cmpf ogt, %gt3A_72, %gt3A_73 : vector<512x512xf32>
    %convert_element_type3A_75 = arith.extui %gt3A_74 : vector<512x512xi1> to vector<512x512xi32>
    %convert_element_type3A_76 = arith.sitofp %convert_element_type3A_75 : vector<512x512xi32> to vector<512x512xf32>
    %dot_general3A_77 = arith.constant dense<0.000000e+00> : vector<1x512xf32>
    %dot_general3A_78 = tpu.matmul %broadcast_in_dim3A_10, %convert_element_type3A_76, %dot_general3A_77 {dimension_numbers = #tpu.dot_dimension_numbers<[1], [0], [0], [1], [0, 0, 1, 1], [], []>, transpose_lhs_hint = false} : vector<1x512xf32>, vector<512x512xf32>, vector<1x512xf32> -> vector<1x512xf32>
    %add3A_79 = arith.addf %add3A_68, %dot_general3A_78 : vector<1x512xf32>
    %get3A_80 = arith.constant 3072 : index
    %get3A_81 = arith.constant 0 : index
    %get3A_82 = vector.load %arg1[%get3A_80, %get3A_81] : memref<5120x1xf32, #tpu.memory_space<vmem>>, vector<512x1xf32>
    %gt3A_83 = vector.broadcast %get3A_82 : vector<512x1xf32> to vector<512x512xf32>
    %gt3A_84 = vector.broadcast %get3A_13 : vector<1x512xf32> to vector<512x512xf32>
    %gt3A_85 = arith.cmpf ogt, %gt3A_83, %gt3A_84 : vector<512x512xf32>
    %convert_element_type3A_86 = arith.extui %gt3A_85 : vector<512x512xi1> to vector<512x512xi32>
    %convert_element_type3A_87 = arith.sitofp %convert_element_type3A_86 : vector<512x512xi32> to vector<512x512xf32>
    %dot_general3A_88 = arith.constant dense<0.000000e+00> : vector<1x512xf32>
    %dot_general3A_89 = tpu.matmul %broadcast_in_dim3A_10, %convert_element_type3A_87, %dot_general3A_88 {dimension_numbers = #tpu.dot_dimension_numbers<[1], [0], [0], [1], [0, 0, 1, 1], [], []>, transpose_lhs_hint = false} : vector<1x512xf32>, vector<512x512xf32>, vector<1x512xf32> -> vector<1x512xf32>
    %add3A_90 = arith.addf %add3A_79, %dot_general3A_89 : vector<1x512xf32>
    %get3A_91 = arith.constant 3584 : index
    %get3A_92 = arith.constant 0 : index
    %get3A_93 = vector.load %arg1[%get3A_91, %get3A_92] : memref<5120x1xf32, #tpu.memory_space<vmem>>, vector<512x1xf32>
    %gt3A_94 = vector.broadcast %get3A_93 : vector<512x1xf32> to vector<512x512xf32>
    %gt3A_95 = vector.broadcast %get3A_13 : vector<1x512xf32> to vector<512x512xf32>
    %gt3A_96 = arith.cmpf ogt, %gt3A_94, %gt3A_95 : vector<512x512xf32>
    %convert_element_type3A_97 = arith.extui %gt3A_96 : vector<512x512xi1> to vector<512x512xi32>
    %convert_element_type3A_98 = arith.sitofp %convert_element_type3A_97 : vector<512x512xi32> to vector<512x512xf32>
    %dot_general3A_99 = arith.constant dense<0.000000e+00> : vector<1x512xf32>
    %dot_general3A_100 = tpu.matmul %broadcast_in_dim3A_10, %convert_element_type3A_98, %dot_general3A_99 {dimension_numbers = #tpu.dot_dimension_numbers<[1], [0], [0], [1], [0, 0, 1, 1], [], []>, transpose_lhs_hint = false} : vector<1x512xf32>, vector<512x512xf32>, vector<1x512xf32> -> vector<1x512xf32>
    %add3A_101 = arith.addf %add3A_90, %dot_general3A_100 : vector<1x512xf32>
    %get3A_102 = arith.constant 4096 : index
    %get3A_103 = arith.constant 0 : index
    %get3A_104 = vector.load %arg1[%get3A_102, %get3A_103] : memref<5120x1xf32, #tpu.memory_space<vmem>>, vector<512x1xf32>
    %gt3A_105 = vector.broadcast %get3A_104 : vector<512x1xf32> to vector<512x512xf32>
    %gt3A_106 = vector.broadcast %get3A_13 : vector<1x512xf32> to vector<512x512xf32>
    %gt3A_107 = arith.cmpf ogt, %gt3A_105, %gt3A_106 : vector<512x512xf32>
    %convert_element_type3A_108 = arith.extui %gt3A_107 : vector<512x512xi1> to vector<512x512xi32>
    %convert_element_type3A_109 = arith.sitofp %convert_element_type3A_108 : vector<512x512xi32> to vector<512x512xf32>
    %dot_general3A_110 = arith.constant dense<0.000000e+00> : vector<1x512xf32>
    %dot_general3A_111 = tpu.matmul %broadcast_in_dim3A_10, %convert_element_type3A_109, %dot_general3A_110 {dimension_numbers = #tpu.dot_dimension_numbers<[1], [0], [0], [1], [0, 0, 1, 1], [], []>, transpose_lhs_hint = false} : vector<1x512xf32>, vector<512x512xf32>, vector<1x512xf32> -> vector<1x512xf32>
    %add3A_112 = arith.addf %add3A_101, %dot_general3A_111 : vector<1x512xf32>
    %get3A_113 = arith.constant 4608 : index
    %get3A_114 = arith.constant 0 : index
    %get3A_115 = vector.load %arg1[%get3A_113, %get3A_114] : memref<5120x1xf32, #tpu.memory_space<vmem>>, vector<512x1xf32>
    %gt3A_116 = vector.broadcast %get3A_115 : vector<512x1xf32> to vector<512x512xf32>
    %gt3A_117 = vector.broadcast %get3A_13 : vector<1x512xf32> to vector<512x512xf32>
    %gt3A_118 = arith.cmpf ogt, %gt3A_116, %gt3A_117 : vector<512x512xf32>
    %convert_element_type3A_119 = arith.extui %gt3A_118 : vector<512x512xi1> to vector<512x512xi32>
    %convert_element_type3A_120 = arith.sitofp %convert_element_type3A_119 : vector<512x512xi32> to vector<512x512xf32>
    %dot_general3A_121 = arith.constant dense<0.000000e+00> : vector<1x512xf32>
    %dot_general3A_122 = tpu.matmul %broadcast_in_dim3A_10, %convert_element_type3A_120, %dot_general3A_121 {dimension_numbers = #tpu.dot_dimension_numbers<[1], [0], [0], [1], [0, 0, 1, 1], [], []>, transpose_lhs_hint = false} : vector<1x512xf32>, vector<512x512xf32>, vector<1x512xf32> -> vector<1x512xf32>
    %add3A_123 = arith.addf %add3A_112, %dot_general3A_122 : vector<1x512xf32>
    %convert_element_type3A_124 = arith.fptosi %add3A_123 : vector<1x512xf32> to vector<1x512xi32>
    %swap3A_125 = arith.constant 0 : index
    %swap3A_126 = arith.constant 0 : index
    %swap3A_127 = vector.load %arg3[%swap3A_125, %swap3A_126] : memref<1x5120xi32, #tpu.memory_space<vmem>>, vector<1x512xi32>
    tpu.vector_store %arg3[%swap3A_125, %swap3A_126], %convert_element_type3A_124 {strides = array<i32>} : memref<1x5120xi32, #tpu.memory_space<vmem>>, vector<1x512xi32>,
    %get3A_128 = arith.constant 0 : index
    %get3A_129 = arith.constant 512 : index
    %get3A_130 = vector.load %arg2[%get3A_128, %get3A_129] : memref<1x5120xf32, #tpu.memory_space<vmem>>, vector<1x512xf32>
    %broadcast_in_dim3A_131 = arith.constant 0.000000e+00 : f32
    %broadcast_in_dim3A_132 = vector.broadcast %broadcast_in_dim3A_131 : f32 to vector<1x512xf32>
    %get3A_133 = arith.constant 0 : index
    %get3A_134 = arith.constant 0 : index
    %get3A_135 = vector.load %arg1[%get3A_133, %get3A_134] : memref<5120x1xf32, #tpu.memory_space<vmem>>, vector<512x1xf32>
    %ge3A = vector.broadcast %get3A_135 : vector<512x1xf32> to vector<512x512xf32>
    %ge3A_136 = vector.broadcast %get3A_130 : vector<1x512xf32> to vector<512x512xf32>
    %ge3A_137 = arith.cmpf oge, %ge3A, %ge3A_136 : vector<512x512xf32>
    %convert_element_type3A_138 = arith.extui %ge3A_137 : vector<512x512xi1> to vector<512x512xi32>
    %convert_element_type3A_139 = arith.sitofp %convert_element_type3A_138 : vector<512x512xi32> to vector<512x512xf32>
    %dot_general3A_140 = arith.constant dense<0.000000e+00> : vector<1x512xf32>
    %dot_general3A_141 = tpu.matmul %broadcast_in_dim3A_10, %convert_element_type3A_139, %dot_general3A_140 {dimension_numbers = #tpu.dot_dimension_numbers<[1], [0], [0], [1], [0, 0, 1, 1], [], []>, transpose_lhs_hint = false} : vector<1x512xf32>, vector<512x512xf32>, vector<1x512xf32> -> vector<1x512xf32>
    %add3A_142 = arith.addf %broadcast_in_dim3A_132, %dot_general3A_141 : vector<1x512xf32>
    %get3A_143 = arith.constant 512 : index
    %get3A_144 = arith.constant 0 : index
    %get3A_145 = vector.load %arg1[%get3A_143, %get3A_144] : memref<5120x1xf32, #tpu.memory_space<vmem>>, vector<512x1xf32>
    %gt3A_146 = vector.broadcast %get3A_145 : vector<512x1xf32> to vector<512x512xf32>
    %gt3A_147 = vector.broadcast %get3A_130 : vector<1x512xf32> to vector<512x512xf32>
    %gt3A_148 = arith.cmpf ogt, %gt3A_146, %gt3A_147 : vector<512x512xf32>
    %eq3A_149 = vector.broadcast %get3A_145 : vector<512x1xf32> to vector<512x512xf32>
    %eq3A_150 = vector.broadcast %get3A_130 : vector<1x512xf32> to vector<512x512xf32>
    %eq3A_151 = arith.cmpf oeq, %eq3A_149, %eq3A_150 : vector<512x512xf32>
    %and3A_152 = arith.andi %eq3A_151, %lt3A : vector<512x512xi1>
    %or3A_153 = arith.ori %gt3A_148, %and3A_152 : vector<512x512xi1>
    %convert_element_type3A_154 = arith.extui %or3A_153 : vector<512x512xi1> to vector<512x512xi32>
    %convert_element_type3A_155 = arith.sitofp %convert_element_type3A_154 : vector<512x512xi32> to vector<512x512xf32>
    %dot_general3A_156 = arith.constant dense<0.000000e+00> : vector<1x512xf32>
    %dot_general3A_157 = tpu.matmul %broadcast_in_dim3A_10, %convert_element_type3A_155, %dot_general3A_156 {dimension_numbers = #tpu.dot_dimension_numbers<[1], [0], [0], [1], [0, 0, 1, 1], [], []>, transpose_lhs_hint = false} : vector<1x512xf32>, vector<512x512xf32>, vector<1x512xf32> -> vector<1x512xf32>
    %add3A_158 = arith.addf %add3A_142, %dot_general3A_157 : vector<1x512xf32>
    %get3A_159 = arith.constant 1024 : index
    %get3A_160 = arith.constant 0 : index
    %get3A_161 = vector.load %arg1[%get3A_159, %get3A_160] : memref<5120x1xf32, #tpu.memory_space<vmem>>, vector<512x1xf32>
    %gt3A_162 = vector.broadcast %get3A_161 : vector<512x1xf32> to vector<512x512xf32>
    %gt3A_163 = vector.broadcast %get3A_130 : vector<1x512xf32> to vector<512x512xf32>
    %gt3A_164 = arith.cmpf ogt, %gt3A_162, %gt3A_163 : vector<512x512xf32>
    %convert_element_type3A_165 = arith.extui %gt3A_164 : vector<512x512xi1> to vector<512x512xi32>
    %convert_element_type3A_166 = arith.sitofp %convert_element_type3A_165 : vector<512x512xi32> to vector<512x512xf32>
    %dot_general3A_167 = arith.constant dense<0.000000e+00> : vector<1x512xf32>
    %dot_general3A_168 = tpu.matmul %broadcast_in_dim3A_10, %convert_element_type3A_166, %dot_general3A_167 {dimension_numbers = #tpu.dot_dimension_numbers<[1], [0], [0], [1], [0, 0, 1, 1], [], []>, transpose_lhs_hint = false} : vector<1x512xf32>, vector<512x512xf32>, vector<1x512xf32> -> vector<1x512xf32>
    %add3A_169 = arith.addf %add3A_158, %dot_general3A_168 : vector<1x512xf32>
    %get3A_170 = arith.constant 1536 : index
    %get3A_171 = arith.constant 0 : index
    %get3A_172 = vector.load %arg1[%get3A_170, %get3A_171] : memref<5120x1xf32, #tpu.memory_space<vmem>>, vector<512x1xf32>
    %gt3A_173 = vector.broadcast %get3A_172 : vector<512x1xf32> to vector<512x512xf32>
    %gt3A_174 = vector.broadcast %get3A_130 : vector<1x512xf32> to vector<512x512xf32>
    %gt3A_175 = arith.cmpf ogt, %gt3A_173, %gt3A_174 : vector<512x512xf32>
    %convert_element_type3A_176 = arith.extui %gt3A_175 : vector<512x512xi1> to vector<512x512xi32>
    %convert_element_type3A_177 = arith.sitofp %convert_element_type3A_176 : vector<512x512xi32> to vector<512x512xf32>
    %dot_general3A_178 = arith.constant dense<0.000000e+00> : vector<1x512xf32>
    %dot_general3A_179 = tpu.matmul %broadcast_in_dim3A_10, %convert_element_type3A_177, %dot_general3A_178 {dimension_numbers = #tpu.dot_dimension_numbers<[1], [0], [0], [1], [0, 0, 1, 1], [], []>, transpose_lhs_hint = false} : vector<1x512xf32>, vector<512x512xf32>, vector<1x512xf32> -> vector<1x512xf32>
    %add3A_180 = arith.addf %add3A_169, %dot_general3A_179 : vector<1x512xf32>
    %get3A_181 = arith.constant 2048 : index
    %get3A_182 = arith.constant 0 : index
    %get3A_183 = vector.load %arg1[%get3A_181, %get3A_182] : memref<5120x1xf32, #tpu.memory_space<vmem>>, vector<512x1xf32>
    %gt3A_184 = vector.broadcast %get3A_183 : vector<512x1xf32> to vector<512x512xf32>
    %gt3A_185 = vector.broadcast %get3A_130 : vector<1x512xf32> to vector<512x512xf32>
    %gt3A_186 = arith.cmpf ogt, %gt3A_184, %gt3A_185 : vector<512x512xf32>
    %convert_element_type3A_187 = arith.extui %gt3A_186 : vector<512x512xi1> to vector<512x512xi32>
    %convert_element_type3A_188 = arith.sitofp %convert_element_type3A_187 : vector<512x512xi32> to vector<512x512xf32>
    %dot_general3A_189 = arith.constant dense<0.000000e+00> : vector<1x512xf32>
    %dot_general3A_190 = tpu.matmul %broadcast_in_dim3A_10, %convert_element_type3A_188, %dot_general3A_189 {dimension_numbers = #tpu.dot_dimension_numbers<[1], [0], [0], [1], [0, 0, 1, 1], [], []>, transpose_lhs_hint = false} : vector<1x512xf32>, vector<512x512xf32>, vector<1x512xf32> -> vector<1x512xf32>
    %add3A_191 = arith.addf %add3A_180, %dot_general3A_190 : vector<1x512xf32>
    %get3A_192 = arith.constant 2560 : index
    %get3A_193 = arith.constant 0 : index
    %get3A_194 = vector.load %arg1[%get3A_192, %get3A_193] : memref<5120x1xf32, #tpu.memory_space<vmem>>, vector<512x1xf32>
    %gt3A_195 = vector.broadcast %get3A_194 : vector<512x1xf32> to vector<512x512xf32>
    %gt3A_196 = vector.broadcast %get3A_130 : vector<1x512xf32> to vector<512x512xf32>
    %gt3A_197 = arith.cmpf ogt, %gt3A_195, %gt3A_196 : vector<512x512xf32>
    %convert_element_type3A_198 = arith.extui %gt3A_197 : vector<512x512xi1> to vector<512x512xi32>
    %convert_element_type3A_199 = arith.sitofp %convert_element_type3A_198 : vector<512x512xi32> to vector<512x512xf32>
    %dot_general3A_200 = arith.constant dense<0.000000e+00> : vector<1x512xf32>
    %dot_general3A_201 = tpu.matmul %broadcast_in_dim3A_10, %convert_element_type3A_199, %dot_general3A_200 {dimension_numbers = #tpu.dot_dimension_numbers<[1], [0], [0], [1], [0, 0, 1, 1], [], []>, transpose_lhs_hint = false} : vector<1x512xf32>, vector<512x512xf32>, vector<1x512xf32> -> vector<1x512xf32>
    %add3A_202 = arith.addf %add3A_191, %dot_general3A_201 : vector<1x512xf32>
    %get3A_203 = arith.constant 3072 : index
    %get3A_204 = arith.constant 0 : index
    %get3A_205 = vector.load %arg1[%get3A_203, %get3A_204] : memref<5120x1xf32, #tpu.memory_space<vmem>>, vector<512x1xf32>
    %gt3A_206 = vector.broadcast %get3A_205 : vector<512x1xf32> to vector<512x512xf32>
    %gt3A_207 = vector.broadcast %get3A_130 : vector<1x512xf32> to vector<512x512xf32>
    %gt3A_208 = arith.cmpf ogt, %gt3A_206, %gt3A_207 : vector<512x512xf32>
    %convert_element_type3A_209 = arith.extui %gt3A_208 : vector<512x512xi1> to vector<512x512xi32>
    %convert_element_type3A_210 = arith.sitofp %convert_element_type3A_209 : vector<512x512xi32> to vector<512x512xf32>
    %dot_general3A_211 = arith.constant dense<0.000000e+00> : vector<1x512xf32>
    %dot_general3A_212 = tpu.matmul %broadcast_in_dim3A_10, %convert_element_type3A_210, %dot_general3A_211 {dimension_numbers = #tpu.dot_dimension_numbers<[1], [0], [0], [1], [0, 0, 1, 1], [], []>, transpose_lhs_hint = false} : vector<1x512xf32>, vector<512x512xf32>, vector<1x512xf32> -> vector<1x512xf32>
    %add3A_213 = arith.addf %add3A_202, %dot_general3A_212 : vector<1x512xf32>
    %get3A_214 = arith.constant 3584 : index
    %get3A_215 = arith.constant 0 : index
    %get3A_216 = vector.load %arg1[%get3A_214, %get3A_215] : memref<5120x1xf32, #tpu.memory_space<vmem>>, vector<512x1xf32>
    %gt3A_217 = vector.broadcast %get3A_216 : vector<512x1xf32> to vector<512x512xf32>
    %gt3A_218 = vector.broadcast %get3A_130 : vector<1x512xf32> to vector<512x512xf32>
    %gt3A_219 = arith.cmpf ogt, %gt3A_217, %gt3A_218 : vector<512x512xf32>
    %convert_element_type3A_220 = arith.extui %gt3A_219 : vector<512x512xi1> to vector<512x512xi32>
    %convert_element_type3A_221 = arith.sitofp %convert_element_type3A_220 : vector<512x512xi32> to vector<512x512xf32>
    %dot_general3A_222 = arith.constant dense<0.000000e+00> : vector<1x512xf32>
    %dot_general3A_223 = tpu.matmul %broadcast_in_dim3A_10, %convert_element_type3A_221, %dot_general3A_222 {dimension_numbers = #tpu.dot_dimension_numbers<[1], [0], [0], [1], [0, 0, 1, 1], [], []>, transpose_lhs_hint = false} : vector<1x512xf32>, vector<512x512xf32>, vector<1x512xf32> -> vector<1x512xf32>
    %add3A_224 = arith.addf %add3A_213, %dot_general3A_223 : vector<1x512xf32>
    %get3A_225 = arith.constant 4096 : index
    %get3A_226 = arith.constant 0 : index
    %get3A_227 = vector.load %arg1[%get3A_225, %get3A_226] : memref<5120x1xf32, #tpu.memory_space<vmem>>, vector<512x1xf32>
    %gt3A_228 = vector.broadcast %get3A_227 : vector<512x1xf32> to vector<512x512xf32>
    %gt3A_229 = vector.broadcast %get3A_130 : vector<1x512xf32> to vector<512x512xf32>
    %gt3A_230 = arith.cmpf ogt, %gt3A_228, %gt3A_229 : vector<512x512xf32>
    %convert_element_type3A_231 = arith.extui %gt3A_230 : vector<512x512xi1> to vector<512x512xi32>
    %convert_element_type3A_232 = arith.sitofp %convert_element_type3A_231 : vector<512x512xi32> to vector<512x512xf32>
    %dot_general3A_233 = arith.constant dense<0.000000e+00> : vector<1x512xf32>
    %dot_general3A_234 = tpu.matmul %broadcast_in_dim3A_10, %convert_element_type3A_232, %dot_general3A_233 {dimension_numbers = #tpu.dot_dimension_numbers<[1], [0], [0], [1], [0, 0, 1, 1], [], []>, transpose_lhs_hint = false} : vector<1x512xf32>, vector<512x512xf32>, vector<1x512xf32> -> vector<1x512xf32>
    %add3A_235 = arith.addf %add3A_224, %dot_general3A_234 : vector<1x512xf32>
    %get3A_236 = arith.constant 4608 : index
    %get3A_237 = arith.constant 0 : index
    %get3A_238 = vector.load %arg1[%get3A_236, %get3A_237] : memref<5120x1xf32, #tpu.memory_space<vmem>>, vector<512x1xf32>
    %gt3A_239 = vector.broadcast %get3A_238 : vector<512x1xf32> to vector<512x512xf32>
    %gt3A_240 = vector.broadcast %get3A_130 : vector<1x512xf32> to vector<512x512xf32>
    %gt3A_241 = arith.cmpf ogt, %gt3A_239, %gt3A_240 : vector<512x512xf32>
    %convert_element_type3A_242 = arith.extui %gt3A_241 : vector<512x512xi1> to vector<512x512xi32>
    %convert_element_type3A_243 = arith.sitofp %convert_element_type3A_242 : vector<512x512xi32> to vector<512x512xf32>
    %dot_general3A_244 = arith.constant dense<0.000000e+00> : vector<1x512xf32>
    %dot_general3A_245 = tpu.matmul %broadcast_in_dim3A_10, %convert_element_type3A_243, %dot_general3A_244 {dimension_numbers = #tpu.dot_dimension_numbers<[1], [0], [0], [1], [0, 0, 1, 1], [], []>, transpose_lhs_hint = false} : vector<1x512xf32>, vector<512x512xf32>, vector<1x512xf32> -> vector<1x512xf32>
    %add3A_246 = arith.addf %add3A_235, %dot_general3A_245 : vector<1x512xf32>
    %convert_element_type3A_247 = arith.fptosi %add3A_246 : vector<1x512xf32> to vector<1x512xi32>
    %swap3A_248 = arith.constant 0 : index
    %swap3A_249 = arith.constant 512 : index
    %swap3A_250 = vector.load %arg3[%swap3A_248, %swap3A_249] : memref<1x5120xi32, #tpu.memory_space<vmem>>, vector<1x512xi32>
    tpu.vector_store %arg3[%swap3A_248, %swap3A_249], %convert_element_type3A_247 {strides = array<i32>} : memref<1x5120xi32, #tpu.memory_space<vmem>>, vector<1x512xi32>,
    %get3A_251 = arith.constant 0 : index
    %get3A_252 = arith.constant 1024 : index
    %get3A_253 = vector.load %arg2[%get3A_251, %get3A_252] : memref<1x5120xf32, #tpu.memory_space<vmem>>, vector<1x512xf32>
    %broadcast_in_dim3A_254 = arith.constant 0.000000e+00 : f32
    %broadcast_in_dim3A_255 = vector.broadcast %broadcast_in_dim3A_254 : f32 to vector<1x512xf32>
    %get3A_256 = arith.constant 0 : index
    %get3A_257 = arith.constant 0 : index
    %get3A_258 = vector.load %arg1[%get3A_256, %get3A_257] : memref<5120x1xf32, #tpu.memory_space<vmem>>, vector<512x1xf32>
    %ge3A_259 = vector.broadcast %get3A_258 : vector<512x1xf32> to vector<512x512xf32>
    %ge3A_260 = vector.broadcast %get3A_253 : vector<1x512xf32> to vector<512x512xf32>
    %ge3A_261 = arith.cmpf oge, %ge3A_259, %ge3A_260 : vector<512x512xf32>
    %convert_element_type3A_262 = arith.extui %ge3A_261 : vector<512x512xi1> to vector<512x512xi32>
    %convert_element_type3A_263 = arith.sitofp %convert_element_type3A_262 : vector<512x512xi32> to vector<512x512xf32>
    %dot_general3A_264 = arith.constant dense<0.000000e+00> : vector<1x512xf32>
    %dot_general3A_265 = tpu.matmul %broadcast_in_dim3A_10, %convert_element_type3A_263, %dot_general3A_264 {dimension_numbers = #tpu.dot_dimension_numbers<[1], [0], [0], [1], [0, 0, 1, 1], [], []>, transpose_lhs_hint = false} : vector<1x512xf32>, vector<512x512xf32>, vector<1x512xf32> -> vector<1x512xf32>
    %add3A_266 = arith.addf %broadcast_in_dim3A_255, %dot_general3A_265 : vector<1x512xf32>
    %get3A_267 = arith.constant 512 : index
    %get3A_268 = arith.constant 0 : index
    %get3A_269 = vector.load %arg1[%get3A_267, %get3A_268] : memref<5120x1xf32, #tpu.memory_space<vmem>>, vector<512x1xf32>
    %ge3A_270 = vector.broadcast %get3A_269 : vector<512x1xf32> to vector<512x512xf32>
    %ge3A_271 = vector.broadcast %get3A_253 : vector<1x512xf32> to vector<512x512xf32>
    %ge3A_272 = arith.cmpf oge, %ge3A_270, %ge3A_271 : vector<512x512xf32>
    %convert_element_type3A_273 = arith.extui %ge3A_272 : vector<512x512xi1> to vector<512x512xi32>
    %convert_element_type3A_274 = arith.sitofp %convert_element_type3A_273 : vector<512x512xi32> to vector<512x512xf32>
    %dot_general3A_275 = arith.constant dense<0.000000e+00> : vector<1x512xf32>
    %dot_general3A_276 = tpu.matmul %broadcast_in_dim3A_10, %convert_element_type3A_274, %dot_general3A_275 {dimension_numbers = #tpu.dot_dimension_numbers<[1], [0], [0], [1], [0, 0, 1, 1], [], []>, transpose_lhs_hint = false} : vector<1x512xf32>, vector<512x512xf32>, vector<1x512xf32> -> vector<1x512xf32>
    %add3A_277 = arith.addf %add3A_266, %dot_general3A_276 : vector<1x512xf32>
    %get3A_278 = arith.constant 1024 : index
    %get3A_279 = arith.constant 0 : index
    %get3A_280 = vector.load %arg1[%get3A_278, %get3A_279] : memref<5120x1xf32, #tpu.memory_space<vmem>>, vector<512x1xf32>
    %gt3A_281 = vector.broadcast %get3A_280 : vector<512x1xf32> to vector<512x512xf32>
    %gt3A_282 = vector.broadcast %get3A_253 : vector<1x512xf32> to vector<512x512xf32>
    %gt3A_283 = arith.cmpf ogt, %gt3A_281, %gt3A_282 : vector<512x512xf32>
    %eq3A_284 = vector.broadcast %get3A_280 : vector<512x1xf32> to vector<512x512xf32>
    %eq3A_285 = vector.broadcast %get3A_253 : vector<1x512xf32> to vector<512x512xf32>
    %eq3A_286 = arith.cmpf oeq, %eq3A_284, %eq3A_285 : vector<512x512xf32>
    %and3A_287 = arith.andi %eq3A_286, %lt3A : vector<512x512xi1>
    %or3A_288 = arith.ori %gt3A_283, %and3A_287 : vector<512x512xi1>
    %convert_element_type3A_289 = arith.extui %or3A_288 : vector<512x512xi1> to vector<512x512xi32>
    %convert_element_type3A_290 = arith.sitofp %convert_element_type3A_289 : vector<512x512xi32> to vector<512x512xf32>
    %dot_general3A_291 = arith.constant dense<0.000000e+00> : vector<1x512xf32>
    %dot_general3A_292 = tpu.matmul %broadcast_in_dim3A_10, %convert_element_type3A_290, %dot_general3A_291 {dimension_numbers = #tpu.dot_dimension_numbers<[1], [0], [0], [1], [0, 0, 1, 1], [], []>, transpose_lhs_hint = false} : vector<1x512xf32>, vector<512x512xf32>, vector<1x512xf32> -> vector<1x512xf32>
    %add3A_293 = arith.addf %add3A_277, %dot_general3A_292 : vector<1x512xf32>
    %get3A_294 = arith.constant 1536 : index
    %get3A_295 = arith.constant 0 : index
    %get3A_296 = vector.load %arg1[%get3A_294, %get3A_295] : memref<5120x1xf32, #tpu.memory_space<vmem>>, vector<512x1xf32>
    %gt3A_297 = vector.broadcast %get3A_296 : vector<512x1xf32> to vector<512x512xf32>
    %gt3A_298 = vector.broadcast %get3A_253 : vector<1x512xf32> to vector<512x512xf32>
    %gt3A_299 = arith.cmpf ogt, %gt3A_297, %gt3A_298 : vector<512x512xf32>
    %convert_element_type3A_300 = arith.extui %gt3A_299 : vector<512x512xi1> to vector<512x512xi32>
    %convert_element_type3A_301 = arith.sitofp %convert_element_type3A_300 : vector<512x512xi32> to vector<512x512xf32>
    %dot_general3A_302 = arith.constant dense<0.000000e+00> : vector<1x512xf32>
    %dot_general3A_303 = tpu.matmul %broadcast_in_dim3A_10, %convert_element_type3A_301, %dot_general3A_302 {dimension_numbers = #tpu.dot_dimension_numbers<[1], [0], [0], [1], [0, 0, 1, 1], [], []>, transpose_lhs_hint = false} : vector<1x512xf32>, vector<512x512xf32>, vector<1x512xf32> -> vector<1x512xf32>
    %add3A_304 = arith.addf %add3A_293, %dot_general3A_303 : vector<1x512xf32>
    %get3A_305 = arith.constant 2048 : index
    %get3A_306 = arith.constant 0 : index
    %get3A_307 = vector.load %arg1[%get3A_305, %get3A_306] : memref<5120x1xf32, #tpu.memory_space<vmem>>, vector<512x1xf32>
    %gt3A_308 = vector.broadcast %get3A_307 : vector<512x1xf32> to vector<512x512xf32>
    %gt3A_309 = vector.broadcast %get3A_253 : vector<1x512xf32> to vector<512x512xf32>
    %gt3A_310 = arith.cmpf ogt, %gt3A_308, %gt3A_309 : vector<512x512xf32>
    %convert_element_type3A_311 = arith.extui %gt3A_310 : vector<512x512xi1> to vector<512x512xi32>
    %convert_element_type3A_312 = arith.sitofp %convert_element_type3A_311 : vector<512x512xi32> to vector<512x512xf32>
    %dot_general3A_313 = arith.constant dense<0.000000e+00> : vector<1x512xf32>
    %dot_general3A_314 = tpu.matmul %broadcast_in_dim3A_10, %convert_element_type3A_312, %dot_general3A_313 {dimension_numbers = #tpu.dot_dimension_numbers<[1], [0], [0], [1], [0, 0, 1, 1], [], []>, transpose_lhs_hint = false} : vector<1x512xf32>, vector<512x512xf32>, vector<1x512xf32> -> vector<1x512xf32>
    %add3A_315 = arith.addf %add3A_304, %dot_general3A_314 : vector<1x512xf32>
    %get3A_316 = arith.constant 2560 : index
    %get3A_317 = arith.constant 0 : index
    %get3A_318 = vector.load %arg1[%get3A_316, %get3A_317] : memref<5120x1xf32, #tpu.memory_space<vmem>>, vector<512x1xf32>
    %gt3A_319 = vector.broadcast %get3A_318 : vector<512x1xf32> to vector<512x512xf32>
    %gt3A_320 = vector.broadcast %get3A_253 : vector<1x512xf32> to vector<512x512xf32>
    %gt3A_321 = arith.cmpf ogt, %gt3A_319, %gt3A_320 : vector<512x512xf32>
    %convert_element_type3A_322 = arith.extui %gt3A_321 : vector<512x512xi1> to vector<512x512xi32>
    %convert_element_type3A_323 = arith.sitofp %convert_element_type3A_322 : vector<512x512xi32> to vector<512x512xf32>
    %dot_general3A_324 = arith.constant dense<0.000000e+00> : vector<1x512xf32>
    %dot_general3A_325 = tpu.matmul %broadcast_in_dim3A_10, %convert_element_type3A_323, %dot_general3A_324 {dimension_numbers = #tpu.dot_dimension_numbers<[1], [0], [0], [1], [0, 0, 1, 1], [], []>, transpose_lhs_hint = false} : vector<1x512xf32>, vector<512x512xf32>, vector<1x512xf32> -> vector<1x512xf32>
    %add3A_326 = arith.addf %add3A_315, %dot_general3A_325 : vector<1x512xf32>
    %get3A_327 = arith.constant 3072 : index
    %get3A_328 = arith.constant 0 : index
    %get3A_329 = vector.load %arg1[%get3A_327, %get3A_328] : memref<5120x1xf32, #tpu.memory_space<vmem>>, vector<512x1xf32>
    %gt3A_330 = vector.broadcast %get3A_329 : vector<512x1xf32> to vector<512x512xf32>
    %gt3A_331 = vector.broadcast %get3A_253 : vector<1x512xf32> to vector<512x512xf32>
    %gt3A_332 = arith.cmpf ogt, %gt3A_330, %gt3A_331 : vector<512x512xf32>
    %convert_element_type3A_333 = arith.extui %gt3A_332 : vector<512x512xi1> to vector<512x512xi32>
    %convert_element_type3A_334 = arith.sitofp %convert_element_type3A_333 : vector<512x512xi32> to vector<512x512xf32>
    %dot_general3A_335 = arith.constant dense<0.000000e+00> : vector<1x512xf32>
    %dot_general3A_336 = tpu.matmul %broadcast_in_dim3A_10, %convert_element_type3A_334, %dot_general3A_335 {dimension_numbers = #tpu.dot_dimension_numbers<[1], [0], [0], [1], [0, 0, 1, 1], [], []>, transpose_lhs_hint = false} : vector<1x512xf32>, vector<512x512xf32>, vector<1x512xf32> -> vector<1x512xf32>
    %add3A_337 = arith.addf %add3A_326, %dot_general3A_336 : vector<1x512xf32>
    %get3A_338 = arith.constant 3584 : index
    %get3A_339 = arith.constant 0 : index
    %get3A_340 = vector.load %arg1[%get3A_338, %get3A_339] : memref<5120x1xf32, #tpu.memory_space<vmem>>, vector<512x1xf32>
    %gt3A_341 = vector.broadcast %get3A_340 : vector<512x1xf32> to vector<512x512xf32>
    %gt3A_342 = vector.broadcast %get3A_253 : vector<1x512xf32> to vector<512x512xf32>
    %gt3A_343 = arith.cmpf ogt, %gt3A_341, %gt3A_342 : vector<512x512xf32>
    %convert_element_type3A_344 = arith.extui %gt3A_343 : vector<512x512xi1> to vector<512x512xi32>
    %convert_element_type3A_345 = arith.sitofp %convert_element_type3A_344 : vector<512x512xi32> to vector<512x512xf32>
    %dot_general3A_346 = arith.constant dense<0.000000e+00> : vector<1x512xf32>
    %dot_general3A_347 = tpu.matmul %broadcast_in_dim3A_10, %convert_element_type3A_345, %dot_general3A_346 {dimension_numbers = #tpu.dot_dimension_numbers<[1], [0], [0], [1], [0, 0, 1, 1], [], []>, transpose_lhs_hint = false} : vector<1x512xf32>, vector<512x512xf32>, vector<1x512xf32> -> vector<1x512xf32>
    %add3A_348 = arith.addf %add3A_337, %dot_general3A_347 : vector<1x512xf32>
    %get3A_349 = arith.constant 4096 : index
    %get3A_350 = arith.constant 0 : index
    %get3A_351 = vector.load %arg1[%get3A_349, %get3A_350] : memref<5120x1xf32, #tpu.memory_space<vmem>>, vector<512x1xf32>
    %gt3A_352 = vector.broadcast %get3A_351 : vector<512x1xf32> to vector<512x512xf32>
    %gt3A_353 = vector.broadcast %get3A_253 : vector<1x512xf32> to vector<512x512xf32>
    %gt3A_354 = arith.cmpf ogt, %gt3A_352, %gt3A_353 : vector<512x512xf32>
    %convert_element_type3A_355 = arith.extui %gt3A_354 : vector<512x512xi1> to vector<512x512xi32>
    %convert_element_type3A_356 = arith.sitofp %convert_element_type3A_355 : vector<512x512xi32> to vector<512x512xf32>
    %dot_general3A_357 = arith.constant dense<0.000000e+00> : vector<1x512xf32>
    %dot_general3A_358 = tpu.matmul %broadcast_in_dim3A_10, %convert_element_type3A_356, %dot_general3A_357 {dimension_numbers = #tpu.dot_dimension_numbers<[1], [0], [0], [1], [0, 0, 1, 1], [], []>, transpose_lhs_hint = false} : vector<1x512xf32>, vector<512x512xf32>, vector<1x512xf32> -> vector<1x512xf32>
    %add3A_359 = arith.addf %add3A_348, %dot_general3A_358 : vector<1x512xf32>
    %get3A_360 = arith.constant 4608 : index
    %get3A_361 = arith.constant 0 : index
    %get3A_362 = vector.load %arg1[%get3A_360, %get3A_361] : memref<5120x1xf32, #tpu.memory_space<vmem>>, vector<512x1xf32>
    %gt3A_363 = vector.broadcast %get3A_362 : vector<512x1xf32> to vector<512x512xf32>
    %gt3A_364 = vector.broadcast %get3A_253 : vector<1x512xf32> to vector<512x512xf32>
    %gt3A_365 = arith.cmpf ogt, %gt3A_363, %gt3A_364 : vector<512x512xf32>
    %convert_element_type3A_366 = arith.extui %gt3A_365 : vector<512x512xi1> to vector<512x512xi32>
    %convert_element_type3A_367 = arith.sitofp %convert_element_type3A_366 : vector<512x512xi32> to vector<512x512xf32>
    %dot_general3A_368 = arith.constant dense<0.000000e+00> : vector<1x512xf32>
    %dot_general3A_369 = tpu.matmul %broadcast_in_dim3A_10, %convert_element_type3A_367, %dot_general3A_368 {dimension_numbers = #tpu.dot_dimension_numbers<[1], [0], [0], [1], [0, 0, 1, 1], [], []>, transpose_lhs_hint = false} : vector<1x512xf32>, vector<512x512xf32>, vector<1x512xf32> -> vector<1x512xf32>
    %add3A_370 = arith.addf %add3A_359, %dot_general3A_369 : vector<1x512xf32>
    %convert_element_type3A_371 = arith.fptosi %add3A_370 : vector<1x512xf32> to vector<1x512xi32>
    %swap3A_372 = arith.constant 0 : index
    %swap3A_373 = arith.constant 1024 : index
    %swap3A_374 = vector.load %arg3[%swap3A_372, %swap3A_373] : memref<1x5120xi32, #tpu.memory_space<vmem>>, vector<1x512xi32>
    tpu.vector_store %arg3[%swap3A_372, %swap3A_373], %convert_element_type3A_371 {strides = array<i32>} : memref<1x5120xi32, #tpu.memory_space<vmem>>, vector<1x512xi32>,
    %get3A_375 = arith.constant 0 : index
    %get3A_376 = arith.constant 1536 : index
    %get3A_377 = vector.load %arg2[%get3A_375, %get3A_376] : memref<1x5120xf32, #tpu.memory_space<vmem>>, vector<1x512xf32>
    %broadcast_in_dim3A_378 = arith.constant 0.000000e+00 : f32
    %broadcast_in_dim3A_379 = vector.broadcast %broadcast_in_dim3A_378 : f32 to vector<1x512xf32>
    %get3A_380 = arith.constant 0 : index
    %get3A_381 = arith.constant 0 : index
    %get3A_382 = vector.load %arg1[%get3A_380, %get3A_381] : memref<5120x1xf32, #tpu.memory_space<vmem>>, vector<512x1xf32>
    %ge3A_383 = vector.broadcast %get3A_382 : vector<512x1xf32> to vector<512x512xf32>
    %ge3A_384 = vector.broadcast %get3A_377 : vector<1x512xf32> to vector<512x512xf32>
    %ge3A_385 = arith.cmpf oge, %ge3A_383, %ge3A_384 : vector<512x512xf32>
    %convert_element_type3A_386 = arith.extui %ge3A_385 : vector<512x512xi1> to vector<512x512xi32>
    %convert_element_type3A_387 = arith.sitofp %convert_element_type3A_386 : vector<512x512xi32> to vector<512x512xf32>
    %dot_general3A_388 = arith.constant dense<0.000000e+00> : vector<1x512xf32>
    %dot_general3A_389 = tpu.matmul %broadcast_in_dim3A_10, %convert_element_type3A_387, %dot_general3A_388 {dimension_numbers = #tpu.dot_dimension_numbers<[1], [0], [0], [1], [0, 0, 1, 1], [], []>, transpose_lhs_hint = false} : vector<1x512xf32>, vector<512x512xf32>, vector<1x512xf32> -> vector<1x512xf32>
    %add3A_390 = arith.addf %broadcast_in_dim3A_379, %dot_general3A_389 : vector<1x512xf32>
    %get3A_391 = arith.constant 512 : index
    %get3A_392 = arith.constant 0 : index
    %get3A_393 = vector.load %arg1[%get3A_391, %get3A_392] : memref<5120x1xf32, #tpu.memory_space<vmem>>, vector<512x1xf32>
    %ge3A_394 = vector.broadcast %get3A_393 : vector<512x1xf32> to vector<512x512xf32>
    %ge3A_395 = vector.broadcast %get3A_377 : vector<1x512xf32> to vector<512x512xf32>
    %ge3A_396 = arith.cmpf oge, %ge3A_394, %ge3A_395 : vector<512x512xf32>
    %convert_element_type3A_397 = arith.extui %ge3A_396 : vector<512x512xi1> to vector<512x512xi32>
    %convert_element_type3A_398 = arith.sitofp %convert_element_type3A_397 : vector<512x512xi32> to vector<512x512xf32>
    %dot_general3A_399 = arith.constant dense<0.000000e+00> : vector<1x512xf32>
    %dot_general3A_400 = tpu.matmul %broadcast_in_dim3A_10, %convert_element_type3A_398, %dot_general3A_399 {dimension_numbers = #tpu.dot_dimension_numbers<[1], [0], [0], [1], [0, 0, 1, 1], [], []>, transpose_lhs_hint = false} : vector<1x512xf32>, vector<512x512xf32>, vector<1x512xf32> -> vector<1x512xf32>
    %add3A_401 = arith.addf %add3A_390, %dot_general3A_400 : vector<1x512xf32>
    %get3A_402 = arith.constant 1024 : index
    %get3A_403 = arith.constant 0 : index
    %get3A_404 = vector.load %arg1[%get3A_402, %get3A_403] : memref<5120x1xf32, #tpu.memory_space<vmem>>, vector<512x1xf32>
    %ge3A_405 = vector.broadcast %get3A_404 : vector<512x1xf32> to vector<512x512xf32>
    %ge3A_406 = vector.broadcast %get3A_377 : vector<1x512xf32> to vector<512x512xf32>
    %ge3A_407 = arith.cmpf oge, %ge3A_405, %ge3A_406 : vector<512x512xf32>
    %convert_element_type3A_408 = arith.extui %ge3A_407 : vector<512x512xi1> to vector<512x512xi32>
    %convert_element_type3A_409 = arith.sitofp %convert_element_type3A_408 : vector<512x512xi32> to vector<512x512xf32>
    %dot_general3A_410 = arith.constant dense<0.000000e+00> : vector<1x512xf32>
    %dot_general3A_411 = tpu.matmul %broadcast_in_dim3A_10, %convert_element_type3A_409, %dot_general3A_410 {dimension_numbers = #tpu.dot_dimension_numbers<[1], [0], [0], [1], [0, 0, 1, 1], [], []>, transpose_lhs_hint = false} : vector<1x512xf32>, vector<512x512xf32>, vector<1x512xf32> -> vector<1x512xf32>
    %add3A_412 = arith.addf %add3A_401, %dot_general3A_411 : vector<1x512xf32>
    %get3A_413 = arith.constant 1536 : index
    %get3A_414 = arith.constant 0 : index
    %get3A_415 = vector.load %arg1[%get3A_413, %get3A_414] : memref<5120x1xf32, #tpu.memory_space<vmem>>, vector<512x1xf32>
    %gt3A_416 = vector.broadcast %get3A_415 : vector<512x1xf32> to vector<512x512xf32>
    %gt3A_417 = vector.broadcast %get3A_377 : vector<1x512xf32> to vector<512x512xf32>
    %gt3A_418 = arith.cmpf ogt, %gt3A_416, %gt3A_417 : vector<512x512xf32>
    %eq3A_419 = vector.broadcast %get3A_415 : vector<512x1xf32> to vector<512x512xf32>
    %eq3A_420 = vector.broadcast %get3A_377 : vector<1x512xf32> to vector<512x512xf32>
    %eq3A_421 = arith.cmpf oeq, %eq3A_419, %eq3A_420 : vector<512x512xf32>
    %and3A_422 = arith.andi %eq3A_421, %lt3A : vector<512x512xi1>
    %or3A_423 = arith.ori %gt3A_418, %and3A_422 : vector<512x512xi1>
    %convert_element_type3A_424 = arith.extui %or3A_423 : vector<512x512xi1> to vector<512x512xi32>
    %convert_element_type3A_425 = arith.sitofp %convert_element_type3A_424 : vector<512x512xi32> to vector<512x512xf32>
    %dot_general3A_426 = arith.constant dense<0.000000e+00> : vector<1x512xf32>
    %dot_general3A_427 = tpu.matmul %broadcast_in_dim3A_10, %convert_element_type3A_425, %dot_general3A_426 {dimension_numbers = #tpu.dot_dimension_numbers<[1], [0], [0], [1], [0, 0, 1, 1], [], []>, transpose_lhs_hint = false} : vector<1x512xf32>, vector<512x512xf32>, vector<1x512xf32> -> vector<1x512xf32>
    %add3A_428 = arith.addf %add3A_412, %dot_general3A_427 : vector<1x512xf32>
    %get3A_429 = arith.constant 2048 : index
    %get3A_430 = arith.constant 0 : index
    %get3A_431 = vector.load %arg1[%get3A_429, %get3A_430] : memref<5120x1xf32, #tpu.memory_space<vmem>>, vector<512x1xf32>
    %gt3A_432 = vector.broadcast %get3A_431 : vector<512x1xf32> to vector<512x512xf32>
    %gt3A_433 = vector.broadcast %get3A_377 : vector<1x512xf32> to vector<512x512xf32>
    %gt3A_434 = arith.cmpf ogt, %gt3A_432, %gt3A_433 : vector<512x512xf32>
    %convert_element_type3A_435 = arith.extui %gt3A_434 : vector<512x512xi1> to vector<512x512xi32>
    %convert_element_type3A_436 = arith.sitofp %convert_element_type3A_435 : vector<512x512xi32> to vector<512x512xf32>
    %dot_general3A_437 = arith.constant dense<0.000000e+00> : vector<1x512xf32>
    %dot_general3A_438 = tpu.matmul %broadcast_in_dim3A_10, %convert_element_type3A_436, %dot_general3A_437 {dimension_numbers = #tpu.dot_dimension_numbers<[1], [0], [0], [1], [0, 0, 1, 1], [], []>, transpose_lhs_hint = false} : vector<1x512xf32>, vector<512x512xf32>, vector<1x512xf32> -> vector<1x512xf32>
    %add3A_439 = arith.addf %add3A_428, %dot_general3A_438 : vector<1x512xf32>
    %get3A_440 = arith.constant 2560 : index
    %get3A_441 = arith.constant 0 : index
    %get3A_442 = vector.load %arg1[%get3A_440, %get3A_441] : memref<5120x1xf32, #tpu.memory_space<vmem>>, vector<512x1xf32>
    %gt3A_443 = vector.broadcast %get3A_442 : vector<512x1xf32> to vector<512x512xf32>
    %gt3A_444 = vector.broadcast %get3A_377 : vector<1x512xf32> to vector<512x512xf32>
    %gt3A_445 = arith.cmpf ogt, %gt3A_443, %gt3A_444 : vector<512x512xf32>
    %convert_element_type3A_446 = arith.extui %gt3A_445 : vector<512x512xi1> to vector<512x512xi32>
    %convert_element_type3A_447 = arith.sitofp %convert_element_type3A_446 : vector<512x512xi32> to vector<512x512xf32>
    %dot_general3A_448 = arith.constant dense<0.000000e+00> : vector<1x512xf32>
    %dot_general3A_449 = tpu.matmul %broadcast_in_dim3A_10, %convert_element_type3A_447, %dot_general3A_448 {dimension_numbers = #tpu.dot_dimension_numbers<[1], [0], [0], [1], [0, 0, 1, 1], [], []>, transpose_lhs_hint = false} : vector<1x512xf32>, vector<512x512xf32>, vector<1x512xf32> -> vector<1x512xf32>
    %add3A_450 = arith.addf %add3A_439, %dot_general3A_449 : vector<1x512xf32>
    %get3A_451 = arith.constant 3072 : index
    %get3A_452 = arith.constant 0 : index
    %get3A_453 = vector.load %arg1[%get3A_451, %get3A_452] : memref<5120x1xf32, #tpu.memory_space<vmem>>, vector<512x1xf32>
    %gt3A_454 = vector.broadcast %get3A_453 : vector<512x1xf32> to vector<512x512xf32>
    %gt3A_455 = vector.broadcast %get3A_377 : vector<1x512xf32> to vector<512x512xf32>
    %gt3A_456 = arith.cmpf ogt, %gt3A_454, %gt3A_455 : vector<512x512xf32>
    %convert_element_type3A_457 = arith.extui %gt3A_456 : vector<512x512xi1> to vector<512x512xi32>
    %convert_element_type3A_458 = arith.sitofp %convert_element_type3A_457 : vector<512x512xi32> to vector<512x512xf32>
    %dot_general3A_459 = arith.constant dense<0.000000e+00> : vector<1x512xf32>
    %dot_general3A_460 = tpu.matmul %broadcast_in_dim3A_10, %convert_element_type3A_458, %dot_general3A_459 {dimension_numbers = #tpu.dot_dimension_numbers<[1], [0], [0], [1], [0, 0, 1, 1], [], []>, transpose_lhs_hint = false} : vector<1x512xf32>, vector<512x512xf32>, vector<1x512xf32> -> vector<1x512xf32>
    %add3A_461 = arith.addf %add3A_450, %dot_general3A_460 : vector<1x512xf32>
    %get3A_462 = arith.constant 3584 : index
    %get3A_463 = arith.constant 0 : index
    %get3A_464 = vector.load %arg1[%get3A_462, %get3A_463] : memref<5120x1xf32, #tpu.memory_space<vmem>>, vector<512x1xf32>
    %gt3A_465 = vector.broadcast %get3A_464 : vector<512x1xf32> to vector<512x512xf32>
    %gt3A_466 = vector.broadcast %get3A_377 : vector<1x512xf32> to vector<512x512xf32>
    %gt3A_467 = arith.cmpf ogt, %gt3A_465, %gt3A_466 : vector<512x512xf32>
    %convert_element_type3A_468 = arith.extui %gt3A_467 : vector<512x512xi1> to vector<512x512xi32>
    %convert_element_type3A_469 = arith.sitofp %convert_element_type3A_468 : vector<512x512xi32> to vector<512x512xf32>
    %dot_general3A_470 = arith.constant dense<0.000000e+00> : vector<1x512xf32>
    %dot_general3A_471 = tpu.matmul %broadcast_in_dim3A_10, %convert_element_type3A_469, %dot_general3A_470 {dimension_numbers = #tpu.dot_dimension_numbers<[1], [0], [0], [1], [0, 0, 1, 1], [], []>, transpose_lhs_hint = false} : vector<1x512xf32>, vector<512x512xf32>, vector<1x512xf32> -> vector<1x512xf32>
    %add3A_472 = arith.addf %add3A_461, %dot_general3A_471 : vector<1x512xf32>
    %get3A_473 = arith.constant 4096 : index
    %get3A_474 = arith.constant 0 : index
    %get3A_475 = vector.load %arg1[%get3A_473, %get3A_474] : memref<5120x1xf32, #tpu.memory_space<vmem>>, vector<512x1xf32>
    %gt3A_476 = vector.broadcast %get3A_475 : vector<512x1xf32> to vector<512x512xf32>
    %gt3A_477 = vector.broadcast %get3A_377 : vector<1x512xf32> to vector<512x512xf32>
    %gt3A_478 = arith.cmpf ogt, %gt3A_476, %gt3A_477 : vector<512x512xf32>
    %convert_element_type3A_479 = arith.extui %gt3A_478 : vector<512x512xi1> to vector<512x512xi32>
    %convert_element_type3A_480 = arith.sitofp %convert_element_type3A_479 : vector<512x512xi32> to vector<512x512xf32>
    %dot_general3A_481 = arith.constant dense<0.000000e+00> : vector<1x512xf32>
    %dot_general3A_482 = tpu.matmul %broadcast_in_dim3A_10, %convert_element_type3A_480, %dot_general3A_481 {dimension_numbers = #tpu.dot_dimension_numbers<[1], [0], [0], [1], [0, 0, 1, 1], [], []>, transpose_lhs_hint = false} : vector<1x512xf32>, vector<512x512xf32>, vector<1x512xf32> -> vector<1x512xf32>
    %add3A_483 = arith.addf %add3A_472, %dot_general3A_482 : vector<1x512xf32>
    %get3A_484 = arith.constant 4608 : index
    %get3A_485 = arith.constant 0 : index
    %get3A_486 = vector.load %arg1[%get3A_484, %get3A_485] : memref<5120x1xf32, #tpu.memory_space<vmem>>, vector<512x1xf32>
    %gt3A_487 = vector.broadcast %get3A_486 : vector<512x1xf32> to vector<512x512xf32>
    %gt3A_488 = vector.broadcast %get3A_377 : vector<1x512xf32> to vector<512x512xf32>
    %gt3A_489 = arith.cmpf ogt, %gt3A_487, %gt3A_488 : vector<512x512xf32>
    %convert_element_type3A_490 = arith.extui %gt3A_489 : vector<512x512xi1> to vector<512x512xi32>
    %convert_element_type3A_491 = arith.sitofp %convert_element_type3A_490 : vector<512x512xi32> to vector<512x512xf32>
    %dot_general3A_492 = arith.constant dense<0.000000e+00> : vector<1x512xf32>
    %dot_general3A_493 = tpu.matmul %broadcast_in_dim3A_10, %convert_element_type3A_491, %dot_general3A_492 {dimension_numbers = #tpu.dot_dimension_numbers<[1], [0], [0], [1], [0, 0, 1, 1], [], []>, transpose_lhs_hint = false} : vector<1x512xf32>, vector<512x512xf32>, vector<1x512xf32> -> vector<1x512xf32>
    %add3A_494 = arith.addf %add3A_483, %dot_general3A_493 : vector<1x512xf32>
    %convert_element_type3A_495 = arith.fptosi %add3A_494 : vector<1x512xf32> to vector<1x512xi32>
    %swap3A_496 = arith.constant 0 : index
    %swap3A_497 = arith.constant 1536 : index
    %swap3A_498 = vector.load %arg3[%swap3A_496, %swap3A_497] : memref<1x5120xi32, #tpu.memory_space<vmem>>, vector<1x512xi32>
    tpu.vector_store %arg3[%swap3A_496, %swap3A_497], %convert_element_type3A_495 {strides = array<i32>} : memref<1x5120xi32, #tpu.memory_space<vmem>>, vector<1x512xi32>,
    %get3A_499 = arith.constant 0 : index
    %get3A_500 = arith.constant 2048 : index
    %get3A_501 = vector.load %arg2[%get3A_499, %get3A_500] : memref<1x5120xf32, #tpu.memory_space<vmem>>, vector<1x512xf32>
    %broadcast_in_dim3A_502 = arith.constant 0.000000e+00 : f32
    %broadcast_in_dim3A_503 = vector.broadcast %broadcast_in_dim3A_502 : f32 to vector<1x512xf32>
    %get3A_504 = arith.constant 0 : index
    %get3A_505 = arith.constant 0 : index
    %get3A_506 = vector.load %arg1[%get3A_504, %get3A_505] : memref<5120x1xf32, #tpu.memory_space<vmem>>, vector<512x1xf32>
    %ge3A_507 = vector.broadcast %get3A_506 : vector<512x1xf32> to vector<512x512xf32>
    %ge3A_508 = vector.broadcast %get3A_501 : vector<1x512xf32> to vector<512x512xf32>
    %ge3A_509 = arith.cmpf oge, %ge3A_507, %ge3A_508 : vector<512x512xf32>
    %convert_element_type3A_510 = arith.extui %ge3A_509 : vector<512x512xi1> to vector<512x512xi32>
    %convert_element_type3A_511 = arith.sitofp %convert_element_type3A_510 : vector<512x512xi32> to vector<512x512xf32>
    %dot_general3A_512 = arith.constant dense<0.000000e+00> : vector<1x512xf32>
    %dot_general3A_513 = tpu.matmul %broadcast_in_dim3A_10, %convert_element_type3A_511, %dot_general3A_512 {dimension_numbers = #tpu.dot_dimension_numbers<[1], [0], [0], [1], [0, 0, 1, 1], [], []>, transpose_lhs_hint = false} : vector<1x512xf32>, vector<512x512xf32>, vector<1x512xf32> -> vector<1x512xf32>
    %add3A_514 = arith.addf %broadcast_in_dim3A_503, %dot_general3A_513 : vector<1x512xf32>
    %get3A_515 = arith.constant 512 : index
    %get3A_516 = arith.constant 0 : index
    %get3A_517 = vector.load %arg1[%get3A_515, %get3A_516] : memref<5120x1xf32, #tpu.memory_space<vmem>>, vector<512x1xf32>
    %ge3A_518 = vector.broadcast %get3A_517 : vector<512x1xf32> to vector<512x512xf32>
    %ge3A_519 = vector.broadcast %get3A_501 : vector<1x512xf32> to vector<512x512xf32>
    %ge3A_520 = arith.cmpf oge, %ge3A_518, %ge3A_519 : vector<512x512xf32>
    %convert_element_type3A_521 = arith.extui %ge3A_520 : vector<512x512xi1> to vector<512x512xi32>
    %convert_element_type3A_522 = arith.sitofp %convert_element_type3A_521 : vector<512x512xi32> to vector<512x512xf32>
    %dot_general3A_523 = arith.constant dense<0.000000e+00> : vector<1x512xf32>
    %dot_general3A_524 = tpu.matmul %broadcast_in_dim3A_10, %convert_element_type3A_522, %dot_general3A_523 {dimension_numbers = #tpu.dot_dimension_numbers<[1], [0], [0], [1], [0, 0, 1, 1], [], []>, transpose_lhs_hint = false} : vector<1x512xf32>, vector<512x512xf32>, vector<1x512xf32> -> vector<1x512xf32>
    %add3A_525 = arith.addf %add3A_514, %dot_general3A_524 : vector<1x512xf32>
    %get3A_526 = arith.constant 1024 : index
    %get3A_527 = arith.constant 0 : index
    %get3A_528 = vector.load %arg1[%get3A_526, %get3A_527] : memref<5120x1xf32, #tpu.memory_space<vmem>>, vector<512x1xf32>
    %ge3A_529 = vector.broadcast %get3A_528 : vector<512x1xf32> to vector<512x512xf32>
    %ge3A_530 = vector.broadcast %get3A_501 : vector<1x512xf32> to vector<512x512xf32>
    %ge3A_531 = arith.cmpf oge, %ge3A_529, %ge3A_530 : vector<512x512xf32>
    %convert_element_type3A_532 = arith.extui %ge3A_531 : vector<512x512xi1> to vector<512x512xi32>
    %convert_element_type3A_533 = arith.sitofp %convert_element_type3A_532 : vector<512x512xi32> to vector<512x512xf32>
    %dot_general3A_534 = arith.constant dense<0.000000e+00> : vector<1x512xf32>
    %dot_general3A_535 = tpu.matmul %broadcast_in_dim3A_10, %convert_element_type3A_533, %dot_general3A_534 {dimension_numbers = #tpu.dot_dimension_numbers<[1], [0], [0], [1], [0, 0, 1, 1], [], []>, transpose_lhs_hint = false} : vector<1x512xf32>, vector<512x512xf32>, vector<1x512xf32> -> vector<1x512xf32>
    %add3A_536 = arith.addf %add3A_525, %dot_general3A_535 : vector<1x512xf32>
    %get3A_537 = arith.constant 1536 : index
    %get3A_538 = arith.constant 0 : index
    %get3A_539 = vector.load %arg1[%get3A_537, %get3A_538] : memref<5120x1xf32, #tpu.memory_space<vmem>>, vector<512x1xf32>
    %ge3A_540 = vector.broadcast %get3A_539 : vector<512x1xf32> to vector<512x512xf32>
    %ge3A_541 = vector.broadcast %get3A_501 : vector<1x512xf32> to vector<512x512xf32>
    %ge3A_542 = arith.cmpf oge, %ge3A_540, %ge3A_541 : vector<512x512xf32>
    %convert_element_type3A_543 = arith.extui %ge3A_542 : vector<512x512xi1> to vector<512x512xi32>
    %convert_element_type3A_544 = arith.sitofp %convert_element_type3A_543 : vector<512x512xi32> to vector<512x512xf32>
    %dot_general3A_545 = arith.constant dense<0.000000e+00> : vector<1x512xf32>
    %dot_general3A_546 = tpu.matmul %broadcast_in_dim3A_10, %convert_element_type3A_544, %dot_general3A_545 {dimension_numbers = #tpu.dot_dimension_numbers<[1], [0], [0], [1], [0, 0, 1, 1], [], []>, transpose_lhs_hint = false} : vector<1x512xf32>, vector<512x512xf32>, vector<1x512xf32> -> vector<1x512xf32>
    %add3A_547 = arith.addf %add3A_536, %dot_general3A_546 : vector<1x512xf32>
    %get3A_548 = arith.constant 2048 : index
    %get3A_549 = arith.constant 0 : index
    %get3A_550 = vector.load %arg1[%get3A_548, %get3A_549] : memref<5120x1xf32, #tpu.memory_space<vmem>>, vector<512x1xf32>
    %gt3A_551 = vector.broadcast %get3A_550 : vector<512x1xf32> to vector<512x512xf32>
    %gt3A_552 = vector.broadcast %get3A_501 : vector<1x512xf32> to vector<512x512xf32>
    %gt3A_553 = arith.cmpf ogt, %gt3A_551, %gt3A_552 : vector<512x512xf32>
    %eq3A_554 = vector.broadcast %get3A_550 : vector<512x1xf32> to vector<512x512xf32>
    %eq3A_555 = vector.broadcast %get3A_501 : vector<1x512xf32> to vector<512x512xf32>
    %eq3A_556 = arith.cmpf oeq, %eq3A_554, %eq3A_555 : vector<512x512xf32>
    %and3A_557 = arith.andi %eq3A_556, %lt3A : vector<512x512xi1>
    %or3A_558 = arith.ori %gt3A_553, %and3A_557 : vector<512x512xi1>
    %convert_element_type3A_559 = arith.extui %or3A_558 : vector<512x512xi1> to vector<512x512xi32>
    %convert_element_type3A_560 = arith.sitofp %convert_element_type3A_559 : vector<512x512xi32> to vector<512x512xf32>
    %dot_general3A_561 = arith.constant dense<0.000000e+00> : vector<1x512xf32>
    %dot_general3A_562 = tpu.matmul %broadcast_in_dim3A_10, %convert_element_type3A_560, %dot_general3A_561 {dimension_numbers = #tpu.dot_dimension_numbers<[1], [0], [0], [1], [0, 0, 1, 1], [], []>, transpose_lhs_hint = false} : vector<1x512xf32>, vector<512x512xf32>, vector<1x512xf32> -> vector<1x512xf32>
    %add3A_563 = arith.addf %add3A_547, %dot_general3A_562 : vector<1x512xf32>
    %get3A_564 = arith.constant 2560 : index
    %get3A_565 = arith.constant 0 : index
    %get3A_566 = vector.load %arg1[%get3A_564, %get3A_565] : memref<5120x1xf32, #tpu.memory_space<vmem>>, vector<512x1xf32>
    %gt3A_567 = vector.broadcast %get3A_566 : vector<512x1xf32> to vector<512x512xf32>
    %gt3A_568 = vector.broadcast %get3A_501 : vector<1x512xf32> to vector<512x512xf32>
    %gt3A_569 = arith.cmpf ogt, %gt3A_567, %gt3A_568 : vector<512x512xf32>
    %convert_element_type3A_570 = arith.extui %gt3A_569 : vector<512x512xi1> to vector<512x512xi32>
    %convert_element_type3A_571 = arith.sitofp %convert_element_type3A_570 : vector<512x512xi32> to vector<512x512xf32>
    %dot_general3A_572 = arith.constant dense<0.000000e+00> : vector<1x512xf32>
    %dot_general3A_573 = tpu.matmul %broadcast_in_dim3A_10, %convert_element_type3A_571, %dot_general3A_572 {dimension_numbers = #tpu.dot_dimension_numbers<[1], [0], [0], [1], [0, 0, 1, 1], [], []>, transpose_lhs_hint = false} : vector<1x512xf32>, vector<512x512xf32>, vector<1x512xf32> -> vector<1x512xf32>
    %add3A_574 = arith.addf %add3A_563, %dot_general3A_573 : vector<1x512xf32>
    %get3A_575 = arith.constant 3072 : index
    %get3A_576 = arith.constant 0 : index
    %get3A_577 = vector.load %arg1[%get3A_575, %get3A_576] : memref<5120x1xf32, #tpu.memory_space<vmem>>, vector<512x1xf32>
    %gt3A_578 = vector.broadcast %get3A_577 : vector<512x1xf32> to vector<512x512xf32>
    %gt3A_579 = vector.broadcast %get3A_501 : vector<1x512xf32> to vector<512x512xf32>
    %gt3A_580 = arith.cmpf ogt, %gt3A_578, %gt3A_579 : vector<512x512xf32>
    %convert_element_type3A_581 = arith.extui %gt3A_580 : vector<512x512xi1> to vector<512x512xi32>
    %convert_element_type3A_582 = arith.sitofp %convert_element_type3A_581 : vector<512x512xi32> to vector<512x512xf32>
    %dot_general3A_583 = arith.constant dense<0.000000e+00> : vector<1x512xf32>
    %dot_general3A_584 = tpu.matmul %broadcast_in_dim3A_10, %convert_element_type3A_582, %dot_general3A_583 {dimension_numbers = #tpu.dot_dimension_numbers<[1], [0], [0], [1], [0, 0, 1, 1], [], []>, transpose_lhs_hint = false} : vector<1x512xf32>, vector<512x512xf32>, vector<1x512xf32> -> vector<1x512xf32>
    %add3A_585 = arith.addf %add3A_574, %dot_general3A_584 : vector<1x512xf32>
    %get3A_586 = arith.constant 3584 : index
    %get3A_587 = arith.constant 0 : index
    %get3A_588 = vector.load %arg1[%get3A_586, %get3A_587] : memref<5120x1xf32, #tpu.memory_space<vmem>>, vector<512x1xf32>
    %gt3A_589 = vector.broadcast %get3A_588 : vector<512x1xf32> to vector<512x512xf32>
    %gt3A_590 = vector.broadcast %get3A_501 : vector<1x512xf32> to vector<512x512xf32>
    %gt3A_591 = arith.cmpf ogt, %gt3A_589, %gt3A_590 : vector<512x512xf32>
    %convert_element_type3A_592 = arith.extui %gt3A_591 : vector<512x512xi1> to vector<512x512xi32>
    %convert_element_type3A_593 = arith.sitofp %convert_element_type3A_592 : vector<512x512xi32> to vector<512x512xf32>
    %dot_general3A_594 = arith.constant dense<0.000000e+00> : vector<1x512xf32>
    %dot_general3A_595 = tpu.matmul %broadcast_in_dim3A_10, %convert_element_type3A_593, %dot_general3A_594 {dimension_numbers = #tpu.dot_dimension_numbers<[1], [0], [0], [1], [0, 0, 1, 1], [], []>, transpose_lhs_hint = false} : vector<1x512xf32>, vector<512x512xf32>, vector<1x512xf32> -> vector<1x512xf32>
    %add3A_596 = arith.addf %add3A_585, %dot_general3A_595 : vector<1x512xf32>
    %get3A_597 = arith.constant 4096 : index
    %get3A_598 = arith.constant 0 : index
    %get3A_599 = vector.load %arg1[%get3A_597, %get3A_598] : memref<5120x1xf32, #tpu.memory_space<vmem>>, vector<512x1xf32>
    %gt3A_600 = vector.broadcast %get3A_599 : vector<512x1xf32> to vector<512x512xf32>
    %gt3A_601 = vector.broadcast %get3A_501 : vector<1x512xf32> to vector<512x512xf32>
    %gt3A_602 = arith.cmpf ogt, %gt3A_600, %gt3A_601 : vector<512x512xf32>
    %convert_element_type3A_603 = arith.extui %gt3A_602 : vector<512x512xi1> to vector<512x512xi32>
    %convert_element_type3A_604 = arith.sitofp %convert_element_type3A_603 : vector<512x512xi32> to vector<512x512xf32>
    %dot_general3A_605 = arith.constant dense<0.000000e+00> : vector<1x512xf32>
    %dot_general3A_606 = tpu.matmul %broadcast_in_dim3A_10, %convert_element_type3A_604, %dot_general3A_605 {dimension_numbers = #tpu.dot_dimension_numbers<[1], [0], [0], [1], [0, 0, 1, 1], [], []>, transpose_lhs_hint = false} : vector<1x512xf32>, vector<512x512xf32>, vector<1x512xf32> -> vector<1x512xf32>
    %add3A_607 = arith.addf %add3A_596, %dot_general3A_606 : vector<1x512xf32>
    %get3A_608 = arith.constant 4608 : index
    %get3A_609 = arith.constant 0 : index
    %get3A_610 = vector.load %arg1[%get3A_608, %get3A_609] : memref<5120x1xf32, #tpu.memory_space<vmem>>, vector<512x1xf32>
    %gt3A_611 = vector.broadcast %get3A_610 : vector<512x1xf32> to vector<512x512xf32>
    %gt3A_612 = vector.broadcast %get3A_501 : vector<1x512xf32> to vector<512x512xf32>
    %gt3A_613 = arith.cmpf ogt, %gt3A_611, %gt3A_612 : vector<512x512xf32>
    %convert_element_type3A_614 = arith.extui %gt3A_613 : vector<512x512xi1> to vector<512x512xi32>
    %convert_element_type3A_615 = arith.sitofp %convert_element_type3A_614 : vector<512x512xi32> to vector<512x512xf32>
    %dot_general3A_616 = arith.constant dense<0.000000e+00> : vector<1x512xf32>
    %dot_general3A_617 = tpu.matmul %broadcast_in_dim3A_10, %convert_element_type3A_615, %dot_general3A_616 {dimension_numbers = #tpu.dot_dimension_numbers<[1], [0], [0], [1], [0, 0, 1, 1], [], []>, transpose_lhs_hint = false} : vector<1x512xf32>, vector<512x512xf32>, vector<1x512xf32> -> vector<1x512xf32>
    %add3A_618 = arith.addf %add3A_607, %dot_general3A_617 : vector<1x512xf32>
    %convert_element_type3A_619 = arith.fptosi %add3A_618 : vector<1x512xf32> to vector<1x512xi32>
    %swap3A_620 = arith.constant 0 : index
    %swap3A_621 = arith.constant 2048 : index
    %swap3A_622 = vector.load %arg3[%swap3A_620, %swap3A_621] : memref<1x5120xi32, #tpu.memory_space<vmem>>, vector<1x512xi32>
    tpu.vector_store %arg3[%swap3A_620, %swap3A_621], %convert_element_type3A_619 {strides = array<i32>} : memref<1x5120xi32, #tpu.memory_space<vmem>>, vector<1x512xi32>,
    %get3A_623 = arith.constant 0 : index
    %get3A_624 = arith.constant 2560 : index
    %get3A_625 = vector.load %arg2[%get3A_623, %get3A_624] : memref<1x5120xf32, #tpu.memory_space<vmem>>, vector<1x512xf32>
    %broadcast_in_dim3A_626 = arith.constant 0.000000e+00 : f32
    %broadcast_in_dim3A_627 = vector.broadcast %broadcast_in_dim3A_626 : f32 to vector<1x512xf32>
    %get3A_628 = arith.constant 0 : index
    %get3A_629 = arith.constant 0 : index
    %get3A_630 = vector.load %arg1[%get3A_628, %get3A_629] : memref<5120x1xf32, #tpu.memory_space<vmem>>, vector<512x1xf32>
    %ge3A_631 = vector.broadcast %get3A_630 : vector<512x1xf32> to vector<512x512xf32>
    %ge3A_632 = vector.broadcast %get3A_625 : vector<1x512xf32> to vector<512x512xf32>
    %ge3A_633 = arith.cmpf oge, %ge3A_631, %ge3A_632 : vector<512x512xf32>
    %convert_element_type3A_634 = arith.extui %ge3A_633 : vector<512x512xi1> to vector<512x512xi32>
    %convert_element_type3A_635 = arith.sitofp %convert_element_type3A_634 : vector<512x512xi32> to vector<512x512xf32>
    %dot_general3A_636 = arith.constant dense<0.000000e+00> : vector<1x512xf32>
    %dot_general3A_637 = tpu.matmul %broadcast_in_dim3A_10, %convert_element_type3A_635, %dot_general3A_636 {dimension_numbers = #tpu.dot_dimension_numbers<[1], [0], [0], [1], [0, 0, 1, 1], [], []>, transpose_lhs_hint = false} : vector<1x512xf32>, vector<512x512xf32>, vector<1x512xf32> -> vector<1x512xf32>
    %add3A_638 = arith.addf %broadcast_in_dim3A_627, %dot_general3A_637 : vector<1x512xf32>
    %get3A_639 = arith.constant 512 : index
    %get3A_640 = arith.constant 0 : index
    %get3A_641 = vector.load %arg1[%get3A_639, %get3A_640] : memref<5120x1xf32, #tpu.memory_space<vmem>>, vector<512x1xf32>
    %ge3A_642 = vector.broadcast %get3A_641 : vector<512x1xf32> to vector<512x512xf32>
    %ge3A_643 = vector.broadcast %get3A_625 : vector<1x512xf32> to vector<512x512xf32>
    %ge3A_644 = arith.cmpf oge, %ge3A_642, %ge3A_643 : vector<512x512xf32>
    %convert_element_type3A_645 = arith.extui %ge3A_644 : vector<512x512xi1> to vector<512x512xi32>
    %convert_element_type3A_646 = arith.sitofp %convert_element_type3A_645 : vector<512x512xi32> to vector<512x512xf32>
    %dot_general3A_647 = arith.constant dense<0.000000e+00> : vector<1x512xf32>
    %dot_general3A_648 = tpu.matmul %broadcast_in_dim3A_10, %convert_element_type3A_646, %dot_general3A_647 {dimension_numbers = #tpu.dot_dimension_numbers<[1], [0], [0], [1], [0, 0, 1, 1], [], []>, transpose_lhs_hint = false} : vector<1x512xf32>, vector<512x512xf32>, vector<1x512xf32> -> vector<1x512xf32>
    %add3A_649 = arith.addf %add3A_638, %dot_general3A_648 : vector<1x512xf32>
    %get3A_650 = arith.constant 1024 : index
    %get3A_651 = arith.constant 0 : index
    %get3A_652 = vector.load %arg1[%get3A_650, %get3A_651] : memref<5120x1xf32, #tpu.memory_space<vmem>>, vector<512x1xf32>
    %ge3A_653 = vector.broadcast %get3A_652 : vector<512x1xf32> to vector<512x512xf32>
    %ge3A_654 = vector.broadcast %get3A_625 : vector<1x512xf32> to vector<512x512xf32>
    %ge3A_655 = arith.cmpf oge, %ge3A_653, %ge3A_654 : vector<512x512xf32>
    %convert_element_type3A_656 = arith.extui %ge3A_655 : vector<512x512xi1> to vector<512x512xi32>
    %convert_element_type3A_657 = arith.sitofp %convert_element_type3A_656 : vector<512x512xi32> to vector<512x512xf32>
    %dot_general3A_658 = arith.constant dense<0.000000e+00> : vector<1x512xf32>
    %dot_general3A_659 = tpu.matmul %broadcast_in_dim3A_10, %convert_element_type3A_657, %dot_general3A_658 {dimension_numbers = #tpu.dot_dimension_numbers<[1], [0], [0], [1], [0, 0, 1, 1], [], []>, transpose_lhs_hint = false} : vector<1x512xf32>, vector<512x512xf32>, vector<1x512xf32> -> vector<1x512xf32>
    %add3A_660 = arith.addf %add3A_649, %dot_general3A_659 : vector<1x512xf32>
    %get3A_661 = arith.constant 1536 : index
    %get3A_662 = arith.constant 0 : index
    %get3A_663 = vector.load %arg1[%get3A_661, %get3A_662] : memref<5120x1xf32, #tpu.memory_space<vmem>>, vector<512x1xf32>
    %ge3A_664 = vector.broadcast %get3A_663 : vector<512x1xf32> to vector<512x512xf32>
    %ge3A_665 = vector.broadcast %get3A_625 : vector<1x512xf32> to vector<512x512xf32>
    %ge3A_666 = arith.cmpf oge, %ge3A_664, %ge3A_665 : vector<512x512xf32>
    %convert_element_type3A_667 = arith.extui %ge3A_666 : vector<512x512xi1> to vector<512x512xi32>
    %convert_element_type3A_668 = arith.sitofp %convert_element_type3A_667 : vector<512x512xi32> to vector<512x512xf32>
    %dot_general3A_669 = arith.constant dense<0.000000e+00> : vector<1x512xf32>
    %dot_general3A_670 = tpu.matmul %broadcast_in_dim3A_10, %convert_element_type3A_668, %dot_general3A_669 {dimension_numbers = #tpu.dot_dimension_numbers<[1], [0], [0], [1], [0, 0, 1, 1], [], []>, transpose_lhs_hint = false} : vector<1x512xf32>, vector<512x512xf32>, vector<1x512xf32> -> vector<1x512xf32>
    %add3A_671 = arith.addf %add3A_660, %dot_general3A_670 : vector<1x512xf32>
    %get3A_672 = arith.constant 2048 : index
    %get3A_673 = arith.constant 0 : index
    %get3A_674 = vector.load %arg1[%get3A_672, %get3A_673] : memref<5120x1xf32, #tpu.memory_space<vmem>>, vector<512x1xf32>
    %ge3A_675 = vector.broadcast %get3A_674 : vector<512x1xf32> to vector<512x512xf32>
    %ge3A_676 = vector.broadcast %get3A_625 : vector<1x512xf32> to vector<512x512xf32>
    %ge3A_677 = arith.cmpf oge, %ge3A_675, %ge3A_676 : vector<512x512xf32>
    %convert_element_type3A_678 = arith.extui %ge3A_677 : vector<512x512xi1> to vector<512x512xi32>
    %convert_element_type3A_679 = arith.sitofp %convert_element_type3A_678 : vector<512x512xi32> to vector<512x512xf32>
    %dot_general3A_680 = arith.constant dense<0.000000e+00> : vector<1x512xf32>
    %dot_general3A_681 = tpu.matmul %broadcast_in_dim3A_10, %convert_element_type3A_679, %dot_general3A_680 {dimension_numbers = #tpu.dot_dimension_numbers<[1], [0], [0], [1], [0, 0, 1, 1], [], []>, transpose_lhs_hint = false} : vector<1x512xf32>, vector<512x512xf32>, vector<1x512xf32> -> vector<1x512xf32>
    %add3A_682 = arith.addf %add3A_671, %dot_general3A_681 : vector<1x512xf32>
    %get3A_683 = arith.constant 2560 : index
    %get3A_684 = arith.constant 0 : index
    %get3A_685 = vector.load %arg1[%get3A_683, %get3A_684] : memref<5120x1xf32, #tpu.memory_space<vmem>>, vector<512x1xf32>
    %gt3A_686 = vector.broadcast %get3A_685 : vector<512x1xf32> to vector<512x512xf32>
    %gt3A_687 = vector.broadcast %get3A_625 : vector<1x512xf32> to vector<512x512xf32>
    %gt3A_688 = arith.cmpf ogt, %gt3A_686, %gt3A_687 : vector<512x512xf32>
    %eq3A_689 = vector.broadcast %get3A_685 : vector<512x1xf32> to vector<512x512xf32>
    %eq3A_690 = vector.broadcast %get3A_625 : vector<1x512xf32> to vector<512x512xf32>
    %eq3A_691 = arith.cmpf oeq, %eq3A_689, %eq3A_690 : vector<512x512xf32>
    %and3A_692 = arith.andi %eq3A_691, %lt3A : vector<512x512xi1>
    %or3A_693 = arith.ori %gt3A_688, %and3A_692 : vector<512x512xi1>
    %convert_element_type3A_694 = arith.extui %or3A_693 : vector<512x512xi1> to vector<512x512xi32>
    %convert_element_type3A_695 = arith.sitofp %convert_element_type3A_694 : vector<512x512xi32> to vector<512x512xf32>
    %dot_general3A_696 = arith.constant dense<0.000000e+00> : vector<1x512xf32>
    %dot_general3A_697 = tpu.matmul %broadcast_in_dim3A_10, %convert_element_type3A_695, %dot_general3A_696 {dimension_numbers = #tpu.dot_dimension_numbers<[1], [0], [0], [1], [0, 0, 1, 1], [], []>, transpose_lhs_hint = false} : vector<1x512xf32>, vector<512x512xf32>, vector<1x512xf32> -> vector<1x512xf32>
    %add3A_698 = arith.addf %add3A_682, %dot_general3A_697 : vector<1x512xf32>
    %get3A_699 = arith.constant 3072 : index
    %get3A_700 = arith.constant 0 : index
    %get3A_701 = vector.load %arg1[%get3A_699, %get3A_700] : memref<5120x1xf32, #tpu.memory_space<vmem>>, vector<512x1xf32>
    %gt3A_702 = vector.broadcast %get3A_701 : vector<512x1xf32> to vector<512x512xf32>
    %gt3A_703 = vector.broadcast %get3A_625 : vector<1x512xf32> to vector<512x512xf32>
    %gt3A_704 = arith.cmpf ogt, %gt3A_702, %gt3A_703 : vector<512x512xf32>
    %convert_element_type3A_705 = arith.extui %gt3A_704 : vector<512x512xi1> to vector<512x512xi32>
    %convert_element_type3A_706 = arith.sitofp %convert_element_type3A_705 : vector<512x512xi32> to vector<512x512xf32>
    %dot_general3A_707 = arith.constant dense<0.000000e+00> : vector<1x512xf32>
    %dot_general3A_708 = tpu.matmul %broadcast_in_dim3A_10, %convert_element_type3A_706, %dot_general3A_707 {dimension_numbers = #tpu.dot_dimension_numbers<[1], [0], [0], [1], [0, 0, 1, 1], [], []>, transpose_lhs_hint = false} : vector<1x512xf32>, vector<512x512xf32>, vector<1x512xf32> -> vector<1x512xf32>
    %add3A_709 = arith.addf %add3A_698, %dot_general3A_708 : vector<1x512xf32>
    %get3A_710 = arith.constant 3584 : index
    %get3A_711 = arith.constant 0 : index
    %get3A_712 = vector.load %arg1[%get3A_710, %get3A_711] : memref<5120x1xf32, #tpu.memory_space<vmem>>, vector<512x1xf32>
    %gt3A_713 = vector.broadcast %get3A_712 : vector<512x1xf32> to vector<512x512xf32>
    %gt3A_714 = vector.broadcast %get3A_625 : vector<1x512xf32> to vector<512x512xf32>
    %gt3A_715 = arith.cmpf ogt, %gt3A_713, %gt3A_714 : vector<512x512xf32>
    %convert_element_type3A_716 = arith.extui %gt3A_715 : vector<512x512xi1> to vector<512x512xi32>
    %convert_element_type3A_717 = arith.sitofp %convert_element_type3A_716 : vector<512x512xi32> to vector<512x512xf32>
    %dot_general3A_718 = arith.constant dense<0.000000e+00> : vector<1x512xf32>
    %dot_general3A_719 = tpu.matmul %broadcast_in_dim3A_10, %convert_element_type3A_717, %dot_general3A_718 {dimension_numbers = #tpu.dot_dimension_numbers<[1], [0], [0], [1], [0, 0, 1, 1], [], []>, transpose_lhs_hint = false} : vector<1x512xf32>, vector<512x512xf32>, vector<1x512xf32> -> vector<1x512xf32>
    %add3A_720 = arith.addf %add3A_709, %dot_general3A_719 : vector<1x512xf32>
    %get3A_721 = arith.constant 4096 : index
    %get3A_722 = arith.constant 0 : index
    %get3A_723 = vector.load %arg1[%get3A_721, %get3A_722] : memref<5120x1xf32, #tpu.memory_space<vmem>>, vector<512x1xf32>
    %gt3A_724 = vector.broadcast %get3A_723 : vector<512x1xf32> to vector<512x512xf32>
    %gt3A_725 = vector.broadcast %get3A_625 : vector<1x512xf32> to vector<512x512xf32>
    %gt3A_726 = arith.cmpf ogt, %gt3A_724, %gt3A_725 : vector<512x512xf32>
    %convert_element_type3A_727 = arith.extui %gt3A_726 : vector<512x512xi1> to vector<512x512xi32>
    %convert_element_type3A_728 = arith.sitofp %convert_element_type3A_727 : vector<512x512xi32> to vector<512x512xf32>
    %dot_general3A_729 = arith.constant dense<0.000000e+00> : vector<1x512xf32>
    %dot_general3A_730 = tpu.matmul %broadcast_in_dim3A_10, %convert_element_type3A_728, %dot_general3A_729 {dimension_numbers = #tpu.dot_dimension_numbers<[1], [0], [0], [1], [0, 0, 1, 1], [], []>, transpose_lhs_hint = false} : vector<1x512xf32>, vector<512x512xf32>, vector<1x512xf32> -> vector<1x512xf32>
    %add3A_731 = arith.addf %add3A_720, %dot_general3A_730 : vector<1x512xf32>
    %get3A_732 = arith.constant 4608 : index
    %get3A_733 = arith.constant 0 : index
    %get3A_734 = vector.load %arg1[%get3A_732, %get3A_733] : memref<5120x1xf32, #tpu.memory_space<vmem>>, vector<512x1xf32>
    %gt3A_735 = vector.broadcast %get3A_734 : vector<512x1xf32> to vector<512x512xf32>
    %gt3A_736 = vector.broadcast %get3A_625 : vector<1x512xf32> to vector<512x512xf32>
    %gt3A_737 = arith.cmpf ogt, %gt3A_735, %gt3A_736 : vector<512x512xf32>
    %convert_element_type3A_738 = arith.extui %gt3A_737 : vector<512x512xi1> to vector<512x512xi32>
    %convert_element_type3A_739 = arith.sitofp %convert_element_type3A_738 : vector<512x512xi32> to vector<512x512xf32>
    %dot_general3A_740 = arith.constant dense<0.000000e+00> : vector<1x512xf32>
    %dot_general3A_741 = tpu.matmul %broadcast_in_dim3A_10, %convert_element_type3A_739, %dot_general3A_740 {dimension_numbers = #tpu.dot_dimension_numbers<[1], [0], [0], [1], [0, 0, 1, 1], [], []>, transpose_lhs_hint = false} : vector<1x512xf32>, vector<512x512xf32>, vector<1x512xf32> -> vector<1x512xf32>
    %add3A_742 = arith.addf %add3A_731, %dot_general3A_741 : vector<1x512xf32>
    %convert_element_type3A_743 = arith.fptosi %add3A_742 : vector<1x512xf32> to vector<1x512xi32>
    %swap3A_744 = arith.constant 0 : index
    %swap3A_745 = arith.constant 2560 : index
    %swap3A_746 = vector.load %arg3[%swap3A_744, %swap3A_745] : memref<1x5120xi32, #tpu.memory_space<vmem>>, vector<1x512xi32>
    tpu.vector_store %arg3[%swap3A_744, %swap3A_745], %convert_element_type3A_743 {strides = array<i32>} : memref<1x5120xi32, #tpu.memory_space<vmem>>, vector<1x512xi32>,
    %get3A_747 = arith.constant 0 : index
    %get3A_748 = arith.constant 3072 : index
    %get3A_749 = vector.load %arg2[%get3A_747, %get3A_748] : memref<1x5120xf32, #tpu.memory_space<vmem>>, vector<1x512xf32>
    %broadcast_in_dim3A_750 = arith.constant 0.000000e+00 : f32
    %broadcast_in_dim3A_751 = vector.broadcast %broadcast_in_dim3A_750 : f32 to vector<1x512xf32>
    %get3A_752 = arith.constant 0 : index
    %get3A_753 = arith.constant 0 : index
    %get3A_754 = vector.load %arg1[%get3A_752, %get3A_753] : memref<5120x1xf32, #tpu.memory_space<vmem>>, vector<512x1xf32>
    %ge3A_755 = vector.broadcast %get3A_754 : vector<512x1xf32> to vector<512x512xf32>
    %ge3A_756 = vector.broadcast %get3A_749 : vector<1x512xf32> to vector<512x512xf32>
    %ge3A_757 = arith.cmpf oge, %ge3A_755, %ge3A_756 : vector<512x512xf32>
    %convert_element_type3A_758 = arith.extui %ge3A_757 : vector<512x512xi1> to vector<512x512xi32>
    %convert_element_type3A_759 = arith.sitofp %convert_element_type3A_758 : vector<512x512xi32> to vector<512x512xf32>
    %dot_general3A_760 = arith.constant dense<0.000000e+00> : vector<1x512xf32>
    %dot_general3A_761 = tpu.matmul %broadcast_in_dim3A_10, %convert_element_type3A_759, %dot_general3A_760 {dimension_numbers = #tpu.dot_dimension_numbers<[1], [0], [0], [1], [0, 0, 1, 1], [], []>, transpose_lhs_hint = false} : vector<1x512xf32>, vector<512x512xf32>, vector<1x512xf32> -> vector<1x512xf32>
    %add3A_762 = arith.addf %broadcast_in_dim3A_751, %dot_general3A_761 : vector<1x512xf32>
    %get3A_763 = arith.constant 512 : index
    %get3A_764 = arith.constant 0 : index
    %get3A_765 = vector.load %arg1[%get3A_763, %get3A_764] : memref<5120x1xf32, #tpu.memory_space<vmem>>, vector<512x1xf32>
    %ge3A_766 = vector.broadcast %get3A_765 : vector<512x1xf32> to vector<512x512xf32>
    %ge3A_767 = vector.broadcast %get3A_749 : vector<1x512xf32> to vector<512x512xf32>
    %ge3A_768 = arith.cmpf oge, %ge3A_766, %ge3A_767 : vector<512x512xf32>
    %convert_element_type3A_769 = arith.extui %ge3A_768 : vector<512x512xi1> to vector<512x512xi32>
    %convert_element_type3A_770 = arith.sitofp %convert_element_type3A_769 : vector<512x512xi32> to vector<512x512xf32>
    %dot_general3A_771 = arith.constant dense<0.000000e+00> : vector<1x512xf32>
    %dot_general3A_772 = tpu.matmul %broadcast_in_dim3A_10, %convert_element_type3A_770, %dot_general3A_771 {dimension_numbers = #tpu.dot_dimension_numbers<[1], [0], [0], [1], [0, 0, 1, 1], [], []>, transpose_lhs_hint = false} : vector<1x512xf32>, vector<512x512xf32>, vector<1x512xf32> -> vector<1x512xf32>
    %add3A_773 = arith.addf %add3A_762, %dot_general3A_772 : vector<1x512xf32>
    %get3A_774 = arith.constant 1024 : index
    %get3A_775 = arith.constant 0 : index
    %get3A_776 = vector.load %arg1[%get3A_774, %get3A_775] : memref<5120x1xf32, #tpu.memory_space<vmem>>, vector<512x1xf32>
    %ge3A_777 = vector.broadcast %get3A_776 : vector<512x1xf32> to vector<512x512xf32>
    %ge3A_778 = vector.broadcast %get3A_749 : vector<1x512xf32> to vector<512x512xf32>
    %ge3A_779 = arith.cmpf oge, %ge3A_777, %ge3A_778 : vector<512x512xf32>
    %convert_element_type3A_780 = arith.extui %ge3A_779 : vector<512x512xi1> to vector<512x512xi32>
    %convert_element_type3A_781 = arith.sitofp %convert_element_type3A_780 : vector<512x512xi32> to vector<512x512xf32>
    %dot_general3A_782 = arith.constant dense<0.000000e+00> : vector<1x512xf32>
    %dot_general3A_783 = tpu.matmul %broadcast_in_dim3A_10, %convert_element_type3A_781, %dot_general3A_782 {dimension_numbers = #tpu.dot_dimension_numbers<[1], [0], [0], [1], [0, 0, 1, 1], [], []>, transpose_lhs_hint = false} : vector<1x512xf32>, vector<512x512xf32>, vector<1x512xf32> -> vector<1x512xf32>
    %add3A_784 = arith.addf %add3A_773, %dot_general3A_783 : vector<1x512xf32>
    %get3A_785 = arith.constant 1536 : index
    %get3A_786 = arith.constant 0 : index
    %get3A_787 = vector.load %arg1[%get3A_785, %get3A_786] : memref<5120x1xf32, #tpu.memory_space<vmem>>, vector<512x1xf32>
    %ge3A_788 = vector.broadcast %get3A_787 : vector<512x1xf32> to vector<512x512xf32>
    %ge3A_789 = vector.broadcast %get3A_749 : vector<1x512xf32> to vector<512x512xf32>
    %ge3A_790 = arith.cmpf oge, %ge3A_788, %ge3A_789 : vector<512x512xf32>
    %convert_element_type3A_791 = arith.extui %ge3A_790 : vector<512x512xi1> to vector<512x512xi32>
    %convert_element_type3A_792 = arith.sitofp %convert_element_type3A_791 : vector<512x512xi32> to vector<512x512xf32>
    %dot_general3A_793 = arith.constant dense<0.000000e+00> : vector<1x512xf32>
    %dot_general3A_794 = tpu.matmul %broadcast_in_dim3A_10, %convert_element_type3A_792, %dot_general3A_793 {dimension_numbers = #tpu.dot_dimension_numbers<[1], [0], [0], [1], [0, 0, 1, 1], [], []>, transpose_lhs_hint = false} : vector<1x512xf32>, vector<512x512xf32>, vector<1x512xf32> -> vector<1x512xf32>
    %add3A_795 = arith.addf %add3A_784, %dot_general3A_794 : vector<1x512xf32>
    %get3A_796 = arith.constant 2048 : index
    %get3A_797 = arith.constant 0 : index
    %get3A_798 = vector.load %arg1[%get3A_796, %get3A_797] : memref<5120x1xf32, #tpu.memory_space<vmem>>, vector<512x1xf32>
    %ge3A_799 = vector.broadcast %get3A_798 : vector<512x1xf32> to vector<512x512xf32>
    %ge3A_800 = vector.broadcast %get3A_749 : vector<1x512xf32> to vector<512x512xf32>
    %ge3A_801 = arith.cmpf oge, %ge3A_799, %ge3A_800 : vector<512x512xf32>
    %convert_element_type3A_802 = arith.extui %ge3A_801 : vector<512x512xi1> to vector<512x512xi32>
    %convert_element_type3A_803 = arith.sitofp %convert_element_type3A_802 : vector<512x512xi32> to vector<512x512xf32>
    %dot_general3A_804 = arith.constant dense<0.000000e+00> : vector<1x512xf32>
    %dot_general3A_805 = tpu.matmul %broadcast_in_dim3A_10, %convert_element_type3A_803, %dot_general3A_804 {dimension_numbers = #tpu.dot_dimension_numbers<[1], [0], [0], [1], [0, 0, 1, 1], [], []>, transpose_lhs_hint = false} : vector<1x512xf32>, vector<512x512xf32>, vector<1x512xf32> -> vector<1x512xf32>
    %add3A_806 = arith.addf %add3A_795, %dot_general3A_805 : vector<1x512xf32>
    %get3A_807 = arith.constant 2560 : index
    %get3A_808 = arith.constant 0 : index
    %get3A_809 = vector.load %arg1[%get3A_807, %get3A_808] : memref<5120x1xf32, #tpu.memory_space<vmem>>, vector<512x1xf32>
    %ge3A_810 = vector.broadcast %get3A_809 : vector<512x1xf32> to vector<512x512xf32>
    %ge3A_811 = vector.broadcast %get3A_749 : vector<1x512xf32> to vector<512x512xf32>
    %ge3A_812 = arith.cmpf oge, %ge3A_810, %ge3A_811 : vector<512x512xf32>
    %convert_element_type3A_813 = arith.extui %ge3A_812 : vector<512x512xi1> to vector<512x512xi32>
    %convert_element_type3A_814 = arith.sitofp %convert_element_type3A_813 : vector<512x512xi32> to vector<512x512xf32>
    %dot_general3A_815 = arith.constant dense<0.000000e+00> : vector<1x512xf32>
    %dot_general3A_816 = tpu.matmul %broadcast_in_dim3A_10, %convert_element_type3A_814, %dot_general3A_815 {dimension_numbers = #tpu.dot_dimension_numbers<[1], [0], [0], [1], [0, 0, 1, 1], [], []>, transpose_lhs_hint = false} : vector<1x512xf32>, vector<512x512xf32>, vector<1x512xf32> -> vector<1x512xf32>
    %add3A_817 = arith.addf %add3A_806, %dot_general3A_816 : vector<1x512xf32>
    %get3A_818 = arith.constant 3072 : index
    %get3A_819 = arith.constant 0 : index
    %get3A_820 = vector.load %arg1[%get3A_818, %get3A_819] : memref<5120x1xf32, #tpu.memory_space<vmem>>, vector<512x1xf32>
    %gt3A_821 = vector.broadcast %get3A_820 : vector<512x1xf32> to vector<512x512xf32>
    %gt3A_822 = vector.broadcast %get3A_749 : vector<1x512xf32> to vector<512x512xf32>
    %gt3A_823 = arith.cmpf ogt, %gt3A_821, %gt3A_822 : vector<512x512xf32>
    %eq3A_824 = vector.broadcast %get3A_820 : vector<512x1xf32> to vector<512x512xf32>
    %eq3A_825 = vector.broadcast %get3A_749 : vector<1x512xf32> to vector<512x512xf32>
    %eq3A_826 = arith.cmpf oeq, %eq3A_824, %eq3A_825 : vector<512x512xf32>
    %and3A_827 = arith.andi %eq3A_826, %lt3A : vector<512x512xi1>
    %or3A_828 = arith.ori %gt3A_823, %and3A_827 : vector<512x512xi1>
    %convert_element_type3A_829 = arith.extui %or3A_828 : vector<512x512xi1> to vector<512x512xi32>
    %convert_element_type3A_830 = arith.sitofp %convert_element_type3A_829 : vector<512x512xi32> to vector<512x512xf32>
    %dot_general3A_831 = arith.constant dense<0.000000e+00> : vector<1x512xf32>
    %dot_general3A_832 = tpu.matmul %broadcast_in_dim3A_10, %convert_element_type3A_830, %dot_general3A_831 {dimension_numbers = #tpu.dot_dimension_numbers<[1], [0], [0], [1], [0, 0, 1, 1], [], []>, transpose_lhs_hint = false} : vector<1x512xf32>, vector<512x512xf32>, vector<1x512xf32> -> vector<1x512xf32>
    %add3A_833 = arith.addf %add3A_817, %dot_general3A_832 : vector<1x512xf32>
    %get3A_834 = arith.constant 3584 : index
    %get3A_835 = arith.constant 0 : index
    %get3A_836 = vector.load %arg1[%get3A_834, %get3A_835] : memref<5120x1xf32, #tpu.memory_space<vmem>>, vector<512x1xf32>
    %gt3A_837 = vector.broadcast %get3A_836 : vector<512x1xf32> to vector<512x512xf32>
    %gt3A_838 = vector.broadcast %get3A_749 : vector<1x512xf32> to vector<512x512xf32>
    %gt3A_839 = arith.cmpf ogt, %gt3A_837, %gt3A_838 : vector<512x512xf32>
    %convert_element_type3A_840 = arith.extui %gt3A_839 : vector<512x512xi1> to vector<512x512xi32>
    %convert_element_type3A_841 = arith.sitofp %convert_element_type3A_840 : vector<512x512xi32> to vector<512x512xf32>
    %dot_general3A_842 = arith.constant dense<0.000000e+00> : vector<1x512xf32>
    %dot_general3A_843 = tpu.matmul %broadcast_in_dim3A_10, %convert_element_type3A_841, %dot_general3A_842 {dimension_numbers = #tpu.dot_dimension_numbers<[1], [0], [0], [1], [0, 0, 1, 1], [], []>, transpose_lhs_hint = false} : vector<1x512xf32>, vector<512x512xf32>, vector<1x512xf32> -> vector<1x512xf32>
    %add3A_844 = arith.addf %add3A_833, %dot_general3A_843 : vector<1x512xf32>
    %get3A_845 = arith.constant 4096 : index
    %get3A_846 = arith.constant 0 : index
    %get3A_847 = vector.load %arg1[%get3A_845, %get3A_846] : memref<5120x1xf32, #tpu.memory_space<vmem>>, vector<512x1xf32>
    %gt3A_848 = vector.broadcast %get3A_847 : vector<512x1xf32> to vector<512x512xf32>
    %gt3A_849 = vector.broadcast %get3A_749 : vector<1x512xf32> to vector<512x512xf32>
    %gt3A_850 = arith.cmpf ogt, %gt3A_848, %gt3A_849 : vector<512x512xf32>
    %convert_element_type3A_851 = arith.extui %gt3A_850 : vector<512x512xi1> to vector<512x512xi32>
    %convert_element_type3A_852 = arith.sitofp %convert_element_type3A_851 : vector<512x512xi32> to vector<512x512xf32>
    %dot_general3A_853 = arith.constant dense<0.000000e+00> : vector<1x512xf32>
    %dot_general3A_854 = tpu.matmul %broadcast_in_dim3A_10, %convert_element_type3A_852, %dot_general3A_853 {dimension_numbers = #tpu.dot_dimension_numbers<[1], [0], [0], [1], [0, 0, 1, 1], [], []>, transpose_lhs_hint = false} : vector<1x512xf32>, vector<512x512xf32>, vector<1x512xf32> -> vector<1x512xf32>
    %add3A_855 = arith.addf %add3A_844, %dot_general3A_854 : vector<1x512xf32>
    %get3A_856 = arith.constant 4608 : index
    %get3A_857 = arith.constant 0 : index
    %get3A_858 = vector.load %arg1[%get3A_856, %get3A_857] : memref<5120x1xf32, #tpu.memory_space<vmem>>, vector<512x1xf32>
    %gt3A_859 = vector.broadcast %get3A_858 : vector<512x1xf32> to vector<512x512xf32>
    %gt3A_860 = vector.broadcast %get3A_749 : vector<1x512xf32> to vector<512x512xf32>
    %gt3A_861 = arith.cmpf ogt, %gt3A_859, %gt3A_860 : vector<512x512xf32>
    %convert_element_type3A_862 = arith.extui %gt3A_861 : vector<512x512xi1> to vector<512x512xi32>
    %convert_element_type3A_863 = arith.sitofp %convert_element_type3A_862 : vector<512x512xi32> to vector<512x512xf32>
    %dot_general3A_864 = arith.constant dense<0.000000e+00> : vector<1x512xf32>
    %dot_general3A_865 = tpu.matmul %broadcast_in_dim3A_10, %convert_element_type3A_863, %dot_general3A_864 {dimension_numbers = #tpu.dot_dimension_numbers<[1], [0], [0], [1], [0, 0, 1, 1], [], []>, transpose_lhs_hint = false} : vector<1x512xf32>, vector<512x512xf32>, vector<1x512xf32> -> vector<1x512xf32>
    %add3A_866 = arith.addf %add3A_855, %dot_general3A_865 : vector<1x512xf32>
    %convert_element_type3A_867 = arith.fptosi %add3A_866 : vector<1x512xf32> to vector<1x512xi32>
    %swap3A_868 = arith.constant 0 : index
    %swap3A_869 = arith.constant 3072 : index
    %swap3A_870 = vector.load %arg3[%swap3A_868, %swap3A_869] : memref<1x5120xi32, #tpu.memory_space<vmem>>, vector<1x512xi32>
    tpu.vector_store %arg3[%swap3A_868, %swap3A_869], %convert_element_type3A_867 {strides = array<i32>} : memref<1x5120xi32, #tpu.memory_space<vmem>>, vector<1x512xi32>,
    %get3A_871 = arith.constant 0 : index
    %get3A_872 = arith.constant 3584 : index
    %get3A_873 = vector.load %arg2[%get3A_871, %get3A_872] : memref<1x5120xf32, #tpu.memory_space<vmem>>, vector<1x512xf32>
    %broadcast_in_dim3A_874 = arith.constant 0.000000e+00 : f32
    %broadcast_in_dim3A_875 = vector.broadcast %broadcast_in_dim3A_874 : f32 to vector<1x512xf32>
    %get3A_876 = arith.constant 0 : index
    %get3A_877 = arith.constant 0 : index
    %get3A_878 = vector.load %arg1[%get3A_876, %get3A_877] : memref<5120x1xf32, #tpu.memory_space<vmem>>, vector<512x1xf32>
    %ge3A_879 = vector.broadcast %get3A_878 : vector<512x1xf32> to vector<512x512xf32>
    %ge3A_880 = vector.broadcast %get3A_873 : vector<1x512xf32> to vector<512x512xf32>
    %ge3A_881 = arith.cmpf oge, %ge3A_879, %ge3A_880 : vector<512x512xf32>
    %convert_element_type3A_882 = arith.extui %ge3A_881 : vector<512x512xi1> to vector<512x512xi32>
    %convert_element_type3A_883 = arith.sitofp %convert_element_type3A_882 : vector<512x512xi32> to vector<512x512xf32>
    %dot_general3A_884 = arith.constant dense<0.000000e+00> : vector<1x512xf32>
    %dot_general3A_885 = tpu.matmul %broadcast_in_dim3A_10, %convert_element_type3A_883, %dot_general3A_884 {dimension_numbers = #tpu.dot_dimension_numbers<[1], [0], [0], [1], [0, 0, 1, 1], [], []>, transpose_lhs_hint = false} : vector<1x512xf32>, vector<512x512xf32>, vector<1x512xf32> -> vector<1x512xf32>
    %add3A_886 = arith.addf %broadcast_in_dim3A_875, %dot_general3A_885 : vector<1x512xf32>
    %get3A_887 = arith.constant 512 : index
    %get3A_888 = arith.constant 0 : index
    %get3A_889 = vector.load %arg1[%get3A_887, %get3A_888] : memref<5120x1xf32, #tpu.memory_space<vmem>>, vector<512x1xf32>
    %ge3A_890 = vector.broadcast %get3A_889 : vector<512x1xf32> to vector<512x512xf32>
    %ge3A_891 = vector.broadcast %get3A_873 : vector<1x512xf32> to vector<512x512xf32>
    %ge3A_892 = arith.cmpf oge, %ge3A_890, %ge3A_891 : vector<512x512xf32>
    %convert_element_type3A_893 = arith.extui %ge3A_892 : vector<512x512xi1> to vector<512x512xi32>
    %convert_element_type3A_894 = arith.sitofp %convert_element_type3A_893 : vector<512x512xi32> to vector<512x512xf32>
    %dot_general3A_895 = arith.constant dense<0.000000e+00> : vector<1x512xf32>
    %dot_general3A_896 = tpu.matmul %broadcast_in_dim3A_10, %convert_element_type3A_894, %dot_general3A_895 {dimension_numbers = #tpu.dot_dimension_numbers<[1], [0], [0], [1], [0, 0, 1, 1], [], []>, transpose_lhs_hint = false} : vector<1x512xf32>, vector<512x512xf32>, vector<1x512xf32> -> vector<1x512xf32>
    %add3A_897 = arith.addf %add3A_886, %dot_general3A_896 : vector<1x512xf32>
    %get3A_898 = arith.constant 1024 : index
    %get3A_899 = arith.constant 0 : index
    %get3A_900 = vector.load %arg1[%get3A_898, %get3A_899] : memref<5120x1xf32, #tpu.memory_space<vmem>>, vector<512x1xf32>
    %ge3A_901 = vector.broadcast %get3A_900 : vector<512x1xf32> to vector<512x512xf32>
    %ge3A_902 = vector.broadcast %get3A_873 : vector<1x512xf32> to vector<512x512xf32>
    %ge3A_903 = arith.cmpf oge, %ge3A_901, %ge3A_902 : vector<512x512xf32>
    %convert_element_type3A_904 = arith.extui %ge3A_903 : vector<512x512xi1> to vector<512x512xi32>
    %convert_element_type3A_905 = arith.sitofp %convert_element_type3A_904 : vector<512x512xi32> to vector<512x512xf32>
    %dot_general3A_906 = arith.constant dense<0.000000e+00> : vector<1x512xf32>
    %dot_general3A_907 = tpu.matmul %broadcast_in_dim3A_10, %convert_element_type3A_905, %dot_general3A_906 {dimension_numbers = #tpu.dot_dimension_numbers<[1], [0], [0], [1], [0, 0, 1, 1], [], []>, transpose_lhs_hint = false} : vector<1x512xf32>, vector<512x512xf32>, vector<1x512xf32> -> vector<1x512xf32>
    %add3A_908 = arith.addf %add3A_897, %dot_general3A_907 : vector<1x512xf32>
    %get3A_909 = arith.constant 1536 : index
    %get3A_910 = arith.constant 0 : index
    %get3A_911 = vector.load %arg1[%get3A_909, %get3A_910] : memref<5120x1xf32, #tpu.memory_space<vmem>>, vector<512x1xf32>
    %ge3A_912 = vector.broadcast %get3A_911 : vector<512x1xf32> to vector<512x512xf32>
    %ge3A_913 = vector.broadcast %get3A_873 : vector<1x512xf32> to vector<512x512xf32>
    %ge3A_914 = arith.cmpf oge, %ge3A_912, %ge3A_913 : vector<512x512xf32>
    %convert_element_type3A_915 = arith.extui %ge3A_914 : vector<512x512xi1> to vector<512x512xi32>
    %convert_element_type3A_916 = arith.sitofp %convert_element_type3A_915 : vector<512x512xi32> to vector<512x512xf32>
    %dot_general3A_917 = arith.constant dense<0.000000e+00> : vector<1x512xf32>
    %dot_general3A_918 = tpu.matmul %broadcast_in_dim3A_10, %convert_element_type3A_916, %dot_general3A_917 {dimension_numbers = #tpu.dot_dimension_numbers<[1], [0], [0], [1], [0, 0, 1, 1], [], []>, transpose_lhs_hint = false} : vector<1x512xf32>, vector<512x512xf32>, vector<1x512xf32> -> vector<1x512xf32>
    %add3A_919 = arith.addf %add3A_908, %dot_general3A_918 : vector<1x512xf32>
    %get3A_920 = arith.constant 2048 : index
    %get3A_921 = arith.constant 0 : index
    %get3A_922 = vector.load %arg1[%get3A_920, %get3A_921] : memref<5120x1xf32, #tpu.memory_space<vmem>>, vector<512x1xf32>
    %ge3A_923 = vector.broadcast %get3A_922 : vector<512x1xf32> to vector<512x512xf32>
    %ge3A_924 = vector.broadcast %get3A_873 : vector<1x512xf32> to vector<512x512xf32>
    %ge3A_925 = arith.cmpf oge, %ge3A_923, %ge3A_924 : vector<512x512xf32>
    %convert_element_type3A_926 = arith.extui %ge3A_925 : vector<512x512xi1> to vector<512x512xi32>
    %convert_element_type3A_927 = arith.sitofp %convert_element_type3A_926 : vector<512x512xi32> to vector<512x512xf32>
    %dot_general3A_928 = arith.constant dense<0.000000e+00> : vector<1x512xf32>
    %dot_general3A_929 = tpu.matmul %broadcast_in_dim3A_10, %convert_element_type3A_927, %dot_general3A_928 {dimension_numbers = #tpu.dot_dimension_numbers<[1], [0], [0], [1], [0, 0, 1, 1], [], []>, transpose_lhs_hint = false} : vector<1x512xf32>, vector<512x512xf32>, vector<1x512xf32> -> vector<1x512xf32>
    %add3A_930 = arith.addf %add3A_919, %dot_general3A_929 : vector<1x512xf32>
    %get3A_931 = arith.constant 2560 : index
    %get3A_932 = arith.constant 0 : index
    %get3A_933 = vector.load %arg1[%get3A_931, %get3A_932] : memref<5120x1xf32, #tpu.memory_space<vmem>>, vector<512x1xf32>
    %ge3A_934 = vector.broadcast %get3A_933 : vector<512x1xf32> to vector<512x512xf32>
    %ge3A_935 = vector.broadcast %get3A_873 : vector<1x512xf32> to vector<512x512xf32>
    %ge3A_936 = arith.cmpf oge, %ge3A_934, %ge3A_935 : vector<512x512xf32>
    %convert_element_type3A_937 = arith.extui %ge3A_936 : vector<512x512xi1> to vector<512x512xi32>
    %convert_element_type3A_938 = arith.sitofp %convert_element_type3A_937 : vector<512x512xi32> to vector<512x512xf32>
    %dot_general3A_939 = arith.constant dense<0.000000e+00> : vector<1x512xf32>
    %dot_general3A_940 = tpu.matmul %broadcast_in_dim3A_10, %convert_element_type3A_938, %dot_general3A_939 {dimension_numbers = #tpu.dot_dimension_numbers<[1], [0], [0], [1], [0, 0, 1, 1], [], []>, transpose_lhs_hint = false} : vector<1x512xf32>, vector<512x512xf32>, vector<1x512xf32> -> vector<1x512xf32>
    %add3A_941 = arith.addf %add3A_930, %dot_general3A_940 : vector<1x512xf32>
    %get3A_942 = arith.constant 3072 : index
    %get3A_943 = arith.constant 0 : index
    %get3A_944 = vector.load %arg1[%get3A_942, %get3A_943] : memref<5120x1xf32, #tpu.memory_space<vmem>>, vector<512x1xf32>
    %ge3A_945 = vector.broadcast %get3A_944 : vector<512x1xf32> to vector<512x512xf32>
    %ge3A_946 = vector.broadcast %get3A_873 : vector<1x512xf32> to vector<512x512xf32>
    %ge3A_947 = arith.cmpf oge, %ge3A_945, %ge3A_946 : vector<512x512xf32>
    %convert_element_type3A_948 = arith.extui %ge3A_947 : vector<512x512xi1> to vector<512x512xi32>
    %convert_element_type3A_949 = arith.sitofp %convert_element_type3A_948 : vector<512x512xi32> to vector<512x512xf32>
    %dot_general3A_950 = arith.constant dense<0.000000e+00> : vector<1x512xf32>
    %dot_general3A_951 = tpu.matmul %broadcast_in_dim3A_10, %convert_element_type3A_949, %dot_general3A_950 {dimension_numbers = #tpu.dot_dimension_numbers<[1], [0], [0], [1], [0, 0, 1, 1], [], []>, transpose_lhs_hint = false} : vector<1x512xf32>, vector<512x512xf32>, vector<1x512xf32> -> vector<1x512xf32>
    %add3A_952 = arith.addf %add3A_941, %dot_general3A_951 : vector<1x512xf32>
    %get3A_953 = arith.constant 3584 : index
    %get3A_954 = arith.constant 0 : index
    %get3A_955 = vector.load %arg1[%get3A_953, %get3A_954] : memref<5120x1xf32, #tpu.memory_space<vmem>>, vector<512x1xf32>
    %gt3A_956 = vector.broadcast %get3A_955 : vector<512x1xf32> to vector<512x512xf32>
    %gt3A_957 = vector.broadcast %get3A_873 : vector<1x512xf32> to vector<512x512xf32>
    %gt3A_958 = arith.cmpf ogt, %gt3A_956, %gt3A_957 : vector<512x512xf32>
    %eq3A_959 = vector.broadcast %get3A_955 : vector<512x1xf32> to vector<512x512xf32>
    %eq3A_960 = vector.broadcast %get3A_873 : vector<1x512xf32> to vector<512x512xf32>
    %eq3A_961 = arith.cmpf oeq, %eq3A_959, %eq3A_960 : vector<512x512xf32>
    %and3A_962 = arith.andi %eq3A_961, %lt3A : vector<512x512xi1>
    %or3A_963 = arith.ori %gt3A_958, %and3A_962 : vector<512x512xi1>
    %convert_element_type3A_964 = arith.extui %or3A_963 : vector<512x512xi1> to vector<512x512xi32>
    %convert_element_type3A_965 = arith.sitofp %convert_element_type3A_964 : vector<512x512xi32> to vector<512x512xf32>
    %dot_general3A_966 = arith.constant dense<0.000000e+00> : vector<1x512xf32>
    %dot_general3A_967 = tpu.matmul %broadcast_in_dim3A_10, %convert_element_type3A_965, %dot_general3A_966 {dimension_numbers = #tpu.dot_dimension_numbers<[1], [0], [0], [1], [0, 0, 1, 1], [], []>, transpose_lhs_hint = false} : vector<1x512xf32>, vector<512x512xf32>, vector<1x512xf32> -> vector<1x512xf32>
    %add3A_968 = arith.addf %add3A_952, %dot_general3A_967 : vector<1x512xf32>
    %get3A_969 = arith.constant 4096 : index
    %get3A_970 = arith.constant 0 : index
    %get3A_971 = vector.load %arg1[%get3A_969, %get3A_970] : memref<5120x1xf32, #tpu.memory_space<vmem>>, vector<512x1xf32>
    %gt3A_972 = vector.broadcast %get3A_971 : vector<512x1xf32> to vector<512x512xf32>
    %gt3A_973 = vector.broadcast %get3A_873 : vector<1x512xf32> to vector<512x512xf32>
    %gt3A_974 = arith.cmpf ogt, %gt3A_972, %gt3A_973 : vector<512x512xf32>
    %convert_element_type3A_975 = arith.extui %gt3A_974 : vector<512x512xi1> to vector<512x512xi32>
    %convert_element_type3A_976 = arith.sitofp %convert_element_type3A_975 : vector<512x512xi32> to vector<512x512xf32>
    %dot_general3A_977 = arith.constant dense<0.000000e+00> : vector<1x512xf32>
    %dot_general3A_978 = tpu.matmul %broadcast_in_dim3A_10, %convert_element_type3A_976, %dot_general3A_977 {dimension_numbers = #tpu.dot_dimension_numbers<[1], [0], [0], [1], [0, 0, 1, 1], [], []>, transpose_lhs_hint = false} : vector<1x512xf32>, vector<512x512xf32>, vector<1x512xf32> -> vector<1x512xf32>
    %add3A_979 = arith.addf %add3A_968, %dot_general3A_978 : vector<1x512xf32>
    %get3A_980 = arith.constant 4608 : index
    %get3A_981 = arith.constant 0 : index
    %get3A_982 = vector.load %arg1[%get3A_980, %get3A_981] : memref<5120x1xf32, #tpu.memory_space<vmem>>, vector<512x1xf32>
    %gt3A_983 = vector.broadcast %get3A_982 : vector<512x1xf32> to vector<512x512xf32>
    %gt3A_984 = vector.broadcast %get3A_873 : vector<1x512xf32> to vector<512x512xf32>
    %gt3A_985 = arith.cmpf ogt, %gt3A_983, %gt3A_984 : vector<512x512xf32>
    %convert_element_type3A_986 = arith.extui %gt3A_985 : vector<512x512xi1> to vector<512x512xi32>
    %convert_element_type3A_987 = arith.sitofp %convert_element_type3A_986 : vector<512x512xi32> to vector<512x512xf32>
    %dot_general3A_988 = arith.constant dense<0.000000e+00> : vector<1x512xf32>
    %dot_general3A_989 = tpu.matmul %broadcast_in_dim3A_10, %convert_element_type3A_987, %dot_general3A_988 {dimension_numbers = #tpu.dot_dimension_numbers<[1], [0], [0], [1], [0, 0, 1, 1], [], []>, transpose_lhs_hint = false} : vector<1x512xf32>, vector<512x512xf32>, vector<1x512xf32> -> vector<1x512xf32>
    %add3A_990 = arith.addf %add3A_979, %dot_general3A_989 : vector<1x512xf32>
    %convert_element_type3A_991 = arith.fptosi %add3A_990 : vector<1x512xf32> to vector<1x512xi32>
    %swap3A_992 = arith.constant 0 : index
    %swap3A_993 = arith.constant 3584 : index
    %swap3A_994 = vector.load %arg3[%swap3A_992, %swap3A_993] : memref<1x5120xi32, #tpu.memory_space<vmem>>, vector<1x512xi32>
    tpu.vector_store %arg3[%swap3A_992, %swap3A_993], %convert_element_type3A_991 {strides = array<i32>} : memref<1x5120xi32, #tpu.memory_space<vmem>>, vector<1x512xi32>,
    %get3A_995 = arith.constant 0 : index
    %get3A_996 = arith.constant 4096 : index
    %get3A_997 = vector.load %arg2[%get3A_995, %get3A_996] : memref<1x5120xf32, #tpu.memory_space<vmem>>, vector<1x512xf32>
    %broadcast_in_dim3A_998 = arith.constant 0.000000e+00 : f32
    %broadcast_in_dim3A_999 = vector.broadcast %broadcast_in_dim3A_998 : f32 to vector<1x512xf32>
    %get3A_1000 = arith.constant 0 : index
    %get3A_1001 = arith.constant 0 : index
    %get3A_1002 = vector.load %arg1[%get3A_1000, %get3A_1001] : memref<5120x1xf32, #tpu.memory_space<vmem>>, vector<512x1xf32>
    %ge3A_1003 = vector.broadcast %get3A_1002 : vector<512x1xf32> to vector<512x512xf32>
    %ge3A_1004 = vector.broadcast %get3A_997 : vector<1x512xf32> to vector<512x512xf32>
    %ge3A_1005 = arith.cmpf oge, %ge3A_1003, %ge3A_1004 : vector<512x512xf32>
    %convert_element_type3A_1006 = arith.extui %ge3A_1005 : vector<512x512xi1> to vector<512x512xi32>
    %convert_element_type3A_1007 = arith.sitofp %convert_element_type3A_1006 : vector<512x512xi32> to vector<512x512xf32>
    %dot_general3A_1008 = arith.constant dense<0.000000e+00> : vector<1x512xf32>
    %dot_general3A_1009 = tpu.matmul %broadcast_in_dim3A_10, %convert_element_type3A_1007, %dot_general3A_1008 {dimension_numbers = #tpu.dot_dimension_numbers<[1], [0], [0], [1], [0, 0, 1, 1], [], []>, transpose_lhs_hint = false} : vector<1x512xf32>, vector<512x512xf32>, vector<1x512xf32> -> vector<1x512xf32>
    %add3A_1010 = arith.addf %broadcast_in_dim3A_999, %dot_general3A_1009 : vector<1x512xf32>
    %get3A_1011 = arith.constant 512 : index
    %get3A_1012 = arith.constant 0 : index
    %get3A_1013 = vector.load %arg1[%get3A_1011, %get3A_1012] : memref<5120x1xf32, #tpu.memory_space<vmem>>, vector<512x1xf32>
    %ge3A_1014 = vector.broadcast %get3A_1013 : vector<512x1xf32> to vector<512x512xf32>
    %ge3A_1015 = vector.broadcast %get3A_997 : vector<1x512xf32> to vector<512x512xf32>
    %ge3A_1016 = arith.cmpf oge, %ge3A_1014, %ge3A_1015 : vector<512x512xf32>
    %convert_element_type3A_1017 = arith.extui %ge3A_1016 : vector<512x512xi1> to vector<512x512xi32>
    %convert_element_type3A_1018 = arith.sitofp %convert_element_type3A_1017 : vector<512x512xi32> to vector<512x512xf32>
    %dot_general3A_1019 = arith.constant dense<0.000000e+00> : vector<1x512xf32>
    %dot_general3A_1020 = tpu.matmul %broadcast_in_dim3A_10, %convert_element_type3A_1018, %dot_general3A_1019 {dimension_numbers = #tpu.dot_dimension_numbers<[1], [0], [0], [1], [0, 0, 1, 1], [], []>, transpose_lhs_hint = false} : vector<1x512xf32>, vector<512x512xf32>, vector<1x512xf32> -> vector<1x512xf32>
    %add3A_1021 = arith.addf %add3A_1010, %dot_general3A_1020 : vector<1x512xf32>
    %get3A_1022 = arith.constant 1024 : index
    %get3A_1023 = arith.constant 0 : index
    %get3A_1024 = vector.load %arg1[%get3A_1022, %get3A_1023] : memref<5120x1xf32, #tpu.memory_space<vmem>>, vector<512x1xf32>
    %ge3A_1025 = vector.broadcast %get3A_1024 : vector<512x1xf32> to vector<512x512xf32>
    %ge3A_1026 = vector.broadcast %get3A_997 : vector<1x512xf32> to vector<512x512xf32>
    %ge3A_1027 = arith.cmpf oge, %ge3A_1025, %ge3A_1026 : vector<512x512xf32>
    %convert_element_type3A_1028 = arith.extui %ge3A_1027 : vector<512x512xi1> to vector<512x512xi32>
    %convert_element_type3A_1029 = arith.sitofp %convert_element_type3A_1028 : vector<512x512xi32> to vector<512x512xf32>
    %dot_general3A_1030 = arith.constant dense<0.000000e+00> : vector<1x512xf32>
    %dot_general3A_1031 = tpu.matmul %broadcast_in_dim3A_10, %convert_element_type3A_1029, %dot_general3A_1030 {dimension_numbers = #tpu.dot_dimension_numbers<[1], [0], [0], [1], [0, 0, 1, 1], [], []>, transpose_lhs_hint = false} : vector<1x512xf32>, vector<512x512xf32>, vector<1x512xf32> -> vector<1x512xf32>
    %add3A_1032 = arith.addf %add3A_1021, %dot_general3A_1031 : vector<1x512xf32>
    %get3A_1033 = arith.constant 1536 : index
    %get3A_1034 = arith.constant 0 : index
    %get3A_1035 = vector.load %arg1[%get3A_1033, %get3A_1034] : memref<5120x1xf32, #tpu.memory_space<vmem>>, vector<512x1xf32>
    %ge3A_1036 = vector.broadcast %get3A_1035 : vector<512x1xf32> to vector<512x512xf32>
    %ge3A_1037 = vector.broadcast %get3A_997 : vector<1x512xf32> to vector<512x512xf32>
    %ge3A_1038 = arith.cmpf oge, %ge3A_1036, %ge3A_1037 : vector<512x512xf32>
    %convert_element_type3A_1039 = arith.extui %ge3A_1038 : vector<512x512xi1> to vector<512x512xi32>
    %convert_element_type3A_1040 = arith.sitofp %convert_element_type3A_1039 : vector<512x512xi32> to vector<512x512xf32>
    %dot_general3A_1041 = arith.constant dense<0.000000e+00> : vector<1x512xf32>
    %dot_general3A_1042 = tpu.matmul %broadcast_in_dim3A_10, %convert_element_type3A_1040, %dot_general3A_1041 {dimension_numbers = #tpu.dot_dimension_numbers<[1], [0], [0], [1], [0, 0, 1, 1], [], []>, transpose_lhs_hint = false} : vector<1x512xf32>, vector<512x512xf32>, vector<1x512xf32> -> vector<1x512xf32>
    %add3A_1043 = arith.addf %add3A_1032, %dot_general3A_1042 : vector<1x512xf32>
    %get3A_1044 = arith.constant 2048 : index
    %get3A_1045 = arith.constant 0 : index
    %get3A_1046 = vector.load %arg1[%get3A_1044, %get3A_1045] : memref<5120x1xf32, #tpu.memory_space<vmem>>, vector<512x1xf32>
    %ge3A_1047 = vector.broadcast %get3A_1046 : vector<512x1xf32> to vector<512x512xf32>
    %ge3A_1048 = vector.broadcast %get3A_997 : vector<1x512xf32> to vector<512x512xf32>
    %ge3A_1049 = arith.cmpf oge, %ge3A_1047, %ge3A_1048 : vector<512x512xf32>
    %convert_element_type3A_1050 = arith.extui %ge3A_1049 : vector<512x512xi1> to vector<512x512xi32>
    %convert_element_type3A_1051 = arith.sitofp %convert_element_type3A_1050 : vector<512x512xi32> to vector<512x512xf32>
    %dot_general3A_1052 = arith.constant dense<0.000000e+00> : vector<1x512xf32>
    %dot_general3A_1053 = tpu.matmul %broadcast_in_dim3A_10, %convert_element_type3A_1051, %dot_general3A_1052 {dimension_numbers = #tpu.dot_dimension_numbers<[1], [0], [0], [1], [0, 0, 1, 1], [], []>, transpose_lhs_hint = false} : vector<1x512xf32>, vector<512x512xf32>, vector<1x512xf32> -> vector<1x512xf32>
    %add3A_1054 = arith.addf %add3A_1043, %dot_general3A_1053 : vector<1x512xf32>
    %get3A_1055 = arith.constant 2560 : index
    %get3A_1056 = arith.constant 0 : index
    %get3A_1057 = vector.load %arg1[%get3A_1055, %get3A_1056] : memref<5120x1xf32, #tpu.memory_space<vmem>>, vector<512x1xf32>
    %ge3A_1058 = vector.broadcast %get3A_1057 : vector<512x1xf32> to vector<512x512xf32>
    %ge3A_1059 = vector.broadcast %get3A_997 : vector<1x512xf32> to vector<512x512xf32>
    %ge3A_1060 = arith.cmpf oge, %ge3A_1058, %ge3A_1059 : vector<512x512xf32>
    %convert_element_type3A_1061 = arith.extui %ge3A_1060 : vector<512x512xi1> to vector<512x512xi32>
    %convert_element_type3A_1062 = arith.sitofp %convert_element_type3A_1061 : vector<512x512xi32> to vector<512x512xf32>
    %dot_general3A_1063 = arith.constant dense<0.000000e+00> : vector<1x512xf32>
    %dot_general3A_1064 = tpu.matmul %broadcast_in_dim3A_10, %convert_element_type3A_1062, %dot_general3A_1063 {dimension_numbers = #tpu.dot_dimension_numbers<[1], [0], [0], [1], [0, 0, 1, 1], [], []>, transpose_lhs_hint = false} : vector<1x512xf32>, vector<512x512xf32>, vector<1x512xf32> -> vector<1x512xf32>
    %add3A_1065 = arith.addf %add3A_1054, %dot_general3A_1064 : vector<1x512xf32>
    %get3A_1066 = arith.constant 3072 : index
    %get3A_1067 = arith.constant 0 : index
    %get3A_1068 = vector.load %arg1[%get3A_1066, %get3A_1067] : memref<5120x1xf32, #tpu.memory_space<vmem>>, vector<512x1xf32>
    %ge3A_1069 = vector.broadcast %get3A_1068 : vector<512x1xf32> to vector<512x512xf32>
    %ge3A_1070 = vector.broadcast %get3A_997 : vector<1x512xf32> to vector<512x512xf32>
    %ge3A_1071 = arith.cmpf oge, %ge3A_1069, %ge3A_1070 : vector<512x512xf32>
    %convert_element_type3A_1072 = arith.extui %ge3A_1071 : vector<512x512xi1> to vector<512x512xi32>
    %convert_element_type3A_1073 = arith.sitofp %convert_element_type3A_1072 : vector<512x512xi32> to vector<512x512xf32>
    %dot_general3A_1074 = arith.constant dense<0.000000e+00> : vector<1x512xf32>
    %dot_general3A_1075 = tpu.matmul %broadcast_in_dim3A_10, %convert_element_type3A_1073, %dot_general3A_1074 {dimension_numbers = #tpu.dot_dimension_numbers<[1], [0], [0], [1], [0, 0, 1, 1], [], []>, transpose_lhs_hint = false} : vector<1x512xf32>, vector<512x512xf32>, vector<1x512xf32> -> vector<1x512xf32>
    %add3A_1076 = arith.addf %add3A_1065, %dot_general3A_1075 : vector<1x512xf32>
    %get3A_1077 = arith.constant 3584 : index
    %get3A_1078 = arith.constant 0 : index
    %get3A_1079 = vector.load %arg1[%get3A_1077, %get3A_1078] : memref<5120x1xf32, #tpu.memory_space<vmem>>, vector<512x1xf32>
    %ge3A_1080 = vector.broadcast %get3A_1079 : vector<512x1xf32> to vector<512x512xf32>
    %ge3A_1081 = vector.broadcast %get3A_997 : vector<1x512xf32> to vector<512x512xf32>
    %ge3A_1082 = arith.cmpf oge, %ge3A_1080, %ge3A_1081 : vector<512x512xf32>
    %convert_element_type3A_1083 = arith.extui %ge3A_1082 : vector<512x512xi1> to vector<512x512xi32>
    %convert_element_type3A_1084 = arith.sitofp %convert_element_type3A_1083 : vector<512x512xi32> to vector<512x512xf32>
    %dot_general3A_1085 = arith.constant dense<0.000000e+00> : vector<1x512xf32>
    %dot_general3A_1086 = tpu.matmul %broadcast_in_dim3A_10, %convert_element_type3A_1084, %dot_general3A_1085 {dimension_numbers = #tpu.dot_dimension_numbers<[1], [0], [0], [1], [0, 0, 1, 1], [], []>, transpose_lhs_hint = false} : vector<1x512xf32>, vector<512x512xf32>, vector<1x512xf32> -> vector<1x512xf32>
    %add3A_1087 = arith.addf %add3A_1076, %dot_general3A_1086 : vector<1x512xf32>
    %get3A_1088 = arith.constant 4096 : index
    %get3A_1089 = arith.constant 0 : index
    %get3A_1090 = vector.load %arg1[%get3A_1088, %get3A_1089] : memref<5120x1xf32, #tpu.memory_space<vmem>>, vector<512x1xf32>
    %gt3A_1091 = vector.broadcast %get3A_1090 : vector<512x1xf32> to vector<512x512xf32>
    %gt3A_1092 = vector.broadcast %get3A_997 : vector<1x512xf32> to vector<512x512xf32>
    %gt3A_1093 = arith.cmpf ogt, %gt3A_1091, %gt3A_1092 : vector<512x512xf32>
    %eq3A_1094 = vector.broadcast %get3A_1090 : vector<512x1xf32> to vector<512x512xf32>
    %eq3A_1095 = vector.broadcast %get3A_997 : vector<1x512xf32> to vector<512x512xf32>
    %eq3A_1096 = arith.cmpf oeq, %eq3A_1094, %eq3A_1095 : vector<512x512xf32>
    %and3A_1097 = arith.andi %eq3A_1096, %lt3A : vector<512x512xi1>
    %or3A_1098 = arith.ori %gt3A_1093, %and3A_1097 : vector<512x512xi1>
    %convert_element_type3A_1099 = arith.extui %or3A_1098 : vector<512x512xi1> to vector<512x512xi32>
    %convert_element_type3A_1100 = arith.sitofp %convert_element_type3A_1099 : vector<512x512xi32> to vector<512x512xf32>
    %dot_general3A_1101 = arith.constant dense<0.000000e+00> : vector<1x512xf32>
    %dot_general3A_1102 = tpu.matmul %broadcast_in_dim3A_10, %convert_element_type3A_1100, %dot_general3A_1101 {dimension_numbers = #tpu.dot_dimension_numbers<[1], [0], [0], [1], [0, 0, 1, 1], [], []>, transpose_lhs_hint = false} : vector<1x512xf32>, vector<512x512xf32>, vector<1x512xf32> -> vector<1x512xf32>
    %add3A_1103 = arith.addf %add3A_1087, %dot_general3A_1102 : vector<1x512xf32>
    %get3A_1104 = arith.constant 4608 : index
    %get3A_1105 = arith.constant 0 : index
    %get3A_1106 = vector.load %arg1[%get3A_1104, %get3A_1105] : memref<5120x1xf32, #tpu.memory_space<vmem>>, vector<512x1xf32>
    %gt3A_1107 = vector.broadcast %get3A_1106 : vector<512x1xf32> to vector<512x512xf32>
    %gt3A_1108 = vector.broadcast %get3A_997 : vector<1x512xf32> to vector<512x512xf32>
    %gt3A_1109 = arith.cmpf ogt, %gt3A_1107, %gt3A_1108 : vector<512x512xf32>
    %convert_element_type3A_1110 = arith.extui %gt3A_1109 : vector<512x512xi1> to vector<512x512xi32>
    %convert_element_type3A_1111 = arith.sitofp %convert_element_type3A_1110 : vector<512x512xi32> to vector<512x512xf32>
    %dot_general3A_1112 = arith.constant dense<0.000000e+00> : vector<1x512xf32>
    %dot_general3A_1113 = tpu.matmul %broadcast_in_dim3A_10, %convert_element_type3A_1111, %dot_general3A_1112 {dimension_numbers = #tpu.dot_dimension_numbers<[1], [0], [0], [1], [0, 0, 1, 1], [], []>, transpose_lhs_hint = false} : vector<1x512xf32>, vector<512x512xf32>, vector<1x512xf32> -> vector<1x512xf32>
    %add3A_1114 = arith.addf %add3A_1103, %dot_general3A_1113 : vector<1x512xf32>
    %convert_element_type3A_1115 = arith.fptosi %add3A_1114 : vector<1x512xf32> to vector<1x512xi32>
    %swap3A_1116 = arith.constant 0 : index
    %swap3A_1117 = arith.constant 4096 : index
    %swap3A_1118 = vector.load %arg3[%swap3A_1116, %swap3A_1117] : memref<1x5120xi32, #tpu.memory_space<vmem>>, vector<1x512xi32>
    tpu.vector_store %arg3[%swap3A_1116, %swap3A_1117], %convert_element_type3A_1115 {strides = array<i32>} : memref<1x5120xi32, #tpu.memory_space<vmem>>, vector<1x512xi32>,
    %get3A_1119 = arith.constant 0 : index
    %get3A_1120 = arith.constant 4608 : index
    %get3A_1121 = vector.load %arg2[%get3A_1119, %get3A_1120] : memref<1x5120xf32, #tpu.memory_space<vmem>>, vector<1x512xf32>
    %broadcast_in_dim3A_1122 = arith.constant 0.000000e+00 : f32
    %broadcast_in_dim3A_1123 = vector.broadcast %broadcast_in_dim3A_1122 : f32 to vector<1x512xf32>
    %get3A_1124 = arith.constant 0 : index
    %get3A_1125 = arith.constant 0 : index
    %get3A_1126 = vector.load %arg1[%get3A_1124, %get3A_1125] : memref<5120x1xf32, #tpu.memory_space<vmem>>, vector<512x1xf32>
    %ge3A_1127 = vector.broadcast %get3A_1126 : vector<512x1xf32> to vector<512x512xf32>
    %ge3A_1128 = vector.broadcast %get3A_1121 : vector<1x512xf32> to vector<512x512xf32>
    %ge3A_1129 = arith.cmpf oge, %ge3A_1127, %ge3A_1128 : vector<512x512xf32>
    %convert_element_type3A_1130 = arith.extui %ge3A_1129 : vector<512x512xi1> to vector<512x512xi32>
    %convert_element_type3A_1131 = arith.sitofp %convert_element_type3A_1130 : vector<512x512xi32> to vector<512x512xf32>
    %dot_general3A_1132 = arith.constant dense<0.000000e+00> : vector<1x512xf32>
    %dot_general3A_1133 = tpu.matmul %broadcast_in_dim3A_10, %convert_element_type3A_1131, %dot_general3A_1132 {dimension_numbers = #tpu.dot_dimension_numbers<[1], [0], [0], [1], [0, 0, 1, 1], [], []>, transpose_lhs_hint = false} : vector<1x512xf32>, vector<512x512xf32>, vector<1x512xf32> -> vector<1x512xf32>
    %add3A_1134 = arith.addf %broadcast_in_dim3A_1123, %dot_general3A_1133 : vector<1x512xf32>
    %get3A_1135 = arith.constant 512 : index
    %get3A_1136 = arith.constant 0 : index
    %get3A_1137 = vector.load %arg1[%get3A_1135, %get3A_1136] : memref<5120x1xf32, #tpu.memory_space<vmem>>, vector<512x1xf32>
    %ge3A_1138 = vector.broadcast %get3A_1137 : vector<512x1xf32> to vector<512x512xf32>
    %ge3A_1139 = vector.broadcast %get3A_1121 : vector<1x512xf32> to vector<512x512xf32>
    %ge3A_1140 = arith.cmpf oge, %ge3A_1138, %ge3A_1139 : vector<512x512xf32>
    %convert_element_type3A_1141 = arith.extui %ge3A_1140 : vector<512x512xi1> to vector<512x512xi32>
    %convert_element_type3A_1142 = arith.sitofp %convert_element_type3A_1141 : vector<512x512xi32> to vector<512x512xf32>
    %dot_general3A_1143 = arith.constant dense<0.000000e+00> : vector<1x512xf32>
    %dot_general3A_1144 = tpu.matmul %broadcast_in_dim3A_10, %convert_element_type3A_1142, %dot_general3A_1143 {dimension_numbers = #tpu.dot_dimension_numbers<[1], [0], [0], [1], [0, 0, 1, 1], [], []>, transpose_lhs_hint = false} : vector<1x512xf32>, vector<512x512xf32>, vector<1x512xf32> -> vector<1x512xf32>
    %add3A_1145 = arith.addf %add3A_1134, %dot_general3A_1144 : vector<1x512xf32>
    %get3A_1146 = arith.constant 1024 : index
    %get3A_1147 = arith.constant 0 : index
    %get3A_1148 = vector.load %arg1[%get3A_1146, %get3A_1147] : memref<5120x1xf32, #tpu.memory_space<vmem>>, vector<512x1xf32>
    %ge3A_1149 = vector.broadcast %get3A_1148 : vector<512x1xf32> to vector<512x512xf32>
    %ge3A_1150 = vector.broadcast %get3A_1121 : vector<1x512xf32> to vector<512x512xf32>
    %ge3A_1151 = arith.cmpf oge, %ge3A_1149, %ge3A_1150 : vector<512x512xf32>
    %convert_element_type3A_1152 = arith.extui %ge3A_1151 : vector<512x512xi1> to vector<512x512xi32>
    %convert_element_type3A_1153 = arith.sitofp %convert_element_type3A_1152 : vector<512x512xi32> to vector<512x512xf32>
    %dot_general3A_1154 = arith.constant dense<0.000000e+00> : vector<1x512xf32>
    %dot_general3A_1155 = tpu.matmul %broadcast_in_dim3A_10, %convert_element_type3A_1153, %dot_general3A_1154 {dimension_numbers = #tpu.dot_dimension_numbers<[1], [0], [0], [1], [0, 0, 1, 1], [], []>, transpose_lhs_hint = false} : vector<1x512xf32>, vector<512x512xf32>, vector<1x512xf32> -> vector<1x512xf32>
    %add3A_1156 = arith.addf %add3A_1145, %dot_general3A_1155 : vector<1x512xf32>
    %get3A_1157 = arith.constant 1536 : index
    %get3A_1158 = arith.constant 0 : index
    %get3A_1159 = vector.load %arg1[%get3A_1157, %get3A_1158] : memref<5120x1xf32, #tpu.memory_space<vmem>>, vector<512x1xf32>
    %ge3A_1160 = vector.broadcast %get3A_1159 : vector<512x1xf32> to vector<512x512xf32>
    %ge3A_1161 = vector.broadcast %get3A_1121 : vector<1x512xf32> to vector<512x512xf32>
    %ge3A_1162 = arith.cmpf oge, %ge3A_1160, %ge3A_1161 : vector<512x512xf32>
    %convert_element_type3A_1163 = arith.extui %ge3A_1162 : vector<512x512xi1> to vector<512x512xi32>
    %convert_element_type3A_1164 = arith.sitofp %convert_element_type3A_1163 : vector<512x512xi32> to vector<512x512xf32>
    %dot_general3A_1165 = arith.constant dense<0.000000e+00> : vector<1x512xf32>
    %dot_general3A_1166 = tpu.matmul %broadcast_in_dim3A_10, %convert_element_type3A_1164, %dot_general3A_1165 {dimension_numbers = #tpu.dot_dimension_numbers<[1], [0], [0], [1], [0, 0, 1, 1], [], []>, transpose_lhs_hint = false} : vector<1x512xf32>, vector<512x512xf32>, vector<1x512xf32> -> vector<1x512xf32>
    %add3A_1167 = arith.addf %add3A_1156, %dot_general3A_1166 : vector<1x512xf32>
    %get3A_1168 = arith.constant 2048 : index
    %get3A_1169 = arith.constant 0 : index
    %get3A_1170 = vector.load %arg1[%get3A_1168, %get3A_1169] : memref<5120x1xf32, #tpu.memory_space<vmem>>, vector<512x1xf32>
    %ge3A_1171 = vector.broadcast %get3A_1170 : vector<512x1xf32> to vector<512x512xf32>
    %ge3A_1172 = vector.broadcast %get3A_1121 : vector<1x512xf32> to vector<512x512xf32>
    %ge3A_1173 = arith.cmpf oge, %ge3A_1171, %ge3A_1172 : vector<512x512xf32>
    %convert_element_type3A_1174 = arith.extui %ge3A_1173 : vector<512x512xi1> to vector<512x512xi32>
    %convert_element_type3A_1175 = arith.sitofp %convert_element_type3A_1174 : vector<512x512xi32> to vector<512x512xf32>
    %dot_general3A_1176 = arith.constant dense<0.000000e+00> : vector<1x512xf32>
    %dot_general3A_1177 = tpu.matmul %broadcast_in_dim3A_10, %convert_element_type3A_1175, %dot_general3A_1176 {dimension_numbers = #tpu.dot_dimension_numbers<[1], [0], [0], [1], [0, 0, 1, 1], [], []>, transpose_lhs_hint = false} : vector<1x512xf32>, vector<512x512xf32>, vector<1x512xf32> -> vector<1x512xf32>
    %add3A_1178 = arith.addf %add3A_1167, %dot_general3A_1177 : vector<1x512xf32>
    %get3A_1179 = arith.constant 2560 : index
    %get3A_1180 = arith.constant 0 : index
    %get3A_1181 = vector.load %arg1[%get3A_1179, %get3A_1180] : memref<5120x1xf32, #tpu.memory_space<vmem>>, vector<512x1xf32>
    %ge3A_1182 = vector.broadcast %get3A_1181 : vector<512x1xf32> to vector<512x512xf32>
    %ge3A_1183 = vector.broadcast %get3A_1121 : vector<1x512xf32> to vector<512x512xf32>
    %ge3A_1184 = arith.cmpf oge, %ge3A_1182, %ge3A_1183 : vector<512x512xf32>
    %convert_element_type3A_1185 = arith.extui %ge3A_1184 : vector<512x512xi1> to vector<512x512xi32>
    %convert_element_type3A_1186 = arith.sitofp %convert_element_type3A_1185 : vector<512x512xi32> to vector<512x512xf32>
    %dot_general3A_1187 = arith.constant dense<0.000000e+00> : vector<1x512xf32>
    %dot_general3A_1188 = tpu.matmul %broadcast_in_dim3A_10, %convert_element_type3A_1186, %dot_general3A_1187 {dimension_numbers = #tpu.dot_dimension_numbers<[1], [0], [0], [1], [0, 0, 1, 1], [], []>, transpose_lhs_hint = false} : vector<1x512xf32>, vector<512x512xf32>, vector<1x512xf32> -> vector<1x512xf32>
    %add3A_1189 = arith.addf %add3A_1178, %dot_general3A_1188 : vector<1x512xf32>
    %get3A_1190 = arith.constant 3072 : index
    %get3A_1191 = arith.constant 0 : index
    %get3A_1192 = vector.load %arg1[%get3A_1190, %get3A_1191] : memref<5120x1xf32, #tpu.memory_space<vmem>>, vector<512x1xf32>
    %ge3A_1193 = vector.broadcast %get3A_1192 : vector<512x1xf32> to vector<512x512xf32>
    %ge3A_1194 = vector.broadcast %get3A_1121 : vector<1x512xf32> to vector<512x512xf32>
    %ge3A_1195 = arith.cmpf oge, %ge3A_1193, %ge3A_1194 : vector<512x512xf32>
    %convert_element_type3A_1196 = arith.extui %ge3A_1195 : vector<512x512xi1> to vector<512x512xi32>
    %convert_element_type3A_1197 = arith.sitofp %convert_element_type3A_1196 : vector<512x512xi32> to vector<512x512xf32>
    %dot_general3A_1198 = arith.constant dense<0.000000e+00> : vector<1x512xf32>
    %dot_general3A_1199 = tpu.matmul %broadcast_in_dim3A_10, %convert_element_type3A_1197, %dot_general3A_1198 {dimension_numbers = #tpu.dot_dimension_numbers<[1], [0], [0], [1], [0, 0, 1, 1], [], []>, transpose_lhs_hint = false} : vector<1x512xf32>, vector<512x512xf32>, vector<1x512xf32> -> vector<1x512xf32>
    %add3A_1200 = arith.addf %add3A_1189, %dot_general3A_1199 : vector<1x512xf32>
    %get3A_1201 = arith.constant 3584 : index
    %get3A_1202 = arith.constant 0 : index
    %get3A_1203 = vector.load %arg1[%get3A_1201, %get3A_1202] : memref<5120x1xf32, #tpu.memory_space<vmem>>, vector<512x1xf32>
    %ge3A_1204 = vector.broadcast %get3A_1203 : vector<512x1xf32> to vector<512x512xf32>
    %ge3A_1205 = vector.broadcast %get3A_1121 : vector<1x512xf32> to vector<512x512xf32>
    %ge3A_1206 = arith.cmpf oge, %ge3A_1204, %ge3A_1205 : vector<512x512xf32>
    %convert_element_type3A_1207 = arith.extui %ge3A_1206 : vector<512x512xi1> to vector<512x512xi32>
    %convert_element_type3A_1208 = arith.sitofp %convert_element_type3A_1207 : vector<512x512xi32> to vector<512x512xf32>
    %dot_general3A_1209 = arith.constant dense<0.000000e+00> : vector<1x512xf32>
    %dot_general3A_1210 = tpu.matmul %broadcast_in_dim3A_10, %convert_element_type3A_1208, %dot_general3A_1209 {dimension_numbers = #tpu.dot_dimension_numbers<[1], [0], [0], [1], [0, 0, 1, 1], [], []>, transpose_lhs_hint = false} : vector<1x512xf32>, vector<512x512xf32>, vector<1x512xf32> -> vector<1x512xf32>
    %add3A_1211 = arith.addf %add3A_1200, %dot_general3A_1210 : vector<1x512xf32>
    %get3A_1212 = arith.constant 4096 : index
    %get3A_1213 = arith.constant 0 : index
    %get3A_1214 = vector.load %arg1[%get3A_1212, %get3A_1213] : memref<5120x1xf32, #tpu.memory_space<vmem>>, vector<512x1xf32>
    %ge3A_1215 = vector.broadcast %get3A_1214 : vector<512x1xf32> to vector<512x512xf32>
    %ge3A_1216 = vector.broadcast %get3A_1121 : vector<1x512xf32> to vector<512x512xf32>
    %ge3A_1217 = arith.cmpf oge, %ge3A_1215, %ge3A_1216 : vector<512x512xf32>
    %convert_element_type3A_1218 = arith.extui %ge3A_1217 : vector<512x512xi1> to vector<512x512xi32>
    %convert_element_type3A_1219 = arith.sitofp %convert_element_type3A_1218 : vector<512x512xi32> to vector<512x512xf32>
    %dot_general3A_1220 = arith.constant dense<0.000000e+00> : vector<1x512xf32>
    %dot_general3A_1221 = tpu.matmul %broadcast_in_dim3A_10, %convert_element_type3A_1219, %dot_general3A_1220 {dimension_numbers = #tpu.dot_dimension_numbers<[1], [0], [0], [1], [0, 0, 1, 1], [], []>, transpose_lhs_hint = false} : vector<1x512xf32>, vector<512x512xf32>, vector<1x512xf32> -> vector<1x512xf32>
    %add3A_1222 = arith.addf %add3A_1211, %dot_general3A_1221 : vector<1x512xf32>
    %get3A_1223 = arith.constant 4608 : index
    %get3A_1224 = arith.constant 0 : index
    %get3A_1225 = vector.load %arg1[%get3A_1223, %get3A_1224] : memref<5120x1xf32, #tpu.memory_space<vmem>>, vector<512x1xf32>
    %gt3A_1226 = vector.broadcast %get3A_1225 : vector<512x1xf32> to vector<512x512xf32>
    %gt3A_1227 = vector.broadcast %get3A_1121 : vector<1x512xf32> to vector<512x512xf32>
    %gt3A_1228 = arith.cmpf ogt, %gt3A_1226, %gt3A_1227 : vector<512x512xf32>
    %eq3A_1229 = vector.broadcast %get3A_1225 : vector<512x1xf32> to vector<512x512xf32>
    %eq3A_1230 = vector.broadcast %get3A_1121 : vector<1x512xf32> to vector<512x512xf32>
    %eq3A_1231 = arith.cmpf oeq, %eq3A_1229, %eq3A_1230 : vector<512x512xf32>
    %and3A_1232 = arith.andi %eq3A_1231, %lt3A : vector<512x512xi1>
    %or3A_1233 = arith.ori %gt3A_1228, %and3A_1232 : vector<512x512xi1>
    %convert_element_type3A_1234 = arith.extui %or3A_1233 : vector<512x512xi1> to vector<512x512xi32>
    %convert_element_type3A_1235 = arith.sitofp %convert_element_type3A_1234 : vector<512x512xi32> to vector<512x512xf32>
    %dot_general3A_1236 = arith.constant dense<0.000000e+00> : vector<1x512xf32>
    %dot_general3A_1237 = tpu.matmul %broadcast_in_dim3A_10, %convert_element_type3A_1235, %dot_general3A_1236 {dimension_numbers = #tpu.dot_dimension_numbers<[1], [0], [0], [1], [0, 0, 1, 1], [], []>, transpose_lhs_hint = false} : vector<1x512xf32>, vector<512x512xf32>, vector<1x512xf32> -> vector<1x512xf32>
    %add3A_1238 = arith.addf %add3A_1222, %dot_general3A_1237 : vector<1x512xf32>
    %convert_element_type3A_1239 = arith.fptosi %add3A_1238 : vector<1x512xf32> to vector<1x512xi32>
    %swap3A_1240 = arith.constant 0 : index
    %swap3A_1241 = arith.constant 4608 : index
    %swap3A_1242 = vector.load %arg3[%swap3A_1240, %swap3A_1241] : memref<1x5120xi32, #tpu.memory_space<vmem>>, vector<1x512xi32>
    tpu.vector_store %arg3[%swap3A_1240, %swap3A_1241], %convert_element_type3A_1239 {strides = array<i32>} : memref<1x5120xi32, #tpu.memory_space<vmem>>, vector<1x512xi32>,
    return
  }
}

module attributes {stable_mosaic.version = 14 : i64} {
  func.func @_nms_body(%arg0: memref<4x5120xf32, #tpu.memory_space<vmem>>, %arg1: memref<5120x16xf32, #tpu.memory_space<vmem>>, %arg2: memref<1x5120xi32, #tpu.memory_space<vmem>>, %arg3: memref<10x512xf32, #tpu.memory_space<vmem>>) attributes {dimension_semantics = [], scalar_prefetch = 0 : i64, scratch_operands = 1 : i64, tpu.core_type = #tpu.core_type<tc>} {
    %iota3A = tpu.iota {dimensions = array<i32: 0>} : vector<512x512xi32>
    %iota3A_0 = tpu.iota {dimensions = array<i32: 1>} : vector<512x512xi32>
    %lt3A = arith.cmpi slt, %iota3A, %iota3A_0 : vector<512x512xi32>
    %convert_element_type3A = arith.extui %lt3A : vector<512x512xi1> to vector<512x512xi32>
    %convert_element_type3A_1 = arith.sitofp %convert_element_type3A : vector<512x512xi32> to vector<512x512xf32>
    %le3A = arith.cmpi sle, %iota3A, %iota3A_0 : vector<512x512xi32>
    %convert_element_type3A_2 = arith.extui %le3A : vector<512x512xi1> to vector<512x512xi32>
    %convert_element_type3A_3 = arith.sitofp %convert_element_type3A_2 : vector<512x512xi32> to vector<512x512xf32>
    %get3A = arith.constant 0 : index
    %get3A_4 = arith.constant 0 : index
    %get3A_5 = vector.load %arg1[%get3A, %get3A_4] : memref<5120x16xf32, #tpu.memory_space<vmem>>, vector<512x1xf32>
    %get3A_6 = arith.constant 0 : index
    %get3A_7 = arith.constant 1 : index
    %get3A_8 = vector.load %arg1[%get3A_6, %get3A_7] : memref<5120x16xf32, #tpu.memory_space<vmem>>, vector<512x1xf32>
    %get3A_9 = arith.constant 0 : index
    %get3A_10 = arith.constant 2 : index
    %get3A_11 = vector.load %arg1[%get3A_9, %get3A_10] : memref<5120x16xf32, #tpu.memory_space<vmem>>, vector<512x1xf32>
    %get3A_12 = arith.constant 0 : index
    %get3A_13 = arith.constant 3 : index
    %get3A_14 = vector.load %arg1[%get3A_12, %get3A_13] : memref<5120x16xf32, #tpu.memory_space<vmem>>, vector<512x1xf32>
    %get3A_15 = arith.constant 0 : index
    %get3A_16 = arith.constant 0 : index
    %get3A_17 = vector.load %arg0[%get3A_15, %get3A_16] : memref<4x5120xf32, #tpu.memory_space<vmem>>, vector<1x512xf32>
    %get3A_18 = arith.constant 1 : index
    %get3A_19 = arith.constant 0 : index
    %get3A_20 = vector.load %arg0[%get3A_18, %get3A_19] : memref<4x5120xf32, #tpu.memory_space<vmem>>, vector<1x512xf32>
    %get3A_21 = arith.constant 2 : index
    %get3A_22 = arith.constant 0 : index
    %get3A_23 = vector.load %arg0[%get3A_21, %get3A_22] : memref<4x5120xf32, #tpu.memory_space<vmem>>, vector<1x512xf32>
    %get3A_24 = arith.constant 3 : index
    %get3A_25 = arith.constant 0 : index
    %get3A_26 = vector.load %arg0[%get3A_24, %get3A_25] : memref<4x5120xf32, #tpu.memory_space<vmem>>, vector<1x512xf32>
    %broadcast_in_dim3A = arith.constant 0.000000e+00 : f32
    %broadcast_in_dim3A_27 = vector.broadcast %broadcast_in_dim3A : f32 to vector<1x512xf32>
    %eq3A = arith.constant 0.000000e+00 : f32
    %eq3A_28 = vector.broadcast %eq3A : f32 to vector<1x512xf32>
    %eq3A_29 = arith.cmpf oeq, %broadcast_in_dim3A_27, %eq3A_28 : vector<1x512xf32>
    %convert_element_type3A_30 = arith.extui %eq3A_29 : vector<1x512xi1> to vector<1x512xi32>
    %convert_element_type3A_31 = arith.sitofp %convert_element_type3A_30 : vector<1x512xi32> to vector<1x512xf32>
    %sub3A = arith.subf %get3A_11, %get3A_5 : vector<512x1xf32>
    %sub3A_32 = arith.subf %get3A_14, %get3A_8 : vector<512x1xf32>
    %mul3A = arith.mulf %sub3A, %sub3A_32 : vector<512x1xf32>
    %sub3A_33 = arith.subf %get3A_23, %get3A_17 : vector<1x512xf32>
    %sub3A_34 = arith.subf %get3A_26, %get3A_20 : vector<1x512xf32>
    %mul3A_35 = arith.mulf %sub3A_33, %sub3A_34 : vector<1x512xf32>
    %max3A = vector.broadcast %get3A_5 : vector<512x1xf32> to vector<512x512xf32>
    %max3A_36 = vector.broadcast %get3A_17 : vector<1x512xf32> to vector<512x512xf32>
    %max3A_37 = arith.maximumf %max3A, %max3A_36 : vector<512x512xf32>
    %max3A_38 = vector.broadcast %get3A_8 : vector<512x1xf32> to vector<512x512xf32>
    %max3A_39 = vector.broadcast %get3A_20 : vector<1x512xf32> to vector<512x512xf32>
    %max3A_40 = arith.maximumf %max3A_38, %max3A_39 : vector<512x512xf32>
    %min3A = vector.broadcast %get3A_11 : vector<512x1xf32> to vector<512x512xf32>
    %min3A_41 = vector.broadcast %get3A_23 : vector<1x512xf32> to vector<512x512xf32>
    %min3A_42 = arith.minimumf %min3A, %min3A_41 : vector<512x512xf32>
    %min3A_43 = vector.broadcast %get3A_14 : vector<512x1xf32> to vector<512x512xf32>
    %min3A_44 = vector.broadcast %get3A_26 : vector<1x512xf32> to vector<512x512xf32>
    %min3A_45 = arith.minimumf %min3A_43, %min3A_44 : vector<512x512xf32>
    %sub3A_46 = arith.subf %min3A_42, %max3A_37 : vector<512x512xf32>
    %max3A_47 = arith.constant 0.000000e+00 : f32
    %max3A_48 = vector.broadcast %max3A_47 : f32 to vector<512x512xf32>
    %max3A_49 = arith.maximumf %sub3A_46, %max3A_48 : vector<512x512xf32>
    %sub3A_50 = arith.subf %min3A_45, %max3A_40 : vector<512x512xf32>
    %max3A_51 = arith.constant 0.000000e+00 : f32
    %max3A_52 = vector.broadcast %max3A_51 : f32 to vector<512x512xf32>
    %max3A_53 = arith.maximumf %sub3A_50, %max3A_52 : vector<512x512xf32>
    %mul3A_54 = arith.mulf %max3A_49, %max3A_53 : vector<512x512xf32>
    %add3A = vector.broadcast %mul3A : vector<512x1xf32> to vector<512x512xf32>
    %add3A_55 = vector.broadcast %mul3A_35 : vector<1x512xf32> to vector<512x512xf32>
    %add3A_56 = arith.addf %add3A, %add3A_55 : vector<512x512xf32>
    %sub3A_57 = arith.subf %add3A_56, %mul3A_54 : vector<512x512xf32>
    %add3A_58 = arith.constant 9.99999971E-10 : f32
    %add3A_59 = vector.broadcast %add3A_58 : f32 to vector<512x512xf32>
    %add3A_60 = arith.addf %sub3A_57, %add3A_59 : vector<512x512xf32>
    %div3A = arith.divf %mul3A_54, %add3A_60 : vector<512x512xf32>
    %gt3A = arith.constant 5.000000e-01 : f32
    %gt3A_61 = vector.broadcast %gt3A : f32 to vector<512x512xf32>
    %gt3A_62 = arith.cmpf ogt, %div3A, %gt3A_61 : vector<512x512xf32>
    %convert_element_type3A_63 = arith.extui %gt3A_62 : vector<512x512xi1> to vector<512x512xi32>
    %convert_element_type3A_64 = arith.sitofp %convert_element_type3A_63 : vector<512x512xi32> to vector<512x512xf32>
    %mul3A_65 = arith.mulf %convert_element_type3A_64, %convert_element_type3A_1 : vector<512x512xf32>
    %broadcast_in_dim3A_66 = arith.constant 1.000000e+00 : f32
    %broadcast_in_dim3A_67 = vector.broadcast %broadcast_in_dim3A_66 : f32 to vector<1x512xf32>
    %while3A = arith.constant true
    %while3A_68:2 = scf.while (%while3A_1476 = %broadcast_in_dim3A_67, %while3A_1477 = %while3A) : (vector<1x512xf32>, i1) -> (vector<1x512xf32>, i1) {
      scf.condition(%while3A_1477) %while3A_1476, %while3A_1477 : vector<1x512xf32>, i1
    } do {
    ^bb0(%while3A_1476: vector<1x512xf32>, %while3A_1477: i1):
      %mul3A_1478 = arith.mulf %while3A_1476, %convert_element_type3A_31 : vector<1x512xf32>
      %dot_general3A_1479 = arith.constant dense<0.000000e+00> : vector<1x512xf32>
      %dot_general3A_1480 = tpu.matmul %mul3A_1478, %mul3A_65, %dot_general3A_1479 {dimension_numbers = #tpu.dot_dimension_numbers<[1], [0], [0], [1], [0, 0, 1, 1], [], []>, transpose_lhs_hint = false} : vector<1x512xf32>, vector<512x512xf32>, vector<1x512xf32> -> vector<1x512xf32>
      %eq3A_1481 = arith.constant 0.000000e+00 : f32
      %eq3A_1482 = vector.broadcast %eq3A_1481 : f32 to vector<1x512xf32>
      %eq3A_1483 = arith.cmpf oeq, %dot_general3A_1480, %eq3A_1482 : vector<1x512xf32>
      %convert_element_type3A_1484 = arith.extui %eq3A_1483 : vector<1x512xi1> to vector<1x512xi32>
      %convert_element_type3A_1485 = arith.sitofp %convert_element_type3A_1484 : vector<1x512xi32> to vector<1x512xf32>
      %mul3A_1486 = arith.mulf %convert_element_type3A_1485, %convert_element_type3A_31 : vector<1x512xf32>
      %dot_general3A_1487 = arith.constant dense<0.000000e+00> : vector<1x512xf32>
      %dot_general3A_1488 = tpu.matmul %mul3A_1486, %mul3A_65, %dot_general3A_1487 {dimension_numbers = #tpu.dot_dimension_numbers<[1], [0], [0], [1], [0, 0, 1, 1], [], []>, transpose_lhs_hint = false} : vector<1x512xf32>, vector<512x512xf32>, vector<1x512xf32> -> vector<1x512xf32>
      %eq3A_1489 = arith.constant 0.000000e+00 : f32
      %eq3A_1490 = vector.broadcast %eq3A_1489 : f32 to vector<1x512xf32>
      %eq3A_1491 = arith.cmpf oeq, %dot_general3A_1488, %eq3A_1490 : vector<1x512xf32>
      %convert_element_type3A_1492 = arith.extui %eq3A_1491 : vector<1x512xi1> to vector<1x512xi32>
      %convert_element_type3A_1493 = arith.sitofp %convert_element_type3A_1492 : vector<1x512xi32> to vector<1x512xf32>
      %ne3A = arith.cmpf one, %convert_element_type3A_1493, %convert_element_type3A_1485 : vector<1x512xf32>
      %reduce_or3A = arith.constant 1.000000e+00 : f32
      %reduce_or3A_1494 = arith.constant 0.000000e+00 : f32
      %reduce_or3A_1495 = vector.broadcast %reduce_or3A : f32 to vector<1x512xf32>
      %reduce_or3A_1496 = vector.broadcast %reduce_or3A_1494 : f32 to vector<1x512xf32>
      %reduce_or3A_1497 = arith.select %ne3A, %reduce_or3A_1495, %reduce_or3A_1496 : vector<1x512xi1>, vector<1x512xf32>
      %reduce_or3A_1498 = vector.shape_cast %reduce_or3A_1497 : vector<1x512xf32> to vector<1x1x512xf32>
      %reduce_or3A_1499 = arith.constant dense<0xFF800000> : vector<1xf32>
      %reduce_or3A_1500 = vector.multi_reduction <maximumf>, %reduce_or3A_1498, %reduce_or3A_1499 [1, 2] : vector<1x1x512xf32> to vector<1xf32>
      %reduce_or3A_1501 = vector.shape_cast %reduce_or3A_1500 : vector<1xf32> to vector<1x1x1xf32>
      %reduce_or3A_1502 = vector.extract %reduce_or3A_1501[0, 0, 0] : f32 from vector<1x1x1xf32>
      %reduce_or3A_1503 = arith.constant 0.000000e+00 : f32
      %reduce_or3A_1504 = arith.cmpf ogt, %reduce_or3A_1502, %reduce_or3A_1503 : f32
      scf.yield %convert_element_type3A_1493, %reduce_or3A_1504 : vector<1x512xf32>, i1
    }
    %mul3A_69 = arith.mulf %while3A_68#0, %convert_element_type3A_31 : vector<1x512xf32>
    %swap3A = arith.constant 0 : index
    %swap3A_70 = arith.constant 0 : index
    %swap3A_71 = vector.load %arg3[%swap3A, %swap3A_70] : memref<10x512xf32, #tpu.memory_space<vmem>>, vector<1x512xf32>
    tpu.vector_store %arg3[%swap3A, %swap3A_70], %mul3A_69 {strides = array<i32>} : memref<10x512xf32, #tpu.memory_space<vmem>>, vector<1x512xf32>,
    %get3A_72 = arith.constant 512 : index
    %get3A_73 = arith.constant 0 : index
    %get3A_74 = vector.load %arg1[%get3A_72, %get3A_73] : memref<5120x16xf32, #tpu.memory_space<vmem>>, vector<512x1xf32>
    %get3A_75 = arith.constant 512 : index
    %get3A_76 = arith.constant 1 : index
    %get3A_77 = vector.load %arg1[%get3A_75, %get3A_76] : memref<5120x16xf32, #tpu.memory_space<vmem>>, vector<512x1xf32>
    %get3A_78 = arith.constant 512 : index
    %get3A_79 = arith.constant 2 : index
    %get3A_80 = vector.load %arg1[%get3A_78, %get3A_79] : memref<5120x16xf32, #tpu.memory_space<vmem>>, vector<512x1xf32>
    %get3A_81 = arith.constant 512 : index
    %get3A_82 = arith.constant 3 : index
    %get3A_83 = vector.load %arg1[%get3A_81, %get3A_82] : memref<5120x16xf32, #tpu.memory_space<vmem>>, vector<512x1xf32>
    %get3A_84 = arith.constant 0 : index
    %get3A_85 = arith.constant 512 : index
    %get3A_86 = vector.load %arg0[%get3A_84, %get3A_85] : memref<4x5120xf32, #tpu.memory_space<vmem>>, vector<1x512xf32>
    %get3A_87 = arith.constant 1 : index
    %get3A_88 = arith.constant 512 : index
    %get3A_89 = vector.load %arg0[%get3A_87, %get3A_88] : memref<4x5120xf32, #tpu.memory_space<vmem>>, vector<1x512xf32>
    %get3A_90 = arith.constant 2 : index
    %get3A_91 = arith.constant 512 : index
    %get3A_92 = vector.load %arg0[%get3A_90, %get3A_91] : memref<4x5120xf32, #tpu.memory_space<vmem>>, vector<1x512xf32>
    %get3A_93 = arith.constant 3 : index
    %get3A_94 = arith.constant 512 : index
    %get3A_95 = vector.load %arg0[%get3A_93, %get3A_94] : memref<4x5120xf32, #tpu.memory_space<vmem>>, vector<1x512xf32>
    %broadcast_in_dim3A_96 = arith.constant 0.000000e+00 : f32
    %broadcast_in_dim3A_97 = vector.broadcast %broadcast_in_dim3A_96 : f32 to vector<1x512xf32>
    %scan3A = arith.constant 0 : i32
    %mul3A_98 = arith.constant 512 : i32
    %mul3A_99 = arith.muli %scan3A, %mul3A_98 : i32
    %get3A_100 = arith.index_cast %mul3A_99 : i32 to index
    %get3A_101 = arith.constant 0 : index
    %get3A_102 = vector.load %arg1[%get3A_100, %get3A_101] : memref<5120x16xf32, #tpu.memory_space<vmem>>, vector<512x1xf32>
    %get3A_103 = arith.index_cast %mul3A_99 : i32 to index
    %get3A_104 = arith.constant 1 : index
    %get3A_105 = vector.load %arg1[%get3A_103, %get3A_104] : memref<5120x16xf32, #tpu.memory_space<vmem>>, vector<512x1xf32>
    %get3A_106 = arith.index_cast %mul3A_99 : i32 to index
    %get3A_107 = arith.constant 2 : index
    %get3A_108 = vector.load %arg1[%get3A_106, %get3A_107] : memref<5120x16xf32, #tpu.memory_space<vmem>>, vector<512x1xf32>
    %get3A_109 = arith.index_cast %mul3A_99 : i32 to index
    %get3A_110 = arith.constant 3 : index
    %get3A_111 = vector.load %arg1[%get3A_109, %get3A_110] : memref<5120x16xf32, #tpu.memory_space<vmem>>, vector<512x1xf32>
    %sub3A_112 = arith.subf %get3A_108, %get3A_102 : vector<512x1xf32>
    %sub3A_113 = arith.subf %get3A_111, %get3A_105 : vector<512x1xf32>
    %mul3A_114 = arith.mulf %sub3A_112, %sub3A_113 : vector<512x1xf32>
    %sub3A_115 = arith.subf %get3A_92, %get3A_86 : vector<1x512xf32>
    %sub3A_116 = arith.subf %get3A_95, %get3A_89 : vector<1x512xf32>
    %mul3A_117 = arith.mulf %sub3A_115, %sub3A_116 : vector<1x512xf32>
    %max3A_118 = vector.broadcast %get3A_102 : vector<512x1xf32> to vector<512x512xf32>
    %max3A_119 = vector.broadcast %get3A_86 : vector<1x512xf32> to vector<512x512xf32>
    %max3A_120 = arith.maximumf %max3A_118, %max3A_119 : vector<512x512xf32>
    %max3A_121 = vector.broadcast %get3A_105 : vector<512x1xf32> to vector<512x512xf32>
    %max3A_122 = vector.broadcast %get3A_89 : vector<1x512xf32> to vector<512x512xf32>
    %max3A_123 = arith.maximumf %max3A_121, %max3A_122 : vector<512x512xf32>
    %min3A_124 = vector.broadcast %get3A_108 : vector<512x1xf32> to vector<512x512xf32>
    %min3A_125 = vector.broadcast %get3A_92 : vector<1x512xf32> to vector<512x512xf32>
    %min3A_126 = arith.minimumf %min3A_124, %min3A_125 : vector<512x512xf32>
    %min3A_127 = vector.broadcast %get3A_111 : vector<512x1xf32> to vector<512x512xf32>
    %min3A_128 = vector.broadcast %get3A_95 : vector<1x512xf32> to vector<512x512xf32>
    %min3A_129 = arith.minimumf %min3A_127, %min3A_128 : vector<512x512xf32>
    %sub3A_130 = arith.subf %min3A_126, %max3A_120 : vector<512x512xf32>
    %max3A_131 = arith.constant 0.000000e+00 : f32
    %max3A_132 = vector.broadcast %max3A_131 : f32 to vector<512x512xf32>
    %max3A_133 = arith.maximumf %sub3A_130, %max3A_132 : vector<512x512xf32>
    %sub3A_134 = arith.subf %min3A_129, %max3A_123 : vector<512x512xf32>
    %max3A_135 = arith.constant 0.000000e+00 : f32
    %max3A_136 = vector.broadcast %max3A_135 : f32 to vector<512x512xf32>
    %max3A_137 = arith.maximumf %sub3A_134, %max3A_136 : vector<512x512xf32>
    %mul3A_138 = arith.mulf %max3A_133, %max3A_137 : vector<512x512xf32>
    %add3A_139 = vector.broadcast %mul3A_114 : vector<512x1xf32> to vector<512x512xf32>
    %add3A_140 = vector.broadcast %mul3A_117 : vector<1x512xf32> to vector<512x512xf32>
    %add3A_141 = arith.addf %add3A_139, %add3A_140 : vector<512x512xf32>
    %sub3A_142 = arith.subf %add3A_141, %mul3A_138 : vector<512x512xf32>
    %add3A_143 = arith.constant 9.99999971E-10 : f32
    %add3A_144 = vector.broadcast %add3A_143 : f32 to vector<512x512xf32>
    %add3A_145 = arith.addf %sub3A_142, %add3A_144 : vector<512x512xf32>
    %div3A_146 = arith.divf %mul3A_138, %add3A_145 : vector<512x512xf32>
    %gt3A_147 = arith.constant 5.000000e-01 : f32
    %gt3A_148 = vector.broadcast %gt3A_147 : f32 to vector<512x512xf32>
    %gt3A_149 = arith.cmpf ogt, %div3A_146, %gt3A_148 : vector<512x512xf32>
    %convert_element_type3A_150 = arith.extui %gt3A_149 : vector<512x512xi1> to vector<512x512xi32>
    %convert_element_type3A_151 = arith.sitofp %convert_element_type3A_150 : vector<512x512xi32> to vector<512x512xf32>
    %get3A_152 = arith.index_cast %scan3A : i32 to index
    %get3A_153 = arith.constant 0 : index
    %get3A_154 = vector.load %arg3[%get3A_152, %get3A_153] : memref<10x512xf32, #tpu.memory_space<vmem>>, vector<1x512xf32>
    %dot_general3A = arith.constant dense<0.000000e+00> : vector<1x512xf32>
    %dot_general3A_155 = tpu.matmul %get3A_154, %convert_element_type3A_151, %dot_general3A {dimension_numbers = #tpu.dot_dimension_numbers<[1], [0], [0], [1], [0, 0, 1, 1], [], []>, transpose_lhs_hint = false} : vector<1x512xf32>, vector<512x512xf32>, vector<1x512xf32> -> vector<1x512xf32>
    %add3A_156 = arith.addf %broadcast_in_dim3A_97, %dot_general3A_155 : vector<1x512xf32>
    %scan3A_157 = arith.constant 1 : i32
    %eq3A_158 = arith.constant 0.000000e+00 : f32
    %eq3A_159 = vector.broadcast %eq3A_158 : f32 to vector<1x512xf32>
    %eq3A_160 = arith.cmpf oeq, %add3A_156, %eq3A_159 : vector<1x512xf32>
    %convert_element_type3A_161 = arith.extui %eq3A_160 : vector<1x512xi1> to vector<1x512xi32>
    %convert_element_type3A_162 = arith.sitofp %convert_element_type3A_161 : vector<1x512xi32> to vector<1x512xf32>
    %sub3A_163 = arith.subf %get3A_80, %get3A_74 : vector<512x1xf32>
    %sub3A_164 = arith.subf %get3A_83, %get3A_77 : vector<512x1xf32>
    %mul3A_165 = arith.mulf %sub3A_163, %sub3A_164 : vector<512x1xf32>
    %sub3A_166 = arith.subf %get3A_92, %get3A_86 : vector<1x512xf32>
    %sub3A_167 = arith.subf %get3A_95, %get3A_89 : vector<1x512xf32>
    %mul3A_168 = arith.mulf %sub3A_166, %sub3A_167 : vector<1x512xf32>
    %max3A_169 = vector.broadcast %get3A_74 : vector<512x1xf32> to vector<512x512xf32>
    %max3A_170 = vector.broadcast %get3A_86 : vector<1x512xf32> to vector<512x512xf32>
    %max3A_171 = arith.maximumf %max3A_169, %max3A_170 : vector<512x512xf32>
    %max3A_172 = vector.broadcast %get3A_77 : vector<512x1xf32> to vector<512x512xf32>
    %max3A_173 = vector.broadcast %get3A_89 : vector<1x512xf32> to vector<512x512xf32>
    %max3A_174 = arith.maximumf %max3A_172, %max3A_173 : vector<512x512xf32>
    %min3A_175 = vector.broadcast %get3A_80 : vector<512x1xf32> to vector<512x512xf32>
    %min3A_176 = vector.broadcast %get3A_92 : vector<1x512xf32> to vector<512x512xf32>
    %min3A_177 = arith.minimumf %min3A_175, %min3A_176 : vector<512x512xf32>
    %min3A_178 = vector.broadcast %get3A_83 : vector<512x1xf32> to vector<512x512xf32>
    %min3A_179 = vector.broadcast %get3A_95 : vector<1x512xf32> to vector<512x512xf32>
    %min3A_180 = arith.minimumf %min3A_178, %min3A_179 : vector<512x512xf32>
    %sub3A_181 = arith.subf %min3A_177, %max3A_171 : vector<512x512xf32>
    %max3A_182 = arith.constant 0.000000e+00 : f32
    %max3A_183 = vector.broadcast %max3A_182 : f32 to vector<512x512xf32>
    %max3A_184 = arith.maximumf %sub3A_181, %max3A_183 : vector<512x512xf32>
    %sub3A_185 = arith.subf %min3A_180, %max3A_174 : vector<512x512xf32>
    %max3A_186 = arith.constant 0.000000e+00 : f32
    %max3A_187 = vector.broadcast %max3A_186 : f32 to vector<512x512xf32>
    %max3A_188 = arith.maximumf %sub3A_185, %max3A_187 : vector<512x512xf32>
    %mul3A_189 = arith.mulf %max3A_184, %max3A_188 : vector<512x512xf32>
    %add3A_190 = vector.broadcast %mul3A_165 : vector<512x1xf32> to vector<512x512xf32>
    %add3A_191 = vector.broadcast %mul3A_168 : vector<1x512xf32> to vector<512x512xf32>
    %add3A_192 = arith.addf %add3A_190, %add3A_191 : vector<512x512xf32>
    %sub3A_193 = arith.subf %add3A_192, %mul3A_189 : vector<512x512xf32>
    %add3A_194 = arith.constant 9.99999971E-10 : f32
    %add3A_195 = vector.broadcast %add3A_194 : f32 to vector<512x512xf32>
    %add3A_196 = arith.addf %sub3A_193, %add3A_195 : vector<512x512xf32>
    %div3A_197 = arith.divf %mul3A_189, %add3A_196 : vector<512x512xf32>
    %gt3A_198 = arith.constant 5.000000e-01 : f32
    %gt3A_199 = vector.broadcast %gt3A_198 : f32 to vector<512x512xf32>
    %gt3A_200 = arith.cmpf ogt, %div3A_197, %gt3A_199 : vector<512x512xf32>
    %convert_element_type3A_201 = arith.extui %gt3A_200 : vector<512x512xi1> to vector<512x512xi32>
    %convert_element_type3A_202 = arith.sitofp %convert_element_type3A_201 : vector<512x512xi32> to vector<512x512xf32>
    %mul3A_203 = arith.mulf %convert_element_type3A_202, %convert_element_type3A_1 : vector<512x512xf32>
    %broadcast_in_dim3A_204 = arith.constant 1.000000e+00 : f32
    %broadcast_in_dim3A_205 = vector.broadcast %broadcast_in_dim3A_204 : f32 to vector<1x512xf32>
    %while3A_206 = arith.constant true
    %while3A_207:2 = scf.while (%while3A_1476 = %broadcast_in_dim3A_205, %while3A_1477 = %while3A_206) : (vector<1x512xf32>, i1) -> (vector<1x512xf32>, i1) {
      scf.condition(%while3A_1477) %while3A_1476, %while3A_1477 : vector<1x512xf32>, i1
    } do {
    ^bb0(%while3A_1476: vector<1x512xf32>, %while3A_1477: i1):
      %mul3A_1478 = arith.mulf %while3A_1476, %convert_element_type3A_162 : vector<1x512xf32>
      %dot_general3A_1479 = arith.constant dense<0.000000e+00> : vector<1x512xf32>
      %dot_general3A_1480 = tpu.matmul %mul3A_1478, %mul3A_203, %dot_general3A_1479 {dimension_numbers = #tpu.dot_dimension_numbers<[1], [0], [0], [1], [0, 0, 1, 1], [], []>, transpose_lhs_hint = false} : vector<1x512xf32>, vector<512x512xf32>, vector<1x512xf32> -> vector<1x512xf32>
      %eq3A_1481 = arith.constant 0.000000e+00 : f32
      %eq3A_1482 = vector.broadcast %eq3A_1481 : f32 to vector<1x512xf32>
      %eq3A_1483 = arith.cmpf oeq, %dot_general3A_1480, %eq3A_1482 : vector<1x512xf32>
      %convert_element_type3A_1484 = arith.extui %eq3A_1483 : vector<1x512xi1> to vector<1x512xi32>
      %convert_element_type3A_1485 = arith.sitofp %convert_element_type3A_1484 : vector<1x512xi32> to vector<1x512xf32>
      %mul3A_1486 = arith.mulf %convert_element_type3A_1485, %convert_element_type3A_162 : vector<1x512xf32>
      %dot_general3A_1487 = arith.constant dense<0.000000e+00> : vector<1x512xf32>
      %dot_general3A_1488 = tpu.matmul %mul3A_1486, %mul3A_203, %dot_general3A_1487 {dimension_numbers = #tpu.dot_dimension_numbers<[1], [0], [0], [1], [0, 0, 1, 1], [], []>, transpose_lhs_hint = false} : vector<1x512xf32>, vector<512x512xf32>, vector<1x512xf32> -> vector<1x512xf32>
      %eq3A_1489 = arith.constant 0.000000e+00 : f32
      %eq3A_1490 = vector.broadcast %eq3A_1489 : f32 to vector<1x512xf32>
      %eq3A_1491 = arith.cmpf oeq, %dot_general3A_1488, %eq3A_1490 : vector<1x512xf32>
      %convert_element_type3A_1492 = arith.extui %eq3A_1491 : vector<1x512xi1> to vector<1x512xi32>
      %convert_element_type3A_1493 = arith.sitofp %convert_element_type3A_1492 : vector<1x512xi32> to vector<1x512xf32>
      %ne3A = arith.cmpf one, %convert_element_type3A_1493, %convert_element_type3A_1485 : vector<1x512xf32>
      %reduce_or3A = arith.constant 1.000000e+00 : f32
      %reduce_or3A_1494 = arith.constant 0.000000e+00 : f32
      %reduce_or3A_1495 = vector.broadcast %reduce_or3A : f32 to vector<1x512xf32>
      %reduce_or3A_1496 = vector.broadcast %reduce_or3A_1494 : f32 to vector<1x512xf32>
      %reduce_or3A_1497 = arith.select %ne3A, %reduce_or3A_1495, %reduce_or3A_1496 : vector<1x512xi1>, vector<1x512xf32>
      %reduce_or3A_1498 = vector.shape_cast %reduce_or3A_1497 : vector<1x512xf32> to vector<1x1x512xf32>
      %reduce_or3A_1499 = arith.constant dense<0xFF800000> : vector<1xf32>
      %reduce_or3A_1500 = vector.multi_reduction <maximumf>, %reduce_or3A_1498, %reduce_or3A_1499 [1, 2] : vector<1x1x512xf32> to vector<1xf32>
      %reduce_or3A_1501 = vector.shape_cast %reduce_or3A_1500 : vector<1xf32> to vector<1x1x1xf32>
      %reduce_or3A_1502 = vector.extract %reduce_or3A_1501[0, 0, 0] : f32 from vector<1x1x1xf32>
      %reduce_or3A_1503 = arith.constant 0.000000e+00 : f32
      %reduce_or3A_1504 = arith.cmpf ogt, %reduce_or3A_1502, %reduce_or3A_1503 : f32
      scf.yield %convert_element_type3A_1493, %reduce_or3A_1504 : vector<1x512xf32>, i1
    }
    %mul3A_208 = arith.mulf %while3A_207#0, %convert_element_type3A_162 : vector<1x512xf32>
    %swap3A_209 = arith.constant 1 : index
    %swap3A_210 = arith.constant 0 : index
    %swap3A_211 = vector.load %arg3[%swap3A_209, %swap3A_210] : memref<10x512xf32, #tpu.memory_space<vmem>>, vector<1x512xf32>
    tpu.vector_store %arg3[%swap3A_209, %swap3A_210], %mul3A_208 {strides = array<i32>} : memref<10x512xf32, #tpu.memory_space<vmem>>, vector<1x512xf32>,
    %get3A_212 = arith.constant 1024 : index
    %get3A_213 = arith.constant 0 : index
    %get3A_214 = vector.load %arg1[%get3A_212, %get3A_213] : memref<5120x16xf32, #tpu.memory_space<vmem>>, vector<512x1xf32>
    %get3A_215 = arith.constant 1024 : index
    %get3A_216 = arith.constant 1 : index
    %get3A_217 = vector.load %arg1[%get3A_215, %get3A_216] : memref<5120x16xf32, #tpu.memory_space<vmem>>, vector<512x1xf32>
    %get3A_218 = arith.constant 1024 : index
    %get3A_219 = arith.constant 2 : index
    %get3A_220 = vector.load %arg1[%get3A_218, %get3A_219] : memref<5120x16xf32, #tpu.memory_space<vmem>>, vector<512x1xf32>
    %get3A_221 = arith.constant 1024 : index
    %get3A_222 = arith.constant 3 : index
    %get3A_223 = vector.load %arg1[%get3A_221, %get3A_222] : memref<5120x16xf32, #tpu.memory_space<vmem>>, vector<512x1xf32>
    %get3A_224 = arith.constant 0 : index
    %get3A_225 = arith.constant 1024 : index
    %get3A_226 = vector.load %arg0[%get3A_224, %get3A_225] : memref<4x5120xf32, #tpu.memory_space<vmem>>, vector<1x512xf32>
    %get3A_227 = arith.constant 1 : index
    %get3A_228 = arith.constant 1024 : index
    %get3A_229 = vector.load %arg0[%get3A_227, %get3A_228] : memref<4x5120xf32, #tpu.memory_space<vmem>>, vector<1x512xf32>
    %get3A_230 = arith.constant 2 : index
    %get3A_231 = arith.constant 1024 : index
    %get3A_232 = vector.load %arg0[%get3A_230, %get3A_231] : memref<4x5120xf32, #tpu.memory_space<vmem>>, vector<1x512xf32>
    %get3A_233 = arith.constant 3 : index
    %get3A_234 = arith.constant 1024 : index
    %get3A_235 = vector.load %arg0[%get3A_233, %get3A_234] : memref<4x5120xf32, #tpu.memory_space<vmem>>, vector<1x512xf32>
    %broadcast_in_dim3A_236 = arith.constant 0.000000e+00 : f32
    %broadcast_in_dim3A_237 = vector.broadcast %broadcast_in_dim3A_236 : f32 to vector<1x512xf32>
    %scan3A_238 = arith.constant 0 : i32
    %scan3A_239 = arith.constant 2 : i32
    %scan3A_240 = arith.addi %scan3A_238, %scan3A_239 : i32
    %scan3A_241 = arith.constant 1 : i32
    %scan3A_242 = scf.for %scan3A_1476 = %scan3A_238 to %scan3A_240 step %scan3A_241 iter_args(%scan3A_1477 = %broadcast_in_dim3A_237) -> (vector<1x512xf32>)  : i32 {
      %mul3A_1478 = arith.constant 512 : i32
      %mul3A_1479 = arith.muli %scan3A_1476, %mul3A_1478 : i32
      %get3A_1480 = arith.index_cast %mul3A_1479 : i32 to index
      %get3A_1481 = arith.constant 0 : index
      %get3A_1482 = vector.load %arg1[%get3A_1480, %get3A_1481] : memref<5120x16xf32, #tpu.memory_space<vmem>>, vector<512x1xf32>
      %get3A_1483 = arith.index_cast %mul3A_1479 : i32 to index
      %get3A_1484 = arith.constant 1 : index
      %get3A_1485 = vector.load %arg1[%get3A_1483, %get3A_1484] : memref<5120x16xf32, #tpu.memory_space<vmem>>, vector<512x1xf32>
      %get3A_1486 = arith.index_cast %mul3A_1479 : i32 to index
      %get3A_1487 = arith.constant 2 : index
      %get3A_1488 = vector.load %arg1[%get3A_1486, %get3A_1487] : memref<5120x16xf32, #tpu.memory_space<vmem>>, vector<512x1xf32>
      %get3A_1489 = arith.index_cast %mul3A_1479 : i32 to index
      %get3A_1490 = arith.constant 3 : index
      %get3A_1491 = vector.load %arg1[%get3A_1489, %get3A_1490] : memref<5120x16xf32, #tpu.memory_space<vmem>>, vector<512x1xf32>
      %sub3A_1492 = arith.subf %get3A_1488, %get3A_1482 : vector<512x1xf32>
      %sub3A_1493 = arith.subf %get3A_1491, %get3A_1485 : vector<512x1xf32>
      %mul3A_1494 = arith.mulf %sub3A_1492, %sub3A_1493 : vector<512x1xf32>
      %sub3A_1495 = arith.subf %get3A_232, %get3A_226 : vector<1x512xf32>
      %sub3A_1496 = arith.subf %get3A_235, %get3A_229 : vector<1x512xf32>
      %mul3A_1497 = arith.mulf %sub3A_1495, %sub3A_1496 : vector<1x512xf32>
      %max3A_1498 = vector.broadcast %get3A_1482 : vector<512x1xf32> to vector<512x512xf32>
      %max3A_1499 = vector.broadcast %get3A_226 : vector<1x512xf32> to vector<512x512xf32>
      %max3A_1500 = arith.maximumf %max3A_1498, %max3A_1499 : vector<512x512xf32>
      %max3A_1501 = vector.broadcast %get3A_1485 : vector<512x1xf32> to vector<512x512xf32>
      %max3A_1502 = vector.broadcast %get3A_229 : vector<1x512xf32> to vector<512x512xf32>
      %max3A_1503 = arith.maximumf %max3A_1501, %max3A_1502 : vector<512x512xf32>
      %min3A_1504 = vector.broadcast %get3A_1488 : vector<512x1xf32> to vector<512x512xf32>
      %min3A_1505 = vector.broadcast %get3A_232 : vector<1x512xf32> to vector<512x512xf32>
      %min3A_1506 = arith.minimumf %min3A_1504, %min3A_1505 : vector<512x512xf32>
      %min3A_1507 = vector.broadcast %get3A_1491 : vector<512x1xf32> to vector<512x512xf32>
      %min3A_1508 = vector.broadcast %get3A_235 : vector<1x512xf32> to vector<512x512xf32>
      %min3A_1509 = arith.minimumf %min3A_1507, %min3A_1508 : vector<512x512xf32>
      %sub3A_1510 = arith.subf %min3A_1506, %max3A_1500 : vector<512x512xf32>
      %max3A_1511 = arith.constant 0.000000e+00 : f32
      %max3A_1512 = vector.broadcast %max3A_1511 : f32 to vector<512x512xf32>
      %max3A_1513 = arith.maximumf %sub3A_1510, %max3A_1512 : vector<512x512xf32>
      %sub3A_1514 = arith.subf %min3A_1509, %max3A_1503 : vector<512x512xf32>
      %max3A_1515 = arith.constant 0.000000e+00 : f32
      %max3A_1516 = vector.broadcast %max3A_1515 : f32 to vector<512x512xf32>
      %max3A_1517 = arith.maximumf %sub3A_1514, %max3A_1516 : vector<512x512xf32>
      %mul3A_1518 = arith.mulf %max3A_1513, %max3A_1517 : vector<512x512xf32>
      %add3A_1519 = vector.broadcast %mul3A_1494 : vector<512x1xf32> to vector<512x512xf32>
      %add3A_1520 = vector.broadcast %mul3A_1497 : vector<1x512xf32> to vector<512x512xf32>
      %add3A_1521 = arith.addf %add3A_1519, %add3A_1520 : vector<512x512xf32>
      %sub3A_1522 = arith.subf %add3A_1521, %mul3A_1518 : vector<512x512xf32>
      %add3A_1523 = arith.constant 9.99999971E-10 : f32
      %add3A_1524 = vector.broadcast %add3A_1523 : f32 to vector<512x512xf32>
      %add3A_1525 = arith.addf %sub3A_1522, %add3A_1524 : vector<512x512xf32>
      %div3A_1526 = arith.divf %mul3A_1518, %add3A_1525 : vector<512x512xf32>
      %gt3A_1527 = arith.constant 5.000000e-01 : f32
      %gt3A_1528 = vector.broadcast %gt3A_1527 : f32 to vector<512x512xf32>
      %gt3A_1529 = arith.cmpf ogt, %div3A_1526, %gt3A_1528 : vector<512x512xf32>
      %convert_element_type3A_1530 = arith.extui %gt3A_1529 : vector<512x512xi1> to vector<512x512xi32>
      %convert_element_type3A_1531 = arith.sitofp %convert_element_type3A_1530 : vector<512x512xi32> to vector<512x512xf32>
      %get3A_1532 = arith.index_cast %scan3A_1476 : i32 to index
      %get3A_1533 = arith.constant 0 : index
      %get3A_1534 = vector.load %arg3[%get3A_1532, %get3A_1533] : memref<10x512xf32, #tpu.memory_space<vmem>>, vector<1x512xf32>
      %dot_general3A_1535 = arith.constant dense<0.000000e+00> : vector<1x512xf32>
      %dot_general3A_1536 = tpu.matmul %get3A_1534, %convert_element_type3A_1531, %dot_general3A_1535 {dimension_numbers = #tpu.dot_dimension_numbers<[1], [0], [0], [1], [0, 0, 1, 1], [], []>, transpose_lhs_hint = false} : vector<1x512xf32>, vector<512x512xf32>, vector<1x512xf32> -> vector<1x512xf32>
      %add3A_1537 = arith.addf %scan3A_1477, %dot_general3A_1536 : vector<1x512xf32>
      scf.yield %add3A_1537 : vector<1x512xf32>
    }
    %scan3A_243 = arith.constant 2 : i32
    %eq3A_244 = arith.constant 0.000000e+00 : f32
    %eq3A_245 = vector.broadcast %eq3A_244 : f32 to vector<1x512xf32>
    %eq3A_246 = arith.cmpf oeq, %scan3A_242, %eq3A_245 : vector<1x512xf32>
    %convert_element_type3A_247 = arith.extui %eq3A_246 : vector<1x512xi1> to vector<1x512xi32>
    %convert_element_type3A_248 = arith.sitofp %convert_element_type3A_247 : vector<1x512xi32> to vector<1x512xf32>
    %sub3A_249 = arith.subf %get3A_220, %get3A_214 : vector<512x1xf32>
    %sub3A_250 = arith.subf %get3A_223, %get3A_217 : vector<512x1xf32>
    %mul3A_251 = arith.mulf %sub3A_249, %sub3A_250 : vector<512x1xf32>
    %sub3A_252 = arith.subf %get3A_232, %get3A_226 : vector<1x512xf32>
    %sub3A_253 = arith.subf %get3A_235, %get3A_229 : vector<1x512xf32>
    %mul3A_254 = arith.mulf %sub3A_252, %sub3A_253 : vector<1x512xf32>
    %max3A_255 = vector.broadcast %get3A_214 : vector<512x1xf32> to vector<512x512xf32>
    %max3A_256 = vector.broadcast %get3A_226 : vector<1x512xf32> to vector<512x512xf32>
    %max3A_257 = arith.maximumf %max3A_255, %max3A_256 : vector<512x512xf32>
    %max3A_258 = vector.broadcast %get3A_217 : vector<512x1xf32> to vector<512x512xf32>
    %max3A_259 = vector.broadcast %get3A_229 : vector<1x512xf32> to vector<512x512xf32>
    %max3A_260 = arith.maximumf %max3A_258, %max3A_259 : vector<512x512xf32>
    %min3A_261 = vector.broadcast %get3A_220 : vector<512x1xf32> to vector<512x512xf32>
    %min3A_262 = vector.broadcast %get3A_232 : vector<1x512xf32> to vector<512x512xf32>
    %min3A_263 = arith.minimumf %min3A_261, %min3A_262 : vector<512x512xf32>
    %min3A_264 = vector.broadcast %get3A_223 : vector<512x1xf32> to vector<512x512xf32>
    %min3A_265 = vector.broadcast %get3A_235 : vector<1x512xf32> to vector<512x512xf32>
    %min3A_266 = arith.minimumf %min3A_264, %min3A_265 : vector<512x512xf32>
    %sub3A_267 = arith.subf %min3A_263, %max3A_257 : vector<512x512xf32>
    %max3A_268 = arith.constant 0.000000e+00 : f32
    %max3A_269 = vector.broadcast %max3A_268 : f32 to vector<512x512xf32>
    %max3A_270 = arith.maximumf %sub3A_267, %max3A_269 : vector<512x512xf32>
    %sub3A_271 = arith.subf %min3A_266, %max3A_260 : vector<512x512xf32>
    %max3A_272 = arith.constant 0.000000e+00 : f32
    %max3A_273 = vector.broadcast %max3A_272 : f32 to vector<512x512xf32>
    %max3A_274 = arith.maximumf %sub3A_271, %max3A_273 : vector<512x512xf32>
    %mul3A_275 = arith.mulf %max3A_270, %max3A_274 : vector<512x512xf32>
    %add3A_276 = vector.broadcast %mul3A_251 : vector<512x1xf32> to vector<512x512xf32>
    %add3A_277 = vector.broadcast %mul3A_254 : vector<1x512xf32> to vector<512x512xf32>
    %add3A_278 = arith.addf %add3A_276, %add3A_277 : vector<512x512xf32>
    %sub3A_279 = arith.subf %add3A_278, %mul3A_275 : vector<512x512xf32>
    %add3A_280 = arith.constant 9.99999971E-10 : f32
    %add3A_281 = vector.broadcast %add3A_280 : f32 to vector<512x512xf32>
    %add3A_282 = arith.addf %sub3A_279, %add3A_281 : vector<512x512xf32>
    %div3A_283 = arith.divf %mul3A_275, %add3A_282 : vector<512x512xf32>
    %gt3A_284 = arith.constant 5.000000e-01 : f32
    %gt3A_285 = vector.broadcast %gt3A_284 : f32 to vector<512x512xf32>
    %gt3A_286 = arith.cmpf ogt, %div3A_283, %gt3A_285 : vector<512x512xf32>
    %convert_element_type3A_287 = arith.extui %gt3A_286 : vector<512x512xi1> to vector<512x512xi32>
    %convert_element_type3A_288 = arith.sitofp %convert_element_type3A_287 : vector<512x512xi32> to vector<512x512xf32>
    %mul3A_289 = arith.mulf %convert_element_type3A_288, %convert_element_type3A_1 : vector<512x512xf32>
    %broadcast_in_dim3A_290 = arith.constant 1.000000e+00 : f32
    %broadcast_in_dim3A_291 = vector.broadcast %broadcast_in_dim3A_290 : f32 to vector<1x512xf32>
    %while3A_292 = arith.constant true
    %while3A_293:2 = scf.while (%while3A_1476 = %broadcast_in_dim3A_291, %while3A_1477 = %while3A_292) : (vector<1x512xf32>, i1) -> (vector<1x512xf32>, i1) {
      scf.condition(%while3A_1477) %while3A_1476, %while3A_1477 : vector<1x512xf32>, i1
    } do {
    ^bb0(%while3A_1476: vector<1x512xf32>, %while3A_1477: i1):
      %mul3A_1478 = arith.mulf %while3A_1476, %convert_element_type3A_248 : vector<1x512xf32>
      %dot_general3A_1479 = arith.constant dense<0.000000e+00> : vector<1x512xf32>
      %dot_general3A_1480 = tpu.matmul %mul3A_1478, %mul3A_289, %dot_general3A_1479 {dimension_numbers = #tpu.dot_dimension_numbers<[1], [0], [0], [1], [0, 0, 1, 1], [], []>, transpose_lhs_hint = false} : vector<1x512xf32>, vector<512x512xf32>, vector<1x512xf32> -> vector<1x512xf32>
      %eq3A_1481 = arith.constant 0.000000e+00 : f32
      %eq3A_1482 = vector.broadcast %eq3A_1481 : f32 to vector<1x512xf32>
      %eq3A_1483 = arith.cmpf oeq, %dot_general3A_1480, %eq3A_1482 : vector<1x512xf32>
      %convert_element_type3A_1484 = arith.extui %eq3A_1483 : vector<1x512xi1> to vector<1x512xi32>
      %convert_element_type3A_1485 = arith.sitofp %convert_element_type3A_1484 : vector<1x512xi32> to vector<1x512xf32>
      %mul3A_1486 = arith.mulf %convert_element_type3A_1485, %convert_element_type3A_248 : vector<1x512xf32>
      %dot_general3A_1487 = arith.constant dense<0.000000e+00> : vector<1x512xf32>
      %dot_general3A_1488 = tpu.matmul %mul3A_1486, %mul3A_289, %dot_general3A_1487 {dimension_numbers = #tpu.dot_dimension_numbers<[1], [0], [0], [1], [0, 0, 1, 1], [], []>, transpose_lhs_hint = false} : vector<1x512xf32>, vector<512x512xf32>, vector<1x512xf32> -> vector<1x512xf32>
      %eq3A_1489 = arith.constant 0.000000e+00 : f32
      %eq3A_1490 = vector.broadcast %eq3A_1489 : f32 to vector<1x512xf32>
      %eq3A_1491 = arith.cmpf oeq, %dot_general3A_1488, %eq3A_1490 : vector<1x512xf32>
      %convert_element_type3A_1492 = arith.extui %eq3A_1491 : vector<1x512xi1> to vector<1x512xi32>
      %convert_element_type3A_1493 = arith.sitofp %convert_element_type3A_1492 : vector<1x512xi32> to vector<1x512xf32>
      %ne3A = arith.cmpf one, %convert_element_type3A_1493, %convert_element_type3A_1485 : vector<1x512xf32>
      %reduce_or3A = arith.constant 1.000000e+00 : f32
      %reduce_or3A_1494 = arith.constant 0.000000e+00 : f32
      %reduce_or3A_1495 = vector.broadcast %reduce_or3A : f32 to vector<1x512xf32>
      %reduce_or3A_1496 = vector.broadcast %reduce_or3A_1494 : f32 to vector<1x512xf32>
      %reduce_or3A_1497 = arith.select %ne3A, %reduce_or3A_1495, %reduce_or3A_1496 : vector<1x512xi1>, vector<1x512xf32>
      %reduce_or3A_1498 = vector.shape_cast %reduce_or3A_1497 : vector<1x512xf32> to vector<1x1x512xf32>
      %reduce_or3A_1499 = arith.constant dense<0xFF800000> : vector<1xf32>
      %reduce_or3A_1500 = vector.multi_reduction <maximumf>, %reduce_or3A_1498, %reduce_or3A_1499 [1, 2] : vector<1x1x512xf32> to vector<1xf32>
      %reduce_or3A_1501 = vector.shape_cast %reduce_or3A_1500 : vector<1xf32> to vector<1x1x1xf32>
      %reduce_or3A_1502 = vector.extract %reduce_or3A_1501[0, 0, 0] : f32 from vector<1x1x1xf32>
      %reduce_or3A_1503 = arith.constant 0.000000e+00 : f32
      %reduce_or3A_1504 = arith.cmpf ogt, %reduce_or3A_1502, %reduce_or3A_1503 : f32
      scf.yield %convert_element_type3A_1493, %reduce_or3A_1504 : vector<1x512xf32>, i1
    }
    %mul3A_294 = arith.mulf %while3A_293#0, %convert_element_type3A_248 : vector<1x512xf32>
    %swap3A_295 = arith.constant 2 : index
    %swap3A_296 = arith.constant 0 : index
    %swap3A_297 = vector.load %arg3[%swap3A_295, %swap3A_296] : memref<10x512xf32, #tpu.memory_space<vmem>>, vector<1x512xf32>
    tpu.vector_store %arg3[%swap3A_295, %swap3A_296], %mul3A_294 {strides = array<i32>} : memref<10x512xf32, #tpu.memory_space<vmem>>, vector<1x512xf32>,
    %get3A_298 = arith.constant 1536 : index
    %get3A_299 = arith.constant 0 : index
    %get3A_300 = vector.load %arg1[%get3A_298, %get3A_299] : memref<5120x16xf32, #tpu.memory_space<vmem>>, vector<512x1xf32>
    %get3A_301 = arith.constant 1536 : index
    %get3A_302 = arith.constant 1 : index
    %get3A_303 = vector.load %arg1[%get3A_301, %get3A_302] : memref<5120x16xf32, #tpu.memory_space<vmem>>, vector<512x1xf32>
    %get3A_304 = arith.constant 1536 : index
    %get3A_305 = arith.constant 2 : index
    %get3A_306 = vector.load %arg1[%get3A_304, %get3A_305] : memref<5120x16xf32, #tpu.memory_space<vmem>>, vector<512x1xf32>
    %get3A_307 = arith.constant 1536 : index
    %get3A_308 = arith.constant 3 : index
    %get3A_309 = vector.load %arg1[%get3A_307, %get3A_308] : memref<5120x16xf32, #tpu.memory_space<vmem>>, vector<512x1xf32>
    %get3A_310 = arith.constant 0 : index
    %get3A_311 = arith.constant 1536 : index
    %get3A_312 = vector.load %arg0[%get3A_310, %get3A_311] : memref<4x5120xf32, #tpu.memory_space<vmem>>, vector<1x512xf32>
    %get3A_313 = arith.constant 1 : index
    %get3A_314 = arith.constant 1536 : index
    %get3A_315 = vector.load %arg0[%get3A_313, %get3A_314] : memref<4x5120xf32, #tpu.memory_space<vmem>>, vector<1x512xf32>
    %get3A_316 = arith.constant 2 : index
    %get3A_317 = arith.constant 1536 : index
    %get3A_318 = vector.load %arg0[%get3A_316, %get3A_317] : memref<4x5120xf32, #tpu.memory_space<vmem>>, vector<1x512xf32>
    %get3A_319 = arith.constant 3 : index
    %get3A_320 = arith.constant 1536 : index
    %get3A_321 = vector.load %arg0[%get3A_319, %get3A_320] : memref<4x5120xf32, #tpu.memory_space<vmem>>, vector<1x512xf32>
    %broadcast_in_dim3A_322 = arith.constant 0.000000e+00 : f32
    %broadcast_in_dim3A_323 = vector.broadcast %broadcast_in_dim3A_322 : f32 to vector<1x512xf32>
    %scan3A_324 = arith.constant 0 : i32
    %scan3A_325 = arith.constant 3 : i32
    %scan3A_326 = arith.addi %scan3A_324, %scan3A_325 : i32
    %scan3A_327 = arith.constant 1 : i32
    %scan3A_328 = scf.for %scan3A_1476 = %scan3A_324 to %scan3A_326 step %scan3A_327 iter_args(%scan3A_1477 = %broadcast_in_dim3A_323) -> (vector<1x512xf32>)  : i32 {
      %mul3A_1478 = arith.constant 512 : i32
      %mul3A_1479 = arith.muli %scan3A_1476, %mul3A_1478 : i32
      %get3A_1480 = arith.index_cast %mul3A_1479 : i32 to index
      %get3A_1481 = arith.constant 0 : index
      %get3A_1482 = vector.load %arg1[%get3A_1480, %get3A_1481] : memref<5120x16xf32, #tpu.memory_space<vmem>>, vector<512x1xf32>
      %get3A_1483 = arith.index_cast %mul3A_1479 : i32 to index
      %get3A_1484 = arith.constant 1 : index
      %get3A_1485 = vector.load %arg1[%get3A_1483, %get3A_1484] : memref<5120x16xf32, #tpu.memory_space<vmem>>, vector<512x1xf32>
      %get3A_1486 = arith.index_cast %mul3A_1479 : i32 to index
      %get3A_1487 = arith.constant 2 : index
      %get3A_1488 = vector.load %arg1[%get3A_1486, %get3A_1487] : memref<5120x16xf32, #tpu.memory_space<vmem>>, vector<512x1xf32>
      %get3A_1489 = arith.index_cast %mul3A_1479 : i32 to index
      %get3A_1490 = arith.constant 3 : index
      %get3A_1491 = vector.load %arg1[%get3A_1489, %get3A_1490] : memref<5120x16xf32, #tpu.memory_space<vmem>>, vector<512x1xf32>
      %sub3A_1492 = arith.subf %get3A_1488, %get3A_1482 : vector<512x1xf32>
      %sub3A_1493 = arith.subf %get3A_1491, %get3A_1485 : vector<512x1xf32>
      %mul3A_1494 = arith.mulf %sub3A_1492, %sub3A_1493 : vector<512x1xf32>
      %sub3A_1495 = arith.subf %get3A_318, %get3A_312 : vector<1x512xf32>
      %sub3A_1496 = arith.subf %get3A_321, %get3A_315 : vector<1x512xf32>
      %mul3A_1497 = arith.mulf %sub3A_1495, %sub3A_1496 : vector<1x512xf32>
      %max3A_1498 = vector.broadcast %get3A_1482 : vector<512x1xf32> to vector<512x512xf32>
      %max3A_1499 = vector.broadcast %get3A_312 : vector<1x512xf32> to vector<512x512xf32>
      %max3A_1500 = arith.maximumf %max3A_1498, %max3A_1499 : vector<512x512xf32>
      %max3A_1501 = vector.broadcast %get3A_1485 : vector<512x1xf32> to vector<512x512xf32>
      %max3A_1502 = vector.broadcast %get3A_315 : vector<1x512xf32> to vector<512x512xf32>
      %max3A_1503 = arith.maximumf %max3A_1501, %max3A_1502 : vector<512x512xf32>
      %min3A_1504 = vector.broadcast %get3A_1488 : vector<512x1xf32> to vector<512x512xf32>
      %min3A_1505 = vector.broadcast %get3A_318 : vector<1x512xf32> to vector<512x512xf32>
      %min3A_1506 = arith.minimumf %min3A_1504, %min3A_1505 : vector<512x512xf32>
      %min3A_1507 = vector.broadcast %get3A_1491 : vector<512x1xf32> to vector<512x512xf32>
      %min3A_1508 = vector.broadcast %get3A_321 : vector<1x512xf32> to vector<512x512xf32>
      %min3A_1509 = arith.minimumf %min3A_1507, %min3A_1508 : vector<512x512xf32>
      %sub3A_1510 = arith.subf %min3A_1506, %max3A_1500 : vector<512x512xf32>
      %max3A_1511 = arith.constant 0.000000e+00 : f32
      %max3A_1512 = vector.broadcast %max3A_1511 : f32 to vector<512x512xf32>
      %max3A_1513 = arith.maximumf %sub3A_1510, %max3A_1512 : vector<512x512xf32>
      %sub3A_1514 = arith.subf %min3A_1509, %max3A_1503 : vector<512x512xf32>
      %max3A_1515 = arith.constant 0.000000e+00 : f32
      %max3A_1516 = vector.broadcast %max3A_1515 : f32 to vector<512x512xf32>
      %max3A_1517 = arith.maximumf %sub3A_1514, %max3A_1516 : vector<512x512xf32>
      %mul3A_1518 = arith.mulf %max3A_1513, %max3A_1517 : vector<512x512xf32>
      %add3A_1519 = vector.broadcast %mul3A_1494 : vector<512x1xf32> to vector<512x512xf32>
      %add3A_1520 = vector.broadcast %mul3A_1497 : vector<1x512xf32> to vector<512x512xf32>
      %add3A_1521 = arith.addf %add3A_1519, %add3A_1520 : vector<512x512xf32>
      %sub3A_1522 = arith.subf %add3A_1521, %mul3A_1518 : vector<512x512xf32>
      %add3A_1523 = arith.constant 9.99999971E-10 : f32
      %add3A_1524 = vector.broadcast %add3A_1523 : f32 to vector<512x512xf32>
      %add3A_1525 = arith.addf %sub3A_1522, %add3A_1524 : vector<512x512xf32>
      %div3A_1526 = arith.divf %mul3A_1518, %add3A_1525 : vector<512x512xf32>
      %gt3A_1527 = arith.constant 5.000000e-01 : f32
      %gt3A_1528 = vector.broadcast %gt3A_1527 : f32 to vector<512x512xf32>
      %gt3A_1529 = arith.cmpf ogt, %div3A_1526, %gt3A_1528 : vector<512x512xf32>
      %convert_element_type3A_1530 = arith.extui %gt3A_1529 : vector<512x512xi1> to vector<512x512xi32>
      %convert_element_type3A_1531 = arith.sitofp %convert_element_type3A_1530 : vector<512x512xi32> to vector<512x512xf32>
      %get3A_1532 = arith.index_cast %scan3A_1476 : i32 to index
      %get3A_1533 = arith.constant 0 : index
      %get3A_1534 = vector.load %arg3[%get3A_1532, %get3A_1533] : memref<10x512xf32, #tpu.memory_space<vmem>>, vector<1x512xf32>
      %dot_general3A_1535 = arith.constant dense<0.000000e+00> : vector<1x512xf32>
      %dot_general3A_1536 = tpu.matmul %get3A_1534, %convert_element_type3A_1531, %dot_general3A_1535 {dimension_numbers = #tpu.dot_dimension_numbers<[1], [0], [0], [1], [0, 0, 1, 1], [], []>, transpose_lhs_hint = false} : vector<1x512xf32>, vector<512x512xf32>, vector<1x512xf32> -> vector<1x512xf32>
      %add3A_1537 = arith.addf %scan3A_1477, %dot_general3A_1536 : vector<1x512xf32>
      scf.yield %add3A_1537 : vector<1x512xf32>
    }
    %scan3A_329 = arith.constant 3 : i32
    %eq3A_330 = arith.constant 0.000000e+00 : f32
    %eq3A_331 = vector.broadcast %eq3A_330 : f32 to vector<1x512xf32>
    %eq3A_332 = arith.cmpf oeq, %scan3A_328, %eq3A_331 : vector<1x512xf32>
    %convert_element_type3A_333 = arith.extui %eq3A_332 : vector<1x512xi1> to vector<1x512xi32>
    %convert_element_type3A_334 = arith.sitofp %convert_element_type3A_333 : vector<1x512xi32> to vector<1x512xf32>
    %sub3A_335 = arith.subf %get3A_306, %get3A_300 : vector<512x1xf32>
    %sub3A_336 = arith.subf %get3A_309, %get3A_303 : vector<512x1xf32>
    %mul3A_337 = arith.mulf %sub3A_335, %sub3A_336 : vector<512x1xf32>
    %sub3A_338 = arith.subf %get3A_318, %get3A_312 : vector<1x512xf32>
    %sub3A_339 = arith.subf %get3A_321, %get3A_315 : vector<1x512xf32>
    %mul3A_340 = arith.mulf %sub3A_338, %sub3A_339 : vector<1x512xf32>
    %max3A_341 = vector.broadcast %get3A_300 : vector<512x1xf32> to vector<512x512xf32>
    %max3A_342 = vector.broadcast %get3A_312 : vector<1x512xf32> to vector<512x512xf32>
    %max3A_343 = arith.maximumf %max3A_341, %max3A_342 : vector<512x512xf32>
    %max3A_344 = vector.broadcast %get3A_303 : vector<512x1xf32> to vector<512x512xf32>
    %max3A_345 = vector.broadcast %get3A_315 : vector<1x512xf32> to vector<512x512xf32>
    %max3A_346 = arith.maximumf %max3A_344, %max3A_345 : vector<512x512xf32>
    %min3A_347 = vector.broadcast %get3A_306 : vector<512x1xf32> to vector<512x512xf32>
    %min3A_348 = vector.broadcast %get3A_318 : vector<1x512xf32> to vector<512x512xf32>
    %min3A_349 = arith.minimumf %min3A_347, %min3A_348 : vector<512x512xf32>
    %min3A_350 = vector.broadcast %get3A_309 : vector<512x1xf32> to vector<512x512xf32>
    %min3A_351 = vector.broadcast %get3A_321 : vector<1x512xf32> to vector<512x512xf32>
    %min3A_352 = arith.minimumf %min3A_350, %min3A_351 : vector<512x512xf32>
    %sub3A_353 = arith.subf %min3A_349, %max3A_343 : vector<512x512xf32>
    %max3A_354 = arith.constant 0.000000e+00 : f32
    %max3A_355 = vector.broadcast %max3A_354 : f32 to vector<512x512xf32>
    %max3A_356 = arith.maximumf %sub3A_353, %max3A_355 : vector<512x512xf32>
    %sub3A_357 = arith.subf %min3A_352, %max3A_346 : vector<512x512xf32>
    %max3A_358 = arith.constant 0.000000e+00 : f32
    %max3A_359 = vector.broadcast %max3A_358 : f32 to vector<512x512xf32>
    %max3A_360 = arith.maximumf %sub3A_357, %max3A_359 : vector<512x512xf32>
    %mul3A_361 = arith.mulf %max3A_356, %max3A_360 : vector<512x512xf32>
    %add3A_362 = vector.broadcast %mul3A_337 : vector<512x1xf32> to vector<512x512xf32>
    %add3A_363 = vector.broadcast %mul3A_340 : vector<1x512xf32> to vector<512x512xf32>
    %add3A_364 = arith.addf %add3A_362, %add3A_363 : vector<512x512xf32>
    %sub3A_365 = arith.subf %add3A_364, %mul3A_361 : vector<512x512xf32>
    %add3A_366 = arith.constant 9.99999971E-10 : f32
    %add3A_367 = vector.broadcast %add3A_366 : f32 to vector<512x512xf32>
    %add3A_368 = arith.addf %sub3A_365, %add3A_367 : vector<512x512xf32>
    %div3A_369 = arith.divf %mul3A_361, %add3A_368 : vector<512x512xf32>
    %gt3A_370 = arith.constant 5.000000e-01 : f32
    %gt3A_371 = vector.broadcast %gt3A_370 : f32 to vector<512x512xf32>
    %gt3A_372 = arith.cmpf ogt, %div3A_369, %gt3A_371 : vector<512x512xf32>
    %convert_element_type3A_373 = arith.extui %gt3A_372 : vector<512x512xi1> to vector<512x512xi32>
    %convert_element_type3A_374 = arith.sitofp %convert_element_type3A_373 : vector<512x512xi32> to vector<512x512xf32>
    %mul3A_375 = arith.mulf %convert_element_type3A_374, %convert_element_type3A_1 : vector<512x512xf32>
    %broadcast_in_dim3A_376 = arith.constant 1.000000e+00 : f32
    %broadcast_in_dim3A_377 = vector.broadcast %broadcast_in_dim3A_376 : f32 to vector<1x512xf32>
    %while3A_378 = arith.constant true
    %while3A_379:2 = scf.while (%while3A_1476 = %broadcast_in_dim3A_377, %while3A_1477 = %while3A_378) : (vector<1x512xf32>, i1) -> (vector<1x512xf32>, i1) {
      scf.condition(%while3A_1477) %while3A_1476, %while3A_1477 : vector<1x512xf32>, i1
    } do {
    ^bb0(%while3A_1476: vector<1x512xf32>, %while3A_1477: i1):
      %mul3A_1478 = arith.mulf %while3A_1476, %convert_element_type3A_334 : vector<1x512xf32>
      %dot_general3A_1479 = arith.constant dense<0.000000e+00> : vector<1x512xf32>
      %dot_general3A_1480 = tpu.matmul %mul3A_1478, %mul3A_375, %dot_general3A_1479 {dimension_numbers = #tpu.dot_dimension_numbers<[1], [0], [0], [1], [0, 0, 1, 1], [], []>, transpose_lhs_hint = false} : vector<1x512xf32>, vector<512x512xf32>, vector<1x512xf32> -> vector<1x512xf32>
      %eq3A_1481 = arith.constant 0.000000e+00 : f32
      %eq3A_1482 = vector.broadcast %eq3A_1481 : f32 to vector<1x512xf32>
      %eq3A_1483 = arith.cmpf oeq, %dot_general3A_1480, %eq3A_1482 : vector<1x512xf32>
      %convert_element_type3A_1484 = arith.extui %eq3A_1483 : vector<1x512xi1> to vector<1x512xi32>
      %convert_element_type3A_1485 = arith.sitofp %convert_element_type3A_1484 : vector<1x512xi32> to vector<1x512xf32>
      %mul3A_1486 = arith.mulf %convert_element_type3A_1485, %convert_element_type3A_334 : vector<1x512xf32>
      %dot_general3A_1487 = arith.constant dense<0.000000e+00> : vector<1x512xf32>
      %dot_general3A_1488 = tpu.matmul %mul3A_1486, %mul3A_375, %dot_general3A_1487 {dimension_numbers = #tpu.dot_dimension_numbers<[1], [0], [0], [1], [0, 0, 1, 1], [], []>, transpose_lhs_hint = false} : vector<1x512xf32>, vector<512x512xf32>, vector<1x512xf32> -> vector<1x512xf32>
      %eq3A_1489 = arith.constant 0.000000e+00 : f32
      %eq3A_1490 = vector.broadcast %eq3A_1489 : f32 to vector<1x512xf32>
      %eq3A_1491 = arith.cmpf oeq, %dot_general3A_1488, %eq3A_1490 : vector<1x512xf32>
      %convert_element_type3A_1492 = arith.extui %eq3A_1491 : vector<1x512xi1> to vector<1x512xi32>
      %convert_element_type3A_1493 = arith.sitofp %convert_element_type3A_1492 : vector<1x512xi32> to vector<1x512xf32>
      %ne3A = arith.cmpf one, %convert_element_type3A_1493, %convert_element_type3A_1485 : vector<1x512xf32>
      %reduce_or3A = arith.constant 1.000000e+00 : f32
      %reduce_or3A_1494 = arith.constant 0.000000e+00 : f32
      %reduce_or3A_1495 = vector.broadcast %reduce_or3A : f32 to vector<1x512xf32>
      %reduce_or3A_1496 = vector.broadcast %reduce_or3A_1494 : f32 to vector<1x512xf32>
      %reduce_or3A_1497 = arith.select %ne3A, %reduce_or3A_1495, %reduce_or3A_1496 : vector<1x512xi1>, vector<1x512xf32>
      %reduce_or3A_1498 = vector.shape_cast %reduce_or3A_1497 : vector<1x512xf32> to vector<1x1x512xf32>
      %reduce_or3A_1499 = arith.constant dense<0xFF800000> : vector<1xf32>
      %reduce_or3A_1500 = vector.multi_reduction <maximumf>, %reduce_or3A_1498, %reduce_or3A_1499 [1, 2] : vector<1x1x512xf32> to vector<1xf32>
      %reduce_or3A_1501 = vector.shape_cast %reduce_or3A_1500 : vector<1xf32> to vector<1x1x1xf32>
      %reduce_or3A_1502 = vector.extract %reduce_or3A_1501[0, 0, 0] : f32 from vector<1x1x1xf32>
      %reduce_or3A_1503 = arith.constant 0.000000e+00 : f32
      %reduce_or3A_1504 = arith.cmpf ogt, %reduce_or3A_1502, %reduce_or3A_1503 : f32
      scf.yield %convert_element_type3A_1493, %reduce_or3A_1504 : vector<1x512xf32>, i1
    }
    %mul3A_380 = arith.mulf %while3A_379#0, %convert_element_type3A_334 : vector<1x512xf32>
    %swap3A_381 = arith.constant 3 : index
    %swap3A_382 = arith.constant 0 : index
    %swap3A_383 = vector.load %arg3[%swap3A_381, %swap3A_382] : memref<10x512xf32, #tpu.memory_space<vmem>>, vector<1x512xf32>
    tpu.vector_store %arg3[%swap3A_381, %swap3A_382], %mul3A_380 {strides = array<i32>} : memref<10x512xf32, #tpu.memory_space<vmem>>, vector<1x512xf32>,
    %get3A_384 = arith.constant 2048 : index
    %get3A_385 = arith.constant 0 : index
    %get3A_386 = vector.load %arg1[%get3A_384, %get3A_385] : memref<5120x16xf32, #tpu.memory_space<vmem>>, vector<512x1xf32>
    %get3A_387 = arith.constant 2048 : index
    %get3A_388 = arith.constant 1 : index
    %get3A_389 = vector.load %arg1[%get3A_387, %get3A_388] : memref<5120x16xf32, #tpu.memory_space<vmem>>, vector<512x1xf32>
    %get3A_390 = arith.constant 2048 : index
    %get3A_391 = arith.constant 2 : index
    %get3A_392 = vector.load %arg1[%get3A_390, %get3A_391] : memref<5120x16xf32, #tpu.memory_space<vmem>>, vector<512x1xf32>
    %get3A_393 = arith.constant 2048 : index
    %get3A_394 = arith.constant 3 : index
    %get3A_395 = vector.load %arg1[%get3A_393, %get3A_394] : memref<5120x16xf32, #tpu.memory_space<vmem>>, vector<512x1xf32>
    %get3A_396 = arith.constant 0 : index
    %get3A_397 = arith.constant 2048 : index
    %get3A_398 = vector.load %arg0[%get3A_396, %get3A_397] : memref<4x5120xf32, #tpu.memory_space<vmem>>, vector<1x512xf32>
    %get3A_399 = arith.constant 1 : index
    %get3A_400 = arith.constant 2048 : index
    %get3A_401 = vector.load %arg0[%get3A_399, %get3A_400] : memref<4x5120xf32, #tpu.memory_space<vmem>>, vector<1x512xf32>
    %get3A_402 = arith.constant 2 : index
    %get3A_403 = arith.constant 2048 : index
    %get3A_404 = vector.load %arg0[%get3A_402, %get3A_403] : memref<4x5120xf32, #tpu.memory_space<vmem>>, vector<1x512xf32>
    %get3A_405 = arith.constant 3 : index
    %get3A_406 = arith.constant 2048 : index
    %get3A_407 = vector.load %arg0[%get3A_405, %get3A_406] : memref<4x5120xf32, #tpu.memory_space<vmem>>, vector<1x512xf32>
    %broadcast_in_dim3A_408 = arith.constant 0.000000e+00 : f32
    %broadcast_in_dim3A_409 = vector.broadcast %broadcast_in_dim3A_408 : f32 to vector<1x512xf32>
    %scan3A_410 = arith.constant 0 : i32
    %scan3A_411 = arith.constant 4 : i32
    %scan3A_412 = arith.addi %scan3A_410, %scan3A_411 : i32
    %scan3A_413 = arith.constant 1 : i32
    %scan3A_414 = scf.for %scan3A_1476 = %scan3A_410 to %scan3A_412 step %scan3A_413 iter_args(%scan3A_1477 = %broadcast_in_dim3A_409) -> (vector<1x512xf32>)  : i32 {
      %mul3A_1478 = arith.constant 512 : i32
      %mul3A_1479 = arith.muli %scan3A_1476, %mul3A_1478 : i32
      %get3A_1480 = arith.index_cast %mul3A_1479 : i32 to index
      %get3A_1481 = arith.constant 0 : index
      %get3A_1482 = vector.load %arg1[%get3A_1480, %get3A_1481] : memref<5120x16xf32, #tpu.memory_space<vmem>>, vector<512x1xf32>
      %get3A_1483 = arith.index_cast %mul3A_1479 : i32 to index
      %get3A_1484 = arith.constant 1 : index
      %get3A_1485 = vector.load %arg1[%get3A_1483, %get3A_1484] : memref<5120x16xf32, #tpu.memory_space<vmem>>, vector<512x1xf32>
      %get3A_1486 = arith.index_cast %mul3A_1479 : i32 to index
      %get3A_1487 = arith.constant 2 : index
      %get3A_1488 = vector.load %arg1[%get3A_1486, %get3A_1487] : memref<5120x16xf32, #tpu.memory_space<vmem>>, vector<512x1xf32>
      %get3A_1489 = arith.index_cast %mul3A_1479 : i32 to index
      %get3A_1490 = arith.constant 3 : index
      %get3A_1491 = vector.load %arg1[%get3A_1489, %get3A_1490] : memref<5120x16xf32, #tpu.memory_space<vmem>>, vector<512x1xf32>
      %sub3A_1492 = arith.subf %get3A_1488, %get3A_1482 : vector<512x1xf32>
      %sub3A_1493 = arith.subf %get3A_1491, %get3A_1485 : vector<512x1xf32>
      %mul3A_1494 = arith.mulf %sub3A_1492, %sub3A_1493 : vector<512x1xf32>
      %sub3A_1495 = arith.subf %get3A_404, %get3A_398 : vector<1x512xf32>
      %sub3A_1496 = arith.subf %get3A_407, %get3A_401 : vector<1x512xf32>
      %mul3A_1497 = arith.mulf %sub3A_1495, %sub3A_1496 : vector<1x512xf32>
      %max3A_1498 = vector.broadcast %get3A_1482 : vector<512x1xf32> to vector<512x512xf32>
      %max3A_1499 = vector.broadcast %get3A_398 : vector<1x512xf32> to vector<512x512xf32>
      %max3A_1500 = arith.maximumf %max3A_1498, %max3A_1499 : vector<512x512xf32>
      %max3A_1501 = vector.broadcast %get3A_1485 : vector<512x1xf32> to vector<512x512xf32>
      %max3A_1502 = vector.broadcast %get3A_401 : vector<1x512xf32> to vector<512x512xf32>
      %max3A_1503 = arith.maximumf %max3A_1501, %max3A_1502 : vector<512x512xf32>
      %min3A_1504 = vector.broadcast %get3A_1488 : vector<512x1xf32> to vector<512x512xf32>
      %min3A_1505 = vector.broadcast %get3A_404 : vector<1x512xf32> to vector<512x512xf32>
      %min3A_1506 = arith.minimumf %min3A_1504, %min3A_1505 : vector<512x512xf32>
      %min3A_1507 = vector.broadcast %get3A_1491 : vector<512x1xf32> to vector<512x512xf32>
      %min3A_1508 = vector.broadcast %get3A_407 : vector<1x512xf32> to vector<512x512xf32>
      %min3A_1509 = arith.minimumf %min3A_1507, %min3A_1508 : vector<512x512xf32>
      %sub3A_1510 = arith.subf %min3A_1506, %max3A_1500 : vector<512x512xf32>
      %max3A_1511 = arith.constant 0.000000e+00 : f32
      %max3A_1512 = vector.broadcast %max3A_1511 : f32 to vector<512x512xf32>
      %max3A_1513 = arith.maximumf %sub3A_1510, %max3A_1512 : vector<512x512xf32>
      %sub3A_1514 = arith.subf %min3A_1509, %max3A_1503 : vector<512x512xf32>
      %max3A_1515 = arith.constant 0.000000e+00 : f32
      %max3A_1516 = vector.broadcast %max3A_1515 : f32 to vector<512x512xf32>
      %max3A_1517 = arith.maximumf %sub3A_1514, %max3A_1516 : vector<512x512xf32>
      %mul3A_1518 = arith.mulf %max3A_1513, %max3A_1517 : vector<512x512xf32>
      %add3A_1519 = vector.broadcast %mul3A_1494 : vector<512x1xf32> to vector<512x512xf32>
      %add3A_1520 = vector.broadcast %mul3A_1497 : vector<1x512xf32> to vector<512x512xf32>
      %add3A_1521 = arith.addf %add3A_1519, %add3A_1520 : vector<512x512xf32>
      %sub3A_1522 = arith.subf %add3A_1521, %mul3A_1518 : vector<512x512xf32>
      %add3A_1523 = arith.constant 9.99999971E-10 : f32
      %add3A_1524 = vector.broadcast %add3A_1523 : f32 to vector<512x512xf32>
      %add3A_1525 = arith.addf %sub3A_1522, %add3A_1524 : vector<512x512xf32>
      %div3A_1526 = arith.divf %mul3A_1518, %add3A_1525 : vector<512x512xf32>
      %gt3A_1527 = arith.constant 5.000000e-01 : f32
      %gt3A_1528 = vector.broadcast %gt3A_1527 : f32 to vector<512x512xf32>
      %gt3A_1529 = arith.cmpf ogt, %div3A_1526, %gt3A_1528 : vector<512x512xf32>
      %convert_element_type3A_1530 = arith.extui %gt3A_1529 : vector<512x512xi1> to vector<512x512xi32>
      %convert_element_type3A_1531 = arith.sitofp %convert_element_type3A_1530 : vector<512x512xi32> to vector<512x512xf32>
      %get3A_1532 = arith.index_cast %scan3A_1476 : i32 to index
      %get3A_1533 = arith.constant 0 : index
      %get3A_1534 = vector.load %arg3[%get3A_1532, %get3A_1533] : memref<10x512xf32, #tpu.memory_space<vmem>>, vector<1x512xf32>
      %dot_general3A_1535 = arith.constant dense<0.000000e+00> : vector<1x512xf32>
      %dot_general3A_1536 = tpu.matmul %get3A_1534, %convert_element_type3A_1531, %dot_general3A_1535 {dimension_numbers = #tpu.dot_dimension_numbers<[1], [0], [0], [1], [0, 0, 1, 1], [], []>, transpose_lhs_hint = false} : vector<1x512xf32>, vector<512x512xf32>, vector<1x512xf32> -> vector<1x512xf32>
      %add3A_1537 = arith.addf %scan3A_1477, %dot_general3A_1536 : vector<1x512xf32>
      scf.yield %add3A_1537 : vector<1x512xf32>
    }
    %scan3A_415 = arith.constant 4 : i32
    %eq3A_416 = arith.constant 0.000000e+00 : f32
    %eq3A_417 = vector.broadcast %eq3A_416 : f32 to vector<1x512xf32>
    %eq3A_418 = arith.cmpf oeq, %scan3A_414, %eq3A_417 : vector<1x512xf32>
    %convert_element_type3A_419 = arith.extui %eq3A_418 : vector<1x512xi1> to vector<1x512xi32>
    %convert_element_type3A_420 = arith.sitofp %convert_element_type3A_419 : vector<1x512xi32> to vector<1x512xf32>
    %sub3A_421 = arith.subf %get3A_392, %get3A_386 : vector<512x1xf32>
    %sub3A_422 = arith.subf %get3A_395, %get3A_389 : vector<512x1xf32>
    %mul3A_423 = arith.mulf %sub3A_421, %sub3A_422 : vector<512x1xf32>
    %sub3A_424 = arith.subf %get3A_404, %get3A_398 : vector<1x512xf32>
    %sub3A_425 = arith.subf %get3A_407, %get3A_401 : vector<1x512xf32>
    %mul3A_426 = arith.mulf %sub3A_424, %sub3A_425 : vector<1x512xf32>
    %max3A_427 = vector.broadcast %get3A_386 : vector<512x1xf32> to vector<512x512xf32>
    %max3A_428 = vector.broadcast %get3A_398 : vector<1x512xf32> to vector<512x512xf32>
    %max3A_429 = arith.maximumf %max3A_427, %max3A_428 : vector<512x512xf32>
    %max3A_430 = vector.broadcast %get3A_389 : vector<512x1xf32> to vector<512x512xf32>
    %max3A_431 = vector.broadcast %get3A_401 : vector<1x512xf32> to vector<512x512xf32>
    %max3A_432 = arith.maximumf %max3A_430, %max3A_431 : vector<512x512xf32>
    %min3A_433 = vector.broadcast %get3A_392 : vector<512x1xf32> to vector<512x512xf32>
    %min3A_434 = vector.broadcast %get3A_404 : vector<1x512xf32> to vector<512x512xf32>
    %min3A_435 = arith.minimumf %min3A_433, %min3A_434 : vector<512x512xf32>
    %min3A_436 = vector.broadcast %get3A_395 : vector<512x1xf32> to vector<512x512xf32>
    %min3A_437 = vector.broadcast %get3A_407 : vector<1x512xf32> to vector<512x512xf32>
    %min3A_438 = arith.minimumf %min3A_436, %min3A_437 : vector<512x512xf32>
    %sub3A_439 = arith.subf %min3A_435, %max3A_429 : vector<512x512xf32>
    %max3A_440 = arith.constant 0.000000e+00 : f32
    %max3A_441 = vector.broadcast %max3A_440 : f32 to vector<512x512xf32>
    %max3A_442 = arith.maximumf %sub3A_439, %max3A_441 : vector<512x512xf32>
    %sub3A_443 = arith.subf %min3A_438, %max3A_432 : vector<512x512xf32>
    %max3A_444 = arith.constant 0.000000e+00 : f32
    %max3A_445 = vector.broadcast %max3A_444 : f32 to vector<512x512xf32>
    %max3A_446 = arith.maximumf %sub3A_443, %max3A_445 : vector<512x512xf32>
    %mul3A_447 = arith.mulf %max3A_442, %max3A_446 : vector<512x512xf32>
    %add3A_448 = vector.broadcast %mul3A_423 : vector<512x1xf32> to vector<512x512xf32>
    %add3A_449 = vector.broadcast %mul3A_426 : vector<1x512xf32> to vector<512x512xf32>
    %add3A_450 = arith.addf %add3A_448, %add3A_449 : vector<512x512xf32>
    %sub3A_451 = arith.subf %add3A_450, %mul3A_447 : vector<512x512xf32>
    %add3A_452 = arith.constant 9.99999971E-10 : f32
    %add3A_453 = vector.broadcast %add3A_452 : f32 to vector<512x512xf32>
    %add3A_454 = arith.addf %sub3A_451, %add3A_453 : vector<512x512xf32>
    %div3A_455 = arith.divf %mul3A_447, %add3A_454 : vector<512x512xf32>
    %gt3A_456 = arith.constant 5.000000e-01 : f32
    %gt3A_457 = vector.broadcast %gt3A_456 : f32 to vector<512x512xf32>
    %gt3A_458 = arith.cmpf ogt, %div3A_455, %gt3A_457 : vector<512x512xf32>
    %convert_element_type3A_459 = arith.extui %gt3A_458 : vector<512x512xi1> to vector<512x512xi32>
    %convert_element_type3A_460 = arith.sitofp %convert_element_type3A_459 : vector<512x512xi32> to vector<512x512xf32>
    %mul3A_461 = arith.mulf %convert_element_type3A_460, %convert_element_type3A_1 : vector<512x512xf32>
    %broadcast_in_dim3A_462 = arith.constant 1.000000e+00 : f32
    %broadcast_in_dim3A_463 = vector.broadcast %broadcast_in_dim3A_462 : f32 to vector<1x512xf32>
    %while3A_464 = arith.constant true
    %while3A_465:2 = scf.while (%while3A_1476 = %broadcast_in_dim3A_463, %while3A_1477 = %while3A_464) : (vector<1x512xf32>, i1) -> (vector<1x512xf32>, i1) {
      scf.condition(%while3A_1477) %while3A_1476, %while3A_1477 : vector<1x512xf32>, i1
    } do {
    ^bb0(%while3A_1476: vector<1x512xf32>, %while3A_1477: i1):
      %mul3A_1478 = arith.mulf %while3A_1476, %convert_element_type3A_420 : vector<1x512xf32>
      %dot_general3A_1479 = arith.constant dense<0.000000e+00> : vector<1x512xf32>
      %dot_general3A_1480 = tpu.matmul %mul3A_1478, %mul3A_461, %dot_general3A_1479 {dimension_numbers = #tpu.dot_dimension_numbers<[1], [0], [0], [1], [0, 0, 1, 1], [], []>, transpose_lhs_hint = false} : vector<1x512xf32>, vector<512x512xf32>, vector<1x512xf32> -> vector<1x512xf32>
      %eq3A_1481 = arith.constant 0.000000e+00 : f32
      %eq3A_1482 = vector.broadcast %eq3A_1481 : f32 to vector<1x512xf32>
      %eq3A_1483 = arith.cmpf oeq, %dot_general3A_1480, %eq3A_1482 : vector<1x512xf32>
      %convert_element_type3A_1484 = arith.extui %eq3A_1483 : vector<1x512xi1> to vector<1x512xi32>
      %convert_element_type3A_1485 = arith.sitofp %convert_element_type3A_1484 : vector<1x512xi32> to vector<1x512xf32>
      %mul3A_1486 = arith.mulf %convert_element_type3A_1485, %convert_element_type3A_420 : vector<1x512xf32>
      %dot_general3A_1487 = arith.constant dense<0.000000e+00> : vector<1x512xf32>
      %dot_general3A_1488 = tpu.matmul %mul3A_1486, %mul3A_461, %dot_general3A_1487 {dimension_numbers = #tpu.dot_dimension_numbers<[1], [0], [0], [1], [0, 0, 1, 1], [], []>, transpose_lhs_hint = false} : vector<1x512xf32>, vector<512x512xf32>, vector<1x512xf32> -> vector<1x512xf32>
      %eq3A_1489 = arith.constant 0.000000e+00 : f32
      %eq3A_1490 = vector.broadcast %eq3A_1489 : f32 to vector<1x512xf32>
      %eq3A_1491 = arith.cmpf oeq, %dot_general3A_1488, %eq3A_1490 : vector<1x512xf32>
      %convert_element_type3A_1492 = arith.extui %eq3A_1491 : vector<1x512xi1> to vector<1x512xi32>
      %convert_element_type3A_1493 = arith.sitofp %convert_element_type3A_1492 : vector<1x512xi32> to vector<1x512xf32>
      %ne3A = arith.cmpf one, %convert_element_type3A_1493, %convert_element_type3A_1485 : vector<1x512xf32>
      %reduce_or3A = arith.constant 1.000000e+00 : f32
      %reduce_or3A_1494 = arith.constant 0.000000e+00 : f32
      %reduce_or3A_1495 = vector.broadcast %reduce_or3A : f32 to vector<1x512xf32>
      %reduce_or3A_1496 = vector.broadcast %reduce_or3A_1494 : f32 to vector<1x512xf32>
      %reduce_or3A_1497 = arith.select %ne3A, %reduce_or3A_1495, %reduce_or3A_1496 : vector<1x512xi1>, vector<1x512xf32>
      %reduce_or3A_1498 = vector.shape_cast %reduce_or3A_1497 : vector<1x512xf32> to vector<1x1x512xf32>
      %reduce_or3A_1499 = arith.constant dense<0xFF800000> : vector<1xf32>
      %reduce_or3A_1500 = vector.multi_reduction <maximumf>, %reduce_or3A_1498, %reduce_or3A_1499 [1, 2] : vector<1x1x512xf32> to vector<1xf32>
      %reduce_or3A_1501 = vector.shape_cast %reduce_or3A_1500 : vector<1xf32> to vector<1x1x1xf32>
      %reduce_or3A_1502 = vector.extract %reduce_or3A_1501[0, 0, 0] : f32 from vector<1x1x1xf32>
      %reduce_or3A_1503 = arith.constant 0.000000e+00 : f32
      %reduce_or3A_1504 = arith.cmpf ogt, %reduce_or3A_1502, %reduce_or3A_1503 : f32
      scf.yield %convert_element_type3A_1493, %reduce_or3A_1504 : vector<1x512xf32>, i1
    }
    %mul3A_466 = arith.mulf %while3A_465#0, %convert_element_type3A_420 : vector<1x512xf32>
    %swap3A_467 = arith.constant 4 : index
    %swap3A_468 = arith.constant 0 : index
    %swap3A_469 = vector.load %arg3[%swap3A_467, %swap3A_468] : memref<10x512xf32, #tpu.memory_space<vmem>>, vector<1x512xf32>
    tpu.vector_store %arg3[%swap3A_467, %swap3A_468], %mul3A_466 {strides = array<i32>} : memref<10x512xf32, #tpu.memory_space<vmem>>, vector<1x512xf32>,
    %get3A_470 = arith.constant 2560 : index
    %get3A_471 = arith.constant 0 : index
    %get3A_472 = vector.load %arg1[%get3A_470, %get3A_471] : memref<5120x16xf32, #tpu.memory_space<vmem>>, vector<512x1xf32>
    %get3A_473 = arith.constant 2560 : index
    %get3A_474 = arith.constant 1 : index
    %get3A_475 = vector.load %arg1[%get3A_473, %get3A_474] : memref<5120x16xf32, #tpu.memory_space<vmem>>, vector<512x1xf32>
    %get3A_476 = arith.constant 2560 : index
    %get3A_477 = arith.constant 2 : index
    %get3A_478 = vector.load %arg1[%get3A_476, %get3A_477] : memref<5120x16xf32, #tpu.memory_space<vmem>>, vector<512x1xf32>
    %get3A_479 = arith.constant 2560 : index
    %get3A_480 = arith.constant 3 : index
    %get3A_481 = vector.load %arg1[%get3A_479, %get3A_480] : memref<5120x16xf32, #tpu.memory_space<vmem>>, vector<512x1xf32>
    %get3A_482 = arith.constant 0 : index
    %get3A_483 = arith.constant 2560 : index
    %get3A_484 = vector.load %arg0[%get3A_482, %get3A_483] : memref<4x5120xf32, #tpu.memory_space<vmem>>, vector<1x512xf32>
    %get3A_485 = arith.constant 1 : index
    %get3A_486 = arith.constant 2560 : index
    %get3A_487 = vector.load %arg0[%get3A_485, %get3A_486] : memref<4x5120xf32, #tpu.memory_space<vmem>>, vector<1x512xf32>
    %get3A_488 = arith.constant 2 : index
    %get3A_489 = arith.constant 2560 : index
    %get3A_490 = vector.load %arg0[%get3A_488, %get3A_489] : memref<4x5120xf32, #tpu.memory_space<vmem>>, vector<1x512xf32>
    %get3A_491 = arith.constant 3 : index
    %get3A_492 = arith.constant 2560 : index
    %get3A_493 = vector.load %arg0[%get3A_491, %get3A_492] : memref<4x5120xf32, #tpu.memory_space<vmem>>, vector<1x512xf32>
    %broadcast_in_dim3A_494 = arith.constant 0.000000e+00 : f32
    %broadcast_in_dim3A_495 = vector.broadcast %broadcast_in_dim3A_494 : f32 to vector<1x512xf32>
    %scan3A_496 = arith.constant 0 : i32
    %scan3A_497 = arith.constant 5 : i32
    %scan3A_498 = arith.addi %scan3A_496, %scan3A_497 : i32
    %scan3A_499 = arith.constant 1 : i32
    %scan3A_500 = scf.for %scan3A_1476 = %scan3A_496 to %scan3A_498 step %scan3A_499 iter_args(%scan3A_1477 = %broadcast_in_dim3A_495) -> (vector<1x512xf32>)  : i32 {
      %mul3A_1478 = arith.constant 512 : i32
      %mul3A_1479 = arith.muli %scan3A_1476, %mul3A_1478 : i32
      %get3A_1480 = arith.index_cast %mul3A_1479 : i32 to index
      %get3A_1481 = arith.constant 0 : index
      %get3A_1482 = vector.load %arg1[%get3A_1480, %get3A_1481] : memref<5120x16xf32, #tpu.memory_space<vmem>>, vector<512x1xf32>
      %get3A_1483 = arith.index_cast %mul3A_1479 : i32 to index
      %get3A_1484 = arith.constant 1 : index
      %get3A_1485 = vector.load %arg1[%get3A_1483, %get3A_1484] : memref<5120x16xf32, #tpu.memory_space<vmem>>, vector<512x1xf32>
      %get3A_1486 = arith.index_cast %mul3A_1479 : i32 to index
      %get3A_1487 = arith.constant 2 : index
      %get3A_1488 = vector.load %arg1[%get3A_1486, %get3A_1487] : memref<5120x16xf32, #tpu.memory_space<vmem>>, vector<512x1xf32>
      %get3A_1489 = arith.index_cast %mul3A_1479 : i32 to index
      %get3A_1490 = arith.constant 3 : index
      %get3A_1491 = vector.load %arg1[%get3A_1489, %get3A_1490] : memref<5120x16xf32, #tpu.memory_space<vmem>>, vector<512x1xf32>
      %sub3A_1492 = arith.subf %get3A_1488, %get3A_1482 : vector<512x1xf32>
      %sub3A_1493 = arith.subf %get3A_1491, %get3A_1485 : vector<512x1xf32>
      %mul3A_1494 = arith.mulf %sub3A_1492, %sub3A_1493 : vector<512x1xf32>
      %sub3A_1495 = arith.subf %get3A_490, %get3A_484 : vector<1x512xf32>
      %sub3A_1496 = arith.subf %get3A_493, %get3A_487 : vector<1x512xf32>
      %mul3A_1497 = arith.mulf %sub3A_1495, %sub3A_1496 : vector<1x512xf32>
      %max3A_1498 = vector.broadcast %get3A_1482 : vector<512x1xf32> to vector<512x512xf32>
      %max3A_1499 = vector.broadcast %get3A_484 : vector<1x512xf32> to vector<512x512xf32>
      %max3A_1500 = arith.maximumf %max3A_1498, %max3A_1499 : vector<512x512xf32>
      %max3A_1501 = vector.broadcast %get3A_1485 : vector<512x1xf32> to vector<512x512xf32>
      %max3A_1502 = vector.broadcast %get3A_487 : vector<1x512xf32> to vector<512x512xf32>
      %max3A_1503 = arith.maximumf %max3A_1501, %max3A_1502 : vector<512x512xf32>
      %min3A_1504 = vector.broadcast %get3A_1488 : vector<512x1xf32> to vector<512x512xf32>
      %min3A_1505 = vector.broadcast %get3A_490 : vector<1x512xf32> to vector<512x512xf32>
      %min3A_1506 = arith.minimumf %min3A_1504, %min3A_1505 : vector<512x512xf32>
      %min3A_1507 = vector.broadcast %get3A_1491 : vector<512x1xf32> to vector<512x512xf32>
      %min3A_1508 = vector.broadcast %get3A_493 : vector<1x512xf32> to vector<512x512xf32>
      %min3A_1509 = arith.minimumf %min3A_1507, %min3A_1508 : vector<512x512xf32>
      %sub3A_1510 = arith.subf %min3A_1506, %max3A_1500 : vector<512x512xf32>
      %max3A_1511 = arith.constant 0.000000e+00 : f32
      %max3A_1512 = vector.broadcast %max3A_1511 : f32 to vector<512x512xf32>
      %max3A_1513 = arith.maximumf %sub3A_1510, %max3A_1512 : vector<512x512xf32>
      %sub3A_1514 = arith.subf %min3A_1509, %max3A_1503 : vector<512x512xf32>
      %max3A_1515 = arith.constant 0.000000e+00 : f32
      %max3A_1516 = vector.broadcast %max3A_1515 : f32 to vector<512x512xf32>
      %max3A_1517 = arith.maximumf %sub3A_1514, %max3A_1516 : vector<512x512xf32>
      %mul3A_1518 = arith.mulf %max3A_1513, %max3A_1517 : vector<512x512xf32>
      %add3A_1519 = vector.broadcast %mul3A_1494 : vector<512x1xf32> to vector<512x512xf32>
      %add3A_1520 = vector.broadcast %mul3A_1497 : vector<1x512xf32> to vector<512x512xf32>
      %add3A_1521 = arith.addf %add3A_1519, %add3A_1520 : vector<512x512xf32>
      %sub3A_1522 = arith.subf %add3A_1521, %mul3A_1518 : vector<512x512xf32>
      %add3A_1523 = arith.constant 9.99999971E-10 : f32
      %add3A_1524 = vector.broadcast %add3A_1523 : f32 to vector<512x512xf32>
      %add3A_1525 = arith.addf %sub3A_1522, %add3A_1524 : vector<512x512xf32>
      %div3A_1526 = arith.divf %mul3A_1518, %add3A_1525 : vector<512x512xf32>
      %gt3A_1527 = arith.constant 5.000000e-01 : f32
      %gt3A_1528 = vector.broadcast %gt3A_1527 : f32 to vector<512x512xf32>
      %gt3A_1529 = arith.cmpf ogt, %div3A_1526, %gt3A_1528 : vector<512x512xf32>
      %convert_element_type3A_1530 = arith.extui %gt3A_1529 : vector<512x512xi1> to vector<512x512xi32>
      %convert_element_type3A_1531 = arith.sitofp %convert_element_type3A_1530 : vector<512x512xi32> to vector<512x512xf32>
      %get3A_1532 = arith.index_cast %scan3A_1476 : i32 to index
      %get3A_1533 = arith.constant 0 : index
      %get3A_1534 = vector.load %arg3[%get3A_1532, %get3A_1533] : memref<10x512xf32, #tpu.memory_space<vmem>>, vector<1x512xf32>
      %dot_general3A_1535 = arith.constant dense<0.000000e+00> : vector<1x512xf32>
      %dot_general3A_1536 = tpu.matmul %get3A_1534, %convert_element_type3A_1531, %dot_general3A_1535 {dimension_numbers = #tpu.dot_dimension_numbers<[1], [0], [0], [1], [0, 0, 1, 1], [], []>, transpose_lhs_hint = false} : vector<1x512xf32>, vector<512x512xf32>, vector<1x512xf32> -> vector<1x512xf32>
      %add3A_1537 = arith.addf %scan3A_1477, %dot_general3A_1536 : vector<1x512xf32>
      scf.yield %add3A_1537 : vector<1x512xf32>
    }
    %scan3A_501 = arith.constant 5 : i32
    %eq3A_502 = arith.constant 0.000000e+00 : f32
    %eq3A_503 = vector.broadcast %eq3A_502 : f32 to vector<1x512xf32>
    %eq3A_504 = arith.cmpf oeq, %scan3A_500, %eq3A_503 : vector<1x512xf32>
    %convert_element_type3A_505 = arith.extui %eq3A_504 : vector<1x512xi1> to vector<1x512xi32>
    %convert_element_type3A_506 = arith.sitofp %convert_element_type3A_505 : vector<1x512xi32> to vector<1x512xf32>
    %sub3A_507 = arith.subf %get3A_478, %get3A_472 : vector<512x1xf32>
    %sub3A_508 = arith.subf %get3A_481, %get3A_475 : vector<512x1xf32>
    %mul3A_509 = arith.mulf %sub3A_507, %sub3A_508 : vector<512x1xf32>
    %sub3A_510 = arith.subf %get3A_490, %get3A_484 : vector<1x512xf32>
    %sub3A_511 = arith.subf %get3A_493, %get3A_487 : vector<1x512xf32>
    %mul3A_512 = arith.mulf %sub3A_510, %sub3A_511 : vector<1x512xf32>
    %max3A_513 = vector.broadcast %get3A_472 : vector<512x1xf32> to vector<512x512xf32>
    %max3A_514 = vector.broadcast %get3A_484 : vector<1x512xf32> to vector<512x512xf32>
    %max3A_515 = arith.maximumf %max3A_513, %max3A_514 : vector<512x512xf32>
    %max3A_516 = vector.broadcast %get3A_475 : vector<512x1xf32> to vector<512x512xf32>
    %max3A_517 = vector.broadcast %get3A_487 : vector<1x512xf32> to vector<512x512xf32>
    %max3A_518 = arith.maximumf %max3A_516, %max3A_517 : vector<512x512xf32>
    %min3A_519 = vector.broadcast %get3A_478 : vector<512x1xf32> to vector<512x512xf32>
    %min3A_520 = vector.broadcast %get3A_490 : vector<1x512xf32> to vector<512x512xf32>
    %min3A_521 = arith.minimumf %min3A_519, %min3A_520 : vector<512x512xf32>
    %min3A_522 = vector.broadcast %get3A_481 : vector<512x1xf32> to vector<512x512xf32>
    %min3A_523 = vector.broadcast %get3A_493 : vector<1x512xf32> to vector<512x512xf32>
    %min3A_524 = arith.minimumf %min3A_522, %min3A_523 : vector<512x512xf32>
    %sub3A_525 = arith.subf %min3A_521, %max3A_515 : vector<512x512xf32>
    %max3A_526 = arith.constant 0.000000e+00 : f32
    %max3A_527 = vector.broadcast %max3A_526 : f32 to vector<512x512xf32>
    %max3A_528 = arith.maximumf %sub3A_525, %max3A_527 : vector<512x512xf32>
    %sub3A_529 = arith.subf %min3A_524, %max3A_518 : vector<512x512xf32>
    %max3A_530 = arith.constant 0.000000e+00 : f32
    %max3A_531 = vector.broadcast %max3A_530 : f32 to vector<512x512xf32>
    %max3A_532 = arith.maximumf %sub3A_529, %max3A_531 : vector<512x512xf32>
    %mul3A_533 = arith.mulf %max3A_528, %max3A_532 : vector<512x512xf32>
    %add3A_534 = vector.broadcast %mul3A_509 : vector<512x1xf32> to vector<512x512xf32>
    %add3A_535 = vector.broadcast %mul3A_512 : vector<1x512xf32> to vector<512x512xf32>
    %add3A_536 = arith.addf %add3A_534, %add3A_535 : vector<512x512xf32>
    %sub3A_537 = arith.subf %add3A_536, %mul3A_533 : vector<512x512xf32>
    %add3A_538 = arith.constant 9.99999971E-10 : f32
    %add3A_539 = vector.broadcast %add3A_538 : f32 to vector<512x512xf32>
    %add3A_540 = arith.addf %sub3A_537, %add3A_539 : vector<512x512xf32>
    %div3A_541 = arith.divf %mul3A_533, %add3A_540 : vector<512x512xf32>
    %gt3A_542 = arith.constant 5.000000e-01 : f32
    %gt3A_543 = vector.broadcast %gt3A_542 : f32 to vector<512x512xf32>
    %gt3A_544 = arith.cmpf ogt, %div3A_541, %gt3A_543 : vector<512x512xf32>
    %convert_element_type3A_545 = arith.extui %gt3A_544 : vector<512x512xi1> to vector<512x512xi32>
    %convert_element_type3A_546 = arith.sitofp %convert_element_type3A_545 : vector<512x512xi32> to vector<512x512xf32>
    %mul3A_547 = arith.mulf %convert_element_type3A_546, %convert_element_type3A_1 : vector<512x512xf32>
    %broadcast_in_dim3A_548 = arith.constant 1.000000e+00 : f32
    %broadcast_in_dim3A_549 = vector.broadcast %broadcast_in_dim3A_548 : f32 to vector<1x512xf32>
    %while3A_550 = arith.constant true
    %while3A_551:2 = scf.while (%while3A_1476 = %broadcast_in_dim3A_549, %while3A_1477 = %while3A_550) : (vector<1x512xf32>, i1) -> (vector<1x512xf32>, i1) {
      scf.condition(%while3A_1477) %while3A_1476, %while3A_1477 : vector<1x512xf32>, i1
    } do {
    ^bb0(%while3A_1476: vector<1x512xf32>, %while3A_1477: i1):
      %mul3A_1478 = arith.mulf %while3A_1476, %convert_element_type3A_506 : vector<1x512xf32>
      %dot_general3A_1479 = arith.constant dense<0.000000e+00> : vector<1x512xf32>
      %dot_general3A_1480 = tpu.matmul %mul3A_1478, %mul3A_547, %dot_general3A_1479 {dimension_numbers = #tpu.dot_dimension_numbers<[1], [0], [0], [1], [0, 0, 1, 1], [], []>, transpose_lhs_hint = false} : vector<1x512xf32>, vector<512x512xf32>, vector<1x512xf32> -> vector<1x512xf32>
      %eq3A_1481 = arith.constant 0.000000e+00 : f32
      %eq3A_1482 = vector.broadcast %eq3A_1481 : f32 to vector<1x512xf32>
      %eq3A_1483 = arith.cmpf oeq, %dot_general3A_1480, %eq3A_1482 : vector<1x512xf32>
      %convert_element_type3A_1484 = arith.extui %eq3A_1483 : vector<1x512xi1> to vector<1x512xi32>
      %convert_element_type3A_1485 = arith.sitofp %convert_element_type3A_1484 : vector<1x512xi32> to vector<1x512xf32>
      %mul3A_1486 = arith.mulf %convert_element_type3A_1485, %convert_element_type3A_506 : vector<1x512xf32>
      %dot_general3A_1487 = arith.constant dense<0.000000e+00> : vector<1x512xf32>
      %dot_general3A_1488 = tpu.matmul %mul3A_1486, %mul3A_547, %dot_general3A_1487 {dimension_numbers = #tpu.dot_dimension_numbers<[1], [0], [0], [1], [0, 0, 1, 1], [], []>, transpose_lhs_hint = false} : vector<1x512xf32>, vector<512x512xf32>, vector<1x512xf32> -> vector<1x512xf32>
      %eq3A_1489 = arith.constant 0.000000e+00 : f32
      %eq3A_1490 = vector.broadcast %eq3A_1489 : f32 to vector<1x512xf32>
      %eq3A_1491 = arith.cmpf oeq, %dot_general3A_1488, %eq3A_1490 : vector<1x512xf32>
      %convert_element_type3A_1492 = arith.extui %eq3A_1491 : vector<1x512xi1> to vector<1x512xi32>
      %convert_element_type3A_1493 = arith.sitofp %convert_element_type3A_1492 : vector<1x512xi32> to vector<1x512xf32>
      %ne3A = arith.cmpf one, %convert_element_type3A_1493, %convert_element_type3A_1485 : vector<1x512xf32>
      %reduce_or3A = arith.constant 1.000000e+00 : f32
      %reduce_or3A_1494 = arith.constant 0.000000e+00 : f32
      %reduce_or3A_1495 = vector.broadcast %reduce_or3A : f32 to vector<1x512xf32>
      %reduce_or3A_1496 = vector.broadcast %reduce_or3A_1494 : f32 to vector<1x512xf32>
      %reduce_or3A_1497 = arith.select %ne3A, %reduce_or3A_1495, %reduce_or3A_1496 : vector<1x512xi1>, vector<1x512xf32>
      %reduce_or3A_1498 = vector.shape_cast %reduce_or3A_1497 : vector<1x512xf32> to vector<1x1x512xf32>
      %reduce_or3A_1499 = arith.constant dense<0xFF800000> : vector<1xf32>
      %reduce_or3A_1500 = vector.multi_reduction <maximumf>, %reduce_or3A_1498, %reduce_or3A_1499 [1, 2] : vector<1x1x512xf32> to vector<1xf32>
      %reduce_or3A_1501 = vector.shape_cast %reduce_or3A_1500 : vector<1xf32> to vector<1x1x1xf32>
      %reduce_or3A_1502 = vector.extract %reduce_or3A_1501[0, 0, 0] : f32 from vector<1x1x1xf32>
      %reduce_or3A_1503 = arith.constant 0.000000e+00 : f32
      %reduce_or3A_1504 = arith.cmpf ogt, %reduce_or3A_1502, %reduce_or3A_1503 : f32
      scf.yield %convert_element_type3A_1493, %reduce_or3A_1504 : vector<1x512xf32>, i1
    }
    %mul3A_552 = arith.mulf %while3A_551#0, %convert_element_type3A_506 : vector<1x512xf32>
    %swap3A_553 = arith.constant 5 : index
    %swap3A_554 = arith.constant 0 : index
    %swap3A_555 = vector.load %arg3[%swap3A_553, %swap3A_554] : memref<10x512xf32, #tpu.memory_space<vmem>>, vector<1x512xf32>
    tpu.vector_store %arg3[%swap3A_553, %swap3A_554], %mul3A_552 {strides = array<i32>} : memref<10x512xf32, #tpu.memory_space<vmem>>, vector<1x512xf32>,
    %get3A_556 = arith.constant 3072 : index
    %get3A_557 = arith.constant 0 : index
    %get3A_558 = vector.load %arg1[%get3A_556, %get3A_557] : memref<5120x16xf32, #tpu.memory_space<vmem>>, vector<512x1xf32>
    %get3A_559 = arith.constant 3072 : index
    %get3A_560 = arith.constant 1 : index
    %get3A_561 = vector.load %arg1[%get3A_559, %get3A_560] : memref<5120x16xf32, #tpu.memory_space<vmem>>, vector<512x1xf32>
    %get3A_562 = arith.constant 3072 : index
    %get3A_563 = arith.constant 2 : index
    %get3A_564 = vector.load %arg1[%get3A_562, %get3A_563] : memref<5120x16xf32, #tpu.memory_space<vmem>>, vector<512x1xf32>
    %get3A_565 = arith.constant 3072 : index
    %get3A_566 = arith.constant 3 : index
    %get3A_567 = vector.load %arg1[%get3A_565, %get3A_566] : memref<5120x16xf32, #tpu.memory_space<vmem>>, vector<512x1xf32>
    %get3A_568 = arith.constant 0 : index
    %get3A_569 = arith.constant 3072 : index
    %get3A_570 = vector.load %arg0[%get3A_568, %get3A_569] : memref<4x5120xf32, #tpu.memory_space<vmem>>, vector<1x512xf32>
    %get3A_571 = arith.constant 1 : index
    %get3A_572 = arith.constant 3072 : index
    %get3A_573 = vector.load %arg0[%get3A_571, %get3A_572] : memref<4x5120xf32, #tpu.memory_space<vmem>>, vector<1x512xf32>
    %get3A_574 = arith.constant 2 : index
    %get3A_575 = arith.constant 3072 : index
    %get3A_576 = vector.load %arg0[%get3A_574, %get3A_575] : memref<4x5120xf32, #tpu.memory_space<vmem>>, vector<1x512xf32>
    %get3A_577 = arith.constant 3 : index
    %get3A_578 = arith.constant 3072 : index
    %get3A_579 = vector.load %arg0[%get3A_577, %get3A_578] : memref<4x5120xf32, #tpu.memory_space<vmem>>, vector<1x512xf32>
    %broadcast_in_dim3A_580 = arith.constant 0.000000e+00 : f32
    %broadcast_in_dim3A_581 = vector.broadcast %broadcast_in_dim3A_580 : f32 to vector<1x512xf32>
    %scan3A_582 = arith.constant 0 : i32
    %scan3A_583 = arith.constant 6 : i32
    %scan3A_584 = arith.addi %scan3A_582, %scan3A_583 : i32
    %scan3A_585 = arith.constant 1 : i32
    %scan3A_586 = scf.for %scan3A_1476 = %scan3A_582 to %scan3A_584 step %scan3A_585 iter_args(%scan3A_1477 = %broadcast_in_dim3A_581) -> (vector<1x512xf32>)  : i32 {
      %mul3A_1478 = arith.constant 512 : i32
      %mul3A_1479 = arith.muli %scan3A_1476, %mul3A_1478 : i32
      %get3A_1480 = arith.index_cast %mul3A_1479 : i32 to index
      %get3A_1481 = arith.constant 0 : index
      %get3A_1482 = vector.load %arg1[%get3A_1480, %get3A_1481] : memref<5120x16xf32, #tpu.memory_space<vmem>>, vector<512x1xf32>
      %get3A_1483 = arith.index_cast %mul3A_1479 : i32 to index
      %get3A_1484 = arith.constant 1 : index
      %get3A_1485 = vector.load %arg1[%get3A_1483, %get3A_1484] : memref<5120x16xf32, #tpu.memory_space<vmem>>, vector<512x1xf32>
      %get3A_1486 = arith.index_cast %mul3A_1479 : i32 to index
      %get3A_1487 = arith.constant 2 : index
      %get3A_1488 = vector.load %arg1[%get3A_1486, %get3A_1487] : memref<5120x16xf32, #tpu.memory_space<vmem>>, vector<512x1xf32>
      %get3A_1489 = arith.index_cast %mul3A_1479 : i32 to index
      %get3A_1490 = arith.constant 3 : index
      %get3A_1491 = vector.load %arg1[%get3A_1489, %get3A_1490] : memref<5120x16xf32, #tpu.memory_space<vmem>>, vector<512x1xf32>
      %sub3A_1492 = arith.subf %get3A_1488, %get3A_1482 : vector<512x1xf32>
      %sub3A_1493 = arith.subf %get3A_1491, %get3A_1485 : vector<512x1xf32>
      %mul3A_1494 = arith.mulf %sub3A_1492, %sub3A_1493 : vector<512x1xf32>
      %sub3A_1495 = arith.subf %get3A_576, %get3A_570 : vector<1x512xf32>
      %sub3A_1496 = arith.subf %get3A_579, %get3A_573 : vector<1x512xf32>
      %mul3A_1497 = arith.mulf %sub3A_1495, %sub3A_1496 : vector<1x512xf32>
      %max3A_1498 = vector.broadcast %get3A_1482 : vector<512x1xf32> to vector<512x512xf32>
      %max3A_1499 = vector.broadcast %get3A_570 : vector<1x512xf32> to vector<512x512xf32>
      %max3A_1500 = arith.maximumf %max3A_1498, %max3A_1499 : vector<512x512xf32>
      %max3A_1501 = vector.broadcast %get3A_1485 : vector<512x1xf32> to vector<512x512xf32>
      %max3A_1502 = vector.broadcast %get3A_573 : vector<1x512xf32> to vector<512x512xf32>
      %max3A_1503 = arith.maximumf %max3A_1501, %max3A_1502 : vector<512x512xf32>
      %min3A_1504 = vector.broadcast %get3A_1488 : vector<512x1xf32> to vector<512x512xf32>
      %min3A_1505 = vector.broadcast %get3A_576 : vector<1x512xf32> to vector<512x512xf32>
      %min3A_1506 = arith.minimumf %min3A_1504, %min3A_1505 : vector<512x512xf32>
      %min3A_1507 = vector.broadcast %get3A_1491 : vector<512x1xf32> to vector<512x512xf32>
      %min3A_1508 = vector.broadcast %get3A_579 : vector<1x512xf32> to vector<512x512xf32>
      %min3A_1509 = arith.minimumf %min3A_1507, %min3A_1508 : vector<512x512xf32>
      %sub3A_1510 = arith.subf %min3A_1506, %max3A_1500 : vector<512x512xf32>
      %max3A_1511 = arith.constant 0.000000e+00 : f32
      %max3A_1512 = vector.broadcast %max3A_1511 : f32 to vector<512x512xf32>
      %max3A_1513 = arith.maximumf %sub3A_1510, %max3A_1512 : vector<512x512xf32>
      %sub3A_1514 = arith.subf %min3A_1509, %max3A_1503 : vector<512x512xf32>
      %max3A_1515 = arith.constant 0.000000e+00 : f32
      %max3A_1516 = vector.broadcast %max3A_1515 : f32 to vector<512x512xf32>
      %max3A_1517 = arith.maximumf %sub3A_1514, %max3A_1516 : vector<512x512xf32>
      %mul3A_1518 = arith.mulf %max3A_1513, %max3A_1517 : vector<512x512xf32>
      %add3A_1519 = vector.broadcast %mul3A_1494 : vector<512x1xf32> to vector<512x512xf32>
      %add3A_1520 = vector.broadcast %mul3A_1497 : vector<1x512xf32> to vector<512x512xf32>
      %add3A_1521 = arith.addf %add3A_1519, %add3A_1520 : vector<512x512xf32>
      %sub3A_1522 = arith.subf %add3A_1521, %mul3A_1518 : vector<512x512xf32>
      %add3A_1523 = arith.constant 9.99999971E-10 : f32
      %add3A_1524 = vector.broadcast %add3A_1523 : f32 to vector<512x512xf32>
      %add3A_1525 = arith.addf %sub3A_1522, %add3A_1524 : vector<512x512xf32>
      %div3A_1526 = arith.divf %mul3A_1518, %add3A_1525 : vector<512x512xf32>
      %gt3A_1527 = arith.constant 5.000000e-01 : f32
      %gt3A_1528 = vector.broadcast %gt3A_1527 : f32 to vector<512x512xf32>
      %gt3A_1529 = arith.cmpf ogt, %div3A_1526, %gt3A_1528 : vector<512x512xf32>
      %convert_element_type3A_1530 = arith.extui %gt3A_1529 : vector<512x512xi1> to vector<512x512xi32>
      %convert_element_type3A_1531 = arith.sitofp %convert_element_type3A_1530 : vector<512x512xi32> to vector<512x512xf32>
      %get3A_1532 = arith.index_cast %scan3A_1476 : i32 to index
      %get3A_1533 = arith.constant 0 : index
      %get3A_1534 = vector.load %arg3[%get3A_1532, %get3A_1533] : memref<10x512xf32, #tpu.memory_space<vmem>>, vector<1x512xf32>
      %dot_general3A_1535 = arith.constant dense<0.000000e+00> : vector<1x512xf32>
      %dot_general3A_1536 = tpu.matmul %get3A_1534, %convert_element_type3A_1531, %dot_general3A_1535 {dimension_numbers = #tpu.dot_dimension_numbers<[1], [0], [0], [1], [0, 0, 1, 1], [], []>, transpose_lhs_hint = false} : vector<1x512xf32>, vector<512x512xf32>, vector<1x512xf32> -> vector<1x512xf32>
      %add3A_1537 = arith.addf %scan3A_1477, %dot_general3A_1536 : vector<1x512xf32>
      scf.yield %add3A_1537 : vector<1x512xf32>
    }
    %scan3A_587 = arith.constant 6 : i32
    %eq3A_588 = arith.constant 0.000000e+00 : f32
    %eq3A_589 = vector.broadcast %eq3A_588 : f32 to vector<1x512xf32>
    %eq3A_590 = arith.cmpf oeq, %scan3A_586, %eq3A_589 : vector<1x512xf32>
    %convert_element_type3A_591 = arith.extui %eq3A_590 : vector<1x512xi1> to vector<1x512xi32>
    %convert_element_type3A_592 = arith.sitofp %convert_element_type3A_591 : vector<1x512xi32> to vector<1x512xf32>
    %sub3A_593 = arith.subf %get3A_564, %get3A_558 : vector<512x1xf32>
    %sub3A_594 = arith.subf %get3A_567, %get3A_561 : vector<512x1xf32>
    %mul3A_595 = arith.mulf %sub3A_593, %sub3A_594 : vector<512x1xf32>
    %sub3A_596 = arith.subf %get3A_576, %get3A_570 : vector<1x512xf32>
    %sub3A_597 = arith.subf %get3A_579, %get3A_573 : vector<1x512xf32>
    %mul3A_598 = arith.mulf %sub3A_596, %sub3A_597 : vector<1x512xf32>
    %max3A_599 = vector.broadcast %get3A_558 : vector<512x1xf32> to vector<512x512xf32>
    %max3A_600 = vector.broadcast %get3A_570 : vector<1x512xf32> to vector<512x512xf32>
    %max3A_601 = arith.maximumf %max3A_599, %max3A_600 : vector<512x512xf32>
    %max3A_602 = vector.broadcast %get3A_561 : vector<512x1xf32> to vector<512x512xf32>
    %max3A_603 = vector.broadcast %get3A_573 : vector<1x512xf32> to vector<512x512xf32>
    %max3A_604 = arith.maximumf %max3A_602, %max3A_603 : vector<512x512xf32>
    %min3A_605 = vector.broadcast %get3A_564 : vector<512x1xf32> to vector<512x512xf32>
    %min3A_606 = vector.broadcast %get3A_576 : vector<1x512xf32> to vector<512x512xf32>
    %min3A_607 = arith.minimumf %min3A_605, %min3A_606 : vector<512x512xf32>
    %min3A_608 = vector.broadcast %get3A_567 : vector<512x1xf32> to vector<512x512xf32>
    %min3A_609 = vector.broadcast %get3A_579 : vector<1x512xf32> to vector<512x512xf32>
    %min3A_610 = arith.minimumf %min3A_608, %min3A_609 : vector<512x512xf32>
    %sub3A_611 = arith.subf %min3A_607, %max3A_601 : vector<512x512xf32>
    %max3A_612 = arith.constant 0.000000e+00 : f32
    %max3A_613 = vector.broadcast %max3A_612 : f32 to vector<512x512xf32>
    %max3A_614 = arith.maximumf %sub3A_611, %max3A_613 : vector<512x512xf32>
    %sub3A_615 = arith.subf %min3A_610, %max3A_604 : vector<512x512xf32>
    %max3A_616 = arith.constant 0.000000e+00 : f32
    %max3A_617 = vector.broadcast %max3A_616 : f32 to vector<512x512xf32>
    %max3A_618 = arith.maximumf %sub3A_615, %max3A_617 : vector<512x512xf32>
    %mul3A_619 = arith.mulf %max3A_614, %max3A_618 : vector<512x512xf32>
    %add3A_620 = vector.broadcast %mul3A_595 : vector<512x1xf32> to vector<512x512xf32>
    %add3A_621 = vector.broadcast %mul3A_598 : vector<1x512xf32> to vector<512x512xf32>
    %add3A_622 = arith.addf %add3A_620, %add3A_621 : vector<512x512xf32>
    %sub3A_623 = arith.subf %add3A_622, %mul3A_619 : vector<512x512xf32>
    %add3A_624 = arith.constant 9.99999971E-10 : f32
    %add3A_625 = vector.broadcast %add3A_624 : f32 to vector<512x512xf32>
    %add3A_626 = arith.addf %sub3A_623, %add3A_625 : vector<512x512xf32>
    %div3A_627 = arith.divf %mul3A_619, %add3A_626 : vector<512x512xf32>
    %gt3A_628 = arith.constant 5.000000e-01 : f32
    %gt3A_629 = vector.broadcast %gt3A_628 : f32 to vector<512x512xf32>
    %gt3A_630 = arith.cmpf ogt, %div3A_627, %gt3A_629 : vector<512x512xf32>
    %convert_element_type3A_631 = arith.extui %gt3A_630 : vector<512x512xi1> to vector<512x512xi32>
    %convert_element_type3A_632 = arith.sitofp %convert_element_type3A_631 : vector<512x512xi32> to vector<512x512xf32>
    %mul3A_633 = arith.mulf %convert_element_type3A_632, %convert_element_type3A_1 : vector<512x512xf32>
    %broadcast_in_dim3A_634 = arith.constant 1.000000e+00 : f32
    %broadcast_in_dim3A_635 = vector.broadcast %broadcast_in_dim3A_634 : f32 to vector<1x512xf32>
    %while3A_636 = arith.constant true
    %while3A_637:2 = scf.while (%while3A_1476 = %broadcast_in_dim3A_635, %while3A_1477 = %while3A_636) : (vector<1x512xf32>, i1) -> (vector<1x512xf32>, i1) {
      scf.condition(%while3A_1477) %while3A_1476, %while3A_1477 : vector<1x512xf32>, i1
    } do {
    ^bb0(%while3A_1476: vector<1x512xf32>, %while3A_1477: i1):
      %mul3A_1478 = arith.mulf %while3A_1476, %convert_element_type3A_592 : vector<1x512xf32>
      %dot_general3A_1479 = arith.constant dense<0.000000e+00> : vector<1x512xf32>
      %dot_general3A_1480 = tpu.matmul %mul3A_1478, %mul3A_633, %dot_general3A_1479 {dimension_numbers = #tpu.dot_dimension_numbers<[1], [0], [0], [1], [0, 0, 1, 1], [], []>, transpose_lhs_hint = false} : vector<1x512xf32>, vector<512x512xf32>, vector<1x512xf32> -> vector<1x512xf32>
      %eq3A_1481 = arith.constant 0.000000e+00 : f32
      %eq3A_1482 = vector.broadcast %eq3A_1481 : f32 to vector<1x512xf32>
      %eq3A_1483 = arith.cmpf oeq, %dot_general3A_1480, %eq3A_1482 : vector<1x512xf32>
      %convert_element_type3A_1484 = arith.extui %eq3A_1483 : vector<1x512xi1> to vector<1x512xi32>
      %convert_element_type3A_1485 = arith.sitofp %convert_element_type3A_1484 : vector<1x512xi32> to vector<1x512xf32>
      %mul3A_1486 = arith.mulf %convert_element_type3A_1485, %convert_element_type3A_592 : vector<1x512xf32>
      %dot_general3A_1487 = arith.constant dense<0.000000e+00> : vector<1x512xf32>
      %dot_general3A_1488 = tpu.matmul %mul3A_1486, %mul3A_633, %dot_general3A_1487 {dimension_numbers = #tpu.dot_dimension_numbers<[1], [0], [0], [1], [0, 0, 1, 1], [], []>, transpose_lhs_hint = false} : vector<1x512xf32>, vector<512x512xf32>, vector<1x512xf32> -> vector<1x512xf32>
      %eq3A_1489 = arith.constant 0.000000e+00 : f32
      %eq3A_1490 = vector.broadcast %eq3A_1489 : f32 to vector<1x512xf32>
      %eq3A_1491 = arith.cmpf oeq, %dot_general3A_1488, %eq3A_1490 : vector<1x512xf32>
      %convert_element_type3A_1492 = arith.extui %eq3A_1491 : vector<1x512xi1> to vector<1x512xi32>
      %convert_element_type3A_1493 = arith.sitofp %convert_element_type3A_1492 : vector<1x512xi32> to vector<1x512xf32>
      %ne3A = arith.cmpf one, %convert_element_type3A_1493, %convert_element_type3A_1485 : vector<1x512xf32>
      %reduce_or3A = arith.constant 1.000000e+00 : f32
      %reduce_or3A_1494 = arith.constant 0.000000e+00 : f32
      %reduce_or3A_1495 = vector.broadcast %reduce_or3A : f32 to vector<1x512xf32>
      %reduce_or3A_1496 = vector.broadcast %reduce_or3A_1494 : f32 to vector<1x512xf32>
      %reduce_or3A_1497 = arith.select %ne3A, %reduce_or3A_1495, %reduce_or3A_1496 : vector<1x512xi1>, vector<1x512xf32>
      %reduce_or3A_1498 = vector.shape_cast %reduce_or3A_1497 : vector<1x512xf32> to vector<1x1x512xf32>
      %reduce_or3A_1499 = arith.constant dense<0xFF800000> : vector<1xf32>
      %reduce_or3A_1500 = vector.multi_reduction <maximumf>, %reduce_or3A_1498, %reduce_or3A_1499 [1, 2] : vector<1x1x512xf32> to vector<1xf32>
      %reduce_or3A_1501 = vector.shape_cast %reduce_or3A_1500 : vector<1xf32> to vector<1x1x1xf32>
      %reduce_or3A_1502 = vector.extract %reduce_or3A_1501[0, 0, 0] : f32 from vector<1x1x1xf32>
      %reduce_or3A_1503 = arith.constant 0.000000e+00 : f32
      %reduce_or3A_1504 = arith.cmpf ogt, %reduce_or3A_1502, %reduce_or3A_1503 : f32
      scf.yield %convert_element_type3A_1493, %reduce_or3A_1504 : vector<1x512xf32>, i1
    }
    %mul3A_638 = arith.mulf %while3A_637#0, %convert_element_type3A_592 : vector<1x512xf32>
    %swap3A_639 = arith.constant 6 : index
    %swap3A_640 = arith.constant 0 : index
    %swap3A_641 = vector.load %arg3[%swap3A_639, %swap3A_640] : memref<10x512xf32, #tpu.memory_space<vmem>>, vector<1x512xf32>
    tpu.vector_store %arg3[%swap3A_639, %swap3A_640], %mul3A_638 {strides = array<i32>} : memref<10x512xf32, #tpu.memory_space<vmem>>, vector<1x512xf32>,
    %get3A_642 = arith.constant 3584 : index
    %get3A_643 = arith.constant 0 : index
    %get3A_644 = vector.load %arg1[%get3A_642, %get3A_643] : memref<5120x16xf32, #tpu.memory_space<vmem>>, vector<512x1xf32>
    %get3A_645 = arith.constant 3584 : index
    %get3A_646 = arith.constant 1 : index
    %get3A_647 = vector.load %arg1[%get3A_645, %get3A_646] : memref<5120x16xf32, #tpu.memory_space<vmem>>, vector<512x1xf32>
    %get3A_648 = arith.constant 3584 : index
    %get3A_649 = arith.constant 2 : index
    %get3A_650 = vector.load %arg1[%get3A_648, %get3A_649] : memref<5120x16xf32, #tpu.memory_space<vmem>>, vector<512x1xf32>
    %get3A_651 = arith.constant 3584 : index
    %get3A_652 = arith.constant 3 : index
    %get3A_653 = vector.load %arg1[%get3A_651, %get3A_652] : memref<5120x16xf32, #tpu.memory_space<vmem>>, vector<512x1xf32>
    %get3A_654 = arith.constant 0 : index
    %get3A_655 = arith.constant 3584 : index
    %get3A_656 = vector.load %arg0[%get3A_654, %get3A_655] : memref<4x5120xf32, #tpu.memory_space<vmem>>, vector<1x512xf32>
    %get3A_657 = arith.constant 1 : index
    %get3A_658 = arith.constant 3584 : index
    %get3A_659 = vector.load %arg0[%get3A_657, %get3A_658] : memref<4x5120xf32, #tpu.memory_space<vmem>>, vector<1x512xf32>
    %get3A_660 = arith.constant 2 : index
    %get3A_661 = arith.constant 3584 : index
    %get3A_662 = vector.load %arg0[%get3A_660, %get3A_661] : memref<4x5120xf32, #tpu.memory_space<vmem>>, vector<1x512xf32>
    %get3A_663 = arith.constant 3 : index
    %get3A_664 = arith.constant 3584 : index
    %get3A_665 = vector.load %arg0[%get3A_663, %get3A_664] : memref<4x5120xf32, #tpu.memory_space<vmem>>, vector<1x512xf32>
    %broadcast_in_dim3A_666 = arith.constant 0.000000e+00 : f32
    %broadcast_in_dim3A_667 = vector.broadcast %broadcast_in_dim3A_666 : f32 to vector<1x512xf32>
    %scan3A_668 = arith.constant 0 : i32
    %scan3A_669 = arith.constant 7 : i32
    %scan3A_670 = arith.addi %scan3A_668, %scan3A_669 : i32
    %scan3A_671 = arith.constant 1 : i32
    %scan3A_672 = scf.for %scan3A_1476 = %scan3A_668 to %scan3A_670 step %scan3A_671 iter_args(%scan3A_1477 = %broadcast_in_dim3A_667) -> (vector<1x512xf32>)  : i32 {
      %mul3A_1478 = arith.constant 512 : i32
      %mul3A_1479 = arith.muli %scan3A_1476, %mul3A_1478 : i32
      %get3A_1480 = arith.index_cast %mul3A_1479 : i32 to index
      %get3A_1481 = arith.constant 0 : index
      %get3A_1482 = vector.load %arg1[%get3A_1480, %get3A_1481] : memref<5120x16xf32, #tpu.memory_space<vmem>>, vector<512x1xf32>
      %get3A_1483 = arith.index_cast %mul3A_1479 : i32 to index
      %get3A_1484 = arith.constant 1 : index
      %get3A_1485 = vector.load %arg1[%get3A_1483, %get3A_1484] : memref<5120x16xf32, #tpu.memory_space<vmem>>, vector<512x1xf32>
      %get3A_1486 = arith.index_cast %mul3A_1479 : i32 to index
      %get3A_1487 = arith.constant 2 : index
      %get3A_1488 = vector.load %arg1[%get3A_1486, %get3A_1487] : memref<5120x16xf32, #tpu.memory_space<vmem>>, vector<512x1xf32>
      %get3A_1489 = arith.index_cast %mul3A_1479 : i32 to index
      %get3A_1490 = arith.constant 3 : index
      %get3A_1491 = vector.load %arg1[%get3A_1489, %get3A_1490] : memref<5120x16xf32, #tpu.memory_space<vmem>>, vector<512x1xf32>
      %sub3A_1492 = arith.subf %get3A_1488, %get3A_1482 : vector<512x1xf32>
      %sub3A_1493 = arith.subf %get3A_1491, %get3A_1485 : vector<512x1xf32>
      %mul3A_1494 = arith.mulf %sub3A_1492, %sub3A_1493 : vector<512x1xf32>
      %sub3A_1495 = arith.subf %get3A_662, %get3A_656 : vector<1x512xf32>
      %sub3A_1496 = arith.subf %get3A_665, %get3A_659 : vector<1x512xf32>
      %mul3A_1497 = arith.mulf %sub3A_1495, %sub3A_1496 : vector<1x512xf32>
      %max3A_1498 = vector.broadcast %get3A_1482 : vector<512x1xf32> to vector<512x512xf32>
      %max3A_1499 = vector.broadcast %get3A_656 : vector<1x512xf32> to vector<512x512xf32>
      %max3A_1500 = arith.maximumf %max3A_1498, %max3A_1499 : vector<512x512xf32>
      %max3A_1501 = vector.broadcast %get3A_1485 : vector<512x1xf32> to vector<512x512xf32>
      %max3A_1502 = vector.broadcast %get3A_659 : vector<1x512xf32> to vector<512x512xf32>
      %max3A_1503 = arith.maximumf %max3A_1501, %max3A_1502 : vector<512x512xf32>
      %min3A_1504 = vector.broadcast %get3A_1488 : vector<512x1xf32> to vector<512x512xf32>
      %min3A_1505 = vector.broadcast %get3A_662 : vector<1x512xf32> to vector<512x512xf32>
      %min3A_1506 = arith.minimumf %min3A_1504, %min3A_1505 : vector<512x512xf32>
      %min3A_1507 = vector.broadcast %get3A_1491 : vector<512x1xf32> to vector<512x512xf32>
      %min3A_1508 = vector.broadcast %get3A_665 : vector<1x512xf32> to vector<512x512xf32>
      %min3A_1509 = arith.minimumf %min3A_1507, %min3A_1508 : vector<512x512xf32>
      %sub3A_1510 = arith.subf %min3A_1506, %max3A_1500 : vector<512x512xf32>
      %max3A_1511 = arith.constant 0.000000e+00 : f32
      %max3A_1512 = vector.broadcast %max3A_1511 : f32 to vector<512x512xf32>
      %max3A_1513 = arith.maximumf %sub3A_1510, %max3A_1512 : vector<512x512xf32>
      %sub3A_1514 = arith.subf %min3A_1509, %max3A_1503 : vector<512x512xf32>
      %max3A_1515 = arith.constant 0.000000e+00 : f32
      %max3A_1516 = vector.broadcast %max3A_1515 : f32 to vector<512x512xf32>
      %max3A_1517 = arith.maximumf %sub3A_1514, %max3A_1516 : vector<512x512xf32>
      %mul3A_1518 = arith.mulf %max3A_1513, %max3A_1517 : vector<512x512xf32>
      %add3A_1519 = vector.broadcast %mul3A_1494 : vector<512x1xf32> to vector<512x512xf32>
      %add3A_1520 = vector.broadcast %mul3A_1497 : vector<1x512xf32> to vector<512x512xf32>
      %add3A_1521 = arith.addf %add3A_1519, %add3A_1520 : vector<512x512xf32>
      %sub3A_1522 = arith.subf %add3A_1521, %mul3A_1518 : vector<512x512xf32>
      %add3A_1523 = arith.constant 9.99999971E-10 : f32
      %add3A_1524 = vector.broadcast %add3A_1523 : f32 to vector<512x512xf32>
      %add3A_1525 = arith.addf %sub3A_1522, %add3A_1524 : vector<512x512xf32>
      %div3A_1526 = arith.divf %mul3A_1518, %add3A_1525 : vector<512x512xf32>
      %gt3A_1527 = arith.constant 5.000000e-01 : f32
      %gt3A_1528 = vector.broadcast %gt3A_1527 : f32 to vector<512x512xf32>
      %gt3A_1529 = arith.cmpf ogt, %div3A_1526, %gt3A_1528 : vector<512x512xf32>
      %convert_element_type3A_1530 = arith.extui %gt3A_1529 : vector<512x512xi1> to vector<512x512xi32>
      %convert_element_type3A_1531 = arith.sitofp %convert_element_type3A_1530 : vector<512x512xi32> to vector<512x512xf32>
      %get3A_1532 = arith.index_cast %scan3A_1476 : i32 to index
      %get3A_1533 = arith.constant 0 : index
      %get3A_1534 = vector.load %arg3[%get3A_1532, %get3A_1533] : memref<10x512xf32, #tpu.memory_space<vmem>>, vector<1x512xf32>
      %dot_general3A_1535 = arith.constant dense<0.000000e+00> : vector<1x512xf32>
      %dot_general3A_1536 = tpu.matmul %get3A_1534, %convert_element_type3A_1531, %dot_general3A_1535 {dimension_numbers = #tpu.dot_dimension_numbers<[1], [0], [0], [1], [0, 0, 1, 1], [], []>, transpose_lhs_hint = false} : vector<1x512xf32>, vector<512x512xf32>, vector<1x512xf32> -> vector<1x512xf32>
      %add3A_1537 = arith.addf %scan3A_1477, %dot_general3A_1536 : vector<1x512xf32>
      scf.yield %add3A_1537 : vector<1x512xf32>
    }
    %scan3A_673 = arith.constant 7 : i32
    %eq3A_674 = arith.constant 0.000000e+00 : f32
    %eq3A_675 = vector.broadcast %eq3A_674 : f32 to vector<1x512xf32>
    %eq3A_676 = arith.cmpf oeq, %scan3A_672, %eq3A_675 : vector<1x512xf32>
    %convert_element_type3A_677 = arith.extui %eq3A_676 : vector<1x512xi1> to vector<1x512xi32>
    %convert_element_type3A_678 = arith.sitofp %convert_element_type3A_677 : vector<1x512xi32> to vector<1x512xf32>
    %sub3A_679 = arith.subf %get3A_650, %get3A_644 : vector<512x1xf32>
    %sub3A_680 = arith.subf %get3A_653, %get3A_647 : vector<512x1xf32>
    %mul3A_681 = arith.mulf %sub3A_679, %sub3A_680 : vector<512x1xf32>
    %sub3A_682 = arith.subf %get3A_662, %get3A_656 : vector<1x512xf32>
    %sub3A_683 = arith.subf %get3A_665, %get3A_659 : vector<1x512xf32>
    %mul3A_684 = arith.mulf %sub3A_682, %sub3A_683 : vector<1x512xf32>
    %max3A_685 = vector.broadcast %get3A_644 : vector<512x1xf32> to vector<512x512xf32>
    %max3A_686 = vector.broadcast %get3A_656 : vector<1x512xf32> to vector<512x512xf32>
    %max3A_687 = arith.maximumf %max3A_685, %max3A_686 : vector<512x512xf32>
    %max3A_688 = vector.broadcast %get3A_647 : vector<512x1xf32> to vector<512x512xf32>
    %max3A_689 = vector.broadcast %get3A_659 : vector<1x512xf32> to vector<512x512xf32>
    %max3A_690 = arith.maximumf %max3A_688, %max3A_689 : vector<512x512xf32>
    %min3A_691 = vector.broadcast %get3A_650 : vector<512x1xf32> to vector<512x512xf32>
    %min3A_692 = vector.broadcast %get3A_662 : vector<1x512xf32> to vector<512x512xf32>
    %min3A_693 = arith.minimumf %min3A_691, %min3A_692 : vector<512x512xf32>
    %min3A_694 = vector.broadcast %get3A_653 : vector<512x1xf32> to vector<512x512xf32>
    %min3A_695 = vector.broadcast %get3A_665 : vector<1x512xf32> to vector<512x512xf32>
    %min3A_696 = arith.minimumf %min3A_694, %min3A_695 : vector<512x512xf32>
    %sub3A_697 = arith.subf %min3A_693, %max3A_687 : vector<512x512xf32>
    %max3A_698 = arith.constant 0.000000e+00 : f32
    %max3A_699 = vector.broadcast %max3A_698 : f32 to vector<512x512xf32>
    %max3A_700 = arith.maximumf %sub3A_697, %max3A_699 : vector<512x512xf32>
    %sub3A_701 = arith.subf %min3A_696, %max3A_690 : vector<512x512xf32>
    %max3A_702 = arith.constant 0.000000e+00 : f32
    %max3A_703 = vector.broadcast %max3A_702 : f32 to vector<512x512xf32>
    %max3A_704 = arith.maximumf %sub3A_701, %max3A_703 : vector<512x512xf32>
    %mul3A_705 = arith.mulf %max3A_700, %max3A_704 : vector<512x512xf32>
    %add3A_706 = vector.broadcast %mul3A_681 : vector<512x1xf32> to vector<512x512xf32>
    %add3A_707 = vector.broadcast %mul3A_684 : vector<1x512xf32> to vector<512x512xf32>
    %add3A_708 = arith.addf %add3A_706, %add3A_707 : vector<512x512xf32>
    %sub3A_709 = arith.subf %add3A_708, %mul3A_705 : vector<512x512xf32>
    %add3A_710 = arith.constant 9.99999971E-10 : f32
    %add3A_711 = vector.broadcast %add3A_710 : f32 to vector<512x512xf32>
    %add3A_712 = arith.addf %sub3A_709, %add3A_711 : vector<512x512xf32>
    %div3A_713 = arith.divf %mul3A_705, %add3A_712 : vector<512x512xf32>
    %gt3A_714 = arith.constant 5.000000e-01 : f32
    %gt3A_715 = vector.broadcast %gt3A_714 : f32 to vector<512x512xf32>
    %gt3A_716 = arith.cmpf ogt, %div3A_713, %gt3A_715 : vector<512x512xf32>
    %convert_element_type3A_717 = arith.extui %gt3A_716 : vector<512x512xi1> to vector<512x512xi32>
    %convert_element_type3A_718 = arith.sitofp %convert_element_type3A_717 : vector<512x512xi32> to vector<512x512xf32>
    %mul3A_719 = arith.mulf %convert_element_type3A_718, %convert_element_type3A_1 : vector<512x512xf32>
    %broadcast_in_dim3A_720 = arith.constant 1.000000e+00 : f32
    %broadcast_in_dim3A_721 = vector.broadcast %broadcast_in_dim3A_720 : f32 to vector<1x512xf32>
    %while3A_722 = arith.constant true
    %while3A_723:2 = scf.while (%while3A_1476 = %broadcast_in_dim3A_721, %while3A_1477 = %while3A_722) : (vector<1x512xf32>, i1) -> (vector<1x512xf32>, i1) {
      scf.condition(%while3A_1477) %while3A_1476, %while3A_1477 : vector<1x512xf32>, i1
    } do {
    ^bb0(%while3A_1476: vector<1x512xf32>, %while3A_1477: i1):
      %mul3A_1478 = arith.mulf %while3A_1476, %convert_element_type3A_678 : vector<1x512xf32>
      %dot_general3A_1479 = arith.constant dense<0.000000e+00> : vector<1x512xf32>
      %dot_general3A_1480 = tpu.matmul %mul3A_1478, %mul3A_719, %dot_general3A_1479 {dimension_numbers = #tpu.dot_dimension_numbers<[1], [0], [0], [1], [0, 0, 1, 1], [], []>, transpose_lhs_hint = false} : vector<1x512xf32>, vector<512x512xf32>, vector<1x512xf32> -> vector<1x512xf32>
      %eq3A_1481 = arith.constant 0.000000e+00 : f32
      %eq3A_1482 = vector.broadcast %eq3A_1481 : f32 to vector<1x512xf32>
      %eq3A_1483 = arith.cmpf oeq, %dot_general3A_1480, %eq3A_1482 : vector<1x512xf32>
      %convert_element_type3A_1484 = arith.extui %eq3A_1483 : vector<1x512xi1> to vector<1x512xi32>
      %convert_element_type3A_1485 = arith.sitofp %convert_element_type3A_1484 : vector<1x512xi32> to vector<1x512xf32>
      %mul3A_1486 = arith.mulf %convert_element_type3A_1485, %convert_element_type3A_678 : vector<1x512xf32>
      %dot_general3A_1487 = arith.constant dense<0.000000e+00> : vector<1x512xf32>
      %dot_general3A_1488 = tpu.matmul %mul3A_1486, %mul3A_719, %dot_general3A_1487 {dimension_numbers = #tpu.dot_dimension_numbers<[1], [0], [0], [1], [0, 0, 1, 1], [], []>, transpose_lhs_hint = false} : vector<1x512xf32>, vector<512x512xf32>, vector<1x512xf32> -> vector<1x512xf32>
      %eq3A_1489 = arith.constant 0.000000e+00 : f32
      %eq3A_1490 = vector.broadcast %eq3A_1489 : f32 to vector<1x512xf32>
      %eq3A_1491 = arith.cmpf oeq, %dot_general3A_1488, %eq3A_1490 : vector<1x512xf32>
      %convert_element_type3A_1492 = arith.extui %eq3A_1491 : vector<1x512xi1> to vector<1x512xi32>
      %convert_element_type3A_1493 = arith.sitofp %convert_element_type3A_1492 : vector<1x512xi32> to vector<1x512xf32>
      %ne3A = arith.cmpf one, %convert_element_type3A_1493, %convert_element_type3A_1485 : vector<1x512xf32>
      %reduce_or3A = arith.constant 1.000000e+00 : f32
      %reduce_or3A_1494 = arith.constant 0.000000e+00 : f32
      %reduce_or3A_1495 = vector.broadcast %reduce_or3A : f32 to vector<1x512xf32>
      %reduce_or3A_1496 = vector.broadcast %reduce_or3A_1494 : f32 to vector<1x512xf32>
      %reduce_or3A_1497 = arith.select %ne3A, %reduce_or3A_1495, %reduce_or3A_1496 : vector<1x512xi1>, vector<1x512xf32>
      %reduce_or3A_1498 = vector.shape_cast %reduce_or3A_1497 : vector<1x512xf32> to vector<1x1x512xf32>
      %reduce_or3A_1499 = arith.constant dense<0xFF800000> : vector<1xf32>
      %reduce_or3A_1500 = vector.multi_reduction <maximumf>, %reduce_or3A_1498, %reduce_or3A_1499 [1, 2] : vector<1x1x512xf32> to vector<1xf32>
      %reduce_or3A_1501 = vector.shape_cast %reduce_or3A_1500 : vector<1xf32> to vector<1x1x1xf32>
      %reduce_or3A_1502 = vector.extract %reduce_or3A_1501[0, 0, 0] : f32 from vector<1x1x1xf32>
      %reduce_or3A_1503 = arith.constant 0.000000e+00 : f32
      %reduce_or3A_1504 = arith.cmpf ogt, %reduce_or3A_1502, %reduce_or3A_1503 : f32
      scf.yield %convert_element_type3A_1493, %reduce_or3A_1504 : vector<1x512xf32>, i1
    }
    %mul3A_724 = arith.mulf %while3A_723#0, %convert_element_type3A_678 : vector<1x512xf32>
    %swap3A_725 = arith.constant 7 : index
    %swap3A_726 = arith.constant 0 : index
    %swap3A_727 = vector.load %arg3[%swap3A_725, %swap3A_726] : memref<10x512xf32, #tpu.memory_space<vmem>>, vector<1x512xf32>
    tpu.vector_store %arg3[%swap3A_725, %swap3A_726], %mul3A_724 {strides = array<i32>} : memref<10x512xf32, #tpu.memory_space<vmem>>, vector<1x512xf32>,
    %get3A_728 = arith.constant 4096 : index
    %get3A_729 = arith.constant 0 : index
    %get3A_730 = vector.load %arg1[%get3A_728, %get3A_729] : memref<5120x16xf32, #tpu.memory_space<vmem>>, vector<512x1xf32>
    %get3A_731 = arith.constant 4096 : index
    %get3A_732 = arith.constant 1 : index
    %get3A_733 = vector.load %arg1[%get3A_731, %get3A_732] : memref<5120x16xf32, #tpu.memory_space<vmem>>, vector<512x1xf32>
    %get3A_734 = arith.constant 4096 : index
    %get3A_735 = arith.constant 2 : index
    %get3A_736 = vector.load %arg1[%get3A_734, %get3A_735] : memref<5120x16xf32, #tpu.memory_space<vmem>>, vector<512x1xf32>
    %get3A_737 = arith.constant 4096 : index
    %get3A_738 = arith.constant 3 : index
    %get3A_739 = vector.load %arg1[%get3A_737, %get3A_738] : memref<5120x16xf32, #tpu.memory_space<vmem>>, vector<512x1xf32>
    %get3A_740 = arith.constant 0 : index
    %get3A_741 = arith.constant 4096 : index
    %get3A_742 = vector.load %arg0[%get3A_740, %get3A_741] : memref<4x5120xf32, #tpu.memory_space<vmem>>, vector<1x512xf32>
    %get3A_743 = arith.constant 1 : index
    %get3A_744 = arith.constant 4096 : index
    %get3A_745 = vector.load %arg0[%get3A_743, %get3A_744] : memref<4x5120xf32, #tpu.memory_space<vmem>>, vector<1x512xf32>
    %get3A_746 = arith.constant 2 : index
    %get3A_747 = arith.constant 4096 : index
    %get3A_748 = vector.load %arg0[%get3A_746, %get3A_747] : memref<4x5120xf32, #tpu.memory_space<vmem>>, vector<1x512xf32>
    %get3A_749 = arith.constant 3 : index
    %get3A_750 = arith.constant 4096 : index
    %get3A_751 = vector.load %arg0[%get3A_749, %get3A_750] : memref<4x5120xf32, #tpu.memory_space<vmem>>, vector<1x512xf32>
    %broadcast_in_dim3A_752 = arith.constant 0.000000e+00 : f32
    %broadcast_in_dim3A_753 = vector.broadcast %broadcast_in_dim3A_752 : f32 to vector<1x512xf32>
    %scan3A_754 = arith.constant 0 : i32
    %scan3A_755 = arith.constant 8 : i32
    %scan3A_756 = arith.addi %scan3A_754, %scan3A_755 : i32
    %scan3A_757 = arith.constant 1 : i32
    %scan3A_758 = scf.for %scan3A_1476 = %scan3A_754 to %scan3A_756 step %scan3A_757 iter_args(%scan3A_1477 = %broadcast_in_dim3A_753) -> (vector<1x512xf32>)  : i32 {
      %mul3A_1478 = arith.constant 512 : i32
      %mul3A_1479 = arith.muli %scan3A_1476, %mul3A_1478 : i32
      %get3A_1480 = arith.index_cast %mul3A_1479 : i32 to index
      %get3A_1481 = arith.constant 0 : index
      %get3A_1482 = vector.load %arg1[%get3A_1480, %get3A_1481] : memref<5120x16xf32, #tpu.memory_space<vmem>>, vector<512x1xf32>
      %get3A_1483 = arith.index_cast %mul3A_1479 : i32 to index
      %get3A_1484 = arith.constant 1 : index
      %get3A_1485 = vector.load %arg1[%get3A_1483, %get3A_1484] : memref<5120x16xf32, #tpu.memory_space<vmem>>, vector<512x1xf32>
      %get3A_1486 = arith.index_cast %mul3A_1479 : i32 to index
      %get3A_1487 = arith.constant 2 : index
      %get3A_1488 = vector.load %arg1[%get3A_1486, %get3A_1487] : memref<5120x16xf32, #tpu.memory_space<vmem>>, vector<512x1xf32>
      %get3A_1489 = arith.index_cast %mul3A_1479 : i32 to index
      %get3A_1490 = arith.constant 3 : index
      %get3A_1491 = vector.load %arg1[%get3A_1489, %get3A_1490] : memref<5120x16xf32, #tpu.memory_space<vmem>>, vector<512x1xf32>
      %sub3A_1492 = arith.subf %get3A_1488, %get3A_1482 : vector<512x1xf32>
      %sub3A_1493 = arith.subf %get3A_1491, %get3A_1485 : vector<512x1xf32>
      %mul3A_1494 = arith.mulf %sub3A_1492, %sub3A_1493 : vector<512x1xf32>
      %sub3A_1495 = arith.subf %get3A_748, %get3A_742 : vector<1x512xf32>
      %sub3A_1496 = arith.subf %get3A_751, %get3A_745 : vector<1x512xf32>
      %mul3A_1497 = arith.mulf %sub3A_1495, %sub3A_1496 : vector<1x512xf32>
      %max3A_1498 = vector.broadcast %get3A_1482 : vector<512x1xf32> to vector<512x512xf32>
      %max3A_1499 = vector.broadcast %get3A_742 : vector<1x512xf32> to vector<512x512xf32>
      %max3A_1500 = arith.maximumf %max3A_1498, %max3A_1499 : vector<512x512xf32>
      %max3A_1501 = vector.broadcast %get3A_1485 : vector<512x1xf32> to vector<512x512xf32>
      %max3A_1502 = vector.broadcast %get3A_745 : vector<1x512xf32> to vector<512x512xf32>
      %max3A_1503 = arith.maximumf %max3A_1501, %max3A_1502 : vector<512x512xf32>
      %min3A_1504 = vector.broadcast %get3A_1488 : vector<512x1xf32> to vector<512x512xf32>
      %min3A_1505 = vector.broadcast %get3A_748 : vector<1x512xf32> to vector<512x512xf32>
      %min3A_1506 = arith.minimumf %min3A_1504, %min3A_1505 : vector<512x512xf32>
      %min3A_1507 = vector.broadcast %get3A_1491 : vector<512x1xf32> to vector<512x512xf32>
      %min3A_1508 = vector.broadcast %get3A_751 : vector<1x512xf32> to vector<512x512xf32>
      %min3A_1509 = arith.minimumf %min3A_1507, %min3A_1508 : vector<512x512xf32>
      %sub3A_1510 = arith.subf %min3A_1506, %max3A_1500 : vector<512x512xf32>
      %max3A_1511 = arith.constant 0.000000e+00 : f32
      %max3A_1512 = vector.broadcast %max3A_1511 : f32 to vector<512x512xf32>
      %max3A_1513 = arith.maximumf %sub3A_1510, %max3A_1512 : vector<512x512xf32>
      %sub3A_1514 = arith.subf %min3A_1509, %max3A_1503 : vector<512x512xf32>
      %max3A_1515 = arith.constant 0.000000e+00 : f32
      %max3A_1516 = vector.broadcast %max3A_1515 : f32 to vector<512x512xf32>
      %max3A_1517 = arith.maximumf %sub3A_1514, %max3A_1516 : vector<512x512xf32>
      %mul3A_1518 = arith.mulf %max3A_1513, %max3A_1517 : vector<512x512xf32>
      %add3A_1519 = vector.broadcast %mul3A_1494 : vector<512x1xf32> to vector<512x512xf32>
      %add3A_1520 = vector.broadcast %mul3A_1497 : vector<1x512xf32> to vector<512x512xf32>
      %add3A_1521 = arith.addf %add3A_1519, %add3A_1520 : vector<512x512xf32>
      %sub3A_1522 = arith.subf %add3A_1521, %mul3A_1518 : vector<512x512xf32>
      %add3A_1523 = arith.constant 9.99999971E-10 : f32
      %add3A_1524 = vector.broadcast %add3A_1523 : f32 to vector<512x512xf32>
      %add3A_1525 = arith.addf %sub3A_1522, %add3A_1524 : vector<512x512xf32>
      %div3A_1526 = arith.divf %mul3A_1518, %add3A_1525 : vector<512x512xf32>
      %gt3A_1527 = arith.constant 5.000000e-01 : f32
      %gt3A_1528 = vector.broadcast %gt3A_1527 : f32 to vector<512x512xf32>
      %gt3A_1529 = arith.cmpf ogt, %div3A_1526, %gt3A_1528 : vector<512x512xf32>
      %convert_element_type3A_1530 = arith.extui %gt3A_1529 : vector<512x512xi1> to vector<512x512xi32>
      %convert_element_type3A_1531 = arith.sitofp %convert_element_type3A_1530 : vector<512x512xi32> to vector<512x512xf32>
      %get3A_1532 = arith.index_cast %scan3A_1476 : i32 to index
      %get3A_1533 = arith.constant 0 : index
      %get3A_1534 = vector.load %arg3[%get3A_1532, %get3A_1533] : memref<10x512xf32, #tpu.memory_space<vmem>>, vector<1x512xf32>
      %dot_general3A_1535 = arith.constant dense<0.000000e+00> : vector<1x512xf32>
      %dot_general3A_1536 = tpu.matmul %get3A_1534, %convert_element_type3A_1531, %dot_general3A_1535 {dimension_numbers = #tpu.dot_dimension_numbers<[1], [0], [0], [1], [0, 0, 1, 1], [], []>, transpose_lhs_hint = false} : vector<1x512xf32>, vector<512x512xf32>, vector<1x512xf32> -> vector<1x512xf32>
      %add3A_1537 = arith.addf %scan3A_1477, %dot_general3A_1536 : vector<1x512xf32>
      scf.yield %add3A_1537 : vector<1x512xf32>
    }
    %scan3A_759 = arith.constant 8 : i32
    %eq3A_760 = arith.constant 0.000000e+00 : f32
    %eq3A_761 = vector.broadcast %eq3A_760 : f32 to vector<1x512xf32>
    %eq3A_762 = arith.cmpf oeq, %scan3A_758, %eq3A_761 : vector<1x512xf32>
    %convert_element_type3A_763 = arith.extui %eq3A_762 : vector<1x512xi1> to vector<1x512xi32>
    %convert_element_type3A_764 = arith.sitofp %convert_element_type3A_763 : vector<1x512xi32> to vector<1x512xf32>
    %sub3A_765 = arith.subf %get3A_736, %get3A_730 : vector<512x1xf32>
    %sub3A_766 = arith.subf %get3A_739, %get3A_733 : vector<512x1xf32>
    %mul3A_767 = arith.mulf %sub3A_765, %sub3A_766 : vector<512x1xf32>
    %sub3A_768 = arith.subf %get3A_748, %get3A_742 : vector<1x512xf32>
    %sub3A_769 = arith.subf %get3A_751, %get3A_745 : vector<1x512xf32>
    %mul3A_770 = arith.mulf %sub3A_768, %sub3A_769 : vector<1x512xf32>
    %max3A_771 = vector.broadcast %get3A_730 : vector<512x1xf32> to vector<512x512xf32>
    %max3A_772 = vector.broadcast %get3A_742 : vector<1x512xf32> to vector<512x512xf32>
    %max3A_773 = arith.maximumf %max3A_771, %max3A_772 : vector<512x512xf32>
    %max3A_774 = vector.broadcast %get3A_733 : vector<512x1xf32> to vector<512x512xf32>
    %max3A_775 = vector.broadcast %get3A_745 : vector<1x512xf32> to vector<512x512xf32>
    %max3A_776 = arith.maximumf %max3A_774, %max3A_775 : vector<512x512xf32>
    %min3A_777 = vector.broadcast %get3A_736 : vector<512x1xf32> to vector<512x512xf32>
    %min3A_778 = vector.broadcast %get3A_748 : vector<1x512xf32> to vector<512x512xf32>
    %min3A_779 = arith.minimumf %min3A_777, %min3A_778 : vector<512x512xf32>
    %min3A_780 = vector.broadcast %get3A_739 : vector<512x1xf32> to vector<512x512xf32>
    %min3A_781 = vector.broadcast %get3A_751 : vector<1x512xf32> to vector<512x512xf32>
    %min3A_782 = arith.minimumf %min3A_780, %min3A_781 : vector<512x512xf32>
    %sub3A_783 = arith.subf %min3A_779, %max3A_773 : vector<512x512xf32>
    %max3A_784 = arith.constant 0.000000e+00 : f32
    %max3A_785 = vector.broadcast %max3A_784 : f32 to vector<512x512xf32>
    %max3A_786 = arith.maximumf %sub3A_783, %max3A_785 : vector<512x512xf32>
    %sub3A_787 = arith.subf %min3A_782, %max3A_776 : vector<512x512xf32>
    %max3A_788 = arith.constant 0.000000e+00 : f32
    %max3A_789 = vector.broadcast %max3A_788 : f32 to vector<512x512xf32>
    %max3A_790 = arith.maximumf %sub3A_787, %max3A_789 : vector<512x512xf32>
    %mul3A_791 = arith.mulf %max3A_786, %max3A_790 : vector<512x512xf32>
    %add3A_792 = vector.broadcast %mul3A_767 : vector<512x1xf32> to vector<512x512xf32>
    %add3A_793 = vector.broadcast %mul3A_770 : vector<1x512xf32> to vector<512x512xf32>
    %add3A_794 = arith.addf %add3A_792, %add3A_793 : vector<512x512xf32>
    %sub3A_795 = arith.subf %add3A_794, %mul3A_791 : vector<512x512xf32>
    %add3A_796 = arith.constant 9.99999971E-10 : f32
    %add3A_797 = vector.broadcast %add3A_796 : f32 to vector<512x512xf32>
    %add3A_798 = arith.addf %sub3A_795, %add3A_797 : vector<512x512xf32>
    %div3A_799 = arith.divf %mul3A_791, %add3A_798 : vector<512x512xf32>
    %gt3A_800 = arith.constant 5.000000e-01 : f32
    %gt3A_801 = vector.broadcast %gt3A_800 : f32 to vector<512x512xf32>
    %gt3A_802 = arith.cmpf ogt, %div3A_799, %gt3A_801 : vector<512x512xf32>
    %convert_element_type3A_803 = arith.extui %gt3A_802 : vector<512x512xi1> to vector<512x512xi32>
    %convert_element_type3A_804 = arith.sitofp %convert_element_type3A_803 : vector<512x512xi32> to vector<512x512xf32>
    %mul3A_805 = arith.mulf %convert_element_type3A_804, %convert_element_type3A_1 : vector<512x512xf32>
    %broadcast_in_dim3A_806 = arith.constant 1.000000e+00 : f32
    %broadcast_in_dim3A_807 = vector.broadcast %broadcast_in_dim3A_806 : f32 to vector<1x512xf32>
    %while3A_808 = arith.constant true
    %while3A_809:2 = scf.while (%while3A_1476 = %broadcast_in_dim3A_807, %while3A_1477 = %while3A_808) : (vector<1x512xf32>, i1) -> (vector<1x512xf32>, i1) {
      scf.condition(%while3A_1477) %while3A_1476, %while3A_1477 : vector<1x512xf32>, i1
    } do {
    ^bb0(%while3A_1476: vector<1x512xf32>, %while3A_1477: i1):
      %mul3A_1478 = arith.mulf %while3A_1476, %convert_element_type3A_764 : vector<1x512xf32>
      %dot_general3A_1479 = arith.constant dense<0.000000e+00> : vector<1x512xf32>
      %dot_general3A_1480 = tpu.matmul %mul3A_1478, %mul3A_805, %dot_general3A_1479 {dimension_numbers = #tpu.dot_dimension_numbers<[1], [0], [0], [1], [0, 0, 1, 1], [], []>, transpose_lhs_hint = false} : vector<1x512xf32>, vector<512x512xf32>, vector<1x512xf32> -> vector<1x512xf32>
      %eq3A_1481 = arith.constant 0.000000e+00 : f32
      %eq3A_1482 = vector.broadcast %eq3A_1481 : f32 to vector<1x512xf32>
      %eq3A_1483 = arith.cmpf oeq, %dot_general3A_1480, %eq3A_1482 : vector<1x512xf32>
      %convert_element_type3A_1484 = arith.extui %eq3A_1483 : vector<1x512xi1> to vector<1x512xi32>
      %convert_element_type3A_1485 = arith.sitofp %convert_element_type3A_1484 : vector<1x512xi32> to vector<1x512xf32>
      %mul3A_1486 = arith.mulf %convert_element_type3A_1485, %convert_element_type3A_764 : vector<1x512xf32>
      %dot_general3A_1487 = arith.constant dense<0.000000e+00> : vector<1x512xf32>
      %dot_general3A_1488 = tpu.matmul %mul3A_1486, %mul3A_805, %dot_general3A_1487 {dimension_numbers = #tpu.dot_dimension_numbers<[1], [0], [0], [1], [0, 0, 1, 1], [], []>, transpose_lhs_hint = false} : vector<1x512xf32>, vector<512x512xf32>, vector<1x512xf32> -> vector<1x512xf32>
      %eq3A_1489 = arith.constant 0.000000e+00 : f32
      %eq3A_1490 = vector.broadcast %eq3A_1489 : f32 to vector<1x512xf32>
      %eq3A_1491 = arith.cmpf oeq, %dot_general3A_1488, %eq3A_1490 : vector<1x512xf32>
      %convert_element_type3A_1492 = arith.extui %eq3A_1491 : vector<1x512xi1> to vector<1x512xi32>
      %convert_element_type3A_1493 = arith.sitofp %convert_element_type3A_1492 : vector<1x512xi32> to vector<1x512xf32>
      %ne3A = arith.cmpf one, %convert_element_type3A_1493, %convert_element_type3A_1485 : vector<1x512xf32>
      %reduce_or3A = arith.constant 1.000000e+00 : f32
      %reduce_or3A_1494 = arith.constant 0.000000e+00 : f32
      %reduce_or3A_1495 = vector.broadcast %reduce_or3A : f32 to vector<1x512xf32>
      %reduce_or3A_1496 = vector.broadcast %reduce_or3A_1494 : f32 to vector<1x512xf32>
      %reduce_or3A_1497 = arith.select %ne3A, %reduce_or3A_1495, %reduce_or3A_1496 : vector<1x512xi1>, vector<1x512xf32>
      %reduce_or3A_1498 = vector.shape_cast %reduce_or3A_1497 : vector<1x512xf32> to vector<1x1x512xf32>
      %reduce_or3A_1499 = arith.constant dense<0xFF800000> : vector<1xf32>
      %reduce_or3A_1500 = vector.multi_reduction <maximumf>, %reduce_or3A_1498, %reduce_or3A_1499 [1, 2] : vector<1x1x512xf32> to vector<1xf32>
      %reduce_or3A_1501 = vector.shape_cast %reduce_or3A_1500 : vector<1xf32> to vector<1x1x1xf32>
      %reduce_or3A_1502 = vector.extract %reduce_or3A_1501[0, 0, 0] : f32 from vector<1x1x1xf32>
      %reduce_or3A_1503 = arith.constant 0.000000e+00 : f32
      %reduce_or3A_1504 = arith.cmpf ogt, %reduce_or3A_1502, %reduce_or3A_1503 : f32
      scf.yield %convert_element_type3A_1493, %reduce_or3A_1504 : vector<1x512xf32>, i1
    }
    %mul3A_810 = arith.mulf %while3A_809#0, %convert_element_type3A_764 : vector<1x512xf32>
    %swap3A_811 = arith.constant 8 : index
    %swap3A_812 = arith.constant 0 : index
    %swap3A_813 = vector.load %arg3[%swap3A_811, %swap3A_812] : memref<10x512xf32, #tpu.memory_space<vmem>>, vector<1x512xf32>
    tpu.vector_store %arg3[%swap3A_811, %swap3A_812], %mul3A_810 {strides = array<i32>} : memref<10x512xf32, #tpu.memory_space<vmem>>, vector<1x512xf32>,
    %get3A_814 = arith.constant 4608 : index
    %get3A_815 = arith.constant 0 : index
    %get3A_816 = vector.load %arg1[%get3A_814, %get3A_815] : memref<5120x16xf32, #tpu.memory_space<vmem>>, vector<512x1xf32>
    %get3A_817 = arith.constant 4608 : index
    %get3A_818 = arith.constant 1 : index
    %get3A_819 = vector.load %arg1[%get3A_817, %get3A_818] : memref<5120x16xf32, #tpu.memory_space<vmem>>, vector<512x1xf32>
    %get3A_820 = arith.constant 4608 : index
    %get3A_821 = arith.constant 2 : index
    %get3A_822 = vector.load %arg1[%get3A_820, %get3A_821] : memref<5120x16xf32, #tpu.memory_space<vmem>>, vector<512x1xf32>
    %get3A_823 = arith.constant 4608 : index
    %get3A_824 = arith.constant 3 : index
    %get3A_825 = vector.load %arg1[%get3A_823, %get3A_824] : memref<5120x16xf32, #tpu.memory_space<vmem>>, vector<512x1xf32>
    %get3A_826 = arith.constant 0 : index
    %get3A_827 = arith.constant 4608 : index
    %get3A_828 = vector.load %arg0[%get3A_826, %get3A_827] : memref<4x5120xf32, #tpu.memory_space<vmem>>, vector<1x512xf32>
    %get3A_829 = arith.constant 1 : index
    %get3A_830 = arith.constant 4608 : index
    %get3A_831 = vector.load %arg0[%get3A_829, %get3A_830] : memref<4x5120xf32, #tpu.memory_space<vmem>>, vector<1x512xf32>
    %get3A_832 = arith.constant 2 : index
    %get3A_833 = arith.constant 4608 : index
    %get3A_834 = vector.load %arg0[%get3A_832, %get3A_833] : memref<4x5120xf32, #tpu.memory_space<vmem>>, vector<1x512xf32>
    %get3A_835 = arith.constant 3 : index
    %get3A_836 = arith.constant 4608 : index
    %get3A_837 = vector.load %arg0[%get3A_835, %get3A_836] : memref<4x5120xf32, #tpu.memory_space<vmem>>, vector<1x512xf32>
    %broadcast_in_dim3A_838 = arith.constant 0.000000e+00 : f32
    %broadcast_in_dim3A_839 = vector.broadcast %broadcast_in_dim3A_838 : f32 to vector<1x512xf32>
    %scan3A_840 = arith.constant 0 : i32
    %scan3A_841 = arith.constant 9 : i32
    %scan3A_842 = arith.addi %scan3A_840, %scan3A_841 : i32
    %scan3A_843 = arith.constant 1 : i32
    %scan3A_844 = scf.for %scan3A_1476 = %scan3A_840 to %scan3A_842 step %scan3A_843 iter_args(%scan3A_1477 = %broadcast_in_dim3A_839) -> (vector<1x512xf32>)  : i32 {
      %mul3A_1478 = arith.constant 512 : i32
      %mul3A_1479 = arith.muli %scan3A_1476, %mul3A_1478 : i32
      %get3A_1480 = arith.index_cast %mul3A_1479 : i32 to index
      %get3A_1481 = arith.constant 0 : index
      %get3A_1482 = vector.load %arg1[%get3A_1480, %get3A_1481] : memref<5120x16xf32, #tpu.memory_space<vmem>>, vector<512x1xf32>
      %get3A_1483 = arith.index_cast %mul3A_1479 : i32 to index
      %get3A_1484 = arith.constant 1 : index
      %get3A_1485 = vector.load %arg1[%get3A_1483, %get3A_1484] : memref<5120x16xf32, #tpu.memory_space<vmem>>, vector<512x1xf32>
      %get3A_1486 = arith.index_cast %mul3A_1479 : i32 to index
      %get3A_1487 = arith.constant 2 : index
      %get3A_1488 = vector.load %arg1[%get3A_1486, %get3A_1487] : memref<5120x16xf32, #tpu.memory_space<vmem>>, vector<512x1xf32>
      %get3A_1489 = arith.index_cast %mul3A_1479 : i32 to index
      %get3A_1490 = arith.constant 3 : index
      %get3A_1491 = vector.load %arg1[%get3A_1489, %get3A_1490] : memref<5120x16xf32, #tpu.memory_space<vmem>>, vector<512x1xf32>
      %sub3A_1492 = arith.subf %get3A_1488, %get3A_1482 : vector<512x1xf32>
      %sub3A_1493 = arith.subf %get3A_1491, %get3A_1485 : vector<512x1xf32>
      %mul3A_1494 = arith.mulf %sub3A_1492, %sub3A_1493 : vector<512x1xf32>
      %sub3A_1495 = arith.subf %get3A_834, %get3A_828 : vector<1x512xf32>
      %sub3A_1496 = arith.subf %get3A_837, %get3A_831 : vector<1x512xf32>
      %mul3A_1497 = arith.mulf %sub3A_1495, %sub3A_1496 : vector<1x512xf32>
      %max3A_1498 = vector.broadcast %get3A_1482 : vector<512x1xf32> to vector<512x512xf32>
      %max3A_1499 = vector.broadcast %get3A_828 : vector<1x512xf32> to vector<512x512xf32>
      %max3A_1500 = arith.maximumf %max3A_1498, %max3A_1499 : vector<512x512xf32>
      %max3A_1501 = vector.broadcast %get3A_1485 : vector<512x1xf32> to vector<512x512xf32>
      %max3A_1502 = vector.broadcast %get3A_831 : vector<1x512xf32> to vector<512x512xf32>
      %max3A_1503 = arith.maximumf %max3A_1501, %max3A_1502 : vector<512x512xf32>
      %min3A_1504 = vector.broadcast %get3A_1488 : vector<512x1xf32> to vector<512x512xf32>
      %min3A_1505 = vector.broadcast %get3A_834 : vector<1x512xf32> to vector<512x512xf32>
      %min3A_1506 = arith.minimumf %min3A_1504, %min3A_1505 : vector<512x512xf32>
      %min3A_1507 = vector.broadcast %get3A_1491 : vector<512x1xf32> to vector<512x512xf32>
      %min3A_1508 = vector.broadcast %get3A_837 : vector<1x512xf32> to vector<512x512xf32>
      %min3A_1509 = arith.minimumf %min3A_1507, %min3A_1508 : vector<512x512xf32>
      %sub3A_1510 = arith.subf %min3A_1506, %max3A_1500 : vector<512x512xf32>
      %max3A_1511 = arith.constant 0.000000e+00 : f32
      %max3A_1512 = vector.broadcast %max3A_1511 : f32 to vector<512x512xf32>
      %max3A_1513 = arith.maximumf %sub3A_1510, %max3A_1512 : vector<512x512xf32>
      %sub3A_1514 = arith.subf %min3A_1509, %max3A_1503 : vector<512x512xf32>
      %max3A_1515 = arith.constant 0.000000e+00 : f32
      %max3A_1516 = vector.broadcast %max3A_1515 : f32 to vector<512x512xf32>
      %max3A_1517 = arith.maximumf %sub3A_1514, %max3A_1516 : vector<512x512xf32>
      %mul3A_1518 = arith.mulf %max3A_1513, %max3A_1517 : vector<512x512xf32>
      %add3A_1519 = vector.broadcast %mul3A_1494 : vector<512x1xf32> to vector<512x512xf32>
      %add3A_1520 = vector.broadcast %mul3A_1497 : vector<1x512xf32> to vector<512x512xf32>
      %add3A_1521 = arith.addf %add3A_1519, %add3A_1520 : vector<512x512xf32>
      %sub3A_1522 = arith.subf %add3A_1521, %mul3A_1518 : vector<512x512xf32>
      %add3A_1523 = arith.constant 9.99999971E-10 : f32
      %add3A_1524 = vector.broadcast %add3A_1523 : f32 to vector<512x512xf32>
      %add3A_1525 = arith.addf %sub3A_1522, %add3A_1524 : vector<512x512xf32>
      %div3A_1526 = arith.divf %mul3A_1518, %add3A_1525 : vector<512x512xf32>
      %gt3A_1527 = arith.constant 5.000000e-01 : f32
      %gt3A_1528 = vector.broadcast %gt3A_1527 : f32 to vector<512x512xf32>
      %gt3A_1529 = arith.cmpf ogt, %div3A_1526, %gt3A_1528 : vector<512x512xf32>
      %convert_element_type3A_1530 = arith.extui %gt3A_1529 : vector<512x512xi1> to vector<512x512xi32>
      %convert_element_type3A_1531 = arith.sitofp %convert_element_type3A_1530 : vector<512x512xi32> to vector<512x512xf32>
      %get3A_1532 = arith.index_cast %scan3A_1476 : i32 to index
      %get3A_1533 = arith.constant 0 : index
      %get3A_1534 = vector.load %arg3[%get3A_1532, %get3A_1533] : memref<10x512xf32, #tpu.memory_space<vmem>>, vector<1x512xf32>
      %dot_general3A_1535 = arith.constant dense<0.000000e+00> : vector<1x512xf32>
      %dot_general3A_1536 = tpu.matmul %get3A_1534, %convert_element_type3A_1531, %dot_general3A_1535 {dimension_numbers = #tpu.dot_dimension_numbers<[1], [0], [0], [1], [0, 0, 1, 1], [], []>, transpose_lhs_hint = false} : vector<1x512xf32>, vector<512x512xf32>, vector<1x512xf32> -> vector<1x512xf32>
      %add3A_1537 = arith.addf %scan3A_1477, %dot_general3A_1536 : vector<1x512xf32>
      scf.yield %add3A_1537 : vector<1x512xf32>
    }
    %scan3A_845 = arith.constant 9 : i32
    %eq3A_846 = arith.constant 0.000000e+00 : f32
    %eq3A_847 = vector.broadcast %eq3A_846 : f32 to vector<1x512xf32>
    %eq3A_848 = arith.cmpf oeq, %scan3A_844, %eq3A_847 : vector<1x512xf32>
    %convert_element_type3A_849 = arith.extui %eq3A_848 : vector<1x512xi1> to vector<1x512xi32>
    %convert_element_type3A_850 = arith.sitofp %convert_element_type3A_849 : vector<1x512xi32> to vector<1x512xf32>
    %sub3A_851 = arith.subf %get3A_822, %get3A_816 : vector<512x1xf32>
    %sub3A_852 = arith.subf %get3A_825, %get3A_819 : vector<512x1xf32>
    %mul3A_853 = arith.mulf %sub3A_851, %sub3A_852 : vector<512x1xf32>
    %sub3A_854 = arith.subf %get3A_834, %get3A_828 : vector<1x512xf32>
    %sub3A_855 = arith.subf %get3A_837, %get3A_831 : vector<1x512xf32>
    %mul3A_856 = arith.mulf %sub3A_854, %sub3A_855 : vector<1x512xf32>
    %max3A_857 = vector.broadcast %get3A_816 : vector<512x1xf32> to vector<512x512xf32>
    %max3A_858 = vector.broadcast %get3A_828 : vector<1x512xf32> to vector<512x512xf32>
    %max3A_859 = arith.maximumf %max3A_857, %max3A_858 : vector<512x512xf32>
    %max3A_860 = vector.broadcast %get3A_819 : vector<512x1xf32> to vector<512x512xf32>
    %max3A_861 = vector.broadcast %get3A_831 : vector<1x512xf32> to vector<512x512xf32>
    %max3A_862 = arith.maximumf %max3A_860, %max3A_861 : vector<512x512xf32>
    %min3A_863 = vector.broadcast %get3A_822 : vector<512x1xf32> to vector<512x512xf32>
    %min3A_864 = vector.broadcast %get3A_834 : vector<1x512xf32> to vector<512x512xf32>
    %min3A_865 = arith.minimumf %min3A_863, %min3A_864 : vector<512x512xf32>
    %min3A_866 = vector.broadcast %get3A_825 : vector<512x1xf32> to vector<512x512xf32>
    %min3A_867 = vector.broadcast %get3A_837 : vector<1x512xf32> to vector<512x512xf32>
    %min3A_868 = arith.minimumf %min3A_866, %min3A_867 : vector<512x512xf32>
    %sub3A_869 = arith.subf %min3A_865, %max3A_859 : vector<512x512xf32>
    %max3A_870 = arith.constant 0.000000e+00 : f32
    %max3A_871 = vector.broadcast %max3A_870 : f32 to vector<512x512xf32>
    %max3A_872 = arith.maximumf %sub3A_869, %max3A_871 : vector<512x512xf32>
    %sub3A_873 = arith.subf %min3A_868, %max3A_862 : vector<512x512xf32>
    %max3A_874 = arith.constant 0.000000e+00 : f32
    %max3A_875 = vector.broadcast %max3A_874 : f32 to vector<512x512xf32>
    %max3A_876 = arith.maximumf %sub3A_873, %max3A_875 : vector<512x512xf32>
    %mul3A_877 = arith.mulf %max3A_872, %max3A_876 : vector<512x512xf32>
    %add3A_878 = vector.broadcast %mul3A_853 : vector<512x1xf32> to vector<512x512xf32>
    %add3A_879 = vector.broadcast %mul3A_856 : vector<1x512xf32> to vector<512x512xf32>
    %add3A_880 = arith.addf %add3A_878, %add3A_879 : vector<512x512xf32>
    %sub3A_881 = arith.subf %add3A_880, %mul3A_877 : vector<512x512xf32>
    %add3A_882 = arith.constant 9.99999971E-10 : f32
    %add3A_883 = vector.broadcast %add3A_882 : f32 to vector<512x512xf32>
    %add3A_884 = arith.addf %sub3A_881, %add3A_883 : vector<512x512xf32>
    %div3A_885 = arith.divf %mul3A_877, %add3A_884 : vector<512x512xf32>
    %gt3A_886 = arith.constant 5.000000e-01 : f32
    %gt3A_887 = vector.broadcast %gt3A_886 : f32 to vector<512x512xf32>
    %gt3A_888 = arith.cmpf ogt, %div3A_885, %gt3A_887 : vector<512x512xf32>
    %convert_element_type3A_889 = arith.extui %gt3A_888 : vector<512x512xi1> to vector<512x512xi32>
    %convert_element_type3A_890 = arith.sitofp %convert_element_type3A_889 : vector<512x512xi32> to vector<512x512xf32>
    %mul3A_891 = arith.mulf %convert_element_type3A_890, %convert_element_type3A_1 : vector<512x512xf32>
    %broadcast_in_dim3A_892 = arith.constant 1.000000e+00 : f32
    %broadcast_in_dim3A_893 = vector.broadcast %broadcast_in_dim3A_892 : f32 to vector<1x512xf32>
    %while3A_894 = arith.constant true
    %while3A_895:2 = scf.while (%while3A_1476 = %broadcast_in_dim3A_893, %while3A_1477 = %while3A_894) : (vector<1x512xf32>, i1) -> (vector<1x512xf32>, i1) {
      scf.condition(%while3A_1477) %while3A_1476, %while3A_1477 : vector<1x512xf32>, i1
    } do {
    ^bb0(%while3A_1476: vector<1x512xf32>, %while3A_1477: i1):
      %mul3A_1478 = arith.mulf %while3A_1476, %convert_element_type3A_850 : vector<1x512xf32>
      %dot_general3A_1479 = arith.constant dense<0.000000e+00> : vector<1x512xf32>
      %dot_general3A_1480 = tpu.matmul %mul3A_1478, %mul3A_891, %dot_general3A_1479 {dimension_numbers = #tpu.dot_dimension_numbers<[1], [0], [0], [1], [0, 0, 1, 1], [], []>, transpose_lhs_hint = false} : vector<1x512xf32>, vector<512x512xf32>, vector<1x512xf32> -> vector<1x512xf32>
      %eq3A_1481 = arith.constant 0.000000e+00 : f32
      %eq3A_1482 = vector.broadcast %eq3A_1481 : f32 to vector<1x512xf32>
      %eq3A_1483 = arith.cmpf oeq, %dot_general3A_1480, %eq3A_1482 : vector<1x512xf32>
      %convert_element_type3A_1484 = arith.extui %eq3A_1483 : vector<1x512xi1> to vector<1x512xi32>
      %convert_element_type3A_1485 = arith.sitofp %convert_element_type3A_1484 : vector<1x512xi32> to vector<1x512xf32>
      %mul3A_1486 = arith.mulf %convert_element_type3A_1485, %convert_element_type3A_850 : vector<1x512xf32>
      %dot_general3A_1487 = arith.constant dense<0.000000e+00> : vector<1x512xf32>
      %dot_general3A_1488 = tpu.matmul %mul3A_1486, %mul3A_891, %dot_general3A_1487 {dimension_numbers = #tpu.dot_dimension_numbers<[1], [0], [0], [1], [0, 0, 1, 1], [], []>, transpose_lhs_hint = false} : vector<1x512xf32>, vector<512x512xf32>, vector<1x512xf32> -> vector<1x512xf32>
      %eq3A_1489 = arith.constant 0.000000e+00 : f32
      %eq3A_1490 = vector.broadcast %eq3A_1489 : f32 to vector<1x512xf32>
      %eq3A_1491 = arith.cmpf oeq, %dot_general3A_1488, %eq3A_1490 : vector<1x512xf32>
      %convert_element_type3A_1492 = arith.extui %eq3A_1491 : vector<1x512xi1> to vector<1x512xi32>
      %convert_element_type3A_1493 = arith.sitofp %convert_element_type3A_1492 : vector<1x512xi32> to vector<1x512xf32>
      %ne3A = arith.cmpf one, %convert_element_type3A_1493, %convert_element_type3A_1485 : vector<1x512xf32>
      %reduce_or3A = arith.constant 1.000000e+00 : f32
      %reduce_or3A_1494 = arith.constant 0.000000e+00 : f32
      %reduce_or3A_1495 = vector.broadcast %reduce_or3A : f32 to vector<1x512xf32>
      %reduce_or3A_1496 = vector.broadcast %reduce_or3A_1494 : f32 to vector<1x512xf32>
      %reduce_or3A_1497 = arith.select %ne3A, %reduce_or3A_1495, %reduce_or3A_1496 : vector<1x512xi1>, vector<1x512xf32>
      %reduce_or3A_1498 = vector.shape_cast %reduce_or3A_1497 : vector<1x512xf32> to vector<1x1x512xf32>
      %reduce_or3A_1499 = arith.constant dense<0xFF800000> : vector<1xf32>
      %reduce_or3A_1500 = vector.multi_reduction <maximumf>, %reduce_or3A_1498, %reduce_or3A_1499 [1, 2] : vector<1x1x512xf32> to vector<1xf32>
      %reduce_or3A_1501 = vector.shape_cast %reduce_or3A_1500 : vector<1xf32> to vector<1x1x1xf32>
      %reduce_or3A_1502 = vector.extract %reduce_or3A_1501[0, 0, 0] : f32 from vector<1x1x1xf32>
      %reduce_or3A_1503 = arith.constant 0.000000e+00 : f32
      %reduce_or3A_1504 = arith.cmpf ogt, %reduce_or3A_1502, %reduce_or3A_1503 : f32
      scf.yield %convert_element_type3A_1493, %reduce_or3A_1504 : vector<1x512xf32>, i1
    }
    %mul3A_896 = arith.mulf %while3A_895#0, %convert_element_type3A_850 : vector<1x512xf32>
    %swap3A_897 = arith.constant 9 : index
    %swap3A_898 = arith.constant 0 : index
    %swap3A_899 = vector.load %arg3[%swap3A_897, %swap3A_898] : memref<10x512xf32, #tpu.memory_space<vmem>>, vector<1x512xf32>
    tpu.vector_store %arg3[%swap3A_897, %swap3A_898], %mul3A_896 {strides = array<i32>} : memref<10x512xf32, #tpu.memory_space<vmem>>, vector<1x512xf32>,
    %iota3A_900 = tpu.iota {dimensions = array<i32: 1>} : vector<1x512xi32>
    %add3A_901 = arith.constant 0 : i32
    %add3A_902 = vector.broadcast %add3A_901 : i32 to vector<1x512xi32>
    %add3A_903 = arith.addi %iota3A_900, %add3A_902 : vector<1x512xi32>
    %lt3A_904 = arith.constant 5000 : i32
    %lt3A_905 = vector.broadcast %lt3A_904 : i32 to vector<1x512xi32>
    %lt3A_906 = arith.cmpi slt, %add3A_903, %lt3A_905 : vector<1x512xi32>
    %convert_element_type3A_907 = arith.extui %lt3A_906 : vector<1x512xi1> to vector<1x512xi32>
    %convert_element_type3A_908 = arith.sitofp %convert_element_type3A_907 : vector<1x512xi32> to vector<1x512xf32>
    %get3A_909 = arith.constant 0 : index
    %get3A_910 = arith.constant 0 : index
    %get3A_911 = vector.load %arg3[%get3A_909, %get3A_910] : memref<10x512xf32, #tpu.memory_space<vmem>>, vector<1x512xf32>
    %mul3A_912 = arith.mulf %get3A_911, %convert_element_type3A_908 : vector<1x512xf32>
    %sub3A_913 = arith.constant 1.000000e+00 : f32
    %sub3A_914 = vector.broadcast %sub3A_913 : f32 to vector<1x512xf32>
    %sub3A_915 = arith.subf %sub3A_914, %get3A_911 : vector<1x512xf32>
    %mul3A_916 = arith.mulf %sub3A_915, %convert_element_type3A_908 : vector<1x512xf32>
    %dot_general3A_917 = arith.constant dense<0.000000e+00> : vector<1x512xf32>
    %dot_general3A_918 = tpu.matmul %mul3A_912, %convert_element_type3A_3, %dot_general3A_917 {dimension_numbers = #tpu.dot_dimension_numbers<[1], [0], [0], [1], [0, 0, 1, 1], [], []>, transpose_lhs_hint = false} : vector<1x512xf32>, vector<512x512xf32>, vector<1x512xf32> -> vector<1x512xf32>
    %add3A_919 = arith.constant 0.000000e+00 : f32
    %add3A_920 = vector.broadcast %add3A_919 : f32 to vector<1x512xf32>
    %add3A_921 = arith.addf %dot_general3A_918, %add3A_920 : vector<1x512xf32>
    %dot_general3A_922 = arith.constant dense<0.000000e+00> : vector<1x512xf32>
    %dot_general3A_923 = tpu.matmul %mul3A_916, %convert_element_type3A_3, %dot_general3A_922 {dimension_numbers = #tpu.dot_dimension_numbers<[1], [0], [0], [1], [0, 0, 1, 1], [], []>, transpose_lhs_hint = false} : vector<1x512xf32>, vector<512x512xf32>, vector<1x512xf32> -> vector<1x512xf32>
    %add3A_924 = arith.constant 0.000000e+00 : f32
    %add3A_925 = vector.broadcast %add3A_924 : f32 to vector<1x512xf32>
    %add3A_926 = arith.addf %dot_general3A_923, %add3A_925 : vector<1x512xf32>
    %slice3A = vector.extract_strided_slice %add3A_921 {offsets = [0, 511], sizes = [1, 1], strides = [1, 1]} : vector<1x512xf32> to vector<1x1xf32>
    %squeeze3A = vector.extract %slice3A[0, 0] : f32 from vector<1x1xf32>
    %slice3A_927 = vector.extract_strided_slice %add3A_926 {offsets = [0, 511], sizes = [1, 1], strides = [1, 1]} : vector<1x512xf32> to vector<1x1xf32>
    %squeeze3A_928 = vector.extract %slice3A_927[0, 0] : f32 from vector<1x1xf32>
    %add3A_929 = arith.constant 512 : i32
    %add3A_930 = vector.broadcast %add3A_929 : i32 to vector<1x512xi32>
    %add3A_931 = arith.addi %iota3A_900, %add3A_930 : vector<1x512xi32>
    %lt3A_932 = arith.constant 5000 : i32
    %lt3A_933 = vector.broadcast %lt3A_932 : i32 to vector<1x512xi32>
    %lt3A_934 = arith.cmpi slt, %add3A_931, %lt3A_933 : vector<1x512xi32>
    %convert_element_type3A_935 = arith.extui %lt3A_934 : vector<1x512xi1> to vector<1x512xi32>
    %convert_element_type3A_936 = arith.sitofp %convert_element_type3A_935 : vector<1x512xi32> to vector<1x512xf32>
    %get3A_937 = arith.constant 1 : index
    %get3A_938 = arith.constant 0 : index
    %get3A_939 = vector.load %arg3[%get3A_937, %get3A_938] : memref<10x512xf32, #tpu.memory_space<vmem>>, vector<1x512xf32>
    %mul3A_940 = arith.mulf %get3A_939, %convert_element_type3A_936 : vector<1x512xf32>
    %sub3A_941 = arith.constant 1.000000e+00 : f32
    %sub3A_942 = vector.broadcast %sub3A_941 : f32 to vector<1x512xf32>
    %sub3A_943 = arith.subf %sub3A_942, %get3A_939 : vector<1x512xf32>
    %mul3A_944 = arith.mulf %sub3A_943, %convert_element_type3A_936 : vector<1x512xf32>
    %dot_general3A_945 = arith.constant dense<0.000000e+00> : vector<1x512xf32>
    %dot_general3A_946 = tpu.matmul %mul3A_940, %convert_element_type3A_3, %dot_general3A_945 {dimension_numbers = #tpu.dot_dimension_numbers<[1], [0], [0], [1], [0, 0, 1, 1], [], []>, transpose_lhs_hint = false} : vector<1x512xf32>, vector<512x512xf32>, vector<1x512xf32> -> vector<1x512xf32>
    %add3A_947 = vector.broadcast %squeeze3A : f32 to vector<1x512xf32>
    %add3A_948 = arith.addf %dot_general3A_946, %add3A_947 : vector<1x512xf32>
    %dot_general3A_949 = arith.constant dense<0.000000e+00> : vector<1x512xf32>
    %dot_general3A_950 = tpu.matmul %mul3A_944, %convert_element_type3A_3, %dot_general3A_949 {dimension_numbers = #tpu.dot_dimension_numbers<[1], [0], [0], [1], [0, 0, 1, 1], [], []>, transpose_lhs_hint = false} : vector<1x512xf32>, vector<512x512xf32>, vector<1x512xf32> -> vector<1x512xf32>
    %add3A_951 = vector.broadcast %squeeze3A_928 : f32 to vector<1x512xf32>
    %add3A_952 = arith.addf %dot_general3A_950, %add3A_951 : vector<1x512xf32>
    %slice3A_953 = vector.extract_strided_slice %add3A_948 {offsets = [0, 511], sizes = [1, 1], strides = [1, 1]} : vector<1x512xf32> to vector<1x1xf32>
    %squeeze3A_954 = vector.extract %slice3A_953[0, 0] : f32 from vector<1x1xf32>
    %slice3A_955 = vector.extract_strided_slice %add3A_952 {offsets = [0, 511], sizes = [1, 1], strides = [1, 1]} : vector<1x512xf32> to vector<1x1xf32>
    %squeeze3A_956 = vector.extract %slice3A_955[0, 0] : f32 from vector<1x1xf32>
    %add3A_957 = arith.constant 1024 : i32
    %add3A_958 = vector.broadcast %add3A_957 : i32 to vector<1x512xi32>
    %add3A_959 = arith.addi %iota3A_900, %add3A_958 : vector<1x512xi32>
    %lt3A_960 = arith.constant 5000 : i32
    %lt3A_961 = vector.broadcast %lt3A_960 : i32 to vector<1x512xi32>
    %lt3A_962 = arith.cmpi slt, %add3A_959, %lt3A_961 : vector<1x512xi32>
    %convert_element_type3A_963 = arith.extui %lt3A_962 : vector<1x512xi1> to vector<1x512xi32>
    %convert_element_type3A_964 = arith.sitofp %convert_element_type3A_963 : vector<1x512xi32> to vector<1x512xf32>
    %get3A_965 = arith.constant 2 : index
    %get3A_966 = arith.constant 0 : index
    %get3A_967 = vector.load %arg3[%get3A_965, %get3A_966] : memref<10x512xf32, #tpu.memory_space<vmem>>, vector<1x512xf32>
    %mul3A_968 = arith.mulf %get3A_967, %convert_element_type3A_964 : vector<1x512xf32>
    %sub3A_969 = arith.constant 1.000000e+00 : f32
    %sub3A_970 = vector.broadcast %sub3A_969 : f32 to vector<1x512xf32>
    %sub3A_971 = arith.subf %sub3A_970, %get3A_967 : vector<1x512xf32>
    %mul3A_972 = arith.mulf %sub3A_971, %convert_element_type3A_964 : vector<1x512xf32>
    %dot_general3A_973 = arith.constant dense<0.000000e+00> : vector<1x512xf32>
    %dot_general3A_974 = tpu.matmul %mul3A_968, %convert_element_type3A_3, %dot_general3A_973 {dimension_numbers = #tpu.dot_dimension_numbers<[1], [0], [0], [1], [0, 0, 1, 1], [], []>, transpose_lhs_hint = false} : vector<1x512xf32>, vector<512x512xf32>, vector<1x512xf32> -> vector<1x512xf32>
    %add3A_975 = vector.broadcast %squeeze3A_954 : f32 to vector<1x512xf32>
    %add3A_976 = arith.addf %dot_general3A_974, %add3A_975 : vector<1x512xf32>
    %dot_general3A_977 = arith.constant dense<0.000000e+00> : vector<1x512xf32>
    %dot_general3A_978 = tpu.matmul %mul3A_972, %convert_element_type3A_3, %dot_general3A_977 {dimension_numbers = #tpu.dot_dimension_numbers<[1], [0], [0], [1], [0, 0, 1, 1], [], []>, transpose_lhs_hint = false} : vector<1x512xf32>, vector<512x512xf32>, vector<1x512xf32> -> vector<1x512xf32>
    %add3A_979 = vector.broadcast %squeeze3A_956 : f32 to vector<1x512xf32>
    %add3A_980 = arith.addf %dot_general3A_978, %add3A_979 : vector<1x512xf32>
    %slice3A_981 = vector.extract_strided_slice %add3A_976 {offsets = [0, 511], sizes = [1, 1], strides = [1, 1]} : vector<1x512xf32> to vector<1x1xf32>
    %squeeze3A_982 = vector.extract %slice3A_981[0, 0] : f32 from vector<1x1xf32>
    %slice3A_983 = vector.extract_strided_slice %add3A_980 {offsets = [0, 511], sizes = [1, 1], strides = [1, 1]} : vector<1x512xf32> to vector<1x1xf32>
    %squeeze3A_984 = vector.extract %slice3A_983[0, 0] : f32 from vector<1x1xf32>
    %add3A_985 = arith.constant 1536 : i32
    %add3A_986 = vector.broadcast %add3A_985 : i32 to vector<1x512xi32>
    %add3A_987 = arith.addi %iota3A_900, %add3A_986 : vector<1x512xi32>
    %lt3A_988 = arith.constant 5000 : i32
    %lt3A_989 = vector.broadcast %lt3A_988 : i32 to vector<1x512xi32>
    %lt3A_990 = arith.cmpi slt, %add3A_987, %lt3A_989 : vector<1x512xi32>
    %convert_element_type3A_991 = arith.extui %lt3A_990 : vector<1x512xi1> to vector<1x512xi32>
    %convert_element_type3A_992 = arith.sitofp %convert_element_type3A_991 : vector<1x512xi32> to vector<1x512xf32>
    %get3A_993 = arith.constant 3 : index
    %get3A_994 = arith.constant 0 : index
    %get3A_995 = vector.load %arg3[%get3A_993, %get3A_994] : memref<10x512xf32, #tpu.memory_space<vmem>>, vector<1x512xf32>
    %mul3A_996 = arith.mulf %get3A_995, %convert_element_type3A_992 : vector<1x512xf32>
    %sub3A_997 = arith.constant 1.000000e+00 : f32
    %sub3A_998 = vector.broadcast %sub3A_997 : f32 to vector<1x512xf32>
    %sub3A_999 = arith.subf %sub3A_998, %get3A_995 : vector<1x512xf32>
    %mul3A_1000 = arith.mulf %sub3A_999, %convert_element_type3A_992 : vector<1x512xf32>
    %dot_general3A_1001 = arith.constant dense<0.000000e+00> : vector<1x512xf32>
    %dot_general3A_1002 = tpu.matmul %mul3A_996, %convert_element_type3A_3, %dot_general3A_1001 {dimension_numbers = #tpu.dot_dimension_numbers<[1], [0], [0], [1], [0, 0, 1, 1], [], []>, transpose_lhs_hint = false} : vector<1x512xf32>, vector<512x512xf32>, vector<1x512xf32> -> vector<1x512xf32>
    %add3A_1003 = vector.broadcast %squeeze3A_982 : f32 to vector<1x512xf32>
    %add3A_1004 = arith.addf %dot_general3A_1002, %add3A_1003 : vector<1x512xf32>
    %dot_general3A_1005 = arith.constant dense<0.000000e+00> : vector<1x512xf32>
    %dot_general3A_1006 = tpu.matmul %mul3A_1000, %convert_element_type3A_3, %dot_general3A_1005 {dimension_numbers = #tpu.dot_dimension_numbers<[1], [0], [0], [1], [0, 0, 1, 1], [], []>, transpose_lhs_hint = false} : vector<1x512xf32>, vector<512x512xf32>, vector<1x512xf32> -> vector<1x512xf32>
    %add3A_1007 = vector.broadcast %squeeze3A_984 : f32 to vector<1x512xf32>
    %add3A_1008 = arith.addf %dot_general3A_1006, %add3A_1007 : vector<1x512xf32>
    %slice3A_1009 = vector.extract_strided_slice %add3A_1004 {offsets = [0, 511], sizes = [1, 1], strides = [1, 1]} : vector<1x512xf32> to vector<1x1xf32>
    %squeeze3A_1010 = vector.extract %slice3A_1009[0, 0] : f32 from vector<1x1xf32>
    %slice3A_1011 = vector.extract_strided_slice %add3A_1008 {offsets = [0, 511], sizes = [1, 1], strides = [1, 1]} : vector<1x512xf32> to vector<1x1xf32>
    %squeeze3A_1012 = vector.extract %slice3A_1011[0, 0] : f32 from vector<1x1xf32>
    %add3A_1013 = arith.constant 2048 : i32
    %add3A_1014 = vector.broadcast %add3A_1013 : i32 to vector<1x512xi32>
    %add3A_1015 = arith.addi %iota3A_900, %add3A_1014 : vector<1x512xi32>
    %lt3A_1016 = arith.constant 5000 : i32
    %lt3A_1017 = vector.broadcast %lt3A_1016 : i32 to vector<1x512xi32>
    %lt3A_1018 = arith.cmpi slt, %add3A_1015, %lt3A_1017 : vector<1x512xi32>
    %convert_element_type3A_1019 = arith.extui %lt3A_1018 : vector<1x512xi1> to vector<1x512xi32>
    %convert_element_type3A_1020 = arith.sitofp %convert_element_type3A_1019 : vector<1x512xi32> to vector<1x512xf32>
    %get3A_1021 = arith.constant 4 : index
    %get3A_1022 = arith.constant 0 : index
    %get3A_1023 = vector.load %arg3[%get3A_1021, %get3A_1022] : memref<10x512xf32, #tpu.memory_space<vmem>>, vector<1x512xf32>
    %mul3A_1024 = arith.mulf %get3A_1023, %convert_element_type3A_1020 : vector<1x512xf32>
    %sub3A_1025 = arith.constant 1.000000e+00 : f32
    %sub3A_1026 = vector.broadcast %sub3A_1025 : f32 to vector<1x512xf32>
    %sub3A_1027 = arith.subf %sub3A_1026, %get3A_1023 : vector<1x512xf32>
    %mul3A_1028 = arith.mulf %sub3A_1027, %convert_element_type3A_1020 : vector<1x512xf32>
    %dot_general3A_1029 = arith.constant dense<0.000000e+00> : vector<1x512xf32>
    %dot_general3A_1030 = tpu.matmul %mul3A_1024, %convert_element_type3A_3, %dot_general3A_1029 {dimension_numbers = #tpu.dot_dimension_numbers<[1], [0], [0], [1], [0, 0, 1, 1], [], []>, transpose_lhs_hint = false} : vector<1x512xf32>, vector<512x512xf32>, vector<1x512xf32> -> vector<1x512xf32>
    %add3A_1031 = vector.broadcast %squeeze3A_1010 : f32 to vector<1x512xf32>
    %add3A_1032 = arith.addf %dot_general3A_1030, %add3A_1031 : vector<1x512xf32>
    %dot_general3A_1033 = arith.constant dense<0.000000e+00> : vector<1x512xf32>
    %dot_general3A_1034 = tpu.matmul %mul3A_1028, %convert_element_type3A_3, %dot_general3A_1033 {dimension_numbers = #tpu.dot_dimension_numbers<[1], [0], [0], [1], [0, 0, 1, 1], [], []>, transpose_lhs_hint = false} : vector<1x512xf32>, vector<512x512xf32>, vector<1x512xf32> -> vector<1x512xf32>
    %add3A_1035 = vector.broadcast %squeeze3A_1012 : f32 to vector<1x512xf32>
    %add3A_1036 = arith.addf %dot_general3A_1034, %add3A_1035 : vector<1x512xf32>
    %slice3A_1037 = vector.extract_strided_slice %add3A_1032 {offsets = [0, 511], sizes = [1, 1], strides = [1, 1]} : vector<1x512xf32> to vector<1x1xf32>
    %squeeze3A_1038 = vector.extract %slice3A_1037[0, 0] : f32 from vector<1x1xf32>
    %slice3A_1039 = vector.extract_strided_slice %add3A_1036 {offsets = [0, 511], sizes = [1, 1], strides = [1, 1]} : vector<1x512xf32> to vector<1x1xf32>
    %squeeze3A_1040 = vector.extract %slice3A_1039[0, 0] : f32 from vector<1x1xf32>
    %add3A_1041 = arith.constant 2560 : i32
    %add3A_1042 = vector.broadcast %add3A_1041 : i32 to vector<1x512xi32>
    %add3A_1043 = arith.addi %iota3A_900, %add3A_1042 : vector<1x512xi32>
    %lt3A_1044 = arith.constant 5000 : i32
    %lt3A_1045 = vector.broadcast %lt3A_1044 : i32 to vector<1x512xi32>
    %lt3A_1046 = arith.cmpi slt, %add3A_1043, %lt3A_1045 : vector<1x512xi32>
    %convert_element_type3A_1047 = arith.extui %lt3A_1046 : vector<1x512xi1> to vector<1x512xi32>
    %convert_element_type3A_1048 = arith.sitofp %convert_element_type3A_1047 : vector<1x512xi32> to vector<1x512xf32>
    %get3A_1049 = arith.constant 5 : index
    %get3A_1050 = arith.constant 0 : index
    %get3A_1051 = vector.load %arg3[%get3A_1049, %get3A_1050] : memref<10x512xf32, #tpu.memory_space<vmem>>, vector<1x512xf32>
    %mul3A_1052 = arith.mulf %get3A_1051, %convert_element_type3A_1048 : vector<1x512xf32>
    %sub3A_1053 = arith.constant 1.000000e+00 : f32
    %sub3A_1054 = vector.broadcast %sub3A_1053 : f32 to vector<1x512xf32>
    %sub3A_1055 = arith.subf %sub3A_1054, %get3A_1051 : vector<1x512xf32>
    %mul3A_1056 = arith.mulf %sub3A_1055, %convert_element_type3A_1048 : vector<1x512xf32>
    %dot_general3A_1057 = arith.constant dense<0.000000e+00> : vector<1x512xf32>
    %dot_general3A_1058 = tpu.matmul %mul3A_1052, %convert_element_type3A_3, %dot_general3A_1057 {dimension_numbers = #tpu.dot_dimension_numbers<[1], [0], [0], [1], [0, 0, 1, 1], [], []>, transpose_lhs_hint = false} : vector<1x512xf32>, vector<512x512xf32>, vector<1x512xf32> -> vector<1x512xf32>
    %add3A_1059 = vector.broadcast %squeeze3A_1038 : f32 to vector<1x512xf32>
    %add3A_1060 = arith.addf %dot_general3A_1058, %add3A_1059 : vector<1x512xf32>
    %dot_general3A_1061 = arith.constant dense<0.000000e+00> : vector<1x512xf32>
    %dot_general3A_1062 = tpu.matmul %mul3A_1056, %convert_element_type3A_3, %dot_general3A_1061 {dimension_numbers = #tpu.dot_dimension_numbers<[1], [0], [0], [1], [0, 0, 1, 1], [], []>, transpose_lhs_hint = false} : vector<1x512xf32>, vector<512x512xf32>, vector<1x512xf32> -> vector<1x512xf32>
    %add3A_1063 = vector.broadcast %squeeze3A_1040 : f32 to vector<1x512xf32>
    %add3A_1064 = arith.addf %dot_general3A_1062, %add3A_1063 : vector<1x512xf32>
    %slice3A_1065 = vector.extract_strided_slice %add3A_1060 {offsets = [0, 511], sizes = [1, 1], strides = [1, 1]} : vector<1x512xf32> to vector<1x1xf32>
    %squeeze3A_1066 = vector.extract %slice3A_1065[0, 0] : f32 from vector<1x1xf32>
    %slice3A_1067 = vector.extract_strided_slice %add3A_1064 {offsets = [0, 511], sizes = [1, 1], strides = [1, 1]} : vector<1x512xf32> to vector<1x1xf32>
    %squeeze3A_1068 = vector.extract %slice3A_1067[0, 0] : f32 from vector<1x1xf32>
    %add3A_1069 = arith.constant 3072 : i32
    %add3A_1070 = vector.broadcast %add3A_1069 : i32 to vector<1x512xi32>
    %add3A_1071 = arith.addi %iota3A_900, %add3A_1070 : vector<1x512xi32>
    %lt3A_1072 = arith.constant 5000 : i32
    %lt3A_1073 = vector.broadcast %lt3A_1072 : i32 to vector<1x512xi32>
    %lt3A_1074 = arith.cmpi slt, %add3A_1071, %lt3A_1073 : vector<1x512xi32>
    %convert_element_type3A_1075 = arith.extui %lt3A_1074 : vector<1x512xi1> to vector<1x512xi32>
    %convert_element_type3A_1076 = arith.sitofp %convert_element_type3A_1075 : vector<1x512xi32> to vector<1x512xf32>
    %get3A_1077 = arith.constant 6 : index
    %get3A_1078 = arith.constant 0 : index
    %get3A_1079 = vector.load %arg3[%get3A_1077, %get3A_1078] : memref<10x512xf32, #tpu.memory_space<vmem>>, vector<1x512xf32>
    %mul3A_1080 = arith.mulf %get3A_1079, %convert_element_type3A_1076 : vector<1x512xf32>
    %sub3A_1081 = arith.constant 1.000000e+00 : f32
    %sub3A_1082 = vector.broadcast %sub3A_1081 : f32 to vector<1x512xf32>
    %sub3A_1083 = arith.subf %sub3A_1082, %get3A_1079 : vector<1x512xf32>
    %mul3A_1084 = arith.mulf %sub3A_1083, %convert_element_type3A_1076 : vector<1x512xf32>
    %dot_general3A_1085 = arith.constant dense<0.000000e+00> : vector<1x512xf32>
    %dot_general3A_1086 = tpu.matmul %mul3A_1080, %convert_element_type3A_3, %dot_general3A_1085 {dimension_numbers = #tpu.dot_dimension_numbers<[1], [0], [0], [1], [0, 0, 1, 1], [], []>, transpose_lhs_hint = false} : vector<1x512xf32>, vector<512x512xf32>, vector<1x512xf32> -> vector<1x512xf32>
    %add3A_1087 = vector.broadcast %squeeze3A_1066 : f32 to vector<1x512xf32>
    %add3A_1088 = arith.addf %dot_general3A_1086, %add3A_1087 : vector<1x512xf32>
    %dot_general3A_1089 = arith.constant dense<0.000000e+00> : vector<1x512xf32>
    %dot_general3A_1090 = tpu.matmul %mul3A_1084, %convert_element_type3A_3, %dot_general3A_1089 {dimension_numbers = #tpu.dot_dimension_numbers<[1], [0], [0], [1], [0, 0, 1, 1], [], []>, transpose_lhs_hint = false} : vector<1x512xf32>, vector<512x512xf32>, vector<1x512xf32> -> vector<1x512xf32>
    %add3A_1091 = vector.broadcast %squeeze3A_1068 : f32 to vector<1x512xf32>
    %add3A_1092 = arith.addf %dot_general3A_1090, %add3A_1091 : vector<1x512xf32>
    %slice3A_1093 = vector.extract_strided_slice %add3A_1088 {offsets = [0, 511], sizes = [1, 1], strides = [1, 1]} : vector<1x512xf32> to vector<1x1xf32>
    %squeeze3A_1094 = vector.extract %slice3A_1093[0, 0] : f32 from vector<1x1xf32>
    %slice3A_1095 = vector.extract_strided_slice %add3A_1092 {offsets = [0, 511], sizes = [1, 1], strides = [1, 1]} : vector<1x512xf32> to vector<1x1xf32>
    %squeeze3A_1096 = vector.extract %slice3A_1095[0, 0] : f32 from vector<1x1xf32>
    %add3A_1097 = arith.constant 3584 : i32
    %add3A_1098 = vector.broadcast %add3A_1097 : i32 to vector<1x512xi32>
    %add3A_1099 = arith.addi %iota3A_900, %add3A_1098 : vector<1x512xi32>
    %lt3A_1100 = arith.constant 5000 : i32
    %lt3A_1101 = vector.broadcast %lt3A_1100 : i32 to vector<1x512xi32>
    %lt3A_1102 = arith.cmpi slt, %add3A_1099, %lt3A_1101 : vector<1x512xi32>
    %convert_element_type3A_1103 = arith.extui %lt3A_1102 : vector<1x512xi1> to vector<1x512xi32>
    %convert_element_type3A_1104 = arith.sitofp %convert_element_type3A_1103 : vector<1x512xi32> to vector<1x512xf32>
    %get3A_1105 = arith.constant 7 : index
    %get3A_1106 = arith.constant 0 : index
    %get3A_1107 = vector.load %arg3[%get3A_1105, %get3A_1106] : memref<10x512xf32, #tpu.memory_space<vmem>>, vector<1x512xf32>
    %mul3A_1108 = arith.mulf %get3A_1107, %convert_element_type3A_1104 : vector<1x512xf32>
    %sub3A_1109 = arith.constant 1.000000e+00 : f32
    %sub3A_1110 = vector.broadcast %sub3A_1109 : f32 to vector<1x512xf32>
    %sub3A_1111 = arith.subf %sub3A_1110, %get3A_1107 : vector<1x512xf32>
    %mul3A_1112 = arith.mulf %sub3A_1111, %convert_element_type3A_1104 : vector<1x512xf32>
    %dot_general3A_1113 = arith.constant dense<0.000000e+00> : vector<1x512xf32>
    %dot_general3A_1114 = tpu.matmul %mul3A_1108, %convert_element_type3A_3, %dot_general3A_1113 {dimension_numbers = #tpu.dot_dimension_numbers<[1], [0], [0], [1], [0, 0, 1, 1], [], []>, transpose_lhs_hint = false} : vector<1x512xf32>, vector<512x512xf32>, vector<1x512xf32> -> vector<1x512xf32>
    %add3A_1115 = vector.broadcast %squeeze3A_1094 : f32 to vector<1x512xf32>
    %add3A_1116 = arith.addf %dot_general3A_1114, %add3A_1115 : vector<1x512xf32>
    %dot_general3A_1117 = arith.constant dense<0.000000e+00> : vector<1x512xf32>
    %dot_general3A_1118 = tpu.matmul %mul3A_1112, %convert_element_type3A_3, %dot_general3A_1117 {dimension_numbers = #tpu.dot_dimension_numbers<[1], [0], [0], [1], [0, 0, 1, 1], [], []>, transpose_lhs_hint = false} : vector<1x512xf32>, vector<512x512xf32>, vector<1x512xf32> -> vector<1x512xf32>
    %add3A_1119 = vector.broadcast %squeeze3A_1096 : f32 to vector<1x512xf32>
    %add3A_1120 = arith.addf %dot_general3A_1118, %add3A_1119 : vector<1x512xf32>
    %slice3A_1121 = vector.extract_strided_slice %add3A_1116 {offsets = [0, 511], sizes = [1, 1], strides = [1, 1]} : vector<1x512xf32> to vector<1x1xf32>
    %squeeze3A_1122 = vector.extract %slice3A_1121[0, 0] : f32 from vector<1x1xf32>
    %slice3A_1123 = vector.extract_strided_slice %add3A_1120 {offsets = [0, 511], sizes = [1, 1], strides = [1, 1]} : vector<1x512xf32> to vector<1x1xf32>
    %squeeze3A_1124 = vector.extract %slice3A_1123[0, 0] : f32 from vector<1x1xf32>
    %add3A_1125 = arith.constant 4096 : i32
    %add3A_1126 = vector.broadcast %add3A_1125 : i32 to vector<1x512xi32>
    %add3A_1127 = arith.addi %iota3A_900, %add3A_1126 : vector<1x512xi32>
    %lt3A_1128 = arith.constant 5000 : i32
    %lt3A_1129 = vector.broadcast %lt3A_1128 : i32 to vector<1x512xi32>
    %lt3A_1130 = arith.cmpi slt, %add3A_1127, %lt3A_1129 : vector<1x512xi32>
    %convert_element_type3A_1131 = arith.extui %lt3A_1130 : vector<1x512xi1> to vector<1x512xi32>
    %convert_element_type3A_1132 = arith.sitofp %convert_element_type3A_1131 : vector<1x512xi32> to vector<1x512xf32>
    %get3A_1133 = arith.constant 8 : index
    %get3A_1134 = arith.constant 0 : index
    %get3A_1135 = vector.load %arg3[%get3A_1133, %get3A_1134] : memref<10x512xf32, #tpu.memory_space<vmem>>, vector<1x512xf32>
    %mul3A_1136 = arith.mulf %get3A_1135, %convert_element_type3A_1132 : vector<1x512xf32>
    %sub3A_1137 = arith.constant 1.000000e+00 : f32
    %sub3A_1138 = vector.broadcast %sub3A_1137 : f32 to vector<1x512xf32>
    %sub3A_1139 = arith.subf %sub3A_1138, %get3A_1135 : vector<1x512xf32>
    %mul3A_1140 = arith.mulf %sub3A_1139, %convert_element_type3A_1132 : vector<1x512xf32>
    %dot_general3A_1141 = arith.constant dense<0.000000e+00> : vector<1x512xf32>
    %dot_general3A_1142 = tpu.matmul %mul3A_1136, %convert_element_type3A_3, %dot_general3A_1141 {dimension_numbers = #tpu.dot_dimension_numbers<[1], [0], [0], [1], [0, 0, 1, 1], [], []>, transpose_lhs_hint = false} : vector<1x512xf32>, vector<512x512xf32>, vector<1x512xf32> -> vector<1x512xf32>
    %add3A_1143 = vector.broadcast %squeeze3A_1122 : f32 to vector<1x512xf32>
    %add3A_1144 = arith.addf %dot_general3A_1142, %add3A_1143 : vector<1x512xf32>
    %dot_general3A_1145 = arith.constant dense<0.000000e+00> : vector<1x512xf32>
    %dot_general3A_1146 = tpu.matmul %mul3A_1140, %convert_element_type3A_3, %dot_general3A_1145 {dimension_numbers = #tpu.dot_dimension_numbers<[1], [0], [0], [1], [0, 0, 1, 1], [], []>, transpose_lhs_hint = false} : vector<1x512xf32>, vector<512x512xf32>, vector<1x512xf32> -> vector<1x512xf32>
    %add3A_1147 = vector.broadcast %squeeze3A_1124 : f32 to vector<1x512xf32>
    %add3A_1148 = arith.addf %dot_general3A_1146, %add3A_1147 : vector<1x512xf32>
    %slice3A_1149 = vector.extract_strided_slice %add3A_1144 {offsets = [0, 511], sizes = [1, 1], strides = [1, 1]} : vector<1x512xf32> to vector<1x1xf32>
    %squeeze3A_1150 = vector.extract %slice3A_1149[0, 0] : f32 from vector<1x1xf32>
    %slice3A_1151 = vector.extract_strided_slice %add3A_1148 {offsets = [0, 511], sizes = [1, 1], strides = [1, 1]} : vector<1x512xf32> to vector<1x1xf32>
    %squeeze3A_1152 = vector.extract %slice3A_1151[0, 0] : f32 from vector<1x1xf32>
    %add3A_1153 = arith.constant 4608 : i32
    %add3A_1154 = vector.broadcast %add3A_1153 : i32 to vector<1x512xi32>
    %add3A_1155 = arith.addi %iota3A_900, %add3A_1154 : vector<1x512xi32>
    %lt3A_1156 = arith.constant 5000 : i32
    %lt3A_1157 = vector.broadcast %lt3A_1156 : i32 to vector<1x512xi32>
    %lt3A_1158 = arith.cmpi slt, %add3A_1155, %lt3A_1157 : vector<1x512xi32>
    %convert_element_type3A_1159 = arith.extui %lt3A_1158 : vector<1x512xi1> to vector<1x512xi32>
    %convert_element_type3A_1160 = arith.sitofp %convert_element_type3A_1159 : vector<1x512xi32> to vector<1x512xf32>
    %get3A_1161 = arith.constant 9 : index
    %get3A_1162 = arith.constant 0 : index
    %get3A_1163 = vector.load %arg3[%get3A_1161, %get3A_1162] : memref<10x512xf32, #tpu.memory_space<vmem>>, vector<1x512xf32>
    %mul3A_1164 = arith.mulf %get3A_1163, %convert_element_type3A_1160 : vector<1x512xf32>
    %sub3A_1165 = arith.constant 1.000000e+00 : f32
    %sub3A_1166 = vector.broadcast %sub3A_1165 : f32 to vector<1x512xf32>
    %sub3A_1167 = arith.subf %sub3A_1166, %get3A_1163 : vector<1x512xf32>
    %mul3A_1168 = arith.mulf %sub3A_1167, %convert_element_type3A_1160 : vector<1x512xf32>
    %dot_general3A_1169 = arith.constant dense<0.000000e+00> : vector<1x512xf32>
    %dot_general3A_1170 = tpu.matmul %mul3A_1164, %convert_element_type3A_3, %dot_general3A_1169 {dimension_numbers = #tpu.dot_dimension_numbers<[1], [0], [0], [1], [0, 0, 1, 1], [], []>, transpose_lhs_hint = false} : vector<1x512xf32>, vector<512x512xf32>, vector<1x512xf32> -> vector<1x512xf32>
    %add3A_1171 = vector.broadcast %squeeze3A_1150 : f32 to vector<1x512xf32>
    %add3A_1172 = arith.addf %dot_general3A_1170, %add3A_1171 : vector<1x512xf32>
    %dot_general3A_1173 = arith.constant dense<0.000000e+00> : vector<1x512xf32>
    %dot_general3A_1174 = tpu.matmul %mul3A_1168, %convert_element_type3A_3, %dot_general3A_1173 {dimension_numbers = #tpu.dot_dimension_numbers<[1], [0], [0], [1], [0, 0, 1, 1], [], []>, transpose_lhs_hint = false} : vector<1x512xf32>, vector<512x512xf32>, vector<1x512xf32> -> vector<1x512xf32>
    %add3A_1175 = vector.broadcast %squeeze3A_1152 : f32 to vector<1x512xf32>
    %add3A_1176 = arith.addf %dot_general3A_1174, %add3A_1175 : vector<1x512xf32>
    %slice3A_1177 = vector.extract_strided_slice %add3A_1172 {offsets = [0, 511], sizes = [1, 1], strides = [1, 1]} : vector<1x512xf32> to vector<1x1xf32>
    %squeeze3A_1178 = vector.extract %slice3A_1177[0, 0] : f32 from vector<1x1xf32>
    %gt3A_1179 = arith.constant 0.000000e+00 : f32
    %gt3A_1180 = vector.broadcast %gt3A_1179 : f32 to vector<1x512xf32>
    %gt3A_1181 = arith.cmpf ogt, %mul3A_912, %gt3A_1180 : vector<1x512xf32>
    %sub3A_1182 = arith.constant 1.000000e+00 : f32
    %sub3A_1183 = vector.broadcast %sub3A_1182 : f32 to vector<1x512xf32>
    %sub3A_1184 = arith.subf %add3A_921, %sub3A_1183 : vector<1x512xf32>
    %add3A_1185 = vector.broadcast %squeeze3A_1178 : f32 to vector<1x512xf32>
    %add3A_1186 = arith.addf %add3A_1185, %add3A_926 : vector<1x512xf32>
    %sub3A_1187 = arith.constant 1.000000e+00 : f32
    %sub3A_1188 = vector.broadcast %sub3A_1187 : f32 to vector<1x512xf32>
    %sub3A_1189 = arith.subf %add3A_1186, %sub3A_1188 : vector<1x512xf32>
    %select_n3A = arith.select %gt3A_1181, %sub3A_1184, %sub3A_1189 : vector<1x512xi1>, vector<1x512xf32>
    %convert_element_type3A_1190 = arith.fptosi %select_n3A : vector<1x512xf32> to vector<1x512xi32>
    %gt3A_1191 = arith.constant 0.000000e+00 : f32
    %gt3A_1192 = vector.broadcast %gt3A_1191 : f32 to vector<1x512xf32>
    %gt3A_1193 = arith.cmpf ogt, %convert_element_type3A_908, %gt3A_1192 : vector<1x512xf32>
    %lt3A_1194 = arith.constant 1000 : i32
    %lt3A_1195 = vector.broadcast %lt3A_1194 : i32 to vector<1x512xi32>
    %lt3A_1196 = arith.cmpi slt, %convert_element_type3A_1190, %lt3A_1195 : vector<1x512xi32>
    %and3A = arith.andi %gt3A_1193, %lt3A_1196 : vector<1x512xi1>
    %rem3A = arith.constant 128 : i32
    %rem3A_1197 = vector.broadcast %rem3A : i32 to vector<1x512xi32>
    %rem3A_1198 = arith.remsi %iota3A_900, %rem3A_1197 : vector<1x512xi32>
    %add3A_1199 = arith.constant 1024 : i32
    %add3A_1200 = vector.broadcast %add3A_1199 : i32 to vector<1x512xi32>
    %add3A_1201 = arith.addi %add3A_1200, %rem3A_1198 : vector<1x512xi32>
    %select_n3A_1202 = arith.select %and3A, %convert_element_type3A_1190, %add3A_1201 : vector<1x512xi1>, vector<1x512xi32>
    %swap3A_1203 = arith.constant 0 : index
    %swap3A_1204 = arith.constant 0 : index
    %swap3A_1205 = vector.load %arg2[%swap3A_1203, %swap3A_1204] : memref<1x5120xi32, #tpu.memory_space<vmem>>, vector<1x512xi32>
    tpu.vector_store %arg2[%swap3A_1203, %swap3A_1204], %select_n3A_1202 {strides = array<i32>} : memref<1x5120xi32, #tpu.memory_space<vmem>>, vector<1x512xi32>,
    %gt3A_1206 = arith.constant 0.000000e+00 : f32
    %gt3A_1207 = vector.broadcast %gt3A_1206 : f32 to vector<1x512xf32>
    %gt3A_1208 = arith.cmpf ogt, %mul3A_940, %gt3A_1207 : vector<1x512xf32>
    %sub3A_1209 = arith.constant 1.000000e+00 : f32
    %sub3A_1210 = vector.broadcast %sub3A_1209 : f32 to vector<1x512xf32>
    %sub3A_1211 = arith.subf %add3A_948, %sub3A_1210 : vector<1x512xf32>
    %add3A_1212 = vector.broadcast %squeeze3A_1178 : f32 to vector<1x512xf32>
    %add3A_1213 = arith.addf %add3A_1212, %add3A_952 : vector<1x512xf32>
    %sub3A_1214 = arith.constant 1.000000e+00 : f32
    %sub3A_1215 = vector.broadcast %sub3A_1214 : f32 to vector<1x512xf32>
    %sub3A_1216 = arith.subf %add3A_1213, %sub3A_1215 : vector<1x512xf32>
    %select_n3A_1217 = arith.select %gt3A_1208, %sub3A_1211, %sub3A_1216 : vector<1x512xi1>, vector<1x512xf32>
    %convert_element_type3A_1218 = arith.fptosi %select_n3A_1217 : vector<1x512xf32> to vector<1x512xi32>
    %gt3A_1219 = arith.constant 0.000000e+00 : f32
    %gt3A_1220 = vector.broadcast %gt3A_1219 : f32 to vector<1x512xf32>
    %gt3A_1221 = arith.cmpf ogt, %convert_element_type3A_936, %gt3A_1220 : vector<1x512xf32>
    %lt3A_1222 = arith.constant 1000 : i32
    %lt3A_1223 = vector.broadcast %lt3A_1222 : i32 to vector<1x512xi32>
    %lt3A_1224 = arith.cmpi slt, %convert_element_type3A_1218, %lt3A_1223 : vector<1x512xi32>
    %and3A_1225 = arith.andi %gt3A_1221, %lt3A_1224 : vector<1x512xi1>
    %rem3A_1226 = arith.constant 128 : i32
    %rem3A_1227 = vector.broadcast %rem3A_1226 : i32 to vector<1x512xi32>
    %rem3A_1228 = arith.remsi %iota3A_900, %rem3A_1227 : vector<1x512xi32>
    %add3A_1229 = arith.constant 1024 : i32
    %add3A_1230 = vector.broadcast %add3A_1229 : i32 to vector<1x512xi32>
    %add3A_1231 = arith.addi %add3A_1230, %rem3A_1228 : vector<1x512xi32>
    %select_n3A_1232 = arith.select %and3A_1225, %convert_element_type3A_1218, %add3A_1231 : vector<1x512xi1>, vector<1x512xi32>
    %swap3A_1233 = arith.constant 0 : index
    %swap3A_1234 = arith.constant 512 : index
    %swap3A_1235 = vector.load %arg2[%swap3A_1233, %swap3A_1234] : memref<1x5120xi32, #tpu.memory_space<vmem>>, vector<1x512xi32>
    tpu.vector_store %arg2[%swap3A_1233, %swap3A_1234], %select_n3A_1232 {strides = array<i32>} : memref<1x5120xi32, #tpu.memory_space<vmem>>, vector<1x512xi32>,
    %gt3A_1236 = arith.constant 0.000000e+00 : f32
    %gt3A_1237 = vector.broadcast %gt3A_1236 : f32 to vector<1x512xf32>
    %gt3A_1238 = arith.cmpf ogt, %mul3A_968, %gt3A_1237 : vector<1x512xf32>
    %sub3A_1239 = arith.constant 1.000000e+00 : f32
    %sub3A_1240 = vector.broadcast %sub3A_1239 : f32 to vector<1x512xf32>
    %sub3A_1241 = arith.subf %add3A_976, %sub3A_1240 : vector<1x512xf32>
    %add3A_1242 = vector.broadcast %squeeze3A_1178 : f32 to vector<1x512xf32>
    %add3A_1243 = arith.addf %add3A_1242, %add3A_980 : vector<1x512xf32>
    %sub3A_1244 = arith.constant 1.000000e+00 : f32
    %sub3A_1245 = vector.broadcast %sub3A_1244 : f32 to vector<1x512xf32>
    %sub3A_1246 = arith.subf %add3A_1243, %sub3A_1245 : vector<1x512xf32>
    %select_n3A_1247 = arith.select %gt3A_1238, %sub3A_1241, %sub3A_1246 : vector<1x512xi1>, vector<1x512xf32>
    %convert_element_type3A_1248 = arith.fptosi %select_n3A_1247 : vector<1x512xf32> to vector<1x512xi32>
    %gt3A_1249 = arith.constant 0.000000e+00 : f32
    %gt3A_1250 = vector.broadcast %gt3A_1249 : f32 to vector<1x512xf32>
    %gt3A_1251 = arith.cmpf ogt, %convert_element_type3A_964, %gt3A_1250 : vector<1x512xf32>
    %lt3A_1252 = arith.constant 1000 : i32
    %lt3A_1253 = vector.broadcast %lt3A_1252 : i32 to vector<1x512xi32>
    %lt3A_1254 = arith.cmpi slt, %convert_element_type3A_1248, %lt3A_1253 : vector<1x512xi32>
    %and3A_1255 = arith.andi %gt3A_1251, %lt3A_1254 : vector<1x512xi1>
    %rem3A_1256 = arith.constant 128 : i32
    %rem3A_1257 = vector.broadcast %rem3A_1256 : i32 to vector<1x512xi32>
    %rem3A_1258 = arith.remsi %iota3A_900, %rem3A_1257 : vector<1x512xi32>
    %add3A_1259 = arith.constant 1024 : i32
    %add3A_1260 = vector.broadcast %add3A_1259 : i32 to vector<1x512xi32>
    %add3A_1261 = arith.addi %add3A_1260, %rem3A_1258 : vector<1x512xi32>
    %select_n3A_1262 = arith.select %and3A_1255, %convert_element_type3A_1248, %add3A_1261 : vector<1x512xi1>, vector<1x512xi32>
    %swap3A_1263 = arith.constant 0 : index
    %swap3A_1264 = arith.constant 1024 : index
    %swap3A_1265 = vector.load %arg2[%swap3A_1263, %swap3A_1264] : memref<1x5120xi32, #tpu.memory_space<vmem>>, vector<1x512xi32>
    tpu.vector_store %arg2[%swap3A_1263, %swap3A_1264], %select_n3A_1262 {strides = array<i32>} : memref<1x5120xi32, #tpu.memory_space<vmem>>, vector<1x512xi32>,
    %gt3A_1266 = arith.constant 0.000000e+00 : f32
    %gt3A_1267 = vector.broadcast %gt3A_1266 : f32 to vector<1x512xf32>
    %gt3A_1268 = arith.cmpf ogt, %mul3A_996, %gt3A_1267 : vector<1x512xf32>
    %sub3A_1269 = arith.constant 1.000000e+00 : f32
    %sub3A_1270 = vector.broadcast %sub3A_1269 : f32 to vector<1x512xf32>
    %sub3A_1271 = arith.subf %add3A_1004, %sub3A_1270 : vector<1x512xf32>
    %add3A_1272 = vector.broadcast %squeeze3A_1178 : f32 to vector<1x512xf32>
    %add3A_1273 = arith.addf %add3A_1272, %add3A_1008 : vector<1x512xf32>
    %sub3A_1274 = arith.constant 1.000000e+00 : f32
    %sub3A_1275 = vector.broadcast %sub3A_1274 : f32 to vector<1x512xf32>
    %sub3A_1276 = arith.subf %add3A_1273, %sub3A_1275 : vector<1x512xf32>
    %select_n3A_1277 = arith.select %gt3A_1268, %sub3A_1271, %sub3A_1276 : vector<1x512xi1>, vector<1x512xf32>
    %convert_element_type3A_1278 = arith.fptosi %select_n3A_1277 : vector<1x512xf32> to vector<1x512xi32>
    %gt3A_1279 = arith.constant 0.000000e+00 : f32
    %gt3A_1280 = vector.broadcast %gt3A_1279 : f32 to vector<1x512xf32>
    %gt3A_1281 = arith.cmpf ogt, %convert_element_type3A_992, %gt3A_1280 : vector<1x512xf32>
    %lt3A_1282 = arith.constant 1000 : i32
    %lt3A_1283 = vector.broadcast %lt3A_1282 : i32 to vector<1x512xi32>
    %lt3A_1284 = arith.cmpi slt, %convert_element_type3A_1278, %lt3A_1283 : vector<1x512xi32>
    %and3A_1285 = arith.andi %gt3A_1281, %lt3A_1284 : vector<1x512xi1>
    %rem3A_1286 = arith.constant 128 : i32
    %rem3A_1287 = vector.broadcast %rem3A_1286 : i32 to vector<1x512xi32>
    %rem3A_1288 = arith.remsi %iota3A_900, %rem3A_1287 : vector<1x512xi32>
    %add3A_1289 = arith.constant 1024 : i32
    %add3A_1290 = vector.broadcast %add3A_1289 : i32 to vector<1x512xi32>
    %add3A_1291 = arith.addi %add3A_1290, %rem3A_1288 : vector<1x512xi32>
    %select_n3A_1292 = arith.select %and3A_1285, %convert_element_type3A_1278, %add3A_1291 : vector<1x512xi1>, vector<1x512xi32>
    %swap3A_1293 = arith.constant 0 : index
    %swap3A_1294 = arith.constant 1536 : index
    %swap3A_1295 = vector.load %arg2[%swap3A_1293, %swap3A_1294] : memref<1x5120xi32, #tpu.memory_space<vmem>>, vector<1x512xi32>
    tpu.vector_store %arg2[%swap3A_1293, %swap3A_1294], %select_n3A_1292 {strides = array<i32>} : memref<1x5120xi32, #tpu.memory_space<vmem>>, vector<1x512xi32>,
    %gt3A_1296 = arith.constant 0.000000e+00 : f32
    %gt3A_1297 = vector.broadcast %gt3A_1296 : f32 to vector<1x512xf32>
    %gt3A_1298 = arith.cmpf ogt, %mul3A_1024, %gt3A_1297 : vector<1x512xf32>
    %sub3A_1299 = arith.constant 1.000000e+00 : f32
    %sub3A_1300 = vector.broadcast %sub3A_1299 : f32 to vector<1x512xf32>
    %sub3A_1301 = arith.subf %add3A_1032, %sub3A_1300 : vector<1x512xf32>
    %add3A_1302 = vector.broadcast %squeeze3A_1178 : f32 to vector<1x512xf32>
    %add3A_1303 = arith.addf %add3A_1302, %add3A_1036 : vector<1x512xf32>
    %sub3A_1304 = arith.constant 1.000000e+00 : f32
    %sub3A_1305 = vector.broadcast %sub3A_1304 : f32 to vector<1x512xf32>
    %sub3A_1306 = arith.subf %add3A_1303, %sub3A_1305 : vector<1x512xf32>
    %select_n3A_1307 = arith.select %gt3A_1298, %sub3A_1301, %sub3A_1306 : vector<1x512xi1>, vector<1x512xf32>
    %convert_element_type3A_1308 = arith.fptosi %select_n3A_1307 : vector<1x512xf32> to vector<1x512xi32>
    %gt3A_1309 = arith.constant 0.000000e+00 : f32
    %gt3A_1310 = vector.broadcast %gt3A_1309 : f32 to vector<1x512xf32>
    %gt3A_1311 = arith.cmpf ogt, %convert_element_type3A_1020, %gt3A_1310 : vector<1x512xf32>
    %lt3A_1312 = arith.constant 1000 : i32
    %lt3A_1313 = vector.broadcast %lt3A_1312 : i32 to vector<1x512xi32>
    %lt3A_1314 = arith.cmpi slt, %convert_element_type3A_1308, %lt3A_1313 : vector<1x512xi32>
    %and3A_1315 = arith.andi %gt3A_1311, %lt3A_1314 : vector<1x512xi1>
    %rem3A_1316 = arith.constant 128 : i32
    %rem3A_1317 = vector.broadcast %rem3A_1316 : i32 to vector<1x512xi32>
    %rem3A_1318 = arith.remsi %iota3A_900, %rem3A_1317 : vector<1x512xi32>
    %add3A_1319 = arith.constant 1024 : i32
    %add3A_1320 = vector.broadcast %add3A_1319 : i32 to vector<1x512xi32>
    %add3A_1321 = arith.addi %add3A_1320, %rem3A_1318 : vector<1x512xi32>
    %select_n3A_1322 = arith.select %and3A_1315, %convert_element_type3A_1308, %add3A_1321 : vector<1x512xi1>, vector<1x512xi32>
    %swap3A_1323 = arith.constant 0 : index
    %swap3A_1324 = arith.constant 2048 : index
    %swap3A_1325 = vector.load %arg2[%swap3A_1323, %swap3A_1324] : memref<1x5120xi32, #tpu.memory_space<vmem>>, vector<1x512xi32>
    tpu.vector_store %arg2[%swap3A_1323, %swap3A_1324], %select_n3A_1322 {strides = array<i32>} : memref<1x5120xi32, #tpu.memory_space<vmem>>, vector<1x512xi32>,
    %gt3A_1326 = arith.constant 0.000000e+00 : f32
    %gt3A_1327 = vector.broadcast %gt3A_1326 : f32 to vector<1x512xf32>
    %gt3A_1328 = arith.cmpf ogt, %mul3A_1052, %gt3A_1327 : vector<1x512xf32>
    %sub3A_1329 = arith.constant 1.000000e+00 : f32
    %sub3A_1330 = vector.broadcast %sub3A_1329 : f32 to vector<1x512xf32>
    %sub3A_1331 = arith.subf %add3A_1060, %sub3A_1330 : vector<1x512xf32>
    %add3A_1332 = vector.broadcast %squeeze3A_1178 : f32 to vector<1x512xf32>
    %add3A_1333 = arith.addf %add3A_1332, %add3A_1064 : vector<1x512xf32>
    %sub3A_1334 = arith.constant 1.000000e+00 : f32
    %sub3A_1335 = vector.broadcast %sub3A_1334 : f32 to vector<1x512xf32>
    %sub3A_1336 = arith.subf %add3A_1333, %sub3A_1335 : vector<1x512xf32>
    %select_n3A_1337 = arith.select %gt3A_1328, %sub3A_1331, %sub3A_1336 : vector<1x512xi1>, vector<1x512xf32>
    %convert_element_type3A_1338 = arith.fptosi %select_n3A_1337 : vector<1x512xf32> to vector<1x512xi32>
    %gt3A_1339 = arith.constant 0.000000e+00 : f32
    %gt3A_1340 = vector.broadcast %gt3A_1339 : f32 to vector<1x512xf32>
    %gt3A_1341 = arith.cmpf ogt, %convert_element_type3A_1048, %gt3A_1340 : vector<1x512xf32>
    %lt3A_1342 = arith.constant 1000 : i32
    %lt3A_1343 = vector.broadcast %lt3A_1342 : i32 to vector<1x512xi32>
    %lt3A_1344 = arith.cmpi slt, %convert_element_type3A_1338, %lt3A_1343 : vector<1x512xi32>
    %and3A_1345 = arith.andi %gt3A_1341, %lt3A_1344 : vector<1x512xi1>
    %rem3A_1346 = arith.constant 128 : i32
    %rem3A_1347 = vector.broadcast %rem3A_1346 : i32 to vector<1x512xi32>
    %rem3A_1348 = arith.remsi %iota3A_900, %rem3A_1347 : vector<1x512xi32>
    %add3A_1349 = arith.constant 1024 : i32
    %add3A_1350 = vector.broadcast %add3A_1349 : i32 to vector<1x512xi32>
    %add3A_1351 = arith.addi %add3A_1350, %rem3A_1348 : vector<1x512xi32>
    %select_n3A_1352 = arith.select %and3A_1345, %convert_element_type3A_1338, %add3A_1351 : vector<1x512xi1>, vector<1x512xi32>
    %swap3A_1353 = arith.constant 0 : index
    %swap3A_1354 = arith.constant 2560 : index
    %swap3A_1355 = vector.load %arg2[%swap3A_1353, %swap3A_1354] : memref<1x5120xi32, #tpu.memory_space<vmem>>, vector<1x512xi32>
    tpu.vector_store %arg2[%swap3A_1353, %swap3A_1354], %select_n3A_1352 {strides = array<i32>} : memref<1x5120xi32, #tpu.memory_space<vmem>>, vector<1x512xi32>,
    %gt3A_1356 = arith.constant 0.000000e+00 : f32
    %gt3A_1357 = vector.broadcast %gt3A_1356 : f32 to vector<1x512xf32>
    %gt3A_1358 = arith.cmpf ogt, %mul3A_1080, %gt3A_1357 : vector<1x512xf32>
    %sub3A_1359 = arith.constant 1.000000e+00 : f32
    %sub3A_1360 = vector.broadcast %sub3A_1359 : f32 to vector<1x512xf32>
    %sub3A_1361 = arith.subf %add3A_1088, %sub3A_1360 : vector<1x512xf32>
    %add3A_1362 = vector.broadcast %squeeze3A_1178 : f32 to vector<1x512xf32>
    %add3A_1363 = arith.addf %add3A_1362, %add3A_1092 : vector<1x512xf32>
    %sub3A_1364 = arith.constant 1.000000e+00 : f32
    %sub3A_1365 = vector.broadcast %sub3A_1364 : f32 to vector<1x512xf32>
    %sub3A_1366 = arith.subf %add3A_1363, %sub3A_1365 : vector<1x512xf32>
    %select_n3A_1367 = arith.select %gt3A_1358, %sub3A_1361, %sub3A_1366 : vector<1x512xi1>, vector<1x512xf32>
    %convert_element_type3A_1368 = arith.fptosi %select_n3A_1367 : vector<1x512xf32> to vector<1x512xi32>
    %gt3A_1369 = arith.constant 0.000000e+00 : f32
    %gt3A_1370 = vector.broadcast %gt3A_1369 : f32 to vector<1x512xf32>
    %gt3A_1371 = arith.cmpf ogt, %convert_element_type3A_1076, %gt3A_1370 : vector<1x512xf32>
    %lt3A_1372 = arith.constant 1000 : i32
    %lt3A_1373 = vector.broadcast %lt3A_1372 : i32 to vector<1x512xi32>
    %lt3A_1374 = arith.cmpi slt, %convert_element_type3A_1368, %lt3A_1373 : vector<1x512xi32>
    %and3A_1375 = arith.andi %gt3A_1371, %lt3A_1374 : vector<1x512xi1>
    %rem3A_1376 = arith.constant 128 : i32
    %rem3A_1377 = vector.broadcast %rem3A_1376 : i32 to vector<1x512xi32>
    %rem3A_1378 = arith.remsi %iota3A_900, %rem3A_1377 : vector<1x512xi32>
    %add3A_1379 = arith.constant 1024 : i32
    %add3A_1380 = vector.broadcast %add3A_1379 : i32 to vector<1x512xi32>
    %add3A_1381 = arith.addi %add3A_1380, %rem3A_1378 : vector<1x512xi32>
    %select_n3A_1382 = arith.select %and3A_1375, %convert_element_type3A_1368, %add3A_1381 : vector<1x512xi1>, vector<1x512xi32>
    %swap3A_1383 = arith.constant 0 : index
    %swap3A_1384 = arith.constant 3072 : index
    %swap3A_1385 = vector.load %arg2[%swap3A_1383, %swap3A_1384] : memref<1x5120xi32, #tpu.memory_space<vmem>>, vector<1x512xi32>
    tpu.vector_store %arg2[%swap3A_1383, %swap3A_1384], %select_n3A_1382 {strides = array<i32>} : memref<1x5120xi32, #tpu.memory_space<vmem>>, vector<1x512xi32>,
    %gt3A_1386 = arith.constant 0.000000e+00 : f32
    %gt3A_1387 = vector.broadcast %gt3A_1386 : f32 to vector<1x512xf32>
    %gt3A_1388 = arith.cmpf ogt, %mul3A_1108, %gt3A_1387 : vector<1x512xf32>
    %sub3A_1389 = arith.constant 1.000000e+00 : f32
    %sub3A_1390 = vector.broadcast %sub3A_1389 : f32 to vector<1x512xf32>
    %sub3A_1391 = arith.subf %add3A_1116, %sub3A_1390 : vector<1x512xf32>
    %add3A_1392 = vector.broadcast %squeeze3A_1178 : f32 to vector<1x512xf32>
    %add3A_1393 = arith.addf %add3A_1392, %add3A_1120 : vector<1x512xf32>
    %sub3A_1394 = arith.constant 1.000000e+00 : f32
    %sub3A_1395 = vector.broadcast %sub3A_1394 : f32 to vector<1x512xf32>
    %sub3A_1396 = arith.subf %add3A_1393, %sub3A_1395 : vector<1x512xf32>
    %select_n3A_1397 = arith.select %gt3A_1388, %sub3A_1391, %sub3A_1396 : vector<1x512xi1>, vector<1x512xf32>
    %convert_element_type3A_1398 = arith.fptosi %select_n3A_1397 : vector<1x512xf32> to vector<1x512xi32>
    %gt3A_1399 = arith.constant 0.000000e+00 : f32
    %gt3A_1400 = vector.broadcast %gt3A_1399 : f32 to vector<1x512xf32>
    %gt3A_1401 = arith.cmpf ogt, %convert_element_type3A_1104, %gt3A_1400 : vector<1x512xf32>
    %lt3A_1402 = arith.constant 1000 : i32
    %lt3A_1403 = vector.broadcast %lt3A_1402 : i32 to vector<1x512xi32>
    %lt3A_1404 = arith.cmpi slt, %convert_element_type3A_1398, %lt3A_1403 : vector<1x512xi32>
    %and3A_1405 = arith.andi %gt3A_1401, %lt3A_1404 : vector<1x512xi1>
    %rem3A_1406 = arith.constant 128 : i32
    %rem3A_1407 = vector.broadcast %rem3A_1406 : i32 to vector<1x512xi32>
    %rem3A_1408 = arith.remsi %iota3A_900, %rem3A_1407 : vector<1x512xi32>
    %add3A_1409 = arith.constant 1024 : i32
    %add3A_1410 = vector.broadcast %add3A_1409 : i32 to vector<1x512xi32>
    %add3A_1411 = arith.addi %add3A_1410, %rem3A_1408 : vector<1x512xi32>
    %select_n3A_1412 = arith.select %and3A_1405, %convert_element_type3A_1398, %add3A_1411 : vector<1x512xi1>, vector<1x512xi32>
    %swap3A_1413 = arith.constant 0 : index
    %swap3A_1414 = arith.constant 3584 : index
    %swap3A_1415 = vector.load %arg2[%swap3A_1413, %swap3A_1414] : memref<1x5120xi32, #tpu.memory_space<vmem>>, vector<1x512xi32>
    tpu.vector_store %arg2[%swap3A_1413, %swap3A_1414], %select_n3A_1412 {strides = array<i32>} : memref<1x5120xi32, #tpu.memory_space<vmem>>, vector<1x512xi32>,
    %gt3A_1416 = arith.constant 0.000000e+00 : f32
    %gt3A_1417 = vector.broadcast %gt3A_1416 : f32 to vector<1x512xf32>
    %gt3A_1418 = arith.cmpf ogt, %mul3A_1136, %gt3A_1417 : vector<1x512xf32>
    %sub3A_1419 = arith.constant 1.000000e+00 : f32
    %sub3A_1420 = vector.broadcast %sub3A_1419 : f32 to vector<1x512xf32>
    %sub3A_1421 = arith.subf %add3A_1144, %sub3A_1420 : vector<1x512xf32>
    %add3A_1422 = vector.broadcast %squeeze3A_1178 : f32 to vector<1x512xf32>
    %add3A_1423 = arith.addf %add3A_1422, %add3A_1148 : vector<1x512xf32>
    %sub3A_1424 = arith.constant 1.000000e+00 : f32
    %sub3A_1425 = vector.broadcast %sub3A_1424 : f32 to vector<1x512xf32>
    %sub3A_1426 = arith.subf %add3A_1423, %sub3A_1425 : vector<1x512xf32>
    %select_n3A_1427 = arith.select %gt3A_1418, %sub3A_1421, %sub3A_1426 : vector<1x512xi1>, vector<1x512xf32>
    %convert_element_type3A_1428 = arith.fptosi %select_n3A_1427 : vector<1x512xf32> to vector<1x512xi32>
    %gt3A_1429 = arith.constant 0.000000e+00 : f32
    %gt3A_1430 = vector.broadcast %gt3A_1429 : f32 to vector<1x512xf32>
    %gt3A_1431 = arith.cmpf ogt, %convert_element_type3A_1132, %gt3A_1430 : vector<1x512xf32>
    %lt3A_1432 = arith.constant 1000 : i32
    %lt3A_1433 = vector.broadcast %lt3A_1432 : i32 to vector<1x512xi32>
    %lt3A_1434 = arith.cmpi slt, %convert_element_type3A_1428, %lt3A_1433 : vector<1x512xi32>
    %and3A_1435 = arith.andi %gt3A_1431, %lt3A_1434 : vector<1x512xi1>
    %rem3A_1436 = arith.constant 128 : i32
    %rem3A_1437 = vector.broadcast %rem3A_1436 : i32 to vector<1x512xi32>
    %rem3A_1438 = arith.remsi %iota3A_900, %rem3A_1437 : vector<1x512xi32>
    %add3A_1439 = arith.constant 1024 : i32
    %add3A_1440 = vector.broadcast %add3A_1439 : i32 to vector<1x512xi32>
    %add3A_1441 = arith.addi %add3A_1440, %rem3A_1438 : vector<1x512xi32>
    %select_n3A_1442 = arith.select %and3A_1435, %convert_element_type3A_1428, %add3A_1441 : vector<1x512xi1>, vector<1x512xi32>
    %swap3A_1443 = arith.constant 0 : index
    %swap3A_1444 = arith.constant 4096 : index
    %swap3A_1445 = vector.load %arg2[%swap3A_1443, %swap3A_1444] : memref<1x5120xi32, #tpu.memory_space<vmem>>, vector<1x512xi32>
    tpu.vector_store %arg2[%swap3A_1443, %swap3A_1444], %select_n3A_1442 {strides = array<i32>} : memref<1x5120xi32, #tpu.memory_space<vmem>>, vector<1x512xi32>,
    %gt3A_1446 = arith.constant 0.000000e+00 : f32
    %gt3A_1447 = vector.broadcast %gt3A_1446 : f32 to vector<1x512xf32>
    %gt3A_1448 = arith.cmpf ogt, %mul3A_1164, %gt3A_1447 : vector<1x512xf32>
    %sub3A_1449 = arith.constant 1.000000e+00 : f32
    %sub3A_1450 = vector.broadcast %sub3A_1449 : f32 to vector<1x512xf32>
    %sub3A_1451 = arith.subf %add3A_1172, %sub3A_1450 : vector<1x512xf32>
    %add3A_1452 = vector.broadcast %squeeze3A_1178 : f32 to vector<1x512xf32>
    %add3A_1453 = arith.addf %add3A_1452, %add3A_1176 : vector<1x512xf32>
    %sub3A_1454 = arith.constant 1.000000e+00 : f32
    %sub3A_1455 = vector.broadcast %sub3A_1454 : f32 to vector<1x512xf32>
    %sub3A_1456 = arith.subf %add3A_1453, %sub3A_1455 : vector<1x512xf32>
    %select_n3A_1457 = arith.select %gt3A_1448, %sub3A_1451, %sub3A_1456 : vector<1x512xi1>, vector<1x512xf32>
    %convert_element_type3A_1458 = arith.fptosi %select_n3A_1457 : vector<1x512xf32> to vector<1x512xi32>
    %gt3A_1459 = arith.constant 0.000000e+00 : f32
    %gt3A_1460 = vector.broadcast %gt3A_1459 : f32 to vector<1x512xf32>
    %gt3A_1461 = arith.cmpf ogt, %convert_element_type3A_1160, %gt3A_1460 : vector<1x512xf32>
    %lt3A_1462 = arith.constant 1000 : i32
    %lt3A_1463 = vector.broadcast %lt3A_1462 : i32 to vector<1x512xi32>
    %lt3A_1464 = arith.cmpi slt, %convert_element_type3A_1458, %lt3A_1463 : vector<1x512xi32>
    %and3A_1465 = arith.andi %gt3A_1461, %lt3A_1464 : vector<1x512xi1>
    %rem3A_1466 = arith.constant 128 : i32
    %rem3A_1467 = vector.broadcast %rem3A_1466 : i32 to vector<1x512xi32>
    %rem3A_1468 = arith.remsi %iota3A_900, %rem3A_1467 : vector<1x512xi32>
    %add3A_1469 = arith.constant 1024 : i32
    %add3A_1470 = vector.broadcast %add3A_1469 : i32 to vector<1x512xi32>
    %add3A_1471 = arith.addi %add3A_1470, %rem3A_1468 : vector<1x512xi32>
    %select_n3A_1472 = arith.select %and3A_1465, %convert_element_type3A_1458, %add3A_1471 : vector<1x512xi1>, vector<1x512xi32>
    %swap3A_1473 = arith.constant 0 : index
    %swap3A_1474 = arith.constant 4608 : index
    %swap3A_1475 = vector.load %arg2[%swap3A_1473, %swap3A_1474] : memref<1x5120xi32, #tpu.memory_space<vmem>>, vector<1x512xi32>
    tpu.vector_store %arg2[%swap3A_1473, %swap3A_1474], %select_n3A_1472 {strides = array<i32>} : memref<1x5120xi32, #tpu.memory_space<vmem>>, vector<1x512xi32>,
    return
  }
}

</mosaic_0001>

<sc_bundles>
// kernel: kernel.6.cloned.1.call-start
scs
__scs_entry_jumppad:
0x0: {  	(pc) =	sbr.rel $0x88, $3  }
0x1: {  	(tag) =	ssettag $0x0;
	lr =	simm.s32 $0x1  }
0x2: {  	[smem:$0x3F9F] =	sst lr;
	_ =	strace $0xD0000000  }
0x3: {  	_ = 	snop  }
0x4: {  	_ = 	snop  }
0x5: {  	_ = 	snop  }
0x6: {  	_ = 	snop  }
0x7: {  	_ = 	snop  }
__scs_overlays_trampoline_lowered:
0x8: {  	[smem:$0x3FAE] =	sst s0  }
0x9: {  	[smem:$0x3FAF] =	sst s1  }
0xa: {  	[smem:$0x3FB0] =	sst s2  }
0xb: {  	[smem:$0x3FB1] =	sst s3  }
0xc: {  	[smem:$0x3FB2] =	sst s4  }
0xd: {  	[smem:$0x3FB3] =	sst s5  }
0xe: {  	[smem:$0x3FB4] =	sst s6  }
0xf: {  	[smem:$0x3FB5] =	sst s7  }
0x10: {  	[smem:$0x3FB6] =	sst s8  }
0x11: {  	[smem:$0x3FB7] =	sst s9;
	s0 =	simm.s32 @!p0 $0x0  }
0x12: {  	s1 =	sld [smem:$0x3F9D];
	s0 =	simm.s32 @p0 $0x1  }
0x13: {  	[smem:$0x3FB8] =	sst s0;
	s0 =	simm.s32 @!p1 $0x0  }
0x14: {  	s2 =	sld [smem:$0x3F9C];
	s0 =	simm.s32 @p1 $0x1  }
0x15: {  	[smem:$0x3FB9] =	sst s0;
	s0 =	simm.s32 @!p2 $0x0  }
0x16: {  	s3 =	sld [smem:$0x3FDB];
	s0 =	simm.s32 @p2 $0x1  }
0x17: {  	s4 =	simm.s32 $0x1BF5;
	[smem:$0x3FBB] =	sst s0  }
0x18: {  	s0 =	sld [smem:$0x3F9E];
	_ =	swait.ge [sflag:s4], $0x0  }
0x19: {  	s7 =	sld [smem:$0x3F9F]  }
0x1a: {  	s8 =	sadd.s32 $0xFFFFE003, lr  }
0x1b: {  	s9 =	sadd.s32 $0xFFFFFEF7, lr;
	s5 =	simm.s32 $0xFFFFFFFF;
	p2 =	slt.u32 s8, $0xFFFFF086  }
0x1c: {  	p1 =	slt.u32 s9, $0xF7A;
	s5 =	simm.s32 @!p2 $0x0  }
0x1d: {  	s5 =	simm.s32 @p1 $0x1;
	p0 =	seq.s32 s7, s2  }
0x1e: {  	s7 =	smul.u32 @!p0 $0xF7A, s2;
	p2 =	seq.s32 @!p0 s5, $0x0  }
0x1f: {  	s9 =	smul.u32 $0xF7A, s1;
	s8 =	simm.s32 @!p0 $0x1BF5;
	p2 =	por !p2, p0  }
0x20: {  	[sflag:s8] =	ssyncset.s32 @!p0 $0xFFFFF086;
	s6 =	sadd.s32 @!p0 s3, s7;
	s7 =	simm.s32 @!p0 $0x108  }
0x21: {  	s3 =	sadd.s32 s3, s9;
	s6 =	sadd.s32 @!p0 $0x88, s6;
	s7 =	simm.s32 @p2 $0x1082  }
0x22: {  	[simem:s7], [sflag:s8] =	dma.local @!p0 [hbm:s6], $0xF7A  }
0x23: {  	s9 =	sor.u32 $0xD0000000, s2;
	s6 =	simm.s32 $0x108;
	_ =	swait.ge @!p0 [sflag:s8], $0x0  }
0x24: {  	s3 =	sadd.s32 $0x88, s3;
	s6 =	simm.s32 @!p1 $0x1082;
	[sflag:s4] =	ssyncset.s32 $0xFFFFF086  }
0x25: {  	[simem:s6], [sflag:s4] =	dma.local [hbm:s3], $0xF7A  }
0x26: {  	[smem:$0x3F9F] =	sst s1;
	(tag) =	ssettag s2;
	_ =	strace s9  }
0x27: {  	s1 =	sld [smem:$0x3FAF]  }
0x28: {  	s2 =	sld [smem:$0x3FB0]  }
0x29: {  	s4 =	sld [smem:$0x3FB2]  }
0x2a: {  	p0 =	seq.s32 s5, $0x0;
	s5 =	sld [smem:$0x3FB3]  }
0x2b: {  	s6 =	sld [smem:$0x3FB4]  }
0x2c: {  	s7 =	sld [smem:$0x3FB5]  }
0x2d: {  	s3 =	simm.s32 $0x108;
	s8 =	sld [smem:$0x3FB6]  }
0x2e: {  	s3 =	simm.s32 @!p0 $0x1082;
	s9 =	sld [smem:$0x3FB7]  }
0x2f: {  	lr =	sadd.s32 s0, s3;
	s0 =	sld [smem:$0x3FAE]  }
0x30: {  	s3 =	sld [smem:$0x3FB1]  }
0x31: {  	[smem:$0x3FBA] =	sst s10  }
0x32: {  	s10 =	sld [smem:$0x3FB8];
	_ =	sdelay $0x3  }
0x33: {  	p0 =	seq.s32 s10, $0x1;
	s10 =	sld [smem:$0x3FBA];
	_ =	sdelay $0x3  }
0x34: {  	[smem:$0x3FBA] =	sst s10  }
0x35: {  	s10 =	sld [smem:$0x3FB9];
	_ =	sdelay $0x3  }
0x36: {  	p1 =	seq.s32 s10, $0x1;
	s10 =	sld [smem:$0x3FBA];
	_ =	sdelay $0x3  }
0x37: {  	[smem:$0x3FBA] =	sst s10  }
0x38: {  	s10 =	sld [smem:$0x3FBB]  }
0x39: {  	_ = 	snop;
	(pc) =	sbr.ind lr, $3  }
0x3a: {  	_ = 	snop  }
0x3b: {  	_ = 	snop  }
0x3c: {  	p2 =	seq.s32 s10, $0x1;
	s10 =	sld [smem:$0x3FBA]  }
0x3d: {  	_ =	shalt  }
0x3e: {  	_ =	shalt  }
0x3f: {  	_ =	shalt  }
0x40: {  	_ =	shalt  }
0x41: {  	_ =	shalt  }
0x42: {  	_ =	shalt  }
0x43: {  	_ =	shalt  }
0x44: {  	_ =	shalt  }
0x45: {  	_ =	shalt  }
0x46: {  	_ =	shalt  }
0x47: {  	_ =	shalt  }
0x48: {  	_ =	shalt  }
0x49: {  	_ =	shalt  }
0x4a: {  	_ =	shalt  }
0x4b: {  	_ =	shalt  }
0x4c: {  	_ =	shalt  }
0x4d: {  	_ =	shalt  }
0x4e: {  	_ =	shalt  }
0x4f: {  	_ =	shalt  }
0x50: {  	_ =	shalt  }
0x51: {  	_ =	shalt  }
0x52: {  	_ =	shalt  }
0x53: {  	_ =	shalt  }
0x54: {  	_ =	shalt  }
0x55: {  	_ =	shalt  }
0x56: {  	_ =	shalt  }
0x57: {  	_ =	shalt  }
0x58: {  	_ =	shalt  }
0x59: {  	_ =	shalt  }
0x5a: {  	_ =	shalt  }
0x5b: {  	_ =	shalt  }
0x5c: {  	_ =	shalt  }
0x5d: {  	_ =	shalt  }
0x5e: {  	_ =	shalt  }
0x5f: {  	_ =	shalt  }
0x60: {  	_ =	shalt  }
0x61: {  	_ =	shalt  }
0x62: {  	_ =	shalt  }
0x63: {  	_ =	shalt  }
0x64: {  	_ =	shalt  }
0x65: {  	_ =	shalt  }
0x66: {  	_ =	shalt  }
0x67: {  	_ =	shalt  }
0x68: {  	_ =	shalt  }
0x69: {  	_ =	shalt  }
0x6a: {  	_ =	shalt  }
0x6b: {  	_ =	shalt  }
0x6c: {  	_ =	shalt  }
0x6d: {  	_ =	shalt  }
0x6e: {  	_ =	shalt  }
0x6f: {  	_ =	shalt  }
0x70: {  	_ =	shalt  }
0x71: {  	_ =	shalt  }
0x72: {  	_ =	shalt  }
0x73: {  	_ =	shalt  }
0x74: {  	_ =	shalt  }
0x75: {  	_ =	shalt  }
0x76: {  	_ =	shalt  }
0x77: {  	_ =	shalt  }
0x78: {  	_ =	shalt  }
0x79: {  	_ =	shalt  }
0x7a: {  	_ =	shalt  }
0x7b: {  	_ =	shalt  }
0x7c: {  	_ =	shalt  }
0x7d: {  	_ =	shalt  }
0x7e: {  	_ =	shalt  }
0x7f: {  	_ =	shalt  }
0x80: {  	_ =	shalt  }
0x81: {  	_ =	shalt  }
0x82: {  	_ =	shalt  }
0x83: {  	_ =	shalt  }
0x84: {  	_ =	shalt  }
0x85: {  	_ =	shalt  }
0x86: {  	_ =	shalt  }
0x87: {  	_ =	shalt  }
.Lfunc_end0:
.L_simem_size_0:
called_computation_lowered:
.L_overlay_start_0:
0x88: {  	s2 =	sld [smem:$0x3FD9]  }
0x89: {  	s3 =	sld [smem:$0x3FFE];
	_ =	sdelay $0x1  }
0x8a: {  	s1 =	srdreg.scid  }
0x8b: {  	s0 =	sand.u32 $0x1, s1  }
0x8c: {  	s17 =	sshll.u32 s0, $0xA;
	s2 =	sadd.s32 s3, s2  }
0x8d: {  	s2 =	sadd.s32 s2, s17  }
0x8e: {  	[smem:$0x3FC6] =	sst s2  }
0x8f: {  	_ = 	snop  }
0x90: {  	s2 =	sld [smem:$0x3FD0];
	(tm) =	ssettm $0x1  }
0x91: {  	s18 =	sld [smem:$0x3FFB];
	_ =	sdelay $0x3  }
0x92: {  	_ =	strace s18  }
0x93: {  	s3 =	sld [smem:$0x3FFC];
	_ =	sdelay $0x3  }
0x94: {  	_ =	strace s3  }
0x95: {  	s3 =	sld [smem:$0x3FFD];
	_ =	sdelay $0x3  }
0x96: {  	_ =	strace s3  }
0x97: {  	_ =	strace $0x8FFFFFFF  }
0x98: {  	s19 =	sld [smem:$0x3FDB];
	_ =	sdelay $0x1  }
0x99: {  	s4 =	simm.s32 $_scs_section_size  }
0x9a: {  	s5 =	simm.s32 $_size__tile_overlayer_lowered;
	s6 =	simm.s32 $_tile_overlayer_lowered  }
0x9b: {  	s22 =	simm.s32 $0x1BFF;
	s21 =	sshll.u32 s6, $0x1;
	s3 =	sadd.s32 s4, s19  }
0x9c: {  	s7 =	simm.s32 $0x0;
	s20 =	sshll.u32 s5, $0x1;
	s5 =	sadd.s32 s21, s3  }
0x9d: {  	[timem:s7], [sflag:s22] =	dma.local [hbm:s5], s20  }
0x9e: {  	_ =	swait.ge [sflag:s22], s20  }
0x9f: {  	s4 =	ssub.s32 $0x0, s20;
	[sflag:s22] =	ssyncset.done $0x0  }
0xa0: {  	[sflag:s22] =	ssyncadd.s32 s4;
	_ =	sdelay $0x1  }
0xa1: {  	s23 =	simm.s32 $0x1B8B  }
0xa2: {  	_ =	swait.ge [sflag:s23], $0x1  }
0xa3: {  	[sflag:s23] =	ssyncset.done $0x0  }
0xa4: {  	s25 =	simm.s32 $0x1B8E;
	s24 =	sld [smem:$0x3FFE];
	[sflag:s23] =	ssyncadd.s32 $0xFFFFFFFF  }
0xa5: {  	s26 =	simm.s32 $execute0_lowered;
	[smem:$0x3FD2] =	sst s25  }
0xa6: {  	s5 =	sshll.u32 s26, $0x1;
	_ =	strace $0x80000046;
	[dreg:$0x1] =	wrdreg $0xFFFFFFFF  }
0xa7: {  	s28 =	simm.s32 $_size_execute0_lowered;
	s3 =	sadd.s32 s3, s5;
	[dreg:$0x0] =	wrdreg $0x0  }
0xa8: {  	s5 =	sshll.u32 s28, $0x1;
	[dreg:$0x2] =	wrdreg s3  }
0xa9: {  	[dreg:$0x3] =	wrdreg s5  }
0xaa: {  	[dreg:$0x4] =	wrdreg $0xC0  }
0xab: {  	_ =	task [dreg:s7], $0x5FFFF  }
0xac: {  	[dreg:$0x1] =	wrdreg $0xFFFFFFFF  }
0xad: {  	[dreg:$0x0] =	wrdreg $0x60  }
0xae: {  	[dreg:$0x2] =	wrdreg s24  }
0xaf: {  	[dreg:$0x3] =	wrdreg s2  }
0xb0: {  	[dreg:$0x4] =	wrdreg $0x9  }
0xb1: {  	_ =	task.clear_ibuf [dreg:s7], $0x5FFFF;
	_ =	strace $0x90000046  }
0xb2: {  	s29 =	simm.s32 $0x9;
	_ =	strace $0x80000048  }
0xb3: {  	_ =	swait.ge [sflag:s29], $0x1  }
0xb4: {  	[sflag:s29] =	ssyncadd.s32 $0xFFFFFFFF  }
0xb5: {  	_ =	strace $0x90000048  }
0xb6: {  	_ =	sfence  }
0xb7: {  	s30 =	sld [smem:$0x0];
	_ =	sdelay $0x2  }
0xb8: {  	s31 =	sshll.u32 s1, $0xD;
	s1 =	sshrl.u32 s1, $0x2  }
0xb9: {  	s3 =	sand.u32 $0x4000, s31;
	s1 =	sadd.s32 s1, s30  }
0xba: {  	s0 =	sor.u32 s3, s0;
	s1 =	sshll.u32 s1, $0x11  }
0xbb: {  	s0 =	sor.u32 s1, s0  }
0xbc: {  	s0 =	sadd.s32 $0x8F2B, s0  }
0xbd: {  	[sflag:s0] =	ssyncadd.remote.s32 $0x1  }
0xbe: {  	_ =	sfence.sel $0xFFFF  }
0xbf: {  	[dreg:$0x0] =	wrdreg $0xFFFFFFFF;
	(pc) =	sbr.abs _section_cstart, $3  }
0xc0: {  	[dreg:$0x1] =	wrdreg $0xFFFFFFFF  }
0xc1: {  	_ =	task.clear_ibuf [dreg:s7], $0x2FFFF;
	_ =	strace $0x9FFFFFFF  }
0xc2: {  	(tm) =	ssettm $0x7FFFFFFF  }
0xc3: {  	_ =	shalt  }
tec
execute0_lowered:
.L_overlay_start_1:
0x0: {  	(tag) =	ssettag $0x1  }
0x1: {  	s1 =	srdreg.scid;
	s0 =	stileid.u32  }
0x2: {  	s7 =	rddreg [dreg:$0x0];
	s5 =	sand.u32 $0x1, s1;
	s4 =	sshll.u32 s0, $0x1  }
0x3: {  	s3 =	rddreg [dreg:$0x1];
	s2 =	simm.s32 $0x0;
	s4 =	sor.u32 s5, s4  }
0x4: {  	[smem:$0x7FF] =	sst s2;
	s6 =	smul.u32 $0x14, s4  }
0x5: {  	s1 =	rddreg [dreg:$0x2];
	_ =	strace $0x80000047;
	s31 =	ssub.s32 $0x2, s5  }
0x6: {  	s8 =	smul.u32 $0x140, s4;
	s4 =	simm.s32 $0x2;
	s3 =	sadd.s32 s3, s6  }
0x7: {  	[tilespmem:s2], [sflag:$0x2] =	stream.linear.gather [hbm4b:s3+s2], $0xA0, $0x38;
	[tilespmem:$0xAA0] =	vst v63  }
0x8: {  	s9 =	sshrl.u32 s31, $0x1;
	s30 =	sadd.s32 s8, s7;
	_ =	swait.ge [sflag:s4], $0xA0  }
0x9: {  	s6 =	simm.s32 $0xA0;
	s8 =	ssub.s32 s31, s9;
	[sflag:s4] =	ssyncset.done $0x0  }
0xa: {  	s5 =	sadd.s32 $0xE00, s30;
	s9 =	smax.u32 s8, $0x1;
	[sflag:s4] =	ssyncadd.s32 $0xFFFFFF60  }
0xb: {  	[tilespmem:s6], [sflag:$0x2] =	stream.linear.gather [hbm4b:s5+s2], $0xA00, $0x38;
	[tilespmem:$0xAA0] =	vst v63  }
0xc: {  	p0 =	sne.s32 s9, $0x1;
	_ =	swait.ge [sflag:s4], $0xA00  }
.Ltmp0:
0xd: {  	[sflag:s4] =	ssyncset.done $0x0;
	(pc) =	sbr.rel @!p0 .LBB2_2-.Ltmp0, $4  }
0xe: {  	s7 =	sadd.s32 $0x3600, s7;
	s8 =	simm.s32 $0x1;
	[sflag:s4] =	ssyncadd.s32 $0xFFFFF600  }
0xf: {  	[hbm4b:s7+s6] =	stream.indirect.scatter [tilespmem:s6], [sflag:$0x1], $0x10, s2, s6, $0xb8;
	[tilespmem:$0xAA0] =	vst v63  }
0x10: {  	_ =	swait.ge [sflag:s8], $0xA00  }
0x11: {  	s9 =	sadd.s32 $0xFFFFFFFF, s9;
	[sflag:s8] =	ssyncset.done $0x0  }
.LBB2_1:
0x12: {  	p0 =	sne.s32 s9, $0x1;
	s9 =	sadd.s32 $0xFFFFFFFF, s9;
	[sflag:s8] =	ssyncadd.s32 $0xFFFFF600  }
0x13: {  	[tilespmem:s2], [sflag:$0x2] =	stream.linear.gather [hbm4b:s3+s2], $0xA0, $0x38;
	[tilespmem:$0xAA0] =	vst v63  }
0x14: {  	_ =	swait.ge [sflag:s4], $0xA0  }
0x15: {  	[sflag:s4] =	ssyncset.done $0x0  }
0x16: {  	[sflag:s4] =	ssyncadd.s32 $0xFFFFFF60  }
0x17: {  	[tilespmem:s6], [sflag:$0x2] =	stream.linear.gather [hbm4b:s5+s2], $0xA00, $0x38;
	[tilespmem:$0xAA0] =	vst v63  }
0x18: {  	_ =	swait.ge [sflag:s4], $0xA00  }
.Ltmp1:
0x19: {  	[sflag:s4] =	ssyncset.done $0x0;
	(pc) =	sbr.rel @p0 .LBB2_1-.Ltmp1, $4  }
0x1a: {  	[sflag:s4] =	ssyncadd.s32 $0xFFFFF600  }
0x1b: {  	[hbm4b:s7+s6] =	stream.indirect.scatter [tilespmem:s6], [sflag:$0x1], $0x10, s2, s6, $0xb8;
	[tilespmem:$0xAA0] =	vst v63  }
0x1c: {  	_ =	swait.ge [sflag:s8], $0xA00  }
0x1d: {  	[sflag:s8] =	ssyncset.done $0x0  }
.LBB2_2:
0x1e: {  	[sflag:s8] =	ssyncadd.s32 $0xFFFFF600  }
0x1f: {  	_ =	sfence.sel $0x180000  }
0x20: {  	[bflag:$0x0] =	sbarrier.arrive $0xFFFF  }
0x21: {  	p0 =	sne.s32 s0, $0x0;
	_ =	strace $0x90000047  }
0x22: {  	s0 =	sadd.s32 @!p0 $0x100000, s1;
	[bflag:$0x2] =	sbarrier.arrive $0xFFFF  }
0x23: {  	[sflag:s0] =	ssyncadd.tile.s32 @!p0 $0x1;
	_ =	shalt  }
.Lfunc_end2:
_tile_overlayer_lowered:
.L_overlay_start_2:
0x24: {  	(tag) =	ssettag $0x2  }
0x25: {  	s0 =	rddreg [dreg:$0x0];
	s2 =	stileid.u32  }
0x26: {  	s1 =	rddreg [dreg:$0x1];
	p0 =	sne.s32 s2, $0x0  }
0x27: {  	s3 =	rddreg [dreg:$0x2];
	[bflag:$0x3] =	sbarrier.arrive $0xFFFF;
	s2 =	simm.s32 @!p0 $0x1C02  }
0x28: {  	[timem:s3], [sflag:s2] =	dma.local @!p0 [hbm:s0], s1  }
0x29: {  	s0 =	simm.s32 @!p0 $0x2  }
0x2a: {  	_ =	swait.ge @!p0 [sflag:s0], s1  }
0x2b: {  	s1 =	ssub.s32 @!p0 $0x0, s1;
	[sflag:s0] =	ssyncset.done @!p0 $0x0  }
0x2c: {  	[sflag:s0] =	ssyncadd.s32 @!p0 s1  }
0x2d: {  	[bflag:$0x3] =	sbarrier.arrive $0xFFFF  }
0x2e: {  	_ =	shalt  }

// kernel: kernel.9.cloned.1.call-start
scs
__scs_entry_jumppad:
0x0: {  	(pc) =	sbr.rel $0x88, $3  }
0x1: {  	(tag) =	ssettag $0x0;
	lr =	simm.s32 $0x1  }
0x2: {  	[smem:$0x3F9F] =	sst lr;
	_ =	strace $0xD0000000  }
0x3: {  	_ = 	snop  }
0x4: {  	_ = 	snop  }
0x5: {  	_ = 	snop  }
0x6: {  	_ = 	snop  }
0x7: {  	_ = 	snop  }
__scs_overlays_trampoline_lowered:
0x8: {  	[smem:$0x3FAE] =	sst s0  }
0x9: {  	[smem:$0x3FAF] =	sst s1  }
0xa: {  	[smem:$0x3FB0] =	sst s2  }
0xb: {  	[smem:$0x3FB1] =	sst s3  }
0xc: {  	[smem:$0x3FB2] =	sst s4  }
0xd: {  	[smem:$0x3FB3] =	sst s5  }
0xe: {  	[smem:$0x3FB4] =	sst s6  }
0xf: {  	[smem:$0x3FB5] =	sst s7  }
0x10: {  	[smem:$0x3FB6] =	sst s8  }
0x11: {  	[smem:$0x3FB7] =	sst s9;
	s0 =	simm.s32 @!p0 $0x0  }
0x12: {  	s1 =	sld [smem:$0x3F9D];
	s0 =	simm.s32 @p0 $0x1  }
0x13: {  	[smem:$0x3FB8] =	sst s0;
	s0 =	simm.s32 @!p1 $0x0  }
0x14: {  	s2 =	sld [smem:$0x3F9C];
	s0 =	simm.s32 @p1 $0x1  }
0x15: {  	[smem:$0x3FB9] =	sst s0;
	s0 =	simm.s32 @!p2 $0x0  }
0x16: {  	s3 =	sld [smem:$0x3FDB];
	s0 =	simm.s32 @p2 $0x1  }
0x17: {  	s4 =	simm.s32 $0x1BF5;
	[smem:$0x3FBB] =	sst s0  }
0x18: {  	s0 =	sld [smem:$0x3F9E];
	_ =	swait.ge [sflag:s4], $0x0  }
0x19: {  	s7 =	sld [smem:$0x3F9F]  }
0x1a: {  	s8 =	sadd.s32 $0xFFFFE003, lr  }
0x1b: {  	s9 =	sadd.s32 $0xFFFFFEF7, lr;
	s5 =	simm.s32 $0xFFFFFFFF;
	p2 =	slt.u32 s8, $0xFFFFF086  }
0x1c: {  	p1 =	slt.u32 s9, $0xF7A;
	s5 =	simm.s32 @!p2 $0x0  }
0x1d: {  	s5 =	simm.s32 @p1 $0x1;
	p0 =	seq.s32 s7, s2  }
0x1e: {  	s7 =	smul.u32 @!p0 $0xF7A, s2;
	p2 =	seq.s32 @!p0 s5, $0x0  }
0x1f: {  	s9 =	smul.u32 $0xF7A, s1;
	s8 =	simm.s32 @!p0 $0x1BF5;
	p2 =	por !p2, p0  }
0x20: {  	[sflag:s8] =	ssyncset.s32 @!p0 $0xFFFFF086;
	s6 =	sadd.s32 @!p0 s3, s7;
	s7 =	simm.s32 @!p0 $0x108  }
0x21: {  	s3 =	sadd.s32 s3, s9;
	s6 =	sadd.s32 @!p0 $0x88, s6;
	s7 =	simm.s32 @p2 $0x1082  }
0x22: {  	[simem:s7], [sflag:s8] =	dma.local @!p0 [hbm:s6], $0xF7A  }
0x23: {  	s9 =	sor.u32 $0xD0000000, s2;
	s6 =	simm.s32 $0x108;
	_ =	swait.ge @!p0 [sflag:s8], $0x0  }
0x24: {  	s3 =	sadd.s32 $0x88, s3;
	s6 =	simm.s32 @!p1 $0x1082;
	[sflag:s4] =	ssyncset.s32 $0xFFFFF086  }
0x25: {  	[simem:s6], [sflag:s4] =	dma.local [hbm:s3], $0xF7A  }
0x26: {  	[smem:$0x3F9F] =	sst s1;
	(tag) =	ssettag s2;
	_ =	strace s9  }
0x27: {  	s1 =	sld [smem:$0x3FAF]  }
0x28: {  	s2 =	sld [smem:$0x3FB0]  }
0x29: {  	s4 =	sld [smem:$0x3FB2]  }
0x2a: {  	p0 =	seq.s32 s5, $0x0;
	s5 =	sld [smem:$0x3FB3]  }
0x2b: {  	s6 =	sld [smem:$0x3FB4]  }
0x2c: {  	s7 =	sld [smem:$0x3FB5]  }
0x2d: {  	s3 =	simm.s32 $0x108;
	s8 =	sld [smem:$0x3FB6]  }
0x2e: {  	s3 =	simm.s32 @!p0 $0x1082;
	s9 =	sld [smem:$0x3FB7]  }
0x2f: {  	lr =	sadd.s32 s0, s3;
	s0 =	sld [smem:$0x3FAE]  }
0x30: {  	s3 =	sld [smem:$0x3FB1]  }
0x31: {  	[smem:$0x3FBA] =	sst s10  }
0x32: {  	s10 =	sld [smem:$0x3FB8];
	_ =	sdelay $0x3  }
0x33: {  	p0 =	seq.s32 s10, $0x1;
	s10 =	sld [smem:$0x3FBA];
	_ =	sdelay $0x3  }
0x34: {  	[smem:$0x3FBA] =	sst s10  }
0x35: {  	s10 =	sld [smem:$0x3FB9];
	_ =	sdelay $0x3  }
0x36: {  	p1 =	seq.s32 s10, $0x1;
	s10 =	sld [smem:$0x3FBA];
	_ =	sdelay $0x3  }
0x37: {  	[smem:$0x3FBA] =	sst s10  }
0x38: {  	s10 =	sld [smem:$0x3FBB]  }
0x39: {  	_ = 	snop;
	(pc) =	sbr.ind lr, $3  }
0x3a: {  	_ = 	snop  }
0x3b: {  	_ = 	snop  }
0x3c: {  	p2 =	seq.s32 s10, $0x1;
	s10 =	sld [smem:$0x3FBA]  }
0x3d: {  	_ =	shalt  }
0x3e: {  	_ =	shalt  }
0x3f: {  	_ =	shalt  }
0x40: {  	_ =	shalt  }
0x41: {  	_ =	shalt  }
0x42: {  	_ =	shalt  }
0x43: {  	_ =	shalt  }
0x44: {  	_ =	shalt  }
0x45: {  	_ =	shalt  }
0x46: {  	_ =	shalt  }
0x47: {  	_ =	shalt  }
0x48: {  	_ =	shalt  }
0x49: {  	_ =	shalt  }
0x4a: {  	_ =	shalt  }
0x4b: {  	_ =	shalt  }
0x4c: {  	_ =	shalt  }
0x4d: {  	_ =	shalt  }
0x4e: {  	_ =	shalt  }
0x4f: {  	_ =	shalt  }
0x50: {  	_ =	shalt  }
0x51: {  	_ =	shalt  }
0x52: {  	_ =	shalt  }
0x53: {  	_ =	shalt  }
0x54: {  	_ =	shalt  }
0x55: {  	_ =	shalt  }
0x56: {  	_ =	shalt  }
0x57: {  	_ =	shalt  }
0x58: {  	_ =	shalt  }
0x59: {  	_ =	shalt  }
0x5a: {  	_ =	shalt  }
0x5b: {  	_ =	shalt  }
0x5c: {  	_ =	shalt  }
0x5d: {  	_ =	shalt  }
0x5e: {  	_ =	shalt  }
0x5f: {  	_ =	shalt  }
0x60: {  	_ =	shalt  }
0x61: {  	_ =	shalt  }
0x62: {  	_ =	shalt  }
0x63: {  	_ =	shalt  }
0x64: {  	_ =	shalt  }
0x65: {  	_ =	shalt  }
0x66: {  	_ =	shalt  }
0x67: {  	_ =	shalt  }
0x68: {  	_ =	shalt  }
0x69: {  	_ =	shalt  }
0x6a: {  	_ =	shalt  }
0x6b: {  	_ =	shalt  }
0x6c: {  	_ =	shalt  }
0x6d: {  	_ =	shalt  }
0x6e: {  	_ =	shalt  }
0x6f: {  	_ =	shalt  }
0x70: {  	_ =	shalt  }
0x71: {  	_ =	shalt  }
0x72: {  	_ =	shalt  }
0x73: {  	_ =	shalt  }
0x74: {  	_ =	shalt  }
0x75: {  	_ =	shalt  }
0x76: {  	_ =	shalt  }
0x77: {  	_ =	shalt  }
0x78: {  	_ =	shalt  }
0x79: {  	_ =	shalt  }
0x7a: {  	_ =	shalt  }
0x7b: {  	_ =	shalt  }
0x7c: {  	_ =	shalt  }
0x7d: {  	_ =	shalt  }
0x7e: {  	_ =	shalt  }
0x7f: {  	_ =	shalt  }
0x80: {  	_ =	shalt  }
0x81: {  	_ =	shalt  }
0x82: {  	_ =	shalt  }
0x83: {  	_ =	shalt  }
0x84: {  	_ =	shalt  }
0x85: {  	_ =	shalt  }
0x86: {  	_ =	shalt  }
0x87: {  	_ =	shalt  }
.Lfunc_end0:
.L_simem_size_0:
called_computation.1_lowered:
.L_overlay_start_0:
0x88: {  	s2 =	sld [smem:$0x3FD9]  }
0x89: {  	s3 =	sld [smem:$0x3FFE];
	_ =	sdelay $0x1  }
0x8a: {  	s1 =	srdreg.scid  }
0x8b: {  	s0 =	sand.u32 $0x1, s1  }
0x8c: {  	s17 =	sshll.u32 s0, $0xA;
	s2 =	sadd.s32 s3, s2  }
0x8d: {  	s2 =	sadd.s32 s2, s17  }
0x8e: {  	[smem:$0x3FC6] =	sst s2  }
0x8f: {  	_ = 	snop  }
0x90: {  	s2 =	sld [smem:$0x3FD0];
	(tm) =	ssettm $0x1  }
0x91: {  	s18 =	sld [smem:$0x3FFB];
	_ =	sdelay $0x3  }
0x92: {  	_ =	strace s18  }
0x93: {  	s3 =	sld [smem:$0x3FFC];
	_ =	sdelay $0x3  }
0x94: {  	_ =	strace s3  }
0x95: {  	s3 =	sld [smem:$0x3FFD];
	_ =	sdelay $0x3  }
0x96: {  	_ =	strace s3  }
0x97: {  	_ =	strace $0x8FFFFFFF  }
0x98: {  	s19 =	sld [smem:$0x3FDB];
	_ =	sdelay $0x1  }
0x99: {  	s4 =	simm.s32 $_scs_section_size  }
0x9a: {  	s5 =	simm.s32 $_size__tile_overlayer_lowered;
	s6 =	simm.s32 $_tile_overlayer_lowered  }
0x9b: {  	s22 =	simm.s32 $0x1BFF;
	s21 =	sshll.u32 s6, $0x1;
	s3 =	sadd.s32 s4, s19  }
0x9c: {  	s7 =	simm.s32 $0x0;
	s20 =	sshll.u32 s5, $0x1;
	s5 =	sadd.s32 s21, s3  }
0x9d: {  	[timem:s7], [sflag:s22] =	dma.local [hbm:s5], s20  }
0x9e: {  	_ =	swait.ge [sflag:s22], s20  }
0x9f: {  	s4 =	ssub.s32 $0x0, s20;
	[sflag:s22] =	ssyncset.done $0x0  }
0xa0: {  	[sflag:s22] =	ssyncadd.s32 s4;
	_ =	sdelay $0x1  }
0xa1: {  	s23 =	simm.s32 $0x1B8B  }
0xa2: {  	_ =	swait.ge [sflag:s23], $0x1  }
0xa3: {  	[sflag:s23] =	ssyncset.done $0x0  }
0xa4: {  	s25 =	simm.s32 $0x1B8E;
	s24 =	sld [smem:$0x3FFE];
	[sflag:s23] =	ssyncadd.s32 $0xFFFFFFFF  }
0xa5: {  	s26 =	simm.s32 $execute0_lowered;
	[smem:$0x3FD2] =	sst s25  }
0xa6: {  	s5 =	sshll.u32 s26, $0x1;
	_ =	strace $0x80000049;
	[dreg:$0x1] =	wrdreg $0xFFFFFFFF  }
0xa7: {  	s28 =	simm.s32 $_size_execute0_lowered;
	s3 =	sadd.s32 s3, s5;
	[dreg:$0x0] =	wrdreg $0x0  }
0xa8: {  	s5 =	sshll.u32 s28, $0x1;
	[dreg:$0x2] =	wrdreg s3  }
0xa9: {  	[dreg:$0x3] =	wrdreg s5  }
0xaa: {  	[dreg:$0x4] =	wrdreg $0xC0  }
0xab: {  	_ =	task [dreg:s7], $0x5FFFF  }
0xac: {  	[dreg:$0x1] =	wrdreg $0xFFFFFFFF  }
0xad: {  	[dreg:$0x0] =	wrdreg $0x60  }
0xae: {  	[dreg:$0x2] =	wrdreg s24  }
0xaf: {  	[dreg:$0x3] =	wrdreg s2  }
0xb0: {  	[dreg:$0x4] =	wrdreg $0x9  }
0xb1: {  	_ =	task.clear_ibuf [dreg:s7], $0x5FFFF;
	_ =	strace $0x90000049  }
0xb2: {  	s29 =	simm.s32 $0x9;
	_ =	strace $0x8000004B  }
0xb3: {  	_ =	swait.ge [sflag:s29], $0x1  }
0xb4: {  	[sflag:s29] =	ssyncadd.s32 $0xFFFFFFFF  }
0xb5: {  	_ =	strace $0x9000004B  }
0xb6: {  	_ =	sfence  }
0xb7: {  	s30 =	sld [smem:$0x0];
	_ =	sdelay $0x2  }
0xb8: {  	s31 =	sshll.u32 s1, $0xD;
	s1 =	sshrl.u32 s1, $0x2  }
0xb9: {  	s3 =	sand.u32 $0x4000, s31;
	s1 =	sadd.s32 s1, s30  }
0xba: {  	s0 =	sor.u32 s3, s0;
	s1 =	sshll.u32 s1, $0x11  }
0xbb: {  	s0 =	sor.u32 s1, s0  }
0xbc: {  	s0 =	sadd.s32 $0x8F2B, s0  }
0xbd: {  	[sflag:s0] =	ssyncadd.remote.s32 $0x1  }
0xbe: {  	_ =	sfence.sel $0xFFFF  }
0xbf: {  	[dreg:$0x0] =	wrdreg $0xFFFFFFFF;
	(pc) =	sbr.abs _section_cstart, $3  }
0xc0: {  	[dreg:$0x1] =	wrdreg $0xFFFFFFFF  }
0xc1: {  	_ =	task.clear_ibuf [dreg:s7], $0x2FFFF;
	_ =	strace $0x9FFFFFFF  }
0xc2: {  	(tm) =	ssettm $0x7FFFFFFF  }
0xc3: {  	_ =	shalt  }
tec
execute0_lowered:
.L_overlay_start_1:
0x0: {  	(tag) =	ssettag $0x1  }
0x1: {  	s1 =	srdreg.scid;
	s0 =	stileid.u32  }
0x2: {  	s7 =	rddreg [dreg:$0x0];
	s5 =	sand.u32 $0x1, s1;
	s4 =	sshll.u32 s0, $0x1  }
0x3: {  	s3 =	rddreg [dreg:$0x1];
	s2 =	simm.s32 $0x0;
	s4 =	sor.u32 s5, s4  }
0x4: {  	[smem:$0x7FF] =	sst s2;
	s6 =	smul.u32 $0x14, s4  }
0x5: {  	s1 =	rddreg [dreg:$0x2];
	_ =	strace $0x8000004A;
	s31 =	ssub.s32 $0x2, s5  }
0x6: {  	s8 =	smul.u32 $0x140, s4;
	s4 =	simm.s32 $0x2;
	s3 =	sadd.s32 s3, s6  }
0x7: {  	[tilespmem:s2], [sflag:$0x2] =	stream.linear.gather [hbm4b:s3+s2], $0xA0, $0x38;
	[tilespmem:$0xAA0] =	vst v63  }
0x8: {  	s9 =	sshrl.u32 s31, $0x1;
	s30 =	sadd.s32 s8, s7;
	_ =	swait.ge [sflag:s4], $0xA0  }
0x9: {  	s6 =	simm.s32 $0xA0;
	s8 =	ssub.s32 s31, s9;
	[sflag:s4] =	ssyncset.done $0x0  }
0xa: {  	s5 =	sadd.s32 $0x3600, s30;
	s9 =	smax.u32 s8, $0x1;
	[sflag:s4] =	ssyncadd.s32 $0xFFFFFF60  }
0xb: {  	[tilespmem:s6], [sflag:$0x2] =	stream.linear.gather [hbm4b:s5+s2], $0xA00, $0x38;
	[tilespmem:$0xAA0] =	vst v63  }
0xc: {  	p0 =	sne.s32 s9, $0x1;
	_ =	swait.ge [sflag:s4], $0xA00  }
.Ltmp0:
0xd: {  	[sflag:s4] =	ssyncset.done $0x0;
	(pc) =	sbr.rel @!p0 .LBB2_2-.Ltmp0, $4  }
0xe: {  	s7 =	sadd.s32 $0xE00, s7;
	s8 =	simm.s32 $0x1;
	[sflag:s4] =	ssyncadd.s32 $0xFFFFF600  }
0xf: {  	[hbm4b:s7+s6] =	stream.indirect.scatter [tilespmem:s6], [sflag:$0x1], $0x10, s2, s6, $0xb8;
	[tilespmem:$0xAA0] =	vst v63  }
0x10: {  	_ =	swait.ge [sflag:s8], $0xA00  }
0x11: {  	s9 =	sadd.s32 $0xFFFFFFFF, s9;
	[sflag:s8] =	ssyncset.done $0x0  }
.LBB2_1:
0x12: {  	p0 =	sne.s32 s9, $0x1;
	s9 =	sadd.s32 $0xFFFFFFFF, s9;
	[sflag:s8] =	ssyncadd.s32 $0xFFFFF600  }
0x13: {  	[tilespmem:s2], [sflag:$0x2] =	stream.linear.gather [hbm4b:s3+s2], $0xA0, $0x38;
	[tilespmem:$0xAA0] =	vst v63  }
0x14: {  	_ =	swait.ge [sflag:s4], $0xA0  }
0x15: {  	[sflag:s4] =	ssyncset.done $0x0  }
0x16: {  	[sflag:s4] =	ssyncadd.s32 $0xFFFFFF60  }
0x17: {  	[tilespmem:s6], [sflag:$0x2] =	stream.linear.gather [hbm4b:s5+s2], $0xA00, $0x38;
	[tilespmem:$0xAA0] =	vst v63  }
0x18: {  	_ =	swait.ge [sflag:s4], $0xA00  }
.Ltmp1:
0x19: {  	[sflag:s4] =	ssyncset.done $0x0;
	(pc) =	sbr.rel @p0 .LBB2_1-.Ltmp1, $4  }
0x1a: {  	[sflag:s4] =	ssyncadd.s32 $0xFFFFF600  }
0x1b: {  	[hbm4b:s7+s6] =	stream.indirect.scatter [tilespmem:s6], [sflag:$0x1], $0x10, s2, s6, $0xb8;
	[tilespmem:$0xAA0] =	vst v63  }
0x1c: {  	_ =	swait.ge [sflag:s8], $0xA00  }
0x1d: {  	[sflag:s8] =	ssyncset.done $0x0  }
.LBB2_2:
0x1e: {  	[sflag:s8] =	ssyncadd.s32 $0xFFFFF600  }
0x1f: {  	_ =	sfence.sel $0x180000  }
0x20: {  	[bflag:$0x0] =	sbarrier.arrive $0xFFFF  }
0x21: {  	p0 =	sne.s32 s0, $0x0;
	_ =	strace $0x9000004A  }
0x22: {  	s0 =	sadd.s32 @!p0 $0x100000, s1;
	[bflag:$0x2] =	sbarrier.arrive $0xFFFF  }
0x23: {  	[sflag:s0] =	ssyncadd.tile.s32 @!p0 $0x1;
	_ =	shalt  }
.Lfunc_end2:
_tile_overlayer_lowered:
.L_overlay_start_2:
0x24: {  	(tag) =	ssettag $0x2  }
0x25: {  	s0 =	rddreg [dreg:$0x0];
	s2 =	stileid.u32  }
0x26: {  	s1 =	rddreg [dreg:$0x1];
	p0 =	sne.s32 s2, $0x0  }
0x27: {  	s3 =	rddreg [dreg:$0x2];
	[bflag:$0x3] =	sbarrier.arrive $0xFFFF;
	s2 =	simm.s32 @!p0 $0x1C02  }
0x28: {  	[timem:s3], [sflag:s2] =	dma.local @!p0 [hbm:s0], s1  }
0x29: {  	s0 =	simm.s32 @!p0 $0x2  }
0x2a: {  	_ =	swait.ge @!p0 [sflag:s0], s1  }
0x2b: {  	s1 =	ssub.s32 @!p0 $0x0, s1;
	[sflag:s0] =	ssyncset.done @!p0 $0x0  }
0x2c: {  	[sflag:s0] =	ssyncadd.s32 @!p0 s1  }
0x2d: {  	[bflag:$0x3] =	sbarrier.arrive $0xFFFF  }
0x2e: {  	_ =	shalt  }

</sc_bundles>
